<compile_context>
chip_gen: v7x
topology: tpu7x:2x2x1
jax: 0.10.2.dev20260603
libtpu: 0.0.44.dev20260713+nightly
codegen_flags: <defaults>
</compile_context>

<pallas_src>
import functools

import jax
import jax.numpy as jnp
from jax import lax
from jax.experimental import pallas as pl
from jax.experimental.pallas import tpu as pltpu
from jax.experimental.pallas import tpu_sc as plsc

VOCAB = 1000000
IN_SIZE = 64
OUT_SIZE = 2
SEQ_LEN = 200
BATCH = 16384


_VBLK = 32768


def _round_bf16_bits(x):
    bits = lax.bitcast_convert_type(x, jnp.int32)
    return bits + 0x7FFF + lax.bitwise_and(
        lax.shift_right_logical(bits, 16), 1
    )


def _tw_body(w_ref, tblt_ref, out_ref):
    res = lax.dot_general(
        w_ref[...] * (1.0 / SEQ_LEN),
        tblt_ref[...],
        dimension_numbers=(((1,), (0,)), ((), ())),
        preferred_element_type=jnp.float32,
    )
    hi = lax.bitwise_and(_round_bf16_bits(res[0, :]), -65536)
    lo = lax.shift_right_logical(_round_bf16_bits(res[1, :]), 16)
    out_ref[...] = lax.bitwise_or(hi, lo)


def _compute_tw(w_scaled, table_t):
    return pl.pallas_call(
        _tw_body,
        grid=(pl.cdiv(VOCAB, _VBLK),),
        in_specs=[
            pl.BlockSpec((OUT_SIZE, IN_SIZE), lambda i: (0, 0)),
            pl.BlockSpec((IN_SIZE, _VBLK), lambda i: (0, i)),
        ],
        out_specs=pl.BlockSpec((_VBLK,), lambda i: (i,)),
        out_shape=jax.ShapeDtypeStruct((VOCAB,), jnp.int32),
    )(w_scaled, table_t)



_NC = 2
_NS = 16
_NW = _NC * _NS
_BPW = BATCH // _NW
_L = 16
_GC = 4
_GE = _GC * _BPW
_NCHUNK = SEQ_LEN // _GC
_NRING = 8


_TWSEG = 62496
_TWRND = 8928


def _sc_body(tw_hbm, xb_hbm, bias_hbm, out0_hbm, out1_hbm,
             idx_v, rows, accs, bias_v, tw_sp, stage_v, fill_sems, sems,
             stage_sems):
    sid = lax.axis_index("s")
    wid = sid * _NC + lax.axis_index("c")

    pltpu.sync_copy(bias_hbm, bias_v)

    def fill(c, slot):
        ring = lax.rem(c, _NRING) * _GE
        for j in range(_GC):
            l = c * _GC + j
            pltpu.async_copy(
                xb_hbm.at[l, wid, :],
                idx_v.at[pl.ds(ring + j * _BPW, _BPW)],
                fill_sems[slot],
            )

    def fill_wait(slot):
        for j in range(_GC):
            pltpu.make_async_copy(
                xb_hbm.at[0, 0, :], idx_v.at[pl.ds(0, _BPW)], fill_sems[slot]
            ).wait()

    fill(0, 0)
    fill(1, 1)

    nst = _TWSEG // _TWRND
    sbufs = (stage_v.at[pl.ds(0, _TWRND)], stage_v.at[pl.ds(_TWRND, _TWRND)])

    def sin(r, buf):
        pltpu.async_copy(
            tw_hbm.at[pl.ds(sid * _TWSEG + r * _TWRND, _TWRND)],
            sbufs[buf],
            stage_sems[buf],
        )

    def sin_wait(buf):
        pltpu.make_async_copy(
            tw_hbm.at[pl.ds(0, _TWRND)], sbufs[buf], stage_sems[buf]
        ).wait()

    def sout(r, buf):
        pltpu.sync_copy(
            sbufs[buf], tw_sp.at[pl.ds(sid * _TWSEG + r * _TWRND, _TWRND)]
        )

    sin(0, 0)
    sin(1, 1)

    def stage_body(r, carry):
        buf = lax.rem(r, 2)
        for b in range(2):
            @pl.when(buf == b)
            def _():
                sin_wait(b)
                sout(r, b)

                @pl.when(r + 2 < nst)
                def _():
                    sin(r + 2, b)

        return carry

    lax.fori_loop(0, nst, stage_body, 0)

    @pl.when(sid == _NS - 1)
    def _():
        n_tail = VOCAB - _NS * _TWSEG
        pltpu.sync_copy(
            tw_hbm.at[pl.ds(_NS * _TWSEG, n_tail)],
            stage_v.at[pl.ds(0, n_tail)],
        )
        pltpu.sync_copy(
            stage_v.at[pl.ds(0, n_tail)],
            tw_sp.at[pl.ds(_NS * _TWSEG, n_tail)],
        )

    for p in range(2):
        bvec = bias_v[p, :]
        for i in range(_BPW // _L):
            accs[p][pl.ds(i * _L, _L)] = bvec

    def gather(c, slot):
        ring = lax.rem(c, _NRING) * _GE
        pltpu.async_copy(
            tw_sp.at[idx_v.at[pl.ds(ring, _GE)]], rows[slot], sems[slot]
        )

    def wait(slot):
        pltpu.make_async_copy(
            tw_sp.at[idx_v.at[pl.ds(0, _GE)]], rows[slot], sems[slot]
        ).wait()

    def accum(slot):
        for i in range(_BPW // _L):
            vs = [rows[slot][pl.ds(g * _BPW + i * _L, _L)]
                  for g in range(_GC)]
            his = [plsc.bitcast(lax.bitwise_and(v, -65536), jnp.float32)
                   for v in vs]
            los = [plsc.bitcast(lax.shift_left(v, 16), jnp.float32)
                   for v in vs]
            hi = (his[0] + his[1]) + (his[2] + his[3])
            lo = (los[0] + los[1]) + (los[2] + los[3])
            plsc.addupdate(accs[0].at[pl.ds(i * _L, _L)], hi)
            plsc.addupdate(accs[1].at[pl.ds(i * _L, _L)], lo)

    plsc.subcore_barrier()

    fill_wait(0)
    gather(0, 0)
    fill(2, 0)
    fill_wait(1)
    gather(1, 1)
    fill(3, 1)

    def body(i, carry):
        c0 = i * 2
        for slot in range(2):
            c = c0 + slot
            wait(slot)
            accum(slot)

            @pl.when(c + 2 < _NCHUNK)
            def _():
                fill_wait(slot)
                gather(c + 2, slot)

            @pl.when(c + 4 < _NCHUNK)
            def _():
                fill(c + 4, slot)

        return carry

    lax.fori_loop(0, _NCHUNK // 2, body, 0)

    pltpu.sync_copy(accs[0], out0_hbm.at[pl.ds(wid * _BPW, _BPW)])
    pltpu.sync_copy(accs[1], out1_hbm.at[pl.ds(wid * _BPW, _BPW)])


@functools.partial(
    pl.kernel,
    out_type=[
        jax.ShapeDtypeStruct((BATCH,), jnp.float32),
        jax.ShapeDtypeStruct((BATCH,), jnp.float32),
    ],
    mesh=plsc.VectorSubcoreMesh(core_axis_name="c", subcore_axis_name="s"),
    compiler_params=pltpu.CompilerParams(needs_layout_passes=False),
    scratch_types=[
        pltpu.VMEM((_NRING * _GE,), jnp.int32),
        pltpu.VMEM((_GE,), jnp.int32),
        pltpu.VMEM((_GE,), jnp.int32),
        pltpu.VMEM((_BPW,), jnp.float32),
        pltpu.VMEM((_BPW,), jnp.float32),
        pltpu.VMEM((2, _L), jnp.float32),
        pltpu.VMEM_SHARED((VOCAB,), jnp.int32),
        pltpu.VMEM((2 * _TWRND,), jnp.int32),
        pltpu.SemaphoreType.DMA,
        pltpu.SemaphoreType.DMA,
        pltpu.SemaphoreType.DMA,
        pltpu.SemaphoreType.DMA,
        pltpu.SemaphoreType.DMA,
        pltpu.SemaphoreType.DMA,
    ],
)
def _sc_gather(tw, xb3, bias, out0, out1, idx_v, r0, r1, acc0, acc1,
               bias_v, tw_sp, stage_v, fsem0, fsem1, sem0, sem1, ssem0,
               ssem1):
    _sc_body(tw, xb3, bias, out0, out1, idx_v, (r0, r1), (acc0, acc1),
             bias_v, tw_sp, stage_v, (fsem0, fsem1), (sem0, sem1),
             (ssem0, ssem1))




@jax.jit
def _run(xb, table, W, b):
    tw = _compute_tw(W, table.T)
    xb3 = xb.reshape(SEQ_LEN, _NW, _BPW)
    bias2 = jnp.broadcast_to(b[:, None], (OUT_SIZE, _L))
    out0, out1 = _sc_gather(tw, xb3, bias2)
    return jnp.stack([out0, out1], axis=-1)


def kernel(xb, table, W, b):
    return _run(xb, table, W, b)

# --- scband reference (transcript-rebuilt; emitter-appended) ---
"""Pipeline reference for scband-sentiment-41850161332857 (READ-ONLY COPY).

The authoritative reference and input builder live on the scoring server;
editing this copy changes nothing except your own understanding.
"""

import jax, jax.numpy as jnp
import numpy as np

VOCAB = 1000000
IN_SIZE = 64
OUT_SIZE = 2
PAD_IDX = 0
SEQ_LEN = 200
BATCH = 16384


def setup_inputs(seed: int = 0) -> dict:
    key = jax.random.key(seed)
    k1, k2, k3, k4 = jax.random.split(key, 4)
    xb = jax.random.randint(k1, (SEQ_LEN, BATCH), 0, VOCAB, dtype=jnp.int32)
    table = jax.random.normal(k2, (VOCAB, IN_SIZE), dtype=jnp.float32)
    # nn.Embedding with padding_idx zeros that row at init
    table = table.at[PAD_IDX].set(0.0)
    W = jax.random.normal(k3, (OUT_SIZE, IN_SIZE), dtype=jnp.float32) * (1.0 / np.sqrt(IN_SIZE))
    b = jax.random.normal(k4, (OUT_SIZE,), dtype=jnp.float32) * 0.01
    return {"xb": xb, "table": table, "W": W, "b": b}


def reference(xb, table, W, b):
    # embedding lookup (padding_idx row forced to zero, like nn.Embedding)
    t = table.at[PAD_IDX].set(0.0)
    emd = jnp.take(t, xb, axis=0)           # [L, B, D]
    emd = jnp.transpose(emd, (1, 0, 2))      # [B, L, D]  (permute(1,0,2))
    # F.avg_pool2d(emd, (L, 1)).squeeze(1) == mean over seq dim
    out = jnp.mean(emd, axis=1)              # [B, D]
    return out @ W.T + b                     # [B, OUT_SIZE]

if __name__ == "__main__":
    import jax
    _d = setup_inputs()
    print(jax.jit(kernel)(*tuple(_d.values())))

</pallas_src>

<mosaic_0001>
#map = affine_map<(d0, d1) -> (0)>
#map1 = affine_map<(d0, d1) -> (0, 0, 0)>
#map2 = affine_map<(d0, d1) -> (0, 0)>
module attributes {stable_mosaic.version = 14 : i64} {
  func.func @_sc_gather(%arg0: i32, %arg1: i32, %arg2: memref<1000000xi32, #tpu.memory_space<hbm>>, %arg3: memref<200x32x512xi32, #tpu.memory_space<hbm>>, %arg4: memref<2x16xf32, #tpu.memory_space<hbm>>, %arg5: memref<16384xf32, #tpu.memory_space<hbm>>, %arg6: memref<16384xf32, #tpu.memory_space<hbm>>, %arg7: memref<16384xi32, #tpu.memory_space<vmem>>, %arg8: memref<2048xi32, #tpu.memory_space<vmem>>, %arg9: memref<2048xi32, #tpu.memory_space<vmem>>, %arg10: memref<512xf32, #tpu.memory_space<vmem>>, %arg11: memref<512xf32, #tpu.memory_space<vmem>>, %arg12: memref<2x16xf32, #tpu.memory_space<vmem>>, %arg13: memref<1000000xi32, #tpu.memory_space<vmem_shared>>, %arg14: memref<17856xi32, #tpu.memory_space<vmem>>, %arg15: memref<!tpu.dma_semaphore, #tpu.memory_space<semaphore_mem>>, %arg16: memref<!tpu.dma_semaphore, #tpu.memory_space<semaphore_mem>>, %arg17: memref<!tpu.dma_semaphore, #tpu.memory_space<semaphore_mem>>, %arg18: memref<!tpu.dma_semaphore, #tpu.memory_space<semaphore_mem>>, %arg19: memref<!tpu.dma_semaphore, #tpu.memory_space<semaphore_mem>>, %arg20: memref<!tpu.dma_semaphore, #tpu.memory_space<semaphore_mem>>) attributes {dimension_semantics = [#tpu.dimension_semantics<core_parallel>, #tpu.dimension_semantics<subcore_parallel>], iteration_bounds = array<i64: 2, 16>, scalar_prefetch = 0 : i64, scratch_operands = 14 : i64, tpu.core_type = #tpu.core_type<sc_vector_subcore>, window_params = [{transform_indices = #map}, {transform_indices = #map1}, {transform_indices = #map2}, {transform_indices = #map}, {transform_indices = #map}]} {
    %mul3A = arith.constant 2 : i32
    %mul3A_0 = arith.muli %arg1, %mul3A : i32
    %add3A = arith.addi %mul3A_0, %arg0 : i32
    "tpu.region"() ({
      %run_scoped3A = tpu.sem_alloc : memref<!tpu.dma_semaphore, #tpu.memory_space<semaphore_mem>>
      tpu.enqueue_dma source(%arg4 : memref<2x16xf32, #tpu.memory_space<hbm>>) target(%arg12 : memref<2x16xf32, #tpu.memory_space<vmem>>) target_semaphore(%run_scoped3A : memref<!tpu.dma_semaphore, #tpu.memory_space<semaphore_mem>>)
      tpu.wait_dma2 semaphore(%run_scoped3A : memref<!tpu.dma_semaphore, #tpu.memory_space<semaphore_mem>>) src(%arg4 : memref<2x16xf32, #tpu.memory_space<hbm>>) dst(%arg12 : memref<2x16xf32, #tpu.memory_space<vmem>>)
      tpu.yield
    }) : () -> ()
    %rem3A = arith.constant 0 : i32
    %rem3A_1 = arith.constant 8 : i32
    %rem3A_2 = arith.remsi %rem3A, %rem3A_1 : i32
    %mul3A_3 = arith.constant 2048 : i32
    %mul3A_4 = arith.muli %rem3A_2, %mul3A_3 : i32
    %add3A_5 = arith.constant 0 : i32
    %add3A_6 = arith.addi %mul3A_4, %add3A_5 : i32
    %dma_start3A = arith.constant 0 : i32
    %dma_start3A_7 = tpu.memref_slice %arg7[%add3A_6] : memref<16384xi32, #tpu.memory_space<vmem>> -> memref<512xi32, #tpu.memory_space<vmem>>
    %dma_start3A_8 = arith.constant 0 : i32
    %dma_start3A_9 = tpu.memref_slice %arg3[%dma_start3A, %add3A, %dma_start3A_8] : memref<200x32x512xi32, #tpu.memory_space<hbm>> -> memref<1x1x512xi32, #tpu.memory_space<hbm>>
    %dma_start3A_10 = tpu.memref_squeeze %dma_start3A_9 : memref<1x1x512xi32, #tpu.memory_space<hbm>> -> memref<512xi32, #tpu.memory_space<hbm>>
    %dma_start3A_11 = tpu.memref_slice %arg7[%add3A_6] : memref<16384xi32, #tpu.memory_space<vmem>> -> memref<512xi32, #tpu.memory_space<vmem>>
    %dma_start3A_12 = arith.constant 0 : i32
    %dma_start3A_13 = tpu.memref_slice %arg3[%dma_start3A, %add3A, %dma_start3A_12] : memref<200x32x512xi32, #tpu.memory_space<hbm>> -> memref<1x1x512xi32, #tpu.memory_space<hbm>>
    %dma_start3A_14 = tpu.memref_squeeze %dma_start3A_13 : memref<1x1x512xi32, #tpu.memory_space<hbm>> -> memref<512xi32, #tpu.memory_space<hbm>>
    tpu.enqueue_dma source(%dma_start3A_14 : memref<512xi32, #tpu.memory_space<hbm>>) target(%dma_start3A_11 : memref<512xi32, #tpu.memory_space<vmem>>) target_semaphore(%arg15 : memref<!tpu.dma_semaphore, #tpu.memory_space<semaphore_mem>>)
    %add3A_15 = arith.constant 512 : i32
    %add3A_16 = arith.addi %mul3A_4, %add3A_15 : i32
    %dma_start3A_17 = arith.constant 1 : i32
    %dma_start3A_18 = tpu.memref_slice %arg7[%add3A_16] : memref<16384xi32, #tpu.memory_space<vmem>> -> memref<512xi32, #tpu.memory_space<vmem>>
    %dma_start3A_19 = arith.constant 0 : i32
    %dma_start3A_20 = tpu.memref_slice %arg3[%dma_start3A_17, %add3A, %dma_start3A_19] : memref<200x32x512xi32, #tpu.memory_space<hbm>> -> memref<1x1x512xi32, #tpu.memory_space<hbm>>
    %dma_start3A_21 = tpu.memref_squeeze %dma_start3A_20 : memref<1x1x512xi32, #tpu.memory_space<hbm>> -> memref<512xi32, #tpu.memory_space<hbm>>
    %dma_start3A_22 = tpu.memref_slice %arg7[%add3A_16] : memref<16384xi32, #tpu.memory_space<vmem>> -> memref<512xi32, #tpu.memory_space<vmem>>
    %dma_start3A_23 = arith.constant 0 : i32
    %dma_start3A_24 = tpu.memref_slice %arg3[%dma_start3A_17, %add3A, %dma_start3A_23] : memref<200x32x512xi32, #tpu.memory_space<hbm>> -> memref<1x1x512xi32, #tpu.memory_space<hbm>>
    %dma_start3A_25 = tpu.memref_squeeze %dma_start3A_24 : memref<1x1x512xi32, #tpu.memory_space<hbm>> -> memref<512xi32, #tpu.memory_space<hbm>>
    tpu.enqueue_dma source(%dma_start3A_25 : memref<512xi32, #tpu.memory_space<hbm>>) target(%dma_start3A_22 : memref<512xi32, #tpu.memory_space<vmem>>) target_semaphore(%arg15 : memref<!tpu.dma_semaphore, #tpu.memory_space<semaphore_mem>>)
    %add3A_26 = arith.constant 1024 : i32
    %add3A_27 = arith.addi %mul3A_4, %add3A_26 : i32
    %dma_start3A_28 = arith.constant 2 : i32
    %dma_start3A_29 = tpu.memref_slice %arg7[%add3A_27] : memref<16384xi32, #tpu.memory_space<vmem>> -> memref<512xi32, #tpu.memory_space<vmem>>
    %dma_start3A_30 = arith.constant 0 : i32
    %dma_start3A_31 = tpu.memref_slice %arg3[%dma_start3A_28, %add3A, %dma_start3A_30] : memref<200x32x512xi32, #tpu.memory_space<hbm>> -> memref<1x1x512xi32, #tpu.memory_space<hbm>>
    %dma_start3A_32 = tpu.memref_squeeze %dma_start3A_31 : memref<1x1x512xi32, #tpu.memory_space<hbm>> -> memref<512xi32, #tpu.memory_space<hbm>>
    %dma_start3A_33 = tpu.memref_slice %arg7[%add3A_27] : memref<16384xi32, #tpu.memory_space<vmem>> -> memref<512xi32, #tpu.memory_space<vmem>>
    %dma_start3A_34 = arith.constant 0 : i32
    %dma_start3A_35 = tpu.memref_slice %arg3[%dma_start3A_28, %add3A, %dma_start3A_34] : memref<200x32x512xi32, #tpu.memory_space<hbm>> -> memref<1x1x512xi32, #tpu.memory_space<hbm>>
    %dma_start3A_36 = tpu.memref_squeeze %dma_start3A_35 : memref<1x1x512xi32, #tpu.memory_space<hbm>> -> memref<512xi32, #tpu.memory_space<hbm>>
    tpu.enqueue_dma source(%dma_start3A_36 : memref<512xi32, #tpu.memory_space<hbm>>) target(%dma_start3A_33 : memref<512xi32, #tpu.memory_space<vmem>>) target_semaphore(%arg15 : memref<!tpu.dma_semaphore, #tpu.memory_space<semaphore_mem>>)
    %add3A_37 = arith.constant 1536 : i32
    %add3A_38 = arith.addi %mul3A_4, %add3A_37 : i32
    %dma_start3A_39 = arith.constant 3 : i32
    %dma_start3A_40 = tpu.memref_slice %arg7[%add3A_38] : memref<16384xi32, #tpu.memory_space<vmem>> -> memref<512xi32, #tpu.memory_space<vmem>>
    %dma_start3A_41 = arith.constant 0 : i32
    %dma_start3A_42 = tpu.memref_slice %arg3[%dma_start3A_39, %add3A, %dma_start3A_41] : memref<200x32x512xi32, #tpu.memory_space<hbm>> -> memref<1x1x512xi32, #tpu.memory_space<hbm>>
    %dma_start3A_43 = tpu.memref_squeeze %dma_start3A_42 : memref<1x1x512xi32, #tpu.memory_space<hbm>> -> memref<512xi32, #tpu.memory_space<hbm>>
    %dma_start3A_44 = tpu.memref_slice %arg7[%add3A_38] : memref<16384xi32, #tpu.memory_space<vmem>> -> memref<512xi32, #tpu.memory_space<vmem>>
    %dma_start3A_45 = arith.constant 0 : i32
    %dma_start3A_46 = tpu.memref_slice %arg3[%dma_start3A_39, %add3A, %dma_start3A_45] : memref<200x32x512xi32, #tpu.memory_space<hbm>> -> memref<1x1x512xi32, #tpu.memory_space<hbm>>
    %dma_start3A_47 = tpu.memref_squeeze %dma_start3A_46 : memref<1x1x512xi32, #tpu.memory_space<hbm>> -> memref<512xi32, #tpu.memory_space<hbm>>
    tpu.enqueue_dma source(%dma_start3A_47 : memref<512xi32, #tpu.memory_space<hbm>>) target(%dma_start3A_44 : memref<512xi32, #tpu.memory_space<vmem>>) target_semaphore(%arg15 : memref<!tpu.dma_semaphore, #tpu.memory_space<semaphore_mem>>)
    %rem3A_48 = arith.constant 1 : i32
    %rem3A_49 = arith.constant 8 : i32
    %rem3A_50 = arith.remsi %rem3A_48, %rem3A_49 : i32
    %mul3A_51 = arith.constant 2048 : i32
    %mul3A_52 = arith.muli %rem3A_50, %mul3A_51 : i32
    %add3A_53 = arith.constant 0 : i32
    %add3A_54 = arith.addi %mul3A_52, %add3A_53 : i32
    %dma_start3A_55 = arith.constant 4 : i32
    %dma_start3A_56 = tpu.memref_slice %arg7[%add3A_54] : memref<16384xi32, #tpu.memory_space<vmem>> -> memref<512xi32, #tpu.memory_space<vmem>>
    %dma_start3A_57 = arith.constant 0 : i32
    %dma_start3A_58 = tpu.memref_slice %arg3[%dma_start3A_55, %add3A, %dma_start3A_57] : memref<200x32x512xi32, #tpu.memory_space<hbm>> -> memref<1x1x512xi32, #tpu.memory_space<hbm>>
    %dma_start3A_59 = tpu.memref_squeeze %dma_start3A_58 : memref<1x1x512xi32, #tpu.memory_space<hbm>> -> memref<512xi32, #tpu.memory_space<hbm>>
    %dma_start3A_60 = tpu.memref_slice %arg7[%add3A_54] : memref<16384xi32, #tpu.memory_space<vmem>> -> memref<512xi32, #tpu.memory_space<vmem>>
    %dma_start3A_61 = arith.constant 0 : i32
    %dma_start3A_62 = tpu.memref_slice %arg3[%dma_start3A_55, %add3A, %dma_start3A_61] : memref<200x32x512xi32, #tpu.memory_space<hbm>> -> memref<1x1x512xi32, #tpu.memory_space<hbm>>
    %dma_start3A_63 = tpu.memref_squeeze %dma_start3A_62 : memref<1x1x512xi32, #tpu.memory_space<hbm>> -> memref<512xi32, #tpu.memory_space<hbm>>
    tpu.enqueue_dma source(%dma_start3A_63 : memref<512xi32, #tpu.memory_space<hbm>>) target(%dma_start3A_60 : memref<512xi32, #tpu.memory_space<vmem>>) target_semaphore(%arg16 : memref<!tpu.dma_semaphore, #tpu.memory_space<semaphore_mem>>)
    %add3A_64 = arith.constant 512 : i32
    %add3A_65 = arith.addi %mul3A_52, %add3A_64 : i32
    %dma_start3A_66 = arith.constant 5 : i32
    %dma_start3A_67 = tpu.memref_slice %arg7[%add3A_65] : memref<16384xi32, #tpu.memory_space<vmem>> -> memref<512xi32, #tpu.memory_space<vmem>>
    %dma_start3A_68 = arith.constant 0 : i32
    %dma_start3A_69 = tpu.memref_slice %arg3[%dma_start3A_66, %add3A, %dma_start3A_68] : memref<200x32x512xi32, #tpu.memory_space<hbm>> -> memref<1x1x512xi32, #tpu.memory_space<hbm>>
    %dma_start3A_70 = tpu.memref_squeeze %dma_start3A_69 : memref<1x1x512xi32, #tpu.memory_space<hbm>> -> memref<512xi32, #tpu.memory_space<hbm>>
    %dma_start3A_71 = tpu.memref_slice %arg7[%add3A_65] : memref<16384xi32, #tpu.memory_space<vmem>> -> memref<512xi32, #tpu.memory_space<vmem>>
    %dma_start3A_72 = arith.constant 0 : i32
    %dma_start3A_73 = tpu.memref_slice %arg3[%dma_start3A_66, %add3A, %dma_start3A_72] : memref<200x32x512xi32, #tpu.memory_space<hbm>> -> memref<1x1x512xi32, #tpu.memory_space<hbm>>
    %dma_start3A_74 = tpu.memref_squeeze %dma_start3A_73 : memref<1x1x512xi32, #tpu.memory_space<hbm>> -> memref<512xi32, #tpu.memory_space<hbm>>
    tpu.enqueue_dma source(%dma_start3A_74 : memref<512xi32, #tpu.memory_space<hbm>>) target(%dma_start3A_71 : memref<512xi32, #tpu.memory_space<vmem>>) target_semaphore(%arg16 : memref<!tpu.dma_semaphore, #tpu.memory_space<semaphore_mem>>)
    %add3A_75 = arith.constant 1024 : i32
    %add3A_76 = arith.addi %mul3A_52, %add3A_75 : i32
    %dma_start3A_77 = arith.constant 6 : i32
    %dma_start3A_78 = tpu.memref_slice %arg7[%add3A_76] : memref<16384xi32, #tpu.memory_space<vmem>> -> memref<512xi32, #tpu.memory_space<vmem>>
    %dma_start3A_79 = arith.constant 0 : i32
    %dma_start3A_80 = tpu.memref_slice %arg3[%dma_start3A_77, %add3A, %dma_start3A_79] : memref<200x32x512xi32, #tpu.memory_space<hbm>> -> memref<1x1x512xi32, #tpu.memory_space<hbm>>
    %dma_start3A_81 = tpu.memref_squeeze %dma_start3A_80 : memref<1x1x512xi32, #tpu.memory_space<hbm>> -> memref<512xi32, #tpu.memory_space<hbm>>
    %dma_start3A_82 = tpu.memref_slice %arg7[%add3A_76] : memref<16384xi32, #tpu.memory_space<vmem>> -> memref<512xi32, #tpu.memory_space<vmem>>
    %dma_start3A_83 = arith.constant 0 : i32
    %dma_start3A_84 = tpu.memref_slice %arg3[%dma_start3A_77, %add3A, %dma_start3A_83] : memref<200x32x512xi32, #tpu.memory_space<hbm>> -> memref<1x1x512xi32, #tpu.memory_space<hbm>>
    %dma_start3A_85 = tpu.memref_squeeze %dma_start3A_84 : memref<1x1x512xi32, #tpu.memory_space<hbm>> -> memref<512xi32, #tpu.memory_space<hbm>>
    tpu.enqueue_dma source(%dma_start3A_85 : memref<512xi32, #tpu.memory_space<hbm>>) target(%dma_start3A_82 : memref<512xi32, #tpu.memory_space<vmem>>) target_semaphore(%arg16 : memref<!tpu.dma_semaphore, #tpu.memory_space<semaphore_mem>>)
    %add3A_86 = arith.constant 1536 : i32
    %add3A_87 = arith.addi %mul3A_52, %add3A_86 : i32
    %dma_start3A_88 = arith.constant 7 : i32
    %dma_start3A_89 = tpu.memref_slice %arg7[%add3A_87] : memref<16384xi32, #tpu.memory_space<vmem>> -> memref<512xi32, #tpu.memory_space<vmem>>
    %dma_start3A_90 = arith.constant 0 : i32
    %dma_start3A_91 = tpu.memref_slice %arg3[%dma_start3A_88, %add3A, %dma_start3A_90] : memref<200x32x512xi32, #tpu.memory_space<hbm>> -> memref<1x1x512xi32, #tpu.memory_space<hbm>>
    %dma_start3A_92 = tpu.memref_squeeze %dma_start3A_91 : memref<1x1x512xi32, #tpu.memory_space<hbm>> -> memref<512xi32, #tpu.memory_space<hbm>>
    %dma_start3A_93 = tpu.memref_slice %arg7[%add3A_87] : memref<16384xi32, #tpu.memory_space<vmem>> -> memref<512xi32, #tpu.memory_space<vmem>>
    %dma_start3A_94 = arith.constant 0 : i32
    %dma_start3A_95 = tpu.memref_slice %arg3[%dma_start3A_88, %add3A, %dma_start3A_94] : memref<200x32x512xi32, #tpu.memory_space<hbm>> -> memref<1x1x512xi32, #tpu.memory_space<hbm>>
    %dma_start3A_96 = tpu.memref_squeeze %dma_start3A_95 : memref<1x1x512xi32, #tpu.memory_space<hbm>> -> memref<512xi32, #tpu.memory_space<hbm>>
    tpu.enqueue_dma source(%dma_start3A_96 : memref<512xi32, #tpu.memory_space<hbm>>) target(%dma_start3A_93 : memref<512xi32, #tpu.memory_space<vmem>>) target_semaphore(%arg16 : memref<!tpu.dma_semaphore, #tpu.memory_space<semaphore_mem>>)
    %mul3A_97 = arith.constant 62496 : i32
    %mul3A_98 = arith.muli %arg1, %mul3A_97 : i32
    %add3A_99 = arith.constant 0 : i32
    %add3A_100 = arith.addi %mul3A_98, %add3A_99 : i32
    %dma_start3A_101 = arith.constant 0 : i32
    %dma_start3A_102 = tpu.memref_slice %arg14[%dma_start3A_101] : memref<17856xi32, #tpu.memory_space<vmem>> -> memref<8928xi32, #tpu.memory_space<vmem>>
    %dma_start3A_103 = tpu.memref_slice %arg2[%add3A_100] : memref<1000000xi32, #tpu.memory_space<hbm>> -> memref<8928xi32, #tpu.memory_space<hbm>>
    %dma_start3A_104 = arith.constant 0 : i32
    %dma_start3A_105 = tpu.memref_slice %arg14[%dma_start3A_104] : memref<17856xi32, #tpu.memory_space<vmem>> -> memref<8928xi32, #tpu.memory_space<vmem>>
    %dma_start3A_106 = tpu.memref_slice %arg2[%add3A_100] : memref<1000000xi32, #tpu.memory_space<hbm>> -> memref<8928xi32, #tpu.memory_space<hbm>>
    tpu.enqueue_dma source(%dma_start3A_106 : memref<8928xi32, #tpu.memory_space<hbm>>) target(%dma_start3A_105 : memref<8928xi32, #tpu.memory_space<vmem>>) target_semaphore(%arg19 : memref<!tpu.dma_semaphore, #tpu.memory_space<semaphore_mem>>)
    %mul3A_107 = arith.constant 62496 : i32
    %mul3A_108 = arith.muli %arg1, %mul3A_107 : i32
    %add3A_109 = arith.constant 8928 : i32
    %add3A_110 = arith.addi %mul3A_108, %add3A_109 : i32
    %dma_start3A_111 = arith.constant 8928 : i32
    %dma_start3A_112 = tpu.memref_slice %arg14[%dma_start3A_111] : memref<17856xi32, #tpu.memory_space<vmem>> -> memref<8928xi32, #tpu.memory_space<vmem>>
    %dma_start3A_113 = tpu.memref_slice %arg2[%add3A_110] : memref<1000000xi32, #tpu.memory_space<hbm>> -> memref<8928xi32, #tpu.memory_space<hbm>>
    %dma_start3A_114 = arith.constant 8928 : i32
    %dma_start3A_115 = tpu.memref_slice %arg14[%dma_start3A_114] : memref<17856xi32, #tpu.memory_space<vmem>> -> memref<8928xi32, #tpu.memory_space<vmem>>
    %dma_start3A_116 = tpu.memref_slice %arg2[%add3A_110] : memref<1000000xi32, #tpu.memory_space<hbm>> -> memref<8928xi32, #tpu.memory_space<hbm>>
    tpu.enqueue_dma source(%dma_start3A_116 : memref<8928xi32, #tpu.memory_space<hbm>>) target(%dma_start3A_115 : memref<8928xi32, #tpu.memory_space<vmem>>) target_semaphore(%arg20 : memref<!tpu.dma_semaphore, #tpu.memory_space<semaphore_mem>>)
    %scan3A = arith.constant 0 : i32
    %scan3A_117 = arith.constant 0 : i32
    %scan3A_118 = arith.constant 7 : i32
    %scan3A_119 = arith.addi %scan3A_117, %scan3A_118 : i32
    %scan3A_120 = arith.constant 1 : i32
    scf.for %scan3A_477 = %scan3A_117 to %scan3A_119 step %scan3A_120  : i32 {
      %rem3A_478 = arith.constant 2 : i32
      %rem3A_479 = arith.remsi %scan3A_477, %rem3A_478 : i32
      %eq3A_480 = arith.constant 0 : i32
      %eq3A_481 = arith.cmpi eq, %rem3A_479, %eq3A_480 : i32
      %convert_element_type3A_482 = arith.extui %eq3A_481 : i1 to i32
      %cond3A_483 = arith.constant 0 : i32
      %cond3A_484 = arith.cmpi ne, %convert_element_type3A_482, %cond3A_483 : i32
      scf.if %cond3A_484 {
        %dma_wait3A_490 = arith.constant 0 : i32
        %dma_wait3A_491 = tpu.memref_slice %arg14[%dma_wait3A_490] : memref<17856xi32, #tpu.memory_space<vmem>> -> memref<8928xi32, #tpu.memory_space<vmem>>
        %dma_wait3A_492 = arith.constant 0 : i32
        %dma_wait3A_493 = tpu.memref_slice %arg2[%dma_wait3A_492] : memref<1000000xi32, #tpu.memory_space<hbm>> -> memref<8928xi32, #tpu.memory_space<hbm>>
        %dma_wait3A_494 = arith.constant 0 : i32
        %dma_wait3A_495 = tpu.memref_slice %arg14[%dma_wait3A_494] : memref<17856xi32, #tpu.memory_space<vmem>> -> memref<8928xi32, #tpu.memory_space<vmem>>
        %dma_wait3A_496 = arith.constant 0 : i32
        %dma_wait3A_497 = tpu.memref_slice %arg2[%dma_wait3A_496] : memref<1000000xi32, #tpu.memory_space<hbm>> -> memref<8928xi32, #tpu.memory_space<hbm>>
        tpu.wait_dma2 semaphore(%arg19 : memref<!tpu.dma_semaphore, #tpu.memory_space<semaphore_mem>>) src(%dma_wait3A_497 : memref<8928xi32, #tpu.memory_space<hbm>>) dst(%dma_wait3A_495 : memref<8928xi32, #tpu.memory_space<vmem>>)
        %mul3A_498 = arith.constant 62496 : i32
        %mul3A_499 = arith.muli %arg1, %mul3A_498 : i32
        %mul3A_500 = arith.constant 8928 : i32
        %mul3A_501 = arith.muli %scan3A_477, %mul3A_500 : i32
        %add3A_502 = arith.addi %mul3A_499, %mul3A_501 : i32
        "tpu.region"() ({
          %run_scoped3A = tpu.sem_alloc : memref<!tpu.dma_semaphore, #tpu.memory_space<semaphore_mem>>
          %dma_start3A_509 = arith.constant 0 : i32
          %dma_start3A_510 = tpu.memref_slice %arg14[%dma_start3A_509] : memref<17856xi32, #tpu.memory_space<vmem>> -> memref<8928xi32, #tpu.memory_space<vmem>>
          %dma_start3A_511 = tpu.memref_slice %arg13[%add3A_502] : memref<1000000xi32, #tpu.memory_space<vmem_shared>> -> memref<8928xi32, #tpu.memory_space<vmem_shared>>
          %dma_start3A_512 = tpu.memref_slice %arg13[%add3A_502] : memref<1000000xi32, #tpu.memory_space<vmem_shared>> -> memref<8928xi32, #tpu.memory_space<vmem_shared>>
          %dma_start3A_513 = arith.constant 0 : i32
          %dma_start3A_514 = tpu.memref_slice %arg14[%dma_start3A_513] : memref<17856xi32, #tpu.memory_space<vmem>> -> memref<8928xi32, #tpu.memory_space<vmem>>
          tpu.enqueue_dma source(%dma_start3A_514 : memref<8928xi32, #tpu.memory_space<vmem>>) target(%dma_start3A_512 : memref<8928xi32, #tpu.memory_space<vmem_shared>>) target_semaphore(%run_scoped3A : memref<!tpu.dma_semaphore, #tpu.memory_space<semaphore_mem>>)
          %dma_wait3A_515 = arith.constant 0 : i32
          %dma_wait3A_516 = tpu.memref_slice %arg14[%dma_wait3A_515] : memref<17856xi32, #tpu.memory_space<vmem>> -> memref<8928xi32, #tpu.memory_space<vmem>>
          %dma_wait3A_517 = tpu.memref_slice %arg13[%add3A_502] : memref<1000000xi32, #tpu.memory_space<vmem_shared>> -> memref<8928xi32, #tpu.memory_space<vmem_shared>>
          %dma_wait3A_518 = tpu.memref_slice %arg13[%add3A_502] : memref<1000000xi32, #tpu.memory_space<vmem_shared>> -> memref<8928xi32, #tpu.memory_space<vmem_shared>>
          %dma_wait3A_519 = arith.constant 0 : i32
          %dma_wait3A_520 = tpu.memref_slice %arg14[%dma_wait3A_519] : memref<17856xi32, #tpu.memory_space<vmem>> -> memref<8928xi32, #tpu.memory_space<vmem>>
          tpu.wait_dma2 semaphore(%run_scoped3A : memref<!tpu.dma_semaphore, #tpu.memory_space<semaphore_mem>>) src(%dma_wait3A_520 : memref<8928xi32, #tpu.memory_space<vmem>>) dst(%dma_wait3A_518 : memref<8928xi32, #tpu.memory_space<vmem_shared>>)
          tpu.yield
        }) : () -> ()
        %add3A_503 = arith.constant 2 : i32
        %add3A_504 = arith.addi %scan3A_477, %add3A_503 : i32
        %lt3A = arith.constant 7 : i32
        %lt3A_505 = arith.cmpi slt, %add3A_504, %lt3A : i32
        %convert_element_type3A_506 = arith.extui %lt3A_505 : i1 to i32
        %cond3A_507 = arith.constant 0 : i32
        %cond3A_508 = arith.cmpi ne, %convert_element_type3A_506, %cond3A_507 : i32
        scf.if %cond3A_508 {
          %add3A_509 = arith.constant 2 : i32
          %add3A_510 = arith.addi %scan3A_477, %add3A_509 : i32
          %mul3A_511 = arith.constant 62496 : i32
          %mul3A_512 = arith.muli %arg1, %mul3A_511 : i32
          %mul3A_513 = arith.constant 8928 : i32
          %mul3A_514 = arith.muli %add3A_510, %mul3A_513 : i32
          %add3A_515 = arith.addi %mul3A_512, %mul3A_514 : i32
          %dma_start3A_516 = arith.constant 0 : i32
          %dma_start3A_517 = tpu.memref_slice %arg14[%dma_start3A_516] : memref<17856xi32, #tpu.memory_space<vmem>> -> memref<8928xi32, #tpu.memory_space<vmem>>
          %dma_start3A_518 = tpu.memref_slice %arg2[%add3A_515] : memref<1000000xi32, #tpu.memory_space<hbm>> -> memref<8928xi32, #tpu.memory_space<hbm>>
          %dma_start3A_519 = arith.constant 0 : i32
          %dma_start3A_520 = tpu.memref_slice %arg14[%dma_start3A_519] : memref<17856xi32, #tpu.memory_space<vmem>> -> memref<8928xi32, #tpu.memory_space<vmem>>
          %dma_start3A_521 = tpu.memref_slice %arg2[%add3A_515] : memref<1000000xi32, #tpu.memory_space<hbm>> -> memref<8928xi32, #tpu.memory_space<hbm>>
          tpu.enqueue_dma source(%dma_start3A_521 : memref<8928xi32, #tpu.memory_space<hbm>>) target(%dma_start3A_520 : memref<8928xi32, #tpu.memory_space<vmem>>) target_semaphore(%arg19 : memref<!tpu.dma_semaphore, #tpu.memory_space<semaphore_mem>>)
        } else {
        }
      } else {
      }
      %eq3A_485 = arith.constant 1 : i32
      %eq3A_486 = arith.cmpi eq, %rem3A_479, %eq3A_485 : i32
      %convert_element_type3A_487 = arith.extui %eq3A_486 : i1 to i32
      %cond3A_488 = arith.constant 0 : i32
      %cond3A_489 = arith.cmpi ne, %convert_element_type3A_487, %cond3A_488 : i32
      scf.if %cond3A_489 {
        %dma_wait3A_490 = arith.constant 8928 : i32
        %dma_wait3A_491 = tpu.memref_slice %arg14[%dma_wait3A_490] : memref<17856xi32, #tpu.memory_space<vmem>> -> memref<8928xi32, #tpu.memory_space<vmem>>
        %dma_wait3A_492 = arith.constant 0 : i32
        %dma_wait3A_493 = tpu.memref_slice %arg2[%dma_wait3A_492] : memref<1000000xi32, #tpu.memory_space<hbm>> -> memref<8928xi32, #tpu.memory_space<hbm>>
        %dma_wait3A_494 = arith.constant 8928 : i32
        %dma_wait3A_495 = tpu.memref_slice %arg14[%dma_wait3A_494] : memref<17856xi32, #tpu.memory_space<vmem>> -> memref<8928xi32, #tpu.memory_space<vmem>>
        %dma_wait3A_496 = arith.constant 0 : i32
        %dma_wait3A_497 = tpu.memref_slice %arg2[%dma_wait3A_496] : memref<1000000xi32, #tpu.memory_space<hbm>> -> memref<8928xi32, #tpu.memory_space<hbm>>
        tpu.wait_dma2 semaphore(%arg20 : memref<!tpu.dma_semaphore, #tpu.memory_space<semaphore_mem>>) src(%dma_wait3A_497 : memref<8928xi32, #tpu.memory_space<hbm>>) dst(%dma_wait3A_495 : memref<8928xi32, #tpu.memory_space<vmem>>)
        %mul3A_498 = arith.constant 62496 : i32
        %mul3A_499 = arith.muli %arg1, %mul3A_498 : i32
        %mul3A_500 = arith.constant 8928 : i32
        %mul3A_501 = arith.muli %scan3A_477, %mul3A_500 : i32
        %add3A_502 = arith.addi %mul3A_499, %mul3A_501 : i32
        "tpu.region"() ({
          %run_scoped3A = tpu.sem_alloc : memref<!tpu.dma_semaphore, #tpu.memory_space<semaphore_mem>>
          %dma_start3A_509 = arith.constant 8928 : i32
          %dma_start3A_510 = tpu.memref_slice %arg14[%dma_start3A_509] : memref<17856xi32, #tpu.memory_space<vmem>> -> memref<8928xi32, #tpu.memory_space<vmem>>
          %dma_start3A_511 = tpu.memref_slice %arg13[%add3A_502] : memref<1000000xi32, #tpu.memory_space<vmem_shared>> -> memref<8928xi32, #tpu.memory_space<vmem_shared>>
          %dma_start3A_512 = tpu.memref_slice %arg13[%add3A_502] : memref<1000000xi32, #tpu.memory_space<vmem_shared>> -> memref<8928xi32, #tpu.memory_space<vmem_shared>>
          %dma_start3A_513 = arith.constant 8928 : i32
          %dma_start3A_514 = tpu.memref_slice %arg14[%dma_start3A_513] : memref<17856xi32, #tpu.memory_space<vmem>> -> memref<8928xi32, #tpu.memory_space<vmem>>
          tpu.enqueue_dma source(%dma_start3A_514 : memref<8928xi32, #tpu.memory_space<vmem>>) target(%dma_start3A_512 : memref<8928xi32, #tpu.memory_space<vmem_shared>>) target_semaphore(%run_scoped3A : memref<!tpu.dma_semaphore, #tpu.memory_space<semaphore_mem>>)
          %dma_wait3A_515 = arith.constant 8928 : i32
          %dma_wait3A_516 = tpu.memref_slice %arg14[%dma_wait3A_515] : memref<17856xi32, #tpu.memory_space<vmem>> -> memref<8928xi32, #tpu.memory_space<vmem>>
          %dma_wait3A_517 = tpu.memref_slice %arg13[%add3A_502] : memref<1000000xi32, #tpu.memory_space<vmem_shared>> -> memref<8928xi32, #tpu.memory_space<vmem_shared>>
          %dma_wait3A_518 = tpu.memref_slice %arg13[%add3A_502] : memref<1000000xi32, #tpu.memory_space<vmem_shared>> -> memref<8928xi32, #tpu.memory_space<vmem_shared>>
          %dma_wait3A_519 = arith.constant 8928 : i32
          %dma_wait3A_520 = tpu.memref_slice %arg14[%dma_wait3A_519] : memref<17856xi32, #tpu.memory_space<vmem>> -> memref<8928xi32, #tpu.memory_space<vmem>>
          tpu.wait_dma2 semaphore(%run_scoped3A : memref<!tpu.dma_semaphore, #tpu.memory_space<semaphore_mem>>) src(%dma_wait3A_520 : memref<8928xi32, #tpu.memory_space<vmem>>) dst(%dma_wait3A_518 : memref<8928xi32, #tpu.memory_space<vmem_shared>>)
          tpu.yield
        }) : () -> ()
        %add3A_503 = arith.constant 2 : i32
        %add3A_504 = arith.addi %scan3A_477, %add3A_503 : i32
        %lt3A = arith.constant 7 : i32
        %lt3A_505 = arith.cmpi slt, %add3A_504, %lt3A : i32
        %convert_element_type3A_506 = arith.extui %lt3A_505 : i1 to i32
        %cond3A_507 = arith.constant 0 : i32
        %cond3A_508 = arith.cmpi ne, %convert_element_type3A_506, %cond3A_507 : i32
        scf.if %cond3A_508 {
          %add3A_509 = arith.constant 2 : i32
          %add3A_510 = arith.addi %scan3A_477, %add3A_509 : i32
          %mul3A_511 = arith.constant 62496 : i32
          %mul3A_512 = arith.muli %arg1, %mul3A_511 : i32
          %mul3A_513 = arith.constant 8928 : i32
          %mul3A_514 = arith.muli %add3A_510, %mul3A_513 : i32
          %add3A_515 = arith.addi %mul3A_512, %mul3A_514 : i32
          %dma_start3A_516 = arith.constant 8928 : i32
          %dma_start3A_517 = tpu.memref_slice %arg14[%dma_start3A_516] : memref<17856xi32, #tpu.memory_space<vmem>> -> memref<8928xi32, #tpu.memory_space<vmem>>
          %dma_start3A_518 = tpu.memref_slice %arg2[%add3A_515] : memref<1000000xi32, #tpu.memory_space<hbm>> -> memref<8928xi32, #tpu.memory_space<hbm>>
          %dma_start3A_519 = arith.constant 8928 : i32
          %dma_start3A_520 = tpu.memref_slice %arg14[%dma_start3A_519] : memref<17856xi32, #tpu.memory_space<vmem>> -> memref<8928xi32, #tpu.memory_space<vmem>>
          %dma_start3A_521 = tpu.memref_slice %arg2[%add3A_515] : memref<1000000xi32, #tpu.memory_space<hbm>> -> memref<8928xi32, #tpu.memory_space<hbm>>
          tpu.enqueue_dma source(%dma_start3A_521 : memref<8928xi32, #tpu.memory_space<hbm>>) target(%dma_start3A_520 : memref<8928xi32, #tpu.memory_space<vmem>>) target_semaphore(%arg20 : memref<!tpu.dma_semaphore, #tpu.memory_space<semaphore_mem>>)
        } else {
        }
      } else {
      }
    }
    %scan3A_121 = arith.constant 7 : i32
    %eq3A = arith.constant 15 : i32
    %eq3A_122 = arith.cmpi eq, %arg1, %eq3A : i32
    %convert_element_type3A = arith.extui %eq3A_122 : i1 to i32
    %cond3A = arith.constant 0 : i32
    %cond3A_123 = arith.cmpi ne, %convert_element_type3A, %cond3A : i32
    scf.if %cond3A_123 {
      "tpu.region"() ({
        %run_scoped3A = tpu.sem_alloc : memref<!tpu.dma_semaphore, #tpu.memory_space<semaphore_mem>>
        %dma_start3A_477 = arith.constant 0 : i32
        %dma_start3A_478 = tpu.memref_slice %arg14[%dma_start3A_477] : memref<17856xi32, #tpu.memory_space<vmem>> -> memref<64xi32, #tpu.memory_space<vmem>>
        %dma_start3A_479 = arith.constant 999936 : i32
        %dma_start3A_480 = tpu.memref_slice %arg2[%dma_start3A_479] : memref<1000000xi32, #tpu.memory_space<hbm>> -> memref<64xi32, #tpu.memory_space<hbm>>
        %dma_start3A_481 = arith.constant 0 : i32
        %dma_start3A_482 = tpu.memref_slice %arg14[%dma_start3A_481] : memref<17856xi32, #tpu.memory_space<vmem>> -> memref<64xi32, #tpu.memory_space<vmem>>
        %dma_start3A_483 = arith.constant 999936 : i32
        %dma_start3A_484 = tpu.memref_slice %arg2[%dma_start3A_483] : memref<1000000xi32, #tpu.memory_space<hbm>> -> memref<64xi32, #tpu.memory_space<hbm>>
        tpu.enqueue_dma source(%dma_start3A_484 : memref<64xi32, #tpu.memory_space<hbm>>) target(%dma_start3A_482 : memref<64xi32, #tpu.memory_space<vmem>>) target_semaphore(%run_scoped3A : memref<!tpu.dma_semaphore, #tpu.memory_space<semaphore_mem>>)
        %dma_wait3A_485 = arith.constant 0 : i32
        %dma_wait3A_486 = tpu.memref_slice %arg14[%dma_wait3A_485] : memref<17856xi32, #tpu.memory_space<vmem>> -> memref<64xi32, #tpu.memory_space<vmem>>
        %dma_wait3A_487 = arith.constant 999936 : i32
        %dma_wait3A_488 = tpu.memref_slice %arg2[%dma_wait3A_487] : memref<1000000xi32, #tpu.memory_space<hbm>> -> memref<64xi32, #tpu.memory_space<hbm>>
        %dma_wait3A_489 = arith.constant 0 : i32
        %dma_wait3A_490 = tpu.memref_slice %arg14[%dma_wait3A_489] : memref<17856xi32, #tpu.memory_space<vmem>> -> memref<64xi32, #tpu.memory_space<vmem>>
        %dma_wait3A_491 = arith.constant 999936 : i32
        %dma_wait3A_492 = tpu.memref_slice %arg2[%dma_wait3A_491] : memref<1000000xi32, #tpu.memory_space<hbm>> -> memref<64xi32, #tpu.memory_space<hbm>>
        tpu.wait_dma2 semaphore(%run_scoped3A : memref<!tpu.dma_semaphore, #tpu.memory_space<semaphore_mem>>) src(%dma_wait3A_492 : memref<64xi32, #tpu.memory_space<hbm>>) dst(%dma_wait3A_490 : memref<64xi32, #tpu.memory_space<vmem>>)
        tpu.yield
      }) : () -> ()
      "tpu.region"() ({
        %run_scoped3A = tpu.sem_alloc : memref<!tpu.dma_semaphore, #tpu.memory_space<semaphore_mem>>
        %dma_start3A_477 = arith.constant 0 : i32
        %dma_start3A_478 = tpu.memref_slice %arg14[%dma_start3A_477] : memref<17856xi32, #tpu.memory_space<vmem>> -> memref<64xi32, #tpu.memory_space<vmem>>
        %dma_start3A_479 = arith.constant 999936 : i32
        %dma_start3A_480 = tpu.memref_slice %arg13[%dma_start3A_479] : memref<1000000xi32, #tpu.memory_space<vmem_shared>> -> memref<64xi32, #tpu.memory_space<vmem_shared>>
        %dma_start3A_481 = arith.constant 999936 : i32
        %dma_start3A_482 = tpu.memref_slice %arg13[%dma_start3A_481] : memref<1000000xi32, #tpu.memory_space<vmem_shared>> -> memref<64xi32, #tpu.memory_space<vmem_shared>>
        %dma_start3A_483 = arith.constant 0 : i32
        %dma_start3A_484 = tpu.memref_slice %arg14[%dma_start3A_483] : memref<17856xi32, #tpu.memory_space<vmem>> -> memref<64xi32, #tpu.memory_space<vmem>>
        tpu.enqueue_dma source(%dma_start3A_484 : memref<64xi32, #tpu.memory_space<vmem>>) target(%dma_start3A_482 : memref<64xi32, #tpu.memory_space<vmem_shared>>) target_semaphore(%run_scoped3A : memref<!tpu.dma_semaphore, #tpu.memory_space<semaphore_mem>>)
        %dma_wait3A_485 = arith.constant 0 : i32
        %dma_wait3A_486 = tpu.memref_slice %arg14[%dma_wait3A_485] : memref<17856xi32, #tpu.memory_space<vmem>> -> memref<64xi32, #tpu.memory_space<vmem>>
        %dma_wait3A_487 = arith.constant 999936 : i32
        %dma_wait3A_488 = tpu.memref_slice %arg13[%dma_wait3A_487] : memref<1000000xi32, #tpu.memory_space<vmem_shared>> -> memref<64xi32, #tpu.memory_space<vmem_shared>>
        %dma_wait3A_489 = arith.constant 999936 : i32
        %dma_wait3A_490 = tpu.memref_slice %arg13[%dma_wait3A_489] : memref<1000000xi32, #tpu.memory_space<vmem_shared>> -> memref<64xi32, #tpu.memory_space<vmem_shared>>
        %dma_wait3A_491 = arith.constant 0 : i32
        %dma_wait3A_492 = tpu.memref_slice %arg14[%dma_wait3A_491] : memref<17856xi32, #tpu.memory_space<vmem>> -> memref<64xi32, #tpu.memory_space<vmem>>
        tpu.wait_dma2 semaphore(%run_scoped3A : memref<!tpu.dma_semaphore, #tpu.memory_space<semaphore_mem>>) src(%dma_wait3A_492 : memref<64xi32, #tpu.memory_space<vmem>>) dst(%dma_wait3A_490 : memref<64xi32, #tpu.memory_space<vmem_shared>>)
        tpu.yield
      }) : () -> ()
    } else {
    }
    %get3A = arith.constant 0 : i32
    %get3A_124 = arith.index_cast %get3A : i32 to index
    %get3A_125 = arith.constant 0 : index
    %get3A_126 = tpu.vector_load %arg12[%get3A_124, %get3A_125] {strides = array<i32>} : memref<2x16xf32, #tpu.memory_space<vmem>>, vector<16xf32>,
    %swap3A = arith.constant 0 : index
    %swap3A_127 = tpu.vector_load %arg10[%swap3A] {strides = array<i32>} : memref<512xf32, #tpu.memory_space<vmem>>, vector<16xf32>,
    tpu.vector_store %arg10[%swap3A], %get3A_126 {strides = array<i32>} : memref<512xf32, #tpu.memory_space<vmem>>, vector<16xf32>,
    %swap3A_128 = arith.constant 16 : index
    %swap3A_129 = tpu.vector_load %arg10[%swap3A_128] {strides = array<i32>} : memref<512xf32, #tpu.memory_space<vmem>>, vector<16xf32>,
    tpu.vector_store %arg10[%swap3A_128], %get3A_126 {strides = array<i32>} : memref<512xf32, #tpu.memory_space<vmem>>, vector<16xf32>,
    %swap3A_130 = arith.constant 32 : index
    %swap3A_131 = tpu.vector_load %arg10[%swap3A_130] {strides = array<i32>} : memref<512xf32, #tpu.memory_space<vmem>>, vector<16xf32>,
    tpu.vector_store %arg10[%swap3A_130], %get3A_126 {strides = array<i32>} : memref<512xf32, #tpu.memory_space<vmem>>, vector<16xf32>,
    %swap3A_132 = arith.constant 48 : index
    %swap3A_133 = tpu.vector_load %arg10[%swap3A_132] {strides = array<i32>} : memref<512xf32, #tpu.memory_space<vmem>>, vector<16xf32>,
    tpu.vector_store %arg10[%swap3A_132], %get3A_126 {strides = array<i32>} : memref<512xf32, #tpu.memory_space<vmem>>, vector<16xf32>,
    %swap3A_134 = arith.constant 64 : index
    %swap3A_135 = tpu.vector_load %arg10[%swap3A_134] {strides = array<i32>} : memref<512xf32, #tpu.memory_space<vmem>>, vector<16xf32>,
    tpu.vector_store %arg10[%swap3A_134], %get3A_126 {strides = array<i32>} : memref<512xf32, #tpu.memory_space<vmem>>, vector<16xf32>,
    %swap3A_136 = arith.constant 80 : index
    %swap3A_137 = tpu.vector_load %arg10[%swap3A_136] {strides = array<i32>} : memref<512xf32, #tpu.memory_space<vmem>>, vector<16xf32>,
    tpu.vector_store %arg10[%swap3A_136], %get3A_126 {strides = array<i32>} : memref<512xf32, #tpu.memory_space<vmem>>, vector<16xf32>,
    %swap3A_138 = arith.constant 96 : index
    %swap3A_139 = tpu.vector_load %arg10[%swap3A_138] {strides = array<i32>} : memref<512xf32, #tpu.memory_space<vmem>>, vector<16xf32>,
    tpu.vector_store %arg10[%swap3A_138], %get3A_126 {strides = array<i32>} : memref<512xf32, #tpu.memory_space<vmem>>, vector<16xf32>,
    %swap3A_140 = arith.constant 112 : index
    %swap3A_141 = tpu.vector_load %arg10[%swap3A_140] {strides = array<i32>} : memref<512xf32, #tpu.memory_space<vmem>>, vector<16xf32>,
    tpu.vector_store %arg10[%swap3A_140], %get3A_126 {strides = array<i32>} : memref<512xf32, #tpu.memory_space<vmem>>, vector<16xf32>,
    %swap3A_142 = arith.constant 128 : index
    %swap3A_143 = tpu.vector_load %arg10[%swap3A_142] {strides = array<i32>} : memref<512xf32, #tpu.memory_space<vmem>>, vector<16xf32>,
    tpu.vector_store %arg10[%swap3A_142], %get3A_126 {strides = array<i32>} : memref<512xf32, #tpu.memory_space<vmem>>, vector<16xf32>,
    %swap3A_144 = arith.constant 144 : index
    %swap3A_145 = tpu.vector_load %arg10[%swap3A_144] {strides = array<i32>} : memref<512xf32, #tpu.memory_space<vmem>>, vector<16xf32>,
    tpu.vector_store %arg10[%swap3A_144], %get3A_126 {strides = array<i32>} : memref<512xf32, #tpu.memory_space<vmem>>, vector<16xf32>,
    %swap3A_146 = arith.constant 160 : index
    %swap3A_147 = tpu.vector_load %arg10[%swap3A_146] {strides = array<i32>} : memref<512xf32, #tpu.memory_space<vmem>>, vector<16xf32>,
    tpu.vector_store %arg10[%swap3A_146], %get3A_126 {strides = array<i32>} : memref<512xf32, #tpu.memory_space<vmem>>, vector<16xf32>,
    %swap3A_148 = arith.constant 176 : index
    %swap3A_149 = tpu.vector_load %arg10[%swap3A_148] {strides = array<i32>} : memref<512xf32, #tpu.memory_space<vmem>>, vector<16xf32>,
    tpu.vector_store %arg10[%swap3A_148], %get3A_126 {strides = array<i32>} : memref<512xf32, #tpu.memory_space<vmem>>, vector<16xf32>,
    %swap3A_150 = arith.constant 192 : index
    %swap3A_151 = tpu.vector_load %arg10[%swap3A_150] {strides = array<i32>} : memref<512xf32, #tpu.memory_space<vmem>>, vector<16xf32>,
    tpu.vector_store %arg10[%swap3A_150], %get3A_126 {strides = array<i32>} : memref<512xf32, #tpu.memory_space<vmem>>, vector<16xf32>,
    %swap3A_152 = arith.constant 208 : index
    %swap3A_153 = tpu.vector_load %arg10[%swap3A_152] {strides = array<i32>} : memref<512xf32, #tpu.memory_space<vmem>>, vector<16xf32>,
    tpu.vector_store %arg10[%swap3A_152], %get3A_126 {strides = array<i32>} : memref<512xf32, #tpu.memory_space<vmem>>, vector<16xf32>,
    %swap3A_154 = arith.constant 224 : index
    %swap3A_155 = tpu.vector_load %arg10[%swap3A_154] {strides = array<i32>} : memref<512xf32, #tpu.memory_space<vmem>>, vector<16xf32>,
    tpu.vector_store %arg10[%swap3A_154], %get3A_126 {strides = array<i32>} : memref<512xf32, #tpu.memory_space<vmem>>, vector<16xf32>,
    %swap3A_156 = arith.constant 240 : index
    %swap3A_157 = tpu.vector_load %arg10[%swap3A_156] {strides = array<i32>} : memref<512xf32, #tpu.memory_space<vmem>>, vector<16xf32>,
    tpu.vector_store %arg10[%swap3A_156], %get3A_126 {strides = array<i32>} : memref<512xf32, #tpu.memory_space<vmem>>, vector<16xf32>,
    %swap3A_158 = arith.constant 256 : index
    %swap3A_159 = tpu.vector_load %arg10[%swap3A_158] {strides = array<i32>} : memref<512xf32, #tpu.memory_space<vmem>>, vector<16xf32>,
    tpu.vector_store %arg10[%swap3A_158], %get3A_126 {strides = array<i32>} : memref<512xf32, #tpu.memory_space<vmem>>, vector<16xf32>,
    %swap3A_160 = arith.constant 272 : index
    %swap3A_161 = tpu.vector_load %arg10[%swap3A_160] {strides = array<i32>} : memref<512xf32, #tpu.memory_space<vmem>>, vector<16xf32>,
    tpu.vector_store %arg10[%swap3A_160], %get3A_126 {strides = array<i32>} : memref<512xf32, #tpu.memory_space<vmem>>, vector<16xf32>,
    %swap3A_162 = arith.constant 288 : index
    %swap3A_163 = tpu.vector_load %arg10[%swap3A_162] {strides = array<i32>} : memref<512xf32, #tpu.memory_space<vmem>>, vector<16xf32>,
    tpu.vector_store %arg10[%swap3A_162], %get3A_126 {strides = array<i32>} : memref<512xf32, #tpu.memory_space<vmem>>, vector<16xf32>,
    %swap3A_164 = arith.constant 304 : index
    %swap3A_165 = tpu.vector_load %arg10[%swap3A_164] {strides = array<i32>} : memref<512xf32, #tpu.memory_space<vmem>>, vector<16xf32>,
    tpu.vector_store %arg10[%swap3A_164], %get3A_126 {strides = array<i32>} : memref<512xf32, #tpu.memory_space<vmem>>, vector<16xf32>,
    %swap3A_166 = arith.constant 320 : index
    %swap3A_167 = tpu.vector_load %arg10[%swap3A_166] {strides = array<i32>} : memref<512xf32, #tpu.memory_space<vmem>>, vector<16xf32>,
    tpu.vector_store %arg10[%swap3A_166], %get3A_126 {strides = array<i32>} : memref<512xf32, #tpu.memory_space<vmem>>, vector<16xf32>,
    %swap3A_168 = arith.constant 336 : index
    %swap3A_169 = tpu.vector_load %arg10[%swap3A_168] {strides = array<i32>} : memref<512xf32, #tpu.memory_space<vmem>>, vector<16xf32>,
    tpu.vector_store %arg10[%swap3A_168], %get3A_126 {strides = array<i32>} : memref<512xf32, #tpu.memory_space<vmem>>, vector<16xf32>,
    %swap3A_170 = arith.constant 352 : index
    %swap3A_171 = tpu.vector_load %arg10[%swap3A_170] {strides = array<i32>} : memref<512xf32, #tpu.memory_space<vmem>>, vector<16xf32>,
    tpu.vector_store %arg10[%swap3A_170], %get3A_126 {strides = array<i32>} : memref<512xf32, #tpu.memory_space<vmem>>, vector<16xf32>,
    %swap3A_172 = arith.constant 368 : index
    %swap3A_173 = tpu.vector_load %arg10[%swap3A_172] {strides = array<i32>} : memref<512xf32, #tpu.memory_space<vmem>>, vector<16xf32>,
    tpu.vector_store %arg10[%swap3A_172], %get3A_126 {strides = array<i32>} : memref<512xf32, #tpu.memory_space<vmem>>, vector<16xf32>,
    %swap3A_174 = arith.constant 384 : index
    %swap3A_175 = tpu.vector_load %arg10[%swap3A_174] {strides = array<i32>} : memref<512xf32, #tpu.memory_space<vmem>>, vector<16xf32>,
    tpu.vector_store %arg10[%swap3A_174], %get3A_126 {strides = array<i32>} : memref<512xf32, #tpu.memory_space<vmem>>, vector<16xf32>,
    %swap3A_176 = arith.constant 400 : index
    %swap3A_177 = tpu.vector_load %arg10[%swap3A_176] {strides = array<i32>} : memref<512xf32, #tpu.memory_space<vmem>>, vector<16xf32>,
    tpu.vector_store %arg10[%swap3A_176], %get3A_126 {strides = array<i32>} : memref<512xf32, #tpu.memory_space<vmem>>, vector<16xf32>,
    %swap3A_178 = arith.constant 416 : index
    %swap3A_179 = tpu.vector_load %arg10[%swap3A_178] {strides = array<i32>} : memref<512xf32, #tpu.memory_space<vmem>>, vector<16xf32>,
    tpu.vector_store %arg10[%swap3A_178], %get3A_126 {strides = array<i32>} : memref<512xf32, #tpu.memory_space<vmem>>, vector<16xf32>,
    %swap3A_180 = arith.constant 432 : index
    %swap3A_181 = tpu.vector_load %arg10[%swap3A_180] {strides = array<i32>} : memref<512xf32, #tpu.memory_space<vmem>>, vector<16xf32>,
    tpu.vector_store %arg10[%swap3A_180], %get3A_126 {strides = array<i32>} : memref<512xf32, #tpu.memory_space<vmem>>, vector<16xf32>,
    %swap3A_182 = arith.constant 448 : index
    %swap3A_183 = tpu.vector_load %arg10[%swap3A_182] {strides = array<i32>} : memref<512xf32, #tpu.memory_space<vmem>>, vector<16xf32>,
    tpu.vector_store %arg10[%swap3A_182], %get3A_126 {strides = array<i32>} : memref<512xf32, #tpu.memory_space<vmem>>, vector<16xf32>,
    %swap3A_184 = arith.constant 464 : index
    %swap3A_185 = tpu.vector_load %arg10[%swap3A_184] {strides = array<i32>} : memref<512xf32, #tpu.memory_space<vmem>>, vector<16xf32>,
    tpu.vector_store %arg10[%swap3A_184], %get3A_126 {strides = array<i32>} : memref<512xf32, #tpu.memory_space<vmem>>, vector<16xf32>,
    %swap3A_186 = arith.constant 480 : index
    %swap3A_187 = tpu.vector_load %arg10[%swap3A_186] {strides = array<i32>} : memref<512xf32, #tpu.memory_space<vmem>>, vector<16xf32>,
    tpu.vector_store %arg10[%swap3A_186], %get3A_126 {strides = array<i32>} : memref<512xf32, #tpu.memory_space<vmem>>, vector<16xf32>,
    %swap3A_188 = arith.constant 496 : index
    %swap3A_189 = tpu.vector_load %arg10[%swap3A_188] {strides = array<i32>} : memref<512xf32, #tpu.memory_space<vmem>>, vector<16xf32>,
    tpu.vector_store %arg10[%swap3A_188], %get3A_126 {strides = array<i32>} : memref<512xf32, #tpu.memory_space<vmem>>, vector<16xf32>,
    %get3A_190 = arith.constant 1 : i32
    %get3A_191 = arith.index_cast %get3A_190 : i32 to index
    %get3A_192 = arith.constant 0 : index
    %get3A_193 = tpu.vector_load %arg12[%get3A_191, %get3A_192] {strides = array<i32>} : memref<2x16xf32, #tpu.memory_space<vmem>>, vector<16xf32>,
    %swap3A_194 = arith.constant 0 : index
    %swap3A_195 = tpu.vector_load %arg11[%swap3A_194] {strides = array<i32>} : memref<512xf32, #tpu.memory_space<vmem>>, vector<16xf32>,
    tpu.vector_store %arg11[%swap3A_194], %get3A_193 {strides = array<i32>} : memref<512xf32, #tpu.memory_space<vmem>>, vector<16xf32>,
    %swap3A_196 = arith.constant 16 : index
    %swap3A_197 = tpu.vector_load %arg11[%swap3A_196] {strides = array<i32>} : memref<512xf32, #tpu.memory_space<vmem>>, vector<16xf32>,
    tpu.vector_store %arg11[%swap3A_196], %get3A_193 {strides = array<i32>} : memref<512xf32, #tpu.memory_space<vmem>>, vector<16xf32>,
    %swap3A_198 = arith.constant 32 : index
    %swap3A_199 = tpu.vector_load %arg11[%swap3A_198] {strides = array<i32>} : memref<512xf32, #tpu.memory_space<vmem>>, vector<16xf32>,
    tpu.vector_store %arg11[%swap3A_198], %get3A_193 {strides = array<i32>} : memref<512xf32, #tpu.memory_space<vmem>>, vector<16xf32>,
    %swap3A_200 = arith.constant 48 : index
    %swap3A_201 = tpu.vector_load %arg11[%swap3A_200] {strides = array<i32>} : memref<512xf32, #tpu.memory_space<vmem>>, vector<16xf32>,
    tpu.vector_store %arg11[%swap3A_200], %get3A_193 {strides = array<i32>} : memref<512xf32, #tpu.memory_space<vmem>>, vector<16xf32>,
    %swap3A_202 = arith.constant 64 : index
    %swap3A_203 = tpu.vector_load %arg11[%swap3A_202] {strides = array<i32>} : memref<512xf32, #tpu.memory_space<vmem>>, vector<16xf32>,
    tpu.vector_store %arg11[%swap3A_202], %get3A_193 {strides = array<i32>} : memref<512xf32, #tpu.memory_space<vmem>>, vector<16xf32>,
    %swap3A_204 = arith.constant 80 : index
    %swap3A_205 = tpu.vector_load %arg11[%swap3A_204] {strides = array<i32>} : memref<512xf32, #tpu.memory_space<vmem>>, vector<16xf32>,
    tpu.vector_store %arg11[%swap3A_204], %get3A_193 {strides = array<i32>} : memref<512xf32, #tpu.memory_space<vmem>>, vector<16xf32>,
    %swap3A_206 = arith.constant 96 : index
    %swap3A_207 = tpu.vector_load %arg11[%swap3A_206] {strides = array<i32>} : memref<512xf32, #tpu.memory_space<vmem>>, vector<16xf32>,
    tpu.vector_store %arg11[%swap3A_206], %get3A_193 {strides = array<i32>} : memref<512xf32, #tpu.memory_space<vmem>>, vector<16xf32>,
    %swap3A_208 = arith.constant 112 : index
    %swap3A_209 = tpu.vector_load %arg11[%swap3A_208] {strides = array<i32>} : memref<512xf32, #tpu.memory_space<vmem>>, vector<16xf32>,
    tpu.vector_store %arg11[%swap3A_208], %get3A_193 {strides = array<i32>} : memref<512xf32, #tpu.memory_space<vmem>>, vector<16xf32>,
    %swap3A_210 = arith.constant 128 : index
    %swap3A_211 = tpu.vector_load %arg11[%swap3A_210] {strides = array<i32>} : memref<512xf32, #tpu.memory_space<vmem>>, vector<16xf32>,
    tpu.vector_store %arg11[%swap3A_210], %get3A_193 {strides = array<i32>} : memref<512xf32, #tpu.memory_space<vmem>>, vector<16xf32>,
    %swap3A_212 = arith.constant 144 : index
    %swap3A_213 = tpu.vector_load %arg11[%swap3A_212] {strides = array<i32>} : memref<512xf32, #tpu.memory_space<vmem>>, vector<16xf32>,
    tpu.vector_store %arg11[%swap3A_212], %get3A_193 {strides = array<i32>} : memref<512xf32, #tpu.memory_space<vmem>>, vector<16xf32>,
    %swap3A_214 = arith.constant 160 : index
    %swap3A_215 = tpu.vector_load %arg11[%swap3A_214] {strides = array<i32>} : memref<512xf32, #tpu.memory_space<vmem>>, vector<16xf32>,
    tpu.vector_store %arg11[%swap3A_214], %get3A_193 {strides = array<i32>} : memref<512xf32, #tpu.memory_space<vmem>>, vector<16xf32>,
    %swap3A_216 = arith.constant 176 : index
    %swap3A_217 = tpu.vector_load %arg11[%swap3A_216] {strides = array<i32>} : memref<512xf32, #tpu.memory_space<vmem>>, vector<16xf32>,
    tpu.vector_store %arg11[%swap3A_216], %get3A_193 {strides = array<i32>} : memref<512xf32, #tpu.memory_space<vmem>>, vector<16xf32>,
    %swap3A_218 = arith.constant 192 : index
    %swap3A_219 = tpu.vector_load %arg11[%swap3A_218] {strides = array<i32>} : memref<512xf32, #tpu.memory_space<vmem>>, vector<16xf32>,
    tpu.vector_store %arg11[%swap3A_218], %get3A_193 {strides = array<i32>} : memref<512xf32, #tpu.memory_space<vmem>>, vector<16xf32>,
    %swap3A_220 = arith.constant 208 : index
    %swap3A_221 = tpu.vector_load %arg11[%swap3A_220] {strides = array<i32>} : memref<512xf32, #tpu.memory_space<vmem>>, vector<16xf32>,
    tpu.vector_store %arg11[%swap3A_220], %get3A_193 {strides = array<i32>} : memref<512xf32, #tpu.memory_space<vmem>>, vector<16xf32>,
    %swap3A_222 = arith.constant 224 : index
    %swap3A_223 = tpu.vector_load %arg11[%swap3A_222] {strides = array<i32>} : memref<512xf32, #tpu.memory_space<vmem>>, vector<16xf32>,
    tpu.vector_store %arg11[%swap3A_222], %get3A_193 {strides = array<i32>} : memref<512xf32, #tpu.memory_space<vmem>>, vector<16xf32>,
    %swap3A_224 = arith.constant 240 : index
    %swap3A_225 = tpu.vector_load %arg11[%swap3A_224] {strides = array<i32>} : memref<512xf32, #tpu.memory_space<vmem>>, vector<16xf32>,
    tpu.vector_store %arg11[%swap3A_224], %get3A_193 {strides = array<i32>} : memref<512xf32, #tpu.memory_space<vmem>>, vector<16xf32>,
    %swap3A_226 = arith.constant 256 : index
    %swap3A_227 = tpu.vector_load %arg11[%swap3A_226] {strides = array<i32>} : memref<512xf32, #tpu.memory_space<vmem>>, vector<16xf32>,
    tpu.vector_store %arg11[%swap3A_226], %get3A_193 {strides = array<i32>} : memref<512xf32, #tpu.memory_space<vmem>>, vector<16xf32>,
    %swap3A_228 = arith.constant 272 : index
    %swap3A_229 = tpu.vector_load %arg11[%swap3A_228] {strides = array<i32>} : memref<512xf32, #tpu.memory_space<vmem>>, vector<16xf32>,
    tpu.vector_store %arg11[%swap3A_228], %get3A_193 {strides = array<i32>} : memref<512xf32, #tpu.memory_space<vmem>>, vector<16xf32>,
    %swap3A_230 = arith.constant 288 : index
    %swap3A_231 = tpu.vector_load %arg11[%swap3A_230] {strides = array<i32>} : memref<512xf32, #tpu.memory_space<vmem>>, vector<16xf32>,
    tpu.vector_store %arg11[%swap3A_230], %get3A_193 {strides = array<i32>} : memref<512xf32, #tpu.memory_space<vmem>>, vector<16xf32>,
    %swap3A_232 = arith.constant 304 : index
    %swap3A_233 = tpu.vector_load %arg11[%swap3A_232] {strides = array<i32>} : memref<512xf32, #tpu.memory_space<vmem>>, vector<16xf32>,
    tpu.vector_store %arg11[%swap3A_232], %get3A_193 {strides = array<i32>} : memref<512xf32, #tpu.memory_space<vmem>>, vector<16xf32>,
    %swap3A_234 = arith.constant 320 : index
    %swap3A_235 = tpu.vector_load %arg11[%swap3A_234] {strides = array<i32>} : memref<512xf32, #tpu.memory_space<vmem>>, vector<16xf32>,
    tpu.vector_store %arg11[%swap3A_234], %get3A_193 {strides = array<i32>} : memref<512xf32, #tpu.memory_space<vmem>>, vector<16xf32>,
    %swap3A_236 = arith.constant 336 : index
    %swap3A_237 = tpu.vector_load %arg11[%swap3A_236] {strides = array<i32>} : memref<512xf32, #tpu.memory_space<vmem>>, vector<16xf32>,
    tpu.vector_store %arg11[%swap3A_236], %get3A_193 {strides = array<i32>} : memref<512xf32, #tpu.memory_space<vmem>>, vector<16xf32>,
    %swap3A_238 = arith.constant 352 : index
    %swap3A_239 = tpu.vector_load %arg11[%swap3A_238] {strides = array<i32>} : memref<512xf32, #tpu.memory_space<vmem>>, vector<16xf32>,
    tpu.vector_store %arg11[%swap3A_238], %get3A_193 {strides = array<i32>} : memref<512xf32, #tpu.memory_space<vmem>>, vector<16xf32>,
    %swap3A_240 = arith.constant 368 : index
    %swap3A_241 = tpu.vector_load %arg11[%swap3A_240] {strides = array<i32>} : memref<512xf32, #tpu.memory_space<vmem>>, vector<16xf32>,
    tpu.vector_store %arg11[%swap3A_240], %get3A_193 {strides = array<i32>} : memref<512xf32, #tpu.memory_space<vmem>>, vector<16xf32>,
    %swap3A_242 = arith.constant 384 : index
    %swap3A_243 = tpu.vector_load %arg11[%swap3A_242] {strides = array<i32>} : memref<512xf32, #tpu.memory_space<vmem>>, vector<16xf32>,
    tpu.vector_store %arg11[%swap3A_242], %get3A_193 {strides = array<i32>} : memref<512xf32, #tpu.memory_space<vmem>>, vector<16xf32>,
    %swap3A_244 = arith.constant 400 : index
    %swap3A_245 = tpu.vector_load %arg11[%swap3A_244] {strides = array<i32>} : memref<512xf32, #tpu.memory_space<vmem>>, vector<16xf32>,
    tpu.vector_store %arg11[%swap3A_244], %get3A_193 {strides = array<i32>} : memref<512xf32, #tpu.memory_space<vmem>>, vector<16xf32>,
    %swap3A_246 = arith.constant 416 : index
    %swap3A_247 = tpu.vector_load %arg11[%swap3A_246] {strides = array<i32>} : memref<512xf32, #tpu.memory_space<vmem>>, vector<16xf32>,
    tpu.vector_store %arg11[%swap3A_246], %get3A_193 {strides = array<i32>} : memref<512xf32, #tpu.memory_space<vmem>>, vector<16xf32>,
    %swap3A_248 = arith.constant 432 : index
    %swap3A_249 = tpu.vector_load %arg11[%swap3A_248] {strides = array<i32>} : memref<512xf32, #tpu.memory_space<vmem>>, vector<16xf32>,
    tpu.vector_store %arg11[%swap3A_248], %get3A_193 {strides = array<i32>} : memref<512xf32, #tpu.memory_space<vmem>>, vector<16xf32>,
    %swap3A_250 = arith.constant 448 : index
    %swap3A_251 = tpu.vector_load %arg11[%swap3A_250] {strides = array<i32>} : memref<512xf32, #tpu.memory_space<vmem>>, vector<16xf32>,
    tpu.vector_store %arg11[%swap3A_250], %get3A_193 {strides = array<i32>} : memref<512xf32, #tpu.memory_space<vmem>>, vector<16xf32>,
    %swap3A_252 = arith.constant 464 : index
    %swap3A_253 = tpu.vector_load %arg11[%swap3A_252] {strides = array<i32>} : memref<512xf32, #tpu.memory_space<vmem>>, vector<16xf32>,
    tpu.vector_store %arg11[%swap3A_252], %get3A_193 {strides = array<i32>} : memref<512xf32, #tpu.memory_space<vmem>>, vector<16xf32>,
    %swap3A_254 = arith.constant 480 : index
    %swap3A_255 = tpu.vector_load %arg11[%swap3A_254] {strides = array<i32>} : memref<512xf32, #tpu.memory_space<vmem>>, vector<16xf32>,
    tpu.vector_store %arg11[%swap3A_254], %get3A_193 {strides = array<i32>} : memref<512xf32, #tpu.memory_space<vmem>>, vector<16xf32>,
    %swap3A_256 = arith.constant 496 : index
    %swap3A_257 = tpu.vector_load %arg11[%swap3A_256] {strides = array<i32>} : memref<512xf32, #tpu.memory_space<vmem>>, vector<16xf32>,
    tpu.vector_store %arg11[%swap3A_256], %get3A_193 {strides = array<i32>} : memref<512xf32, #tpu.memory_space<vmem>>, vector<16xf32>,
    %barrier3A = arith.constant 0 : index
    tpu.barrier barrier_id(%barrier3A)
    %dma_wait3A = arith.constant 0 : i32
    %dma_wait3A_258 = arith.constant 0 : i32
    %dma_wait3A_259 = arith.constant 0 : i32
    %dma_wait3A_260 = tpu.memref_slice %arg7[%dma_wait3A_259] : memref<16384xi32, #tpu.memory_space<vmem>> -> memref<512xi32, #tpu.memory_space<vmem>>
    %dma_wait3A_261 = arith.constant 0 : i32
    %dma_wait3A_262 = tpu.memref_slice %arg3[%dma_wait3A, %dma_wait3A_258, %dma_wait3A_261] : memref<200x32x512xi32, #tpu.memory_space<hbm>> -> memref<1x1x512xi32, #tpu.memory_space<hbm>>
    %dma_wait3A_263 = tpu.memref_squeeze %dma_wait3A_262 : memref<1x1x512xi32, #tpu.memory_space<hbm>> -> memref<512xi32, #tpu.memory_space<hbm>>
    %dma_wait3A_264 = arith.constant 0 : i32
    %dma_wait3A_265 = tpu.memref_slice %arg7[%dma_wait3A_264] : memref<16384xi32, #tpu.memory_space<vmem>> -> memref<512xi32, #tpu.memory_space<vmem>>
    %dma_wait3A_266 = arith.constant 0 : i32
    %dma_wait3A_267 = tpu.memref_slice %arg3[%dma_wait3A, %dma_wait3A_258, %dma_wait3A_266] : memref<200x32x512xi32, #tpu.memory_space<hbm>> -> memref<1x1x512xi32, #tpu.memory_space<hbm>>
    %dma_wait3A_268 = tpu.memref_squeeze %dma_wait3A_267 : memref<1x1x512xi32, #tpu.memory_space<hbm>> -> memref<512xi32, #tpu.memory_space<hbm>>
    tpu.wait_dma2 semaphore(%arg15 : memref<!tpu.dma_semaphore, #tpu.memory_space<semaphore_mem>>) src(%dma_wait3A_268 : memref<512xi32, #tpu.memory_space<hbm>>) dst(%dma_wait3A_265 : memref<512xi32, #tpu.memory_space<vmem>>)
    %dma_wait3A_269 = arith.constant 0 : i32
    %dma_wait3A_270 = arith.constant 0 : i32
    %dma_wait3A_271 = arith.constant 0 : i32
    %dma_wait3A_272 = tpu.memref_slice %arg7[%dma_wait3A_271] : memref<16384xi32, #tpu.memory_space<vmem>> -> memref<512xi32, #tpu.memory_space<vmem>>
    %dma_wait3A_273 = arith.constant 0 : i32
    %dma_wait3A_274 = tpu.memref_slice %arg3[%dma_wait3A_269, %dma_wait3A_270, %dma_wait3A_273] : memref<200x32x512xi32, #tpu.memory_space<hbm>> -> memref<1x1x512xi32, #tpu.memory_space<hbm>>
    %dma_wait3A_275 = tpu.memref_squeeze %dma_wait3A_274 : memref<1x1x512xi32, #tpu.memory_space<hbm>> -> memref<512xi32, #tpu.memory_space<hbm>>
    %dma_wait3A_276 = arith.constant 0 : i32
    %dma_wait3A_277 = tpu.memref_slice %arg7[%dma_wait3A_276] : memref<16384xi32, #tpu.memory_space<vmem>> -> memref<512xi32, #tpu.memory_space<vmem>>
    %dma_wait3A_278 = arith.constant 0 : i32
    %dma_wait3A_279 = tpu.memref_slice %arg3[%dma_wait3A_269, %dma_wait3A_270, %dma_wait3A_278] : memref<200x32x512xi32, #tpu.memory_space<hbm>> -> memref<1x1x512xi32, #tpu.memory_space<hbm>>
    %dma_wait3A_280 = tpu.memref_squeeze %dma_wait3A_279 : memref<1x1x512xi32, #tpu.memory_space<hbm>> -> memref<512xi32, #tpu.memory_space<hbm>>
    tpu.wait_dma2 semaphore(%arg15 : memref<!tpu.dma_semaphore, #tpu.memory_space<semaphore_mem>>) src(%dma_wait3A_280 : memref<512xi32, #tpu.memory_space<hbm>>) dst(%dma_wait3A_277 : memref<512xi32, #tpu.memory_space<vmem>>)
    %dma_wait3A_281 = arith.constant 0 : i32
    %dma_wait3A_282 = arith.constant 0 : i32
    %dma_wait3A_283 = arith.constant 0 : i32
    %dma_wait3A_284 = tpu.memref_slice %arg7[%dma_wait3A_283] : memref<16384xi32, #tpu.memory_space<vmem>> -> memref<512xi32, #tpu.memory_space<vmem>>
    %dma_wait3A_285 = arith.constant 0 : i32
    %dma_wait3A_286 = tpu.memref_slice %arg3[%dma_wait3A_281, %dma_wait3A_282, %dma_wait3A_285] : memref<200x32x512xi32, #tpu.memory_space<hbm>> -> memref<1x1x512xi32, #tpu.memory_space<hbm>>
    %dma_wait3A_287 = tpu.memref_squeeze %dma_wait3A_286 : memref<1x1x512xi32, #tpu.memory_space<hbm>> -> memref<512xi32, #tpu.memory_space<hbm>>
    %dma_wait3A_288 = arith.constant 0 : i32
    %dma_wait3A_289 = tpu.memref_slice %arg7[%dma_wait3A_288] : memref<16384xi32, #tpu.memory_space<vmem>> -> memref<512xi32, #tpu.memory_space<vmem>>
    %dma_wait3A_290 = arith.constant 0 : i32
    %dma_wait3A_291 = tpu.memref_slice %arg3[%dma_wait3A_281, %dma_wait3A_282, %dma_wait3A_290] : memref<200x32x512xi32, #tpu.memory_space<hbm>> -> memref<1x1x512xi32, #tpu.memory_space<hbm>>
    %dma_wait3A_292 = tpu.memref_squeeze %dma_wait3A_291 : memref<1x1x512xi32, #tpu.memory_space<hbm>> -> memref<512xi32, #tpu.memory_space<hbm>>
    tpu.wait_dma2 semaphore(%arg15 : memref<!tpu.dma_semaphore, #tpu.memory_space<semaphore_mem>>) src(%dma_wait3A_292 : memref<512xi32, #tpu.memory_space<hbm>>) dst(%dma_wait3A_289 : memref<512xi32, #tpu.memory_space<vmem>>)
    %dma_wait3A_293 = arith.constant 0 : i32
    %dma_wait3A_294 = arith.constant 0 : i32
    %dma_wait3A_295 = arith.constant 0 : i32
    %dma_wait3A_296 = tpu.memref_slice %arg7[%dma_wait3A_295] : memref<16384xi32, #tpu.memory_space<vmem>> -> memref<512xi32, #tpu.memory_space<vmem>>
    %dma_wait3A_297 = arith.constant 0 : i32
    %dma_wait3A_298 = tpu.memref_slice %arg3[%dma_wait3A_293, %dma_wait3A_294, %dma_wait3A_297] : memref<200x32x512xi32, #tpu.memory_space<hbm>> -> memref<1x1x512xi32, #tpu.memory_space<hbm>>
    %dma_wait3A_299 = tpu.memref_squeeze %dma_wait3A_298 : memref<1x1x512xi32, #tpu.memory_space<hbm>> -> memref<512xi32, #tpu.memory_space<hbm>>
    %dma_wait3A_300 = arith.constant 0 : i32
    %dma_wait3A_301 = tpu.memref_slice %arg7[%dma_wait3A_300] : memref<16384xi32, #tpu.memory_space<vmem>> -> memref<512xi32, #tpu.memory_space<vmem>>
    %dma_wait3A_302 = arith.constant 0 : i32
    %dma_wait3A_303 = tpu.memref_slice %arg3[%dma_wait3A_293, %dma_wait3A_294, %dma_wait3A_302] : memref<200x32x512xi32, #tpu.memory_space<hbm>> -> memref<1x1x512xi32, #tpu.memory_space<hbm>>
    %dma_wait3A_304 = tpu.memref_squeeze %dma_wait3A_303 : memref<1x1x512xi32, #tpu.memory_space<hbm>> -> memref<512xi32, #tpu.memory_space<hbm>>
    tpu.wait_dma2 semaphore(%arg15 : memref<!tpu.dma_semaphore, #tpu.memory_space<semaphore_mem>>) src(%dma_wait3A_304 : memref<512xi32, #tpu.memory_space<hbm>>) dst(%dma_wait3A_301 : memref<512xi32, #tpu.memory_space<vmem>>)
    %rem3A_305 = arith.constant 0 : i32
    %rem3A_306 = arith.constant 8 : i32
    %rem3A_307 = arith.remsi %rem3A_305, %rem3A_306 : i32
    %mul3A_308 = arith.constant 2048 : i32
    %mul3A_309 = arith.muli %rem3A_307, %mul3A_308 : i32
    %dma_start3A_310 = tpu.memref_slice %arg7[%mul3A_309] : memref<16384xi32, #tpu.memory_space<vmem>> -> memref<2048xi32, #tpu.memory_space<vmem>>
    %dma_start3A_311 = arith.constant 0 : i32
    %dma_start3A_312 = tpu.memref_slice %arg13[%dma_start3A_311] : memref<1000000xi32, #tpu.memory_space<vmem_shared>> -> memref<1000000xi32, #tpu.memory_space<vmem_shared>>
    tpu.enqueue_indirect_dma source(%dma_start3A_312 : memref<1000000xi32, #tpu.memory_space<vmem_shared>>) target(%arg8 : memref<2048xi32, #tpu.memory_space<vmem>>) offsets(%dma_start3A_310 : memref<2048xi32, #tpu.memory_space<vmem>>) semaphore(%arg17 : memref<!tpu.dma_semaphore, #tpu.memory_space<semaphore_mem>>)
    %rem3A_313 = arith.constant 2 : i32
    %rem3A_314 = arith.constant 8 : i32
    %rem3A_315 = arith.remsi %rem3A_313, %rem3A_314 : i32
    %mul3A_316 = arith.constant 2048 : i32
    %mul3A_317 = arith.muli %rem3A_315, %mul3A_316 : i32
    %add3A_318 = arith.constant 0 : i32
    %add3A_319 = arith.addi %mul3A_317, %add3A_318 : i32
    %dma_start3A_320 = arith.constant 8 : i32
    %dma_start3A_321 = tpu.memref_slice %arg7[%add3A_319] : memref<16384xi32, #tpu.memory_space<vmem>> -> memref<512xi32, #tpu.memory_space<vmem>>
    %dma_start3A_322 = arith.constant 0 : i32
    %dma_start3A_323 = tpu.memref_slice %arg3[%dma_start3A_320, %add3A, %dma_start3A_322] : memref<200x32x512xi32, #tpu.memory_space<hbm>> -> memref<1x1x512xi32, #tpu.memory_space<hbm>>
    %dma_start3A_324 = tpu.memref_squeeze %dma_start3A_323 : memref<1x1x512xi32, #tpu.memory_space<hbm>> -> memref<512xi32, #tpu.memory_space<hbm>>
    %dma_start3A_325 = tpu.memref_slice %arg7[%add3A_319] : memref<16384xi32, #tpu.memory_space<vmem>> -> memref<512xi32, #tpu.memory_space<vmem>>
    %dma_start3A_326 = arith.constant 0 : i32
    %dma_start3A_327 = tpu.memref_slice %arg3[%dma_start3A_320, %add3A, %dma_start3A_326] : memref<200x32x512xi32, #tpu.memory_space<hbm>> -> memref<1x1x512xi32, #tpu.memory_space<hbm>>
    %dma_start3A_328 = tpu.memref_squeeze %dma_start3A_327 : memref<1x1x512xi32, #tpu.memory_space<hbm>> -> memref<512xi32, #tpu.memory_space<hbm>>
    tpu.enqueue_dma source(%dma_start3A_328 : memref<512xi32, #tpu.memory_space<hbm>>) target(%dma_start3A_325 : memref<512xi32, #tpu.memory_space<vmem>>) target_semaphore(%arg15 : memref<!tpu.dma_semaphore, #tpu.memory_space<semaphore_mem>>)
    %add3A_329 = arith.constant 512 : i32
    %add3A_330 = arith.addi %mul3A_317, %add3A_329 : i32
    %dma_start3A_331 = arith.constant 9 : i32
    %dma_start3A_332 = tpu.memref_slice %arg7[%add3A_330] : memref<16384xi32, #tpu.memory_space<vmem>> -> memref<512xi32, #tpu.memory_space<vmem>>
    %dma_start3A_333 = arith.constant 0 : i32
    %dma_start3A_334 = tpu.memref_slice %arg3[%dma_start3A_331, %add3A, %dma_start3A_333] : memref<200x32x512xi32, #tpu.memory_space<hbm>> -> memref<1x1x512xi32, #tpu.memory_space<hbm>>
    %dma_start3A_335 = tpu.memref_squeeze %dma_start3A_334 : memref<1x1x512xi32, #tpu.memory_space<hbm>> -> memref<512xi32, #tpu.memory_space<hbm>>
    %dma_start3A_336 = tpu.memref_slice %arg7[%add3A_330] : memref<16384xi32, #tpu.memory_space<vmem>> -> memref<512xi32, #tpu.memory_space<vmem>>
    %dma_start3A_337 = arith.constant 0 : i32
    %dma_start3A_338 = tpu.memref_slice %arg3[%dma_start3A_331, %add3A, %dma_start3A_337] : memref<200x32x512xi32, #tpu.memory_space<hbm>> -> memref<1x1x512xi32, #tpu.memory_space<hbm>>
    %dma_start3A_339 = tpu.memref_squeeze %dma_start3A_338 : memref<1x1x512xi32, #tpu.memory_space<hbm>> -> memref<512xi32, #tpu.memory_space<hbm>>
    tpu.enqueue_dma source(%dma_start3A_339 : memref<512xi32, #tpu.memory_space<hbm>>) target(%dma_start3A_336 : memref<512xi32, #tpu.memory_space<vmem>>) target_semaphore(%arg15 : memref<!tpu.dma_semaphore, #tpu.memory_space<semaphore_mem>>)
    %add3A_340 = arith.constant 1024 : i32
    %add3A_341 = arith.addi %mul3A_317, %add3A_340 : i32
    %dma_start3A_342 = arith.constant 10 : i32
    %dma_start3A_343 = tpu.memref_slice %arg7[%add3A_341] : memref<16384xi32, #tpu.memory_space<vmem>> -> memref<512xi32, #tpu.memory_space<vmem>>
    %dma_start3A_344 = arith.constant 0 : i32
    %dma_start3A_345 = tpu.memref_slice %arg3[%dma_start3A_342, %add3A, %dma_start3A_344] : memref<200x32x512xi32, #tpu.memory_space<hbm>> -> memref<1x1x512xi32, #tpu.memory_space<hbm>>
    %dma_start3A_346 = tpu.memref_squeeze %dma_start3A_345 : memref<1x1x512xi32, #tpu.memory_space<hbm>> -> memref<512xi32, #tpu.memory_space<hbm>>
    %dma_start3A_347 = tpu.memref_slice %arg7[%add3A_341] : memref<16384xi32, #tpu.memory_space<vmem>> -> memref<512xi32, #tpu.memory_space<vmem>>
    %dma_start3A_348 = arith.constant 0 : i32
    %dma_start3A_349 = tpu.memref_slice %arg3[%dma_start3A_342, %add3A, %dma_start3A_348] : memref<200x32x512xi32, #tpu.memory_space<hbm>> -> memref<1x1x512xi32, #tpu.memory_space<hbm>>
    %dma_start3A_350 = tpu.memref_squeeze %dma_start3A_349 : memref<1x1x512xi32, #tpu.memory_space<hbm>> -> memref<512xi32, #tpu.memory_space<hbm>>
    tpu.enqueue_dma source(%dma_start3A_350 : memref<512xi32, #tpu.memory_space<hbm>>) target(%dma_start3A_347 : memref<512xi32, #tpu.memory_space<vmem>>) target_semaphore(%arg15 : memref<!tpu.dma_semaphore, #tpu.memory_space<semaphore_mem>>)
    %add3A_351 = arith.constant 1536 : i32
    %add3A_352 = arith.addi %mul3A_317, %add3A_351 : i32
    %dma_start3A_353 = arith.constant 11 : i32
    %dma_start3A_354 = tpu.memref_slice %arg7[%add3A_352] : memref<16384xi32, #tpu.memory_space<vmem>> -> memref<512xi32, #tpu.memory_space<vmem>>
    %dma_start3A_355 = arith.constant 0 : i32
    %dma_start3A_356 = tpu.memref_slice %arg3[%dma_start3A_353, %add3A, %dma_start3A_355] : memref<200x32x512xi32, #tpu.memory_space<hbm>> -> memref<1x1x512xi32, #tpu.memory_space<hbm>>
    %dma_start3A_357 = tpu.memref_squeeze %dma_start3A_356 : memref<1x1x512xi32, #tpu.memory_space<hbm>> -> memref<512xi32, #tpu.memory_space<hbm>>
    %dma_start3A_358 = tpu.memref_slice %arg7[%add3A_352] : memref<16384xi32, #tpu.memory_space<vmem>> -> memref<512xi32, #tpu.memory_space<vmem>>
    %dma_start3A_359 = arith.constant 0 : i32
    %dma_start3A_360 = tpu.memref_slice %arg3[%dma_start3A_353, %add3A, %dma_start3A_359] : memref<200x32x512xi32, #tpu.memory_space<hbm>> -> memref<1x1x512xi32, #tpu.memory_space<hbm>>
    %dma_start3A_361 = tpu.memref_squeeze %dma_start3A_360 : memref<1x1x512xi32, #tpu.memory_space<hbm>> -> memref<512xi32, #tpu.memory_space<hbm>>
    tpu.enqueue_dma source(%dma_start3A_361 : memref<512xi32, #tpu.memory_space<hbm>>) target(%dma_start3A_358 : memref<512xi32, #tpu.memory_space<vmem>>) target_semaphore(%arg15 : memref<!tpu.dma_semaphore, #tpu.memory_space<semaphore_mem>>)
    %dma_wait3A_362 = arith.constant 0 : i32
    %dma_wait3A_363 = arith.constant 0 : i32
    %dma_wait3A_364 = arith.constant 0 : i32
    %dma_wait3A_365 = tpu.memref_slice %arg7[%dma_wait3A_364] : memref<16384xi32, #tpu.memory_space<vmem>> -> memref<512xi32, #tpu.memory_space<vmem>>
    %dma_wait3A_366 = arith.constant 0 : i32
    %dma_wait3A_367 = tpu.memref_slice %arg3[%dma_wait3A_362, %dma_wait3A_363, %dma_wait3A_366] : memref<200x32x512xi32, #tpu.memory_space<hbm>> -> memref<1x1x512xi32, #tpu.memory_space<hbm>>
    %dma_wait3A_368 = tpu.memref_squeeze %dma_wait3A_367 : memref<1x1x512xi32, #tpu.memory_space<hbm>> -> memref<512xi32, #tpu.memory_space<hbm>>
    %dma_wait3A_369 = arith.constant 0 : i32
    %dma_wait3A_370 = tpu.memref_slice %arg7[%dma_wait3A_369] : memref<16384xi32, #tpu.memory_space<vmem>> -> memref<512xi32, #tpu.memory_space<vmem>>
    %dma_wait3A_371 = arith.constant 0 : i32
    %dma_wait3A_372 = tpu.memref_slice %arg3[%dma_wait3A_362, %dma_wait3A_363, %dma_wait3A_371] : memref<200x32x512xi32, #tpu.memory_space<hbm>> -> memref<1x1x512xi32, #tpu.memory_space<hbm>>
    %dma_wait3A_373 = tpu.memref_squeeze %dma_wait3A_372 : memref<1x1x512xi32, #tpu.memory_space<hbm>> -> memref<512xi32, #tpu.memory_space<hbm>>
    tpu.wait_dma2 semaphore(%arg16 : memref<!tpu.dma_semaphore, #tpu.memory_space<semaphore_mem>>) src(%dma_wait3A_373 : memref<512xi32, #tpu.memory_space<hbm>>) dst(%dma_wait3A_370 : memref<512xi32, #tpu.memory_space<vmem>>)
    %dma_wait3A_374 = arith.constant 0 : i32
    %dma_wait3A_375 = arith.constant 0 : i32
    %dma_wait3A_376 = arith.constant 0 : i32
    %dma_wait3A_377 = tpu.memref_slice %arg7[%dma_wait3A_376] : memref<16384xi32, #tpu.memory_space<vmem>> -> memref<512xi32, #tpu.memory_space<vmem>>
    %dma_wait3A_378 = arith.constant 0 : i32
    %dma_wait3A_379 = tpu.memref_slice %arg3[%dma_wait3A_374, %dma_wait3A_375, %dma_wait3A_378] : memref<200x32x512xi32, #tpu.memory_space<hbm>> -> memref<1x1x512xi32, #tpu.memory_space<hbm>>
    %dma_wait3A_380 = tpu.memref_squeeze %dma_wait3A_379 : memref<1x1x512xi32, #tpu.memory_space<hbm>> -> memref<512xi32, #tpu.memory_space<hbm>>
    %dma_wait3A_381 = arith.constant 0 : i32
    %dma_wait3A_382 = tpu.memref_slice %arg7[%dma_wait3A_381] : memref<16384xi32, #tpu.memory_space<vmem>> -> memref<512xi32, #tpu.memory_space<vmem>>
    %dma_wait3A_383 = arith.constant 0 : i32
    %dma_wait3A_384 = tpu.memref_slice %arg3[%dma_wait3A_374, %dma_wait3A_375, %dma_wait3A_383] : memref<200x32x512xi32, #tpu.memory_space<hbm>> -> memref<1x1x512xi32, #tpu.memory_space<hbm>>
    %dma_wait3A_385 = tpu.memref_squeeze %dma_wait3A_384 : memref<1x1x512xi32, #tpu.memory_space<hbm>> -> memref<512xi32, #tpu.memory_space<hbm>>
    tpu.wait_dma2 semaphore(%arg16 : memref<!tpu.dma_semaphore, #tpu.memory_space<semaphore_mem>>) src(%dma_wait3A_385 : memref<512xi32, #tpu.memory_space<hbm>>) dst(%dma_wait3A_382 : memref<512xi32, #tpu.memory_space<vmem>>)
    %dma_wait3A_386 = arith.constant 0 : i32
    %dma_wait3A_387 = arith.constant 0 : i32
    %dma_wait3A_388 = arith.constant 0 : i32
    %dma_wait3A_389 = tpu.memref_slice %arg7[%dma_wait3A_388] : memref<16384xi32, #tpu.memory_space<vmem>> -> memref<512xi32, #tpu.memory_space<vmem>>
    %dma_wait3A_390 = arith.constant 0 : i32
    %dma_wait3A_391 = tpu.memref_slice %arg3[%dma_wait3A_386, %dma_wait3A_387, %dma_wait3A_390] : memref<200x32x512xi32, #tpu.memory_space<hbm>> -> memref<1x1x512xi32, #tpu.memory_space<hbm>>
    %dma_wait3A_392 = tpu.memref_squeeze %dma_wait3A_391 : memref<1x1x512xi32, #tpu.memory_space<hbm>> -> memref<512xi32, #tpu.memory_space<hbm>>
    %dma_wait3A_393 = arith.constant 0 : i32
    %dma_wait3A_394 = tpu.memref_slice %arg7[%dma_wait3A_393] : memref<16384xi32, #tpu.memory_space<vmem>> -> memref<512xi32, #tpu.memory_space<vmem>>
    %dma_wait3A_395 = arith.constant 0 : i32
    %dma_wait3A_396 = tpu.memref_slice %arg3[%dma_wait3A_386, %dma_wait3A_387, %dma_wait3A_395] : memref<200x32x512xi32, #tpu.memory_space<hbm>> -> memref<1x1x512xi32, #tpu.memory_space<hbm>>
    %dma_wait3A_397 = tpu.memref_squeeze %dma_wait3A_396 : memref<1x1x512xi32, #tpu.memory_space<hbm>> -> memref<512xi32, #tpu.memory_space<hbm>>
    tpu.wait_dma2 semaphore(%arg16 : memref<!tpu.dma_semaphore, #tpu.memory_space<semaphore_mem>>) src(%dma_wait3A_397 : memref<512xi32, #tpu.memory_space<hbm>>) dst(%dma_wait3A_394 : memref<512xi32, #tpu.memory_space<vmem>>)
    %dma_wait3A_398 = arith.constant 0 : i32
    %dma_wait3A_399 = arith.constant 0 : i32
    %dma_wait3A_400 = arith.constant 0 : i32
    %dma_wait3A_401 = tpu.memref_slice %arg7[%dma_wait3A_400] : memref<16384xi32, #tpu.memory_space<vmem>> -> memref<512xi32, #tpu.memory_space<vmem>>
    %dma_wait3A_402 = arith.constant 0 : i32
    %dma_wait3A_403 = tpu.memref_slice %arg3[%dma_wait3A_398, %dma_wait3A_399, %dma_wait3A_402] : memref<200x32x512xi32, #tpu.memory_space<hbm>> -> memref<1x1x512xi32, #tpu.memory_space<hbm>>
    %dma_wait3A_404 = tpu.memref_squeeze %dma_wait3A_403 : memref<1x1x512xi32, #tpu.memory_space<hbm>> -> memref<512xi32, #tpu.memory_space<hbm>>
    %dma_wait3A_405 = arith.constant 0 : i32
    %dma_wait3A_406 = tpu.memref_slice %arg7[%dma_wait3A_405] : memref<16384xi32, #tpu.memory_space<vmem>> -> memref<512xi32, #tpu.memory_space<vmem>>
    %dma_wait3A_407 = arith.constant 0 : i32
    %dma_wait3A_408 = tpu.memref_slice %arg3[%dma_wait3A_398, %dma_wait3A_399, %dma_wait3A_407] : memref<200x32x512xi32, #tpu.memory_space<hbm>> -> memref<1x1x512xi32, #tpu.memory_space<hbm>>
    %dma_wait3A_409 = tpu.memref_squeeze %dma_wait3A_408 : memref<1x1x512xi32, #tpu.memory_space<hbm>> -> memref<512xi32, #tpu.memory_space<hbm>>
    tpu.wait_dma2 semaphore(%arg16 : memref<!tpu.dma_semaphore, #tpu.memory_space<semaphore_mem>>) src(%dma_wait3A_409 : memref<512xi32, #tpu.memory_space<hbm>>) dst(%dma_wait3A_406 : memref<512xi32, #tpu.memory_space<vmem>>)
    %rem3A_410 = arith.constant 1 : i32
    %rem3A_411 = arith.constant 8 : i32
    %rem3A_412 = arith.remsi %rem3A_410, %rem3A_411 : i32
    %mul3A_413 = arith.constant 2048 : i32
    %mul3A_414 = arith.muli %rem3A_412, %mul3A_413 : i32
    %dma_start3A_415 = tpu.memref_slice %arg7[%mul3A_414] : memref<16384xi32, #tpu.memory_space<vmem>> -> memref<2048xi32, #tpu.memory_space<vmem>>
    %dma_start3A_416 = arith.constant 0 : i32
    %dma_start3A_417 = tpu.memref_slice %arg13[%dma_start3A_416] : memref<1000000xi32, #tpu.memory_space<vmem_shared>> -> memref<1000000xi32, #tpu.memory_space<vmem_shared>>
    tpu.enqueue_indirect_dma source(%dma_start3A_417 : memref<1000000xi32, #tpu.memory_space<vmem_shared>>) target(%arg9 : memref<2048xi32, #tpu.memory_space<vmem>>) offsets(%dma_start3A_415 : memref<2048xi32, #tpu.memory_space<vmem>>) semaphore(%arg18 : memref<!tpu.dma_semaphore, #tpu.memory_space<semaphore_mem>>)
    %rem3A_418 = arith.constant 3 : i32
    %rem3A_419 = arith.constant 8 : i32
    %rem3A_420 = arith.remsi %rem3A_418, %rem3A_419 : i32
    %mul3A_421 = arith.constant 2048 : i32
    %mul3A_422 = arith.muli %rem3A_420, %mul3A_421 : i32
    %add3A_423 = arith.constant 0 : i32
    %add3A_424 = arith.addi %mul3A_422, %add3A_423 : i32
    %dma_start3A_425 = arith.constant 12 : i32
    %dma_start3A_426 = tpu.memref_slice %arg7[%add3A_424] : memref<16384xi32, #tpu.memory_space<vmem>> -> memref<512xi32, #tpu.memory_space<vmem>>
    %dma_start3A_427 = arith.constant 0 : i32
    %dma_start3A_428 = tpu.memref_slice %arg3[%dma_start3A_425, %add3A, %dma_start3A_427] : memref<200x32x512xi32, #tpu.memory_space<hbm>> -> memref<1x1x512xi32, #tpu.memory_space<hbm>>
    %dma_start3A_429 = tpu.memref_squeeze %dma_start3A_428 : memref<1x1x512xi32, #tpu.memory_space<hbm>> -> memref<512xi32, #tpu.memory_space<hbm>>
    %dma_start3A_430 = tpu.memref_slice %arg7[%add3A_424] : memref<16384xi32, #tpu.memory_space<vmem>> -> memref<512xi32, #tpu.memory_space<vmem>>
    %dma_start3A_431 = arith.constant 0 : i32
    %dma_start3A_432 = tpu.memref_slice %arg3[%dma_start3A_425, %add3A, %dma_start3A_431] : memref<200x32x512xi32, #tpu.memory_space<hbm>> -> memref<1x1x512xi32, #tpu.memory_space<hbm>>
    %dma_start3A_433 = tpu.memref_squeeze %dma_start3A_432 : memref<1x1x512xi32, #tpu.memory_space<hbm>> -> memref<512xi32, #tpu.memory_space<hbm>>
    tpu.enqueue_dma source(%dma_start3A_433 : memref<512xi32, #tpu.memory_space<hbm>>) target(%dma_start3A_430 : memref<512xi32, #tpu.memory_space<vmem>>) target_semaphore(%arg16 : memref<!tpu.dma_semaphore, #tpu.memory_space<semaphore_mem>>)
    %add3A_434 = arith.constant 512 : i32
    %add3A_435 = arith.addi %mul3A_422, %add3A_434 : i32
    %dma_start3A_436 = arith.constant 13 : i32
    %dma_start3A_437 = tpu.memref_slice %arg7[%add3A_435] : memref<16384xi32, #tpu.memory_space<vmem>> -> memref<512xi32, #tpu.memory_space<vmem>>
    %dma_start3A_438 = arith.constant 0 : i32
    %dma_start3A_439 = tpu.memref_slice %arg3[%dma_start3A_436, %add3A, %dma_start3A_438] : memref<200x32x512xi32, #tpu.memory_space<hbm>> -> memref<1x1x512xi32, #tpu.memory_space<hbm>>
    %dma_start3A_440 = tpu.memref_squeeze %dma_start3A_439 : memref<1x1x512xi32, #tpu.memory_space<hbm>> -> memref<512xi32, #tpu.memory_space<hbm>>
    %dma_start3A_441 = tpu.memref_slice %arg7[%add3A_435] : memref<16384xi32, #tpu.memory_space<vmem>> -> memref<512xi32, #tpu.memory_space<vmem>>
    %dma_start3A_442 = arith.constant 0 : i32
    %dma_start3A_443 = tpu.memref_slice %arg3[%dma_start3A_436, %add3A, %dma_start3A_442] : memref<200x32x512xi32, #tpu.memory_space<hbm>> -> memref<1x1x512xi32, #tpu.memory_space<hbm>>
    %dma_start3A_444 = tpu.memref_squeeze %dma_start3A_443 : memref<1x1x512xi32, #tpu.memory_space<hbm>> -> memref<512xi32, #tpu.memory_space<hbm>>
    tpu.enqueue_dma source(%dma_start3A_444 : memref<512xi32, #tpu.memory_space<hbm>>) target(%dma_start3A_441 : memref<512xi32, #tpu.memory_space<vmem>>) target_semaphore(%arg16 : memref<!tpu.dma_semaphore, #tpu.memory_space<semaphore_mem>>)
    %add3A_445 = arith.constant 1024 : i32
    %add3A_446 = arith.addi %mul3A_422, %add3A_445 : i32
    %dma_start3A_447 = arith.constant 14 : i32
    %dma_start3A_448 = tpu.memref_slice %arg7[%add3A_446] : memref<16384xi32, #tpu.memory_space<vmem>> -> memref<512xi32, #tpu.memory_space<vmem>>
    %dma_start3A_449 = arith.constant 0 : i32
    %dma_start3A_450 = tpu.memref_slice %arg3[%dma_start3A_447, %add3A, %dma_start3A_449] : memref<200x32x512xi32, #tpu.memory_space<hbm>> -> memref<1x1x512xi32, #tpu.memory_space<hbm>>
    %dma_start3A_451 = tpu.memref_squeeze %dma_start3A_450 : memref<1x1x512xi32, #tpu.memory_space<hbm>> -> memref<512xi32, #tpu.memory_space<hbm>>
    %dma_start3A_452 = tpu.memref_slice %arg7[%add3A_446] : memref<16384xi32, #tpu.memory_space<vmem>> -> memref<512xi32, #tpu.memory_space<vmem>>
    %dma_start3A_453 = arith.constant 0 : i32
    %dma_start3A_454 = tpu.memref_slice %arg3[%dma_start3A_447, %add3A, %dma_start3A_453] : memref<200x32x512xi32, #tpu.memory_space<hbm>> -> memref<1x1x512xi32, #tpu.memory_space<hbm>>
    %dma_start3A_455 = tpu.memref_squeeze %dma_start3A_454 : memref<1x1x512xi32, #tpu.memory_space<hbm>> -> memref<512xi32, #tpu.memory_space<hbm>>
    tpu.enqueue_dma source(%dma_start3A_455 : memref<512xi32, #tpu.memory_space<hbm>>) target(%dma_start3A_452 : memref<512xi32, #tpu.memory_space<vmem>>) target_semaphore(%arg16 : memref<!tpu.dma_semaphore, #tpu.memory_space<semaphore_mem>>)
    %add3A_456 = arith.constant 1536 : i32
    %add3A_457 = arith.addi %mul3A_422, %add3A_456 : i32
    %dma_start3A_458 = arith.constant 15 : i32
    %dma_start3A_459 = tpu.memref_slice %arg7[%add3A_457] : memref<16384xi32, #tpu.memory_space<vmem>> -> memref<512xi32, #tpu.memory_space<vmem>>
    %dma_start3A_460 = arith.constant 0 : i32
    %dma_start3A_461 = tpu.memref_slice %arg3[%dma_start3A_458, %add3A, %dma_start3A_460] : memref<200x32x512xi32, #tpu.memory_space<hbm>> -> memref<1x1x512xi32, #tpu.memory_space<hbm>>
    %dma_start3A_462 = tpu.memref_squeeze %dma_start3A_461 : memref<1x1x512xi32, #tpu.memory_space<hbm>> -> memref<512xi32, #tpu.memory_space<hbm>>
    %dma_start3A_463 = tpu.memref_slice %arg7[%add3A_457] : memref<16384xi32, #tpu.memory_space<vmem>> -> memref<512xi32, #tpu.memory_space<vmem>>
    %dma_start3A_464 = arith.constant 0 : i32
    %dma_start3A_465 = tpu.memref_slice %arg3[%dma_start3A_458, %add3A, %dma_start3A_464] : memref<200x32x512xi32, #tpu.memory_space<hbm>> -> memref<1x1x512xi32, #tpu.memory_space<hbm>>
    %dma_start3A_466 = tpu.memref_squeeze %dma_start3A_465 : memref<1x1x512xi32, #tpu.memory_space<hbm>> -> memref<512xi32, #tpu.memory_space<hbm>>
    tpu.enqueue_dma source(%dma_start3A_466 : memref<512xi32, #tpu.memory_space<hbm>>) target(%dma_start3A_463 : memref<512xi32, #tpu.memory_space<vmem>>) target_semaphore(%arg16 : memref<!tpu.dma_semaphore, #tpu.memory_space<semaphore_mem>>)
    %scan3A_467 = arith.constant 0 : i32
    %scan3A_468 = arith.constant 0 : i32
    %scan3A_469 = arith.constant 25 : i32
    %scan3A_470 = arith.addi %scan3A_468, %scan3A_469 : i32
    %scan3A_471 = arith.constant 1 : i32
    scf.for %scan3A_477 = %scan3A_468 to %scan3A_470 step %scan3A_471  : i32 {
      %mul3A_478 = arith.constant 2 : i32
      %mul3A_479 = arith.muli %scan3A_477, %mul3A_478 : i32
      %add3A_480 = arith.constant 0 : i32
      %add3A_481 = arith.addi %mul3A_479, %add3A_480 : i32
      %dma_wait3A_482 = arith.constant 0 : i32
      %dma_wait3A_483 = tpu.memref_slice %arg7[%dma_wait3A_482] : memref<16384xi32, #tpu.memory_space<vmem>> -> memref<2048xi32, #tpu.memory_space<vmem>>
      %dma_wait3A_484 = arith.constant 0 : i32
      %dma_wait3A_485 = tpu.memref_slice %arg13[%dma_wait3A_484] : memref<1000000xi32, #tpu.memory_space<vmem_shared>> -> memref<1000000xi32, #tpu.memory_space<vmem_shared>>
      tpu.wait_indirect_dma semaphore(%arg17 : memref<!tpu.dma_semaphore, #tpu.memory_space<semaphore_mem>>) src(%dma_wait3A_485 : memref<1000000xi32, #tpu.memory_space<vmem_shared>>) dst(%arg8 : memref<2048xi32, #tpu.memory_space<vmem>>)
      %get3A_486 = arith.constant 0 : index
      %get3A_487 = tpu.vector_load %arg8[%get3A_486] {strides = array<i32>} : memref<2048xi32, #tpu.memory_space<vmem>>, vector<16xi32>,
      %get3A_488 = arith.constant 512 : index
      %get3A_489 = tpu.vector_load %arg8[%get3A_488] {strides = array<i32>} : memref<2048xi32, #tpu.memory_space<vmem>>, vector<16xi32>,
      %get3A_490 = arith.constant 1024 : index
      %get3A_491 = tpu.vector_load %arg8[%get3A_490] {strides = array<i32>} : memref<2048xi32, #tpu.memory_space<vmem>>, vector<16xi32>,
      %get3A_492 = arith.constant 1536 : index
      %get3A_493 = tpu.vector_load %arg8[%get3A_492] {strides = array<i32>} : memref<2048xi32, #tpu.memory_space<vmem>>, vector<16xi32>,
      %and3A = arith.constant -65536 : i32
      %and3A_494 = vector.broadcast %and3A : i32 to vector<16xi32>
      %and3A_495 = arith.andi %get3A_487, %and3A_494 : vector<16xi32>
      %bitcast3A = vector.bitcast %and3A_495 : vector<16xi32> to vector<16xf32>
      %and3A_496 = arith.constant -65536 : i32
      %and3A_497 = vector.broadcast %and3A_496 : i32 to vector<16xi32>
      %and3A_498 = arith.andi %get3A_489, %and3A_497 : vector<16xi32>
      %bitcast3A_499 = vector.bitcast %and3A_498 : vector<16xi32> to vector<16xf32>
      %and3A_500 = arith.constant -65536 : i32
      %and3A_501 = vector.broadcast %and3A_500 : i32 to vector<16xi32>
      %and3A_502 = arith.andi %get3A_491, %and3A_501 : vector<16xi32>
      %bitcast3A_503 = vector.bitcast %and3A_502 : vector<16xi32> to vector<16xf32>
      %and3A_504 = arith.constant -65536 : i32
      %and3A_505 = vector.broadcast %and3A_504 : i32 to vector<16xi32>
      %and3A_506 = arith.andi %get3A_493, %and3A_505 : vector<16xi32>
      %bitcast3A_507 = vector.bitcast %and3A_506 : vector<16xi32> to vector<16xf32>
      %shift_left3A = arith.constant 16 : i32
      %shift_left3A_508 = vector.broadcast %shift_left3A : i32 to vector<16xi32>
      %shift_left3A_509 = arith.shli %get3A_487, %shift_left3A_508 : vector<16xi32>
      %bitcast3A_510 = vector.bitcast %shift_left3A_509 : vector<16xi32> to vector<16xf32>
      %shift_left3A_511 = arith.constant 16 : i32
      %shift_left3A_512 = vector.broadcast %shift_left3A_511 : i32 to vector<16xi32>
      %shift_left3A_513 = arith.shli %get3A_489, %shift_left3A_512 : vector<16xi32>
      %bitcast3A_514 = vector.bitcast %shift_left3A_513 : vector<16xi32> to vector<16xf32>
      %shift_left3A_515 = arith.constant 16 : i32
      %shift_left3A_516 = vector.broadcast %shift_left3A_515 : i32 to vector<16xi32>
      %shift_left3A_517 = arith.shli %get3A_491, %shift_left3A_516 : vector<16xi32>
      %bitcast3A_518 = vector.bitcast %shift_left3A_517 : vector<16xi32> to vector<16xf32>
      %shift_left3A_519 = arith.constant 16 : i32
      %shift_left3A_520 = vector.broadcast %shift_left3A_519 : i32 to vector<16xi32>
      %shift_left3A_521 = arith.shli %get3A_493, %shift_left3A_520 : vector<16xi32>
      %bitcast3A_522 = vector.bitcast %shift_left3A_521 : vector<16xi32> to vector<16xf32>
      %add3A_523 = arith.addf %bitcast3A, %bitcast3A_499 : vector<16xf32>
      %add3A_524 = arith.addf %bitcast3A_503, %bitcast3A_507 : vector<16xf32>
      %add3A_525 = arith.addf %add3A_523, %add3A_524 : vector<16xf32>
      %add3A_526 = arith.addf %bitcast3A_510, %bitcast3A_514 : vector<16xf32>
      %add3A_527 = arith.addf %bitcast3A_518, %bitcast3A_522 : vector<16xf32>
      %add3A_528 = arith.addf %add3A_526, %add3A_527 : vector<16xf32>
      %swap3A_529 = arith.constant 0 : index
      %swap3A_530 = tpu.vector_load %arg10[%swap3A_529] {strides = array<i32>} : memref<512xf32, #tpu.memory_space<vmem>>, vector<16xf32>,
      tpu.vector_store %arg10[%swap3A_529], %add3A_525 {add = true, strides = array<i32>} : memref<512xf32, #tpu.memory_space<vmem>>, vector<16xf32>,
      %swap3A_531 = arith.constant 0 : index
      %swap3A_532 = tpu.vector_load %arg11[%swap3A_531] {strides = array<i32>} : memref<512xf32, #tpu.memory_space<vmem>>, vector<16xf32>,
      tpu.vector_store %arg11[%swap3A_531], %add3A_528 {add = true, strides = array<i32>} : memref<512xf32, #tpu.memory_space<vmem>>, vector<16xf32>,
      %get3A_533 = arith.constant 16 : index
      %get3A_534 = tpu.vector_load %arg8[%get3A_533] {strides = array<i32>} : memref<2048xi32, #tpu.memory_space<vmem>>, vector<16xi32>,
      %get3A_535 = arith.constant 528 : index
      %get3A_536 = tpu.vector_load %arg8[%get3A_535] {strides = array<i32>} : memref<2048xi32, #tpu.memory_space<vmem>>, vector<16xi32>,
      %get3A_537 = arith.constant 1040 : index
      %get3A_538 = tpu.vector_load %arg8[%get3A_537] {strides = array<i32>} : memref<2048xi32, #tpu.memory_space<vmem>>, vector<16xi32>,
      %get3A_539 = arith.constant 1552 : index
      %get3A_540 = tpu.vector_load %arg8[%get3A_539] {strides = array<i32>} : memref<2048xi32, #tpu.memory_space<vmem>>, vector<16xi32>,
      %and3A_541 = arith.constant -65536 : i32
      %and3A_542 = vector.broadcast %and3A_541 : i32 to vector<16xi32>
      %and3A_543 = arith.andi %get3A_534, %and3A_542 : vector<16xi32>
      %bitcast3A_544 = vector.bitcast %and3A_543 : vector<16xi32> to vector<16xf32>
      %and3A_545 = arith.constant -65536 : i32
      %and3A_546 = vector.broadcast %and3A_545 : i32 to vector<16xi32>
      %and3A_547 = arith.andi %get3A_536, %and3A_546 : vector<16xi32>
      %bitcast3A_548 = vector.bitcast %and3A_547 : vector<16xi32> to vector<16xf32>
      %and3A_549 = arith.constant -65536 : i32
      %and3A_550 = vector.broadcast %and3A_549 : i32 to vector<16xi32>
      %and3A_551 = arith.andi %get3A_538, %and3A_550 : vector<16xi32>
      %bitcast3A_552 = vector.bitcast %and3A_551 : vector<16xi32> to vector<16xf32>
      %and3A_553 = arith.constant -65536 : i32
      %and3A_554 = vector.broadcast %and3A_553 : i32 to vector<16xi32>
      %and3A_555 = arith.andi %get3A_540, %and3A_554 : vector<16xi32>
      %bitcast3A_556 = vector.bitcast %and3A_555 : vector<16xi32> to vector<16xf32>
      %shift_left3A_557 = arith.constant 16 : i32
      %shift_left3A_558 = vector.broadcast %shift_left3A_557 : i32 to vector<16xi32>
      %shift_left3A_559 = arith.shli %get3A_534, %shift_left3A_558 : vector<16xi32>
      %bitcast3A_560 = vector.bitcast %shift_left3A_559 : vector<16xi32> to vector<16xf32>
      %shift_left3A_561 = arith.constant 16 : i32
      %shift_left3A_562 = vector.broadcast %shift_left3A_561 : i32 to vector<16xi32>
      %shift_left3A_563 = arith.shli %get3A_536, %shift_left3A_562 : vector<16xi32>
      %bitcast3A_564 = vector.bitcast %shift_left3A_563 : vector<16xi32> to vector<16xf32>
      %shift_left3A_565 = arith.constant 16 : i32
      %shift_left3A_566 = vector.broadcast %shift_left3A_565 : i32 to vector<16xi32>
      %shift_left3A_567 = arith.shli %get3A_538, %shift_left3A_566 : vector<16xi32>
      %bitcast3A_568 = vector.bitcast %shift_left3A_567 : vector<16xi32> to vector<16xf32>
      %shift_left3A_569 = arith.constant 16 : i32
      %shift_left3A_570 = vector.broadcast %shift_left3A_569 : i32 to vector<16xi32>
      %shift_left3A_571 = arith.shli %get3A_540, %shift_left3A_570 : vector<16xi32>
      %bitcast3A_572 = vector.bitcast %shift_left3A_571 : vector<16xi32> to vector<16xf32>
      %add3A_573 = arith.addf %bitcast3A_544, %bitcast3A_548 : vector<16xf32>
      %add3A_574 = arith.addf %bitcast3A_552, %bitcast3A_556 : vector<16xf32>
      %add3A_575 = arith.addf %add3A_573, %add3A_574 : vector<16xf32>
      %add3A_576 = arith.addf %bitcast3A_560, %bitcast3A_564 : vector<16xf32>
      %add3A_577 = arith.addf %bitcast3A_568, %bitcast3A_572 : vector<16xf32>
      %add3A_578 = arith.addf %add3A_576, %add3A_577 : vector<16xf32>
      %swap3A_579 = arith.constant 16 : index
      %swap3A_580 = tpu.vector_load %arg10[%swap3A_579] {strides = array<i32>} : memref<512xf32, #tpu.memory_space<vmem>>, vector<16xf32>,
      tpu.vector_store %arg10[%swap3A_579], %add3A_575 {add = true, strides = array<i32>} : memref<512xf32, #tpu.memory_space<vmem>>, vector<16xf32>,
      %swap3A_581 = arith.constant 16 : index
      %swap3A_582 = tpu.vector_load %arg11[%swap3A_581] {strides = array<i32>} : memref<512xf32, #tpu.memory_space<vmem>>, vector<16xf32>,
      tpu.vector_store %arg11[%swap3A_581], %add3A_578 {add = true, strides = array<i32>} : memref<512xf32, #tpu.memory_space<vmem>>, vector<16xf32>,
      %get3A_583 = arith.constant 32 : index
      %get3A_584 = tpu.vector_load %arg8[%get3A_583] {strides = array<i32>} : memref<2048xi32, #tpu.memory_space<vmem>>, vector<16xi32>,
      %get3A_585 = arith.constant 544 : index
      %get3A_586 = tpu.vector_load %arg8[%get3A_585] {strides = array<i32>} : memref<2048xi32, #tpu.memory_space<vmem>>, vector<16xi32>,
      %get3A_587 = arith.constant 1056 : index
      %get3A_588 = tpu.vector_load %arg8[%get3A_587] {strides = array<i32>} : memref<2048xi32, #tpu.memory_space<vmem>>, vector<16xi32>,
      %get3A_589 = arith.constant 1568 : index
      %get3A_590 = tpu.vector_load %arg8[%get3A_589] {strides = array<i32>} : memref<2048xi32, #tpu.memory_space<vmem>>, vector<16xi32>,
      %and3A_591 = arith.constant -65536 : i32
      %and3A_592 = vector.broadcast %and3A_591 : i32 to vector<16xi32>
      %and3A_593 = arith.andi %get3A_584, %and3A_592 : vector<16xi32>
      %bitcast3A_594 = vector.bitcast %and3A_593 : vector<16xi32> to vector<16xf32>
      %and3A_595 = arith.constant -65536 : i32
      %and3A_596 = vector.broadcast %and3A_595 : i32 to vector<16xi32>
      %and3A_597 = arith.andi %get3A_586, %and3A_596 : vector<16xi32>
      %bitcast3A_598 = vector.bitcast %and3A_597 : vector<16xi32> to vector<16xf32>
      %and3A_599 = arith.constant -65536 : i32
      %and3A_600 = vector.broadcast %and3A_599 : i32 to vector<16xi32>
      %and3A_601 = arith.andi %get3A_588, %and3A_600 : vector<16xi32>
      %bitcast3A_602 = vector.bitcast %and3A_601 : vector<16xi32> to vector<16xf32>
      %and3A_603 = arith.constant -65536 : i32
      %and3A_604 = vector.broadcast %and3A_603 : i32 to vector<16xi32>
      %and3A_605 = arith.andi %get3A_590, %and3A_604 : vector<16xi32>
      %bitcast3A_606 = vector.bitcast %and3A_605 : vector<16xi32> to vector<16xf32>
      %shift_left3A_607 = arith.constant 16 : i32
      %shift_left3A_608 = vector.broadcast %shift_left3A_607 : i32 to vector<16xi32>
      %shift_left3A_609 = arith.shli %get3A_584, %shift_left3A_608 : vector<16xi32>
      %bitcast3A_610 = vector.bitcast %shift_left3A_609 : vector<16xi32> to vector<16xf32>
      %shift_left3A_611 = arith.constant 16 : i32
      %shift_left3A_612 = vector.broadcast %shift_left3A_611 : i32 to vector<16xi32>
      %shift_left3A_613 = arith.shli %get3A_586, %shift_left3A_612 : vector<16xi32>
      %bitcast3A_614 = vector.bitcast %shift_left3A_613 : vector<16xi32> to vector<16xf32>
      %shift_left3A_615 = arith.constant 16 : i32
      %shift_left3A_616 = vector.broadcast %shift_left3A_615 : i32 to vector<16xi32>
      %shift_left3A_617 = arith.shli %get3A_588, %shift_left3A_616 : vector<16xi32>
      %bitcast3A_618 = vector.bitcast %shift_left3A_617 : vector<16xi32> to vector<16xf32>
      %shift_left3A_619 = arith.constant 16 : i32
      %shift_left3A_620 = vector.broadcast %shift_left3A_619 : i32 to vector<16xi32>
      %shift_left3A_621 = arith.shli %get3A_590, %shift_left3A_620 : vector<16xi32>
      %bitcast3A_622 = vector.bitcast %shift_left3A_621 : vector<16xi32> to vector<16xf32>
      %add3A_623 = arith.addf %bitcast3A_594, %bitcast3A_598 : vector<16xf32>
      %add3A_624 = arith.addf %bitcast3A_602, %bitcast3A_606 : vector<16xf32>
      %add3A_625 = arith.addf %add3A_623, %add3A_624 : vector<16xf32>
      %add3A_626 = arith.addf %bitcast3A_610, %bitcast3A_614 : vector<16xf32>
      %add3A_627 = arith.addf %bitcast3A_618, %bitcast3A_622 : vector<16xf32>
      %add3A_628 = arith.addf %add3A_626, %add3A_627 : vector<16xf32>
      %swap3A_629 = arith.constant 32 : index
      %swap3A_630 = tpu.vector_load %arg10[%swap3A_629] {strides = array<i32>} : memref<512xf32, #tpu.memory_space<vmem>>, vector<16xf32>,
      tpu.vector_store %arg10[%swap3A_629], %add3A_625 {add = true, strides = array<i32>} : memref<512xf32, #tpu.memory_space<vmem>>, vector<16xf32>,
      %swap3A_631 = arith.constant 32 : index
      %swap3A_632 = tpu.vector_load %arg11[%swap3A_631] {strides = array<i32>} : memref<512xf32, #tpu.memory_space<vmem>>, vector<16xf32>,
      tpu.vector_store %arg11[%swap3A_631], %add3A_628 {add = true, strides = array<i32>} : memref<512xf32, #tpu.memory_space<vmem>>, vector<16xf32>,
      %get3A_633 = arith.constant 48 : index
      %get3A_634 = tpu.vector_load %arg8[%get3A_633] {strides = array<i32>} : memref<2048xi32, #tpu.memory_space<vmem>>, vector<16xi32>,
      %get3A_635 = arith.constant 560 : index
      %get3A_636 = tpu.vector_load %arg8[%get3A_635] {strides = array<i32>} : memref<2048xi32, #tpu.memory_space<vmem>>, vector<16xi32>,
      %get3A_637 = arith.constant 1072 : index
      %get3A_638 = tpu.vector_load %arg8[%get3A_637] {strides = array<i32>} : memref<2048xi32, #tpu.memory_space<vmem>>, vector<16xi32>,
      %get3A_639 = arith.constant 1584 : index
      %get3A_640 = tpu.vector_load %arg8[%get3A_639] {strides = array<i32>} : memref<2048xi32, #tpu.memory_space<vmem>>, vector<16xi32>,
      %and3A_641 = arith.constant -65536 : i32
      %and3A_642 = vector.broadcast %and3A_641 : i32 to vector<16xi32>
      %and3A_643 = arith.andi %get3A_634, %and3A_642 : vector<16xi32>
      %bitcast3A_644 = vector.bitcast %and3A_643 : vector<16xi32> to vector<16xf32>
      %and3A_645 = arith.constant -65536 : i32
      %and3A_646 = vector.broadcast %and3A_645 : i32 to vector<16xi32>
      %and3A_647 = arith.andi %get3A_636, %and3A_646 : vector<16xi32>
      %bitcast3A_648 = vector.bitcast %and3A_647 : vector<16xi32> to vector<16xf32>
      %and3A_649 = arith.constant -65536 : i32
      %and3A_650 = vector.broadcast %and3A_649 : i32 to vector<16xi32>
      %and3A_651 = arith.andi %get3A_638, %and3A_650 : vector<16xi32>
      %bitcast3A_652 = vector.bitcast %and3A_651 : vector<16xi32> to vector<16xf32>
      %and3A_653 = arith.constant -65536 : i32
      %and3A_654 = vector.broadcast %and3A_653 : i32 to vector<16xi32>
      %and3A_655 = arith.andi %get3A_640, %and3A_654 : vector<16xi32>
      %bitcast3A_656 = vector.bitcast %and3A_655 : vector<16xi32> to vector<16xf32>
      %shift_left3A_657 = arith.constant 16 : i32
      %shift_left3A_658 = vector.broadcast %shift_left3A_657 : i32 to vector<16xi32>
      %shift_left3A_659 = arith.shli %get3A_634, %shift_left3A_658 : vector<16xi32>
      %bitcast3A_660 = vector.bitcast %shift_left3A_659 : vector<16xi32> to vector<16xf32>
      %shift_left3A_661 = arith.constant 16 : i32
      %shift_left3A_662 = vector.broadcast %shift_left3A_661 : i32 to vector<16xi32>
      %shift_left3A_663 = arith.shli %get3A_636, %shift_left3A_662 : vector<16xi32>
      %bitcast3A_664 = vector.bitcast %shift_left3A_663 : vector<16xi32> to vector<16xf32>
      %shift_left3A_665 = arith.constant 16 : i32
      %shift_left3A_666 = vector.broadcast %shift_left3A_665 : i32 to vector<16xi32>
      %shift_left3A_667 = arith.shli %get3A_638, %shift_left3A_666 : vector<16xi32>
      %bitcast3A_668 = vector.bitcast %shift_left3A_667 : vector<16xi32> to vector<16xf32>
      %shift_left3A_669 = arith.constant 16 : i32
      %shift_left3A_670 = vector.broadcast %shift_left3A_669 : i32 to vector<16xi32>
      %shift_left3A_671 = arith.shli %get3A_640, %shift_left3A_670 : vector<16xi32>
      %bitcast3A_672 = vector.bitcast %shift_left3A_671 : vector<16xi32> to vector<16xf32>
      %add3A_673 = arith.addf %bitcast3A_644, %bitcast3A_648 : vector<16xf32>
      %add3A_674 = arith.addf %bitcast3A_652, %bitcast3A_656 : vector<16xf32>
      %add3A_675 = arith.addf %add3A_673, %add3A_674 : vector<16xf32>
      %add3A_676 = arith.addf %bitcast3A_660, %bitcast3A_664 : vector<16xf32>
      %add3A_677 = arith.addf %bitcast3A_668, %bitcast3A_672 : vector<16xf32>
      %add3A_678 = arith.addf %add3A_676, %add3A_677 : vector<16xf32>
      %swap3A_679 = arith.constant 48 : index
      %swap3A_680 = tpu.vector_load %arg10[%swap3A_679] {strides = array<i32>} : memref<512xf32, #tpu.memory_space<vmem>>, vector<16xf32>,
      tpu.vector_store %arg10[%swap3A_679], %add3A_675 {add = true, strides = array<i32>} : memref<512xf32, #tpu.memory_space<vmem>>, vector<16xf32>,
      %swap3A_681 = arith.constant 48 : index
      %swap3A_682 = tpu.vector_load %arg11[%swap3A_681] {strides = array<i32>} : memref<512xf32, #tpu.memory_space<vmem>>, vector<16xf32>,
      tpu.vector_store %arg11[%swap3A_681], %add3A_678 {add = true, strides = array<i32>} : memref<512xf32, #tpu.memory_space<vmem>>, vector<16xf32>,
      %get3A_683 = arith.constant 64 : index
      %get3A_684 = tpu.vector_load %arg8[%get3A_683] {strides = array<i32>} : memref<2048xi32, #tpu.memory_space<vmem>>, vector<16xi32>,
      %get3A_685 = arith.constant 576 : index
      %get3A_686 = tpu.vector_load %arg8[%get3A_685] {strides = array<i32>} : memref<2048xi32, #tpu.memory_space<vmem>>, vector<16xi32>,
      %get3A_687 = arith.constant 1088 : index
      %get3A_688 = tpu.vector_load %arg8[%get3A_687] {strides = array<i32>} : memref<2048xi32, #tpu.memory_space<vmem>>, vector<16xi32>,
      %get3A_689 = arith.constant 1600 : index
      %get3A_690 = tpu.vector_load %arg8[%get3A_689] {strides = array<i32>} : memref<2048xi32, #tpu.memory_space<vmem>>, vector<16xi32>,
      %and3A_691 = arith.constant -65536 : i32
      %and3A_692 = vector.broadcast %and3A_691 : i32 to vector<16xi32>
      %and3A_693 = arith.andi %get3A_684, %and3A_692 : vector<16xi32>
      %bitcast3A_694 = vector.bitcast %and3A_693 : vector<16xi32> to vector<16xf32>
      %and3A_695 = arith.constant -65536 : i32
      %and3A_696 = vector.broadcast %and3A_695 : i32 to vector<16xi32>
      %and3A_697 = arith.andi %get3A_686, %and3A_696 : vector<16xi32>
      %bitcast3A_698 = vector.bitcast %and3A_697 : vector<16xi32> to vector<16xf32>
      %and3A_699 = arith.constant -65536 : i32
      %and3A_700 = vector.broadcast %and3A_699 : i32 to vector<16xi32>
      %and3A_701 = arith.andi %get3A_688, %and3A_700 : vector<16xi32>
      %bitcast3A_702 = vector.bitcast %and3A_701 : vector<16xi32> to vector<16xf32>
      %and3A_703 = arith.constant -65536 : i32
      %and3A_704 = vector.broadcast %and3A_703 : i32 to vector<16xi32>
      %and3A_705 = arith.andi %get3A_690, %and3A_704 : vector<16xi32>
      %bitcast3A_706 = vector.bitcast %and3A_705 : vector<16xi32> to vector<16xf32>
      %shift_left3A_707 = arith.constant 16 : i32
      %shift_left3A_708 = vector.broadcast %shift_left3A_707 : i32 to vector<16xi32>
      %shift_left3A_709 = arith.shli %get3A_684, %shift_left3A_708 : vector<16xi32>
      %bitcast3A_710 = vector.bitcast %shift_left3A_709 : vector<16xi32> to vector<16xf32>
      %shift_left3A_711 = arith.constant 16 : i32
      %shift_left3A_712 = vector.broadcast %shift_left3A_711 : i32 to vector<16xi32>
      %shift_left3A_713 = arith.shli %get3A_686, %shift_left3A_712 : vector<16xi32>
      %bitcast3A_714 = vector.bitcast %shift_left3A_713 : vector<16xi32> to vector<16xf32>
      %shift_left3A_715 = arith.constant 16 : i32
      %shift_left3A_716 = vector.broadcast %shift_left3A_715 : i32 to vector<16xi32>
      %shift_left3A_717 = arith.shli %get3A_688, %shift_left3A_716 : vector<16xi32>
      %bitcast3A_718 = vector.bitcast %shift_left3A_717 : vector<16xi32> to vector<16xf32>
      %shift_left3A_719 = arith.constant 16 : i32
      %shift_left3A_720 = vector.broadcast %shift_left3A_719 : i32 to vector<16xi32>
      %shift_left3A_721 = arith.shli %get3A_690, %shift_left3A_720 : vector<16xi32>
      %bitcast3A_722 = vector.bitcast %shift_left3A_721 : vector<16xi32> to vector<16xf32>
      %add3A_723 = arith.addf %bitcast3A_694, %bitcast3A_698 : vector<16xf32>
      %add3A_724 = arith.addf %bitcast3A_702, %bitcast3A_706 : vector<16xf32>
      %add3A_725 = arith.addf %add3A_723, %add3A_724 : vector<16xf32>
      %add3A_726 = arith.addf %bitcast3A_710, %bitcast3A_714 : vector<16xf32>
      %add3A_727 = arith.addf %bitcast3A_718, %bitcast3A_722 : vector<16xf32>
      %add3A_728 = arith.addf %add3A_726, %add3A_727 : vector<16xf32>
      %swap3A_729 = arith.constant 64 : index
      %swap3A_730 = tpu.vector_load %arg10[%swap3A_729] {strides = array<i32>} : memref<512xf32, #tpu.memory_space<vmem>>, vector<16xf32>,
      tpu.vector_store %arg10[%swap3A_729], %add3A_725 {add = true, strides = array<i32>} : memref<512xf32, #tpu.memory_space<vmem>>, vector<16xf32>,
      %swap3A_731 = arith.constant 64 : index
      %swap3A_732 = tpu.vector_load %arg11[%swap3A_731] {strides = array<i32>} : memref<512xf32, #tpu.memory_space<vmem>>, vector<16xf32>,
      tpu.vector_store %arg11[%swap3A_731], %add3A_728 {add = true, strides = array<i32>} : memref<512xf32, #tpu.memory_space<vmem>>, vector<16xf32>,
      %get3A_733 = arith.constant 80 : index
      %get3A_734 = tpu.vector_load %arg8[%get3A_733] {strides = array<i32>} : memref<2048xi32, #tpu.memory_space<vmem>>, vector<16xi32>,
      %get3A_735 = arith.constant 592 : index
      %get3A_736 = tpu.vector_load %arg8[%get3A_735] {strides = array<i32>} : memref<2048xi32, #tpu.memory_space<vmem>>, vector<16xi32>,
      %get3A_737 = arith.constant 1104 : index
      %get3A_738 = tpu.vector_load %arg8[%get3A_737] {strides = array<i32>} : memref<2048xi32, #tpu.memory_space<vmem>>, vector<16xi32>,
      %get3A_739 = arith.constant 1616 : index
      %get3A_740 = tpu.vector_load %arg8[%get3A_739] {strides = array<i32>} : memref<2048xi32, #tpu.memory_space<vmem>>, vector<16xi32>,
      %and3A_741 = arith.constant -65536 : i32
      %and3A_742 = vector.broadcast %and3A_741 : i32 to vector<16xi32>
      %and3A_743 = arith.andi %get3A_734, %and3A_742 : vector<16xi32>
      %bitcast3A_744 = vector.bitcast %and3A_743 : vector<16xi32> to vector<16xf32>
      %and3A_745 = arith.constant -65536 : i32
      %and3A_746 = vector.broadcast %and3A_745 : i32 to vector<16xi32>
      %and3A_747 = arith.andi %get3A_736, %and3A_746 : vector<16xi32>
      %bitcast3A_748 = vector.bitcast %and3A_747 : vector<16xi32> to vector<16xf32>
      %and3A_749 = arith.constant -65536 : i32
      %and3A_750 = vector.broadcast %and3A_749 : i32 to vector<16xi32>
      %and3A_751 = arith.andi %get3A_738, %and3A_750 : vector<16xi32>
      %bitcast3A_752 = vector.bitcast %and3A_751 : vector<16xi32> to vector<16xf32>
      %and3A_753 = arith.constant -65536 : i32
      %and3A_754 = vector.broadcast %and3A_753 : i32 to vector<16xi32>
      %and3A_755 = arith.andi %get3A_740, %and3A_754 : vector<16xi32>
      %bitcast3A_756 = vector.bitcast %and3A_755 : vector<16xi32> to vector<16xf32>
      %shift_left3A_757 = arith.constant 16 : i32
      %shift_left3A_758 = vector.broadcast %shift_left3A_757 : i32 to vector<16xi32>
      %shift_left3A_759 = arith.shli %get3A_734, %shift_left3A_758 : vector<16xi32>
      %bitcast3A_760 = vector.bitcast %shift_left3A_759 : vector<16xi32> to vector<16xf32>
      %shift_left3A_761 = arith.constant 16 : i32
      %shift_left3A_762 = vector.broadcast %shift_left3A_761 : i32 to vector<16xi32>
      %shift_left3A_763 = arith.shli %get3A_736, %shift_left3A_762 : vector<16xi32>
      %bitcast3A_764 = vector.bitcast %shift_left3A_763 : vector<16xi32> to vector<16xf32>
      %shift_left3A_765 = arith.constant 16 : i32
      %shift_left3A_766 = vector.broadcast %shift_left3A_765 : i32 to vector<16xi32>
      %shift_left3A_767 = arith.shli %get3A_738, %shift_left3A_766 : vector<16xi32>
      %bitcast3A_768 = vector.bitcast %shift_left3A_767 : vector<16xi32> to vector<16xf32>
      %shift_left3A_769 = arith.constant 16 : i32
      %shift_left3A_770 = vector.broadcast %shift_left3A_769 : i32 to vector<16xi32>
      %shift_left3A_771 = arith.shli %get3A_740, %shift_left3A_770 : vector<16xi32>
      %bitcast3A_772 = vector.bitcast %shift_left3A_771 : vector<16xi32> to vector<16xf32>
      %add3A_773 = arith.addf %bitcast3A_744, %bitcast3A_748 : vector<16xf32>
      %add3A_774 = arith.addf %bitcast3A_752, %bitcast3A_756 : vector<16xf32>
      %add3A_775 = arith.addf %add3A_773, %add3A_774 : vector<16xf32>
      %add3A_776 = arith.addf %bitcast3A_760, %bitcast3A_764 : vector<16xf32>
      %add3A_777 = arith.addf %bitcast3A_768, %bitcast3A_772 : vector<16xf32>
      %add3A_778 = arith.addf %add3A_776, %add3A_777 : vector<16xf32>
      %swap3A_779 = arith.constant 80 : index
      %swap3A_780 = tpu.vector_load %arg10[%swap3A_779] {strides = array<i32>} : memref<512xf32, #tpu.memory_space<vmem>>, vector<16xf32>,
      tpu.vector_store %arg10[%swap3A_779], %add3A_775 {add = true, strides = array<i32>} : memref<512xf32, #tpu.memory_space<vmem>>, vector<16xf32>,
      %swap3A_781 = arith.constant 80 : index
      %swap3A_782 = tpu.vector_load %arg11[%swap3A_781] {strides = array<i32>} : memref<512xf32, #tpu.memory_space<vmem>>, vector<16xf32>,
      tpu.vector_store %arg11[%swap3A_781], %add3A_778 {add = true, strides = array<i32>} : memref<512xf32, #tpu.memory_space<vmem>>, vector<16xf32>,
      %get3A_783 = arith.constant 96 : index
      %get3A_784 = tpu.vector_load %arg8[%get3A_783] {strides = array<i32>} : memref<2048xi32, #tpu.memory_space<vmem>>, vector<16xi32>,
      %get3A_785 = arith.constant 608 : index
      %get3A_786 = tpu.vector_load %arg8[%get3A_785] {strides = array<i32>} : memref<2048xi32, #tpu.memory_space<vmem>>, vector<16xi32>,
      %get3A_787 = arith.constant 1120 : index
      %get3A_788 = tpu.vector_load %arg8[%get3A_787] {strides = array<i32>} : memref<2048xi32, #tpu.memory_space<vmem>>, vector<16xi32>,
      %get3A_789 = arith.constant 1632 : index
      %get3A_790 = tpu.vector_load %arg8[%get3A_789] {strides = array<i32>} : memref<2048xi32, #tpu.memory_space<vmem>>, vector<16xi32>,
      %and3A_791 = arith.constant -65536 : i32
      %and3A_792 = vector.broadcast %and3A_791 : i32 to vector<16xi32>
      %and3A_793 = arith.andi %get3A_784, %and3A_792 : vector<16xi32>
      %bitcast3A_794 = vector.bitcast %and3A_793 : vector<16xi32> to vector<16xf32>
      %and3A_795 = arith.constant -65536 : i32
      %and3A_796 = vector.broadcast %and3A_795 : i32 to vector<16xi32>
      %and3A_797 = arith.andi %get3A_786, %and3A_796 : vector<16xi32>
      %bitcast3A_798 = vector.bitcast %and3A_797 : vector<16xi32> to vector<16xf32>
      %and3A_799 = arith.constant -65536 : i32
      %and3A_800 = vector.broadcast %and3A_799 : i32 to vector<16xi32>
      %and3A_801 = arith.andi %get3A_788, %and3A_800 : vector<16xi32>
      %bitcast3A_802 = vector.bitcast %and3A_801 : vector<16xi32> to vector<16xf32>
      %and3A_803 = arith.constant -65536 : i32
      %and3A_804 = vector.broadcast %and3A_803 : i32 to vector<16xi32>
      %and3A_805 = arith.andi %get3A_790, %and3A_804 : vector<16xi32>
      %bitcast3A_806 = vector.bitcast %and3A_805 : vector<16xi32> to vector<16xf32>
      %shift_left3A_807 = arith.constant 16 : i32
      %shift_left3A_808 = vector.broadcast %shift_left3A_807 : i32 to vector<16xi32>
      %shift_left3A_809 = arith.shli %get3A_784, %shift_left3A_808 : vector<16xi32>
      %bitcast3A_810 = vector.bitcast %shift_left3A_809 : vector<16xi32> to vector<16xf32>
      %shift_left3A_811 = arith.constant 16 : i32
      %shift_left3A_812 = vector.broadcast %shift_left3A_811 : i32 to vector<16xi32>
      %shift_left3A_813 = arith.shli %get3A_786, %shift_left3A_812 : vector<16xi32>
      %bitcast3A_814 = vector.bitcast %shift_left3A_813 : vector<16xi32> to vector<16xf32>
      %shift_left3A_815 = arith.constant 16 : i32
      %shift_left3A_816 = vector.broadcast %shift_left3A_815 : i32 to vector<16xi32>
      %shift_left3A_817 = arith.shli %get3A_788, %shift_left3A_816 : vector<16xi32>
      %bitcast3A_818 = vector.bitcast %shift_left3A_817 : vector<16xi32> to vector<16xf32>
      %shift_left3A_819 = arith.constant 16 : i32
      %shift_left3A_820 = vector.broadcast %shift_left3A_819 : i32 to vector<16xi32>
      %shift_left3A_821 = arith.shli %get3A_790, %shift_left3A_820 : vector<16xi32>
      %bitcast3A_822 = vector.bitcast %shift_left3A_821 : vector<16xi32> to vector<16xf32>
      %add3A_823 = arith.addf %bitcast3A_794, %bitcast3A_798 : vector<16xf32>
      %add3A_824 = arith.addf %bitcast3A_802, %bitcast3A_806 : vector<16xf32>
      %add3A_825 = arith.addf %add3A_823, %add3A_824 : vector<16xf32>
      %add3A_826 = arith.addf %bitcast3A_810, %bitcast3A_814 : vector<16xf32>
      %add3A_827 = arith.addf %bitcast3A_818, %bitcast3A_822 : vector<16xf32>
      %add3A_828 = arith.addf %add3A_826, %add3A_827 : vector<16xf32>
      %swap3A_829 = arith.constant 96 : index
      %swap3A_830 = tpu.vector_load %arg10[%swap3A_829] {strides = array<i32>} : memref<512xf32, #tpu.memory_space<vmem>>, vector<16xf32>,
      tpu.vector_store %arg10[%swap3A_829], %add3A_825 {add = true, strides = array<i32>} : memref<512xf32, #tpu.memory_space<vmem>>, vector<16xf32>,
      %swap3A_831 = arith.constant 96 : index
      %swap3A_832 = tpu.vector_load %arg11[%swap3A_831] {strides = array<i32>} : memref<512xf32, #tpu.memory_space<vmem>>, vector<16xf32>,
      tpu.vector_store %arg11[%swap3A_831], %add3A_828 {add = true, strides = array<i32>} : memref<512xf32, #tpu.memory_space<vmem>>, vector<16xf32>,
      %get3A_833 = arith.constant 112 : index
      %get3A_834 = tpu.vector_load %arg8[%get3A_833] {strides = array<i32>} : memref<2048xi32, #tpu.memory_space<vmem>>, vector<16xi32>,
      %get3A_835 = arith.constant 624 : index
      %get3A_836 = tpu.vector_load %arg8[%get3A_835] {strides = array<i32>} : memref<2048xi32, #tpu.memory_space<vmem>>, vector<16xi32>,
      %get3A_837 = arith.constant 1136 : index
      %get3A_838 = tpu.vector_load %arg8[%get3A_837] {strides = array<i32>} : memref<2048xi32, #tpu.memory_space<vmem>>, vector<16xi32>,
      %get3A_839 = arith.constant 1648 : index
      %get3A_840 = tpu.vector_load %arg8[%get3A_839] {strides = array<i32>} : memref<2048xi32, #tpu.memory_space<vmem>>, vector<16xi32>,
      %and3A_841 = arith.constant -65536 : i32
      %and3A_842 = vector.broadcast %and3A_841 : i32 to vector<16xi32>
      %and3A_843 = arith.andi %get3A_834, %and3A_842 : vector<16xi32>
      %bitcast3A_844 = vector.bitcast %and3A_843 : vector<16xi32> to vector<16xf32>
      %and3A_845 = arith.constant -65536 : i32
      %and3A_846 = vector.broadcast %and3A_845 : i32 to vector<16xi32>
      %and3A_847 = arith.andi %get3A_836, %and3A_846 : vector<16xi32>
      %bitcast3A_848 = vector.bitcast %and3A_847 : vector<16xi32> to vector<16xf32>
      %and3A_849 = arith.constant -65536 : i32
      %and3A_850 = vector.broadcast %and3A_849 : i32 to vector<16xi32>
      %and3A_851 = arith.andi %get3A_838, %and3A_850 : vector<16xi32>
      %bitcast3A_852 = vector.bitcast %and3A_851 : vector<16xi32> to vector<16xf32>
      %and3A_853 = arith.constant -65536 : i32
      %and3A_854 = vector.broadcast %and3A_853 : i32 to vector<16xi32>
      %and3A_855 = arith.andi %get3A_840, %and3A_854 : vector<16xi32>
      %bitcast3A_856 = vector.bitcast %and3A_855 : vector<16xi32> to vector<16xf32>
      %shift_left3A_857 = arith.constant 16 : i32
      %shift_left3A_858 = vector.broadcast %shift_left3A_857 : i32 to vector<16xi32>
      %shift_left3A_859 = arith.shli %get3A_834, %shift_left3A_858 : vector<16xi32>
      %bitcast3A_860 = vector.bitcast %shift_left3A_859 : vector<16xi32> to vector<16xf32>
      %shift_left3A_861 = arith.constant 16 : i32
      %shift_left3A_862 = vector.broadcast %shift_left3A_861 : i32 to vector<16xi32>
      %shift_left3A_863 = arith.shli %get3A_836, %shift_left3A_862 : vector<16xi32>
      %bitcast3A_864 = vector.bitcast %shift_left3A_863 : vector<16xi32> to vector<16xf32>
      %shift_left3A_865 = arith.constant 16 : i32
      %shift_left3A_866 = vector.broadcast %shift_left3A_865 : i32 to vector<16xi32>
      %shift_left3A_867 = arith.shli %get3A_838, %shift_left3A_866 : vector<16xi32>
      %bitcast3A_868 = vector.bitcast %shift_left3A_867 : vector<16xi32> to vector<16xf32>
      %shift_left3A_869 = arith.constant 16 : i32
      %shift_left3A_870 = vector.broadcast %shift_left3A_869 : i32 to vector<16xi32>
      %shift_left3A_871 = arith.shli %get3A_840, %shift_left3A_870 : vector<16xi32>
      %bitcast3A_872 = vector.bitcast %shift_left3A_871 : vector<16xi32> to vector<16xf32>
      %add3A_873 = arith.addf %bitcast3A_844, %bitcast3A_848 : vector<16xf32>
      %add3A_874 = arith.addf %bitcast3A_852, %bitcast3A_856 : vector<16xf32>
      %add3A_875 = arith.addf %add3A_873, %add3A_874 : vector<16xf32>
      %add3A_876 = arith.addf %bitcast3A_860, %bitcast3A_864 : vector<16xf32>
      %add3A_877 = arith.addf %bitcast3A_868, %bitcast3A_872 : vector<16xf32>
      %add3A_878 = arith.addf %add3A_876, %add3A_877 : vector<16xf32>
      %swap3A_879 = arith.constant 112 : index
      %swap3A_880 = tpu.vector_load %arg10[%swap3A_879] {strides = array<i32>} : memref<512xf32, #tpu.memory_space<vmem>>, vector<16xf32>,
      tpu.vector_store %arg10[%swap3A_879], %add3A_875 {add = true, strides = array<i32>} : memref<512xf32, #tpu.memory_space<vmem>>, vector<16xf32>,
      %swap3A_881 = arith.constant 112 : index
      %swap3A_882 = tpu.vector_load %arg11[%swap3A_881] {strides = array<i32>} : memref<512xf32, #tpu.memory_space<vmem>>, vector<16xf32>,
      tpu.vector_store %arg11[%swap3A_881], %add3A_878 {add = true, strides = array<i32>} : memref<512xf32, #tpu.memory_space<vmem>>, vector<16xf32>,
      %get3A_883 = arith.constant 128 : index
      %get3A_884 = tpu.vector_load %arg8[%get3A_883] {strides = array<i32>} : memref<2048xi32, #tpu.memory_space<vmem>>, vector<16xi32>,
      %get3A_885 = arith.constant 640 : index
      %get3A_886 = tpu.vector_load %arg8[%get3A_885] {strides = array<i32>} : memref<2048xi32, #tpu.memory_space<vmem>>, vector<16xi32>,
      %get3A_887 = arith.constant 1152 : index
      %get3A_888 = tpu.vector_load %arg8[%get3A_887] {strides = array<i32>} : memref<2048xi32, #tpu.memory_space<vmem>>, vector<16xi32>,
      %get3A_889 = arith.constant 1664 : index
      %get3A_890 = tpu.vector_load %arg8[%get3A_889] {strides = array<i32>} : memref<2048xi32, #tpu.memory_space<vmem>>, vector<16xi32>,
      %and3A_891 = arith.constant -65536 : i32
      %and3A_892 = vector.broadcast %and3A_891 : i32 to vector<16xi32>
      %and3A_893 = arith.andi %get3A_884, %and3A_892 : vector<16xi32>
      %bitcast3A_894 = vector.bitcast %and3A_893 : vector<16xi32> to vector<16xf32>
      %and3A_895 = arith.constant -65536 : i32
      %and3A_896 = vector.broadcast %and3A_895 : i32 to vector<16xi32>
      %and3A_897 = arith.andi %get3A_886, %and3A_896 : vector<16xi32>
      %bitcast3A_898 = vector.bitcast %and3A_897 : vector<16xi32> to vector<16xf32>
      %and3A_899 = arith.constant -65536 : i32
      %and3A_900 = vector.broadcast %and3A_899 : i32 to vector<16xi32>
      %and3A_901 = arith.andi %get3A_888, %and3A_900 : vector<16xi32>
      %bitcast3A_902 = vector.bitcast %and3A_901 : vector<16xi32> to vector<16xf32>
      %and3A_903 = arith.constant -65536 : i32
      %and3A_904 = vector.broadcast %and3A_903 : i32 to vector<16xi32>
      %and3A_905 = arith.andi %get3A_890, %and3A_904 : vector<16xi32>
      %bitcast3A_906 = vector.bitcast %and3A_905 : vector<16xi32> to vector<16xf32>
      %shift_left3A_907 = arith.constant 16 : i32
      %shift_left3A_908 = vector.broadcast %shift_left3A_907 : i32 to vector<16xi32>
      %shift_left3A_909 = arith.shli %get3A_884, %shift_left3A_908 : vector<16xi32>
      %bitcast3A_910 = vector.bitcast %shift_left3A_909 : vector<16xi32> to vector<16xf32>
      %shift_left3A_911 = arith.constant 16 : i32
      %shift_left3A_912 = vector.broadcast %shift_left3A_911 : i32 to vector<16xi32>
      %shift_left3A_913 = arith.shli %get3A_886, %shift_left3A_912 : vector<16xi32>
      %bitcast3A_914 = vector.bitcast %shift_left3A_913 : vector<16xi32> to vector<16xf32>
      %shift_left3A_915 = arith.constant 16 : i32
      %shift_left3A_916 = vector.broadcast %shift_left3A_915 : i32 to vector<16xi32>
      %shift_left3A_917 = arith.shli %get3A_888, %shift_left3A_916 : vector<16xi32>
      %bitcast3A_918 = vector.bitcast %shift_left3A_917 : vector<16xi32> to vector<16xf32>
      %shift_left3A_919 = arith.constant 16 : i32
      %shift_left3A_920 = vector.broadcast %shift_left3A_919 : i32 to vector<16xi32>
      %shift_left3A_921 = arith.shli %get3A_890, %shift_left3A_920 : vector<16xi32>
      %bitcast3A_922 = vector.bitcast %shift_left3A_921 : vector<16xi32> to vector<16xf32>
      %add3A_923 = arith.addf %bitcast3A_894, %bitcast3A_898 : vector<16xf32>
      %add3A_924 = arith.addf %bitcast3A_902, %bitcast3A_906 : vector<16xf32>
      %add3A_925 = arith.addf %add3A_923, %add3A_924 : vector<16xf32>
      %add3A_926 = arith.addf %bitcast3A_910, %bitcast3A_914 : vector<16xf32>
      %add3A_927 = arith.addf %bitcast3A_918, %bitcast3A_922 : vector<16xf32>
      %add3A_928 = arith.addf %add3A_926, %add3A_927 : vector<16xf32>
      %swap3A_929 = arith.constant 128 : index
      %swap3A_930 = tpu.vector_load %arg10[%swap3A_929] {strides = array<i32>} : memref<512xf32, #tpu.memory_space<vmem>>, vector<16xf32>,
      tpu.vector_store %arg10[%swap3A_929], %add3A_925 {add = true, strides = array<i32>} : memref<512xf32, #tpu.memory_space<vmem>>, vector<16xf32>,
      %swap3A_931 = arith.constant 128 : index
      %swap3A_932 = tpu.vector_load %arg11[%swap3A_931] {strides = array<i32>} : memref<512xf32, #tpu.memory_space<vmem>>, vector<16xf32>,
      tpu.vector_store %arg11[%swap3A_931], %add3A_928 {add = true, strides = array<i32>} : memref<512xf32, #tpu.memory_space<vmem>>, vector<16xf32>,
      %get3A_933 = arith.constant 144 : index
      %get3A_934 = tpu.vector_load %arg8[%get3A_933] {strides = array<i32>} : memref<2048xi32, #tpu.memory_space<vmem>>, vector<16xi32>,
      %get3A_935 = arith.constant 656 : index
      %get3A_936 = tpu.vector_load %arg8[%get3A_935] {strides = array<i32>} : memref<2048xi32, #tpu.memory_space<vmem>>, vector<16xi32>,
      %get3A_937 = arith.constant 1168 : index
      %get3A_938 = tpu.vector_load %arg8[%get3A_937] {strides = array<i32>} : memref<2048xi32, #tpu.memory_space<vmem>>, vector<16xi32>,
      %get3A_939 = arith.constant 1680 : index
      %get3A_940 = tpu.vector_load %arg8[%get3A_939] {strides = array<i32>} : memref<2048xi32, #tpu.memory_space<vmem>>, vector<16xi32>,
      %and3A_941 = arith.constant -65536 : i32
      %and3A_942 = vector.broadcast %and3A_941 : i32 to vector<16xi32>
      %and3A_943 = arith.andi %get3A_934, %and3A_942 : vector<16xi32>
      %bitcast3A_944 = vector.bitcast %and3A_943 : vector<16xi32> to vector<16xf32>
      %and3A_945 = arith.constant -65536 : i32
      %and3A_946 = vector.broadcast %and3A_945 : i32 to vector<16xi32>
      %and3A_947 = arith.andi %get3A_936, %and3A_946 : vector<16xi32>
      %bitcast3A_948 = vector.bitcast %and3A_947 : vector<16xi32> to vector<16xf32>
      %and3A_949 = arith.constant -65536 : i32
      %and3A_950 = vector.broadcast %and3A_949 : i32 to vector<16xi32>
      %and3A_951 = arith.andi %get3A_938, %and3A_950 : vector<16xi32>
      %bitcast3A_952 = vector.bitcast %and3A_951 : vector<16xi32> to vector<16xf32>
      %and3A_953 = arith.constant -65536 : i32
      %and3A_954 = vector.broadcast %and3A_953 : i32 to vector<16xi32>
      %and3A_955 = arith.andi %get3A_940, %and3A_954 : vector<16xi32>
      %bitcast3A_956 = vector.bitcast %and3A_955 : vector<16xi32> to vector<16xf32>
      %shift_left3A_957 = arith.constant 16 : i32
      %shift_left3A_958 = vector.broadcast %shift_left3A_957 : i32 to vector<16xi32>
      %shift_left3A_959 = arith.shli %get3A_934, %shift_left3A_958 : vector<16xi32>
      %bitcast3A_960 = vector.bitcast %shift_left3A_959 : vector<16xi32> to vector<16xf32>
      %shift_left3A_961 = arith.constant 16 : i32
      %shift_left3A_962 = vector.broadcast %shift_left3A_961 : i32 to vector<16xi32>
      %shift_left3A_963 = arith.shli %get3A_936, %shift_left3A_962 : vector<16xi32>
      %bitcast3A_964 = vector.bitcast %shift_left3A_963 : vector<16xi32> to vector<16xf32>
      %shift_left3A_965 = arith.constant 16 : i32
      %shift_left3A_966 = vector.broadcast %shift_left3A_965 : i32 to vector<16xi32>
      %shift_left3A_967 = arith.shli %get3A_938, %shift_left3A_966 : vector<16xi32>
      %bitcast3A_968 = vector.bitcast %shift_left3A_967 : vector<16xi32> to vector<16xf32>
      %shift_left3A_969 = arith.constant 16 : i32
      %shift_left3A_970 = vector.broadcast %shift_left3A_969 : i32 to vector<16xi32>
      %shift_left3A_971 = arith.shli %get3A_940, %shift_left3A_970 : vector<16xi32>
      %bitcast3A_972 = vector.bitcast %shift_left3A_971 : vector<16xi32> to vector<16xf32>
      %add3A_973 = arith.addf %bitcast3A_944, %bitcast3A_948 : vector<16xf32>
      %add3A_974 = arith.addf %bitcast3A_952, %bitcast3A_956 : vector<16xf32>
      %add3A_975 = arith.addf %add3A_973, %add3A_974 : vector<16xf32>
      %add3A_976 = arith.addf %bitcast3A_960, %bitcast3A_964 : vector<16xf32>
      %add3A_977 = arith.addf %bitcast3A_968, %bitcast3A_972 : vector<16xf32>
      %add3A_978 = arith.addf %add3A_976, %add3A_977 : vector<16xf32>
      %swap3A_979 = arith.constant 144 : index
      %swap3A_980 = tpu.vector_load %arg10[%swap3A_979] {strides = array<i32>} : memref<512xf32, #tpu.memory_space<vmem>>, vector<16xf32>,
      tpu.vector_store %arg10[%swap3A_979], %add3A_975 {add = true, strides = array<i32>} : memref<512xf32, #tpu.memory_space<vmem>>, vector<16xf32>,
      %swap3A_981 = arith.constant 144 : index
      %swap3A_982 = tpu.vector_load %arg11[%swap3A_981] {strides = array<i32>} : memref<512xf32, #tpu.memory_space<vmem>>, vector<16xf32>,
      tpu.vector_store %arg11[%swap3A_981], %add3A_978 {add = true, strides = array<i32>} : memref<512xf32, #tpu.memory_space<vmem>>, vector<16xf32>,
      %get3A_983 = arith.constant 160 : index
      %get3A_984 = tpu.vector_load %arg8[%get3A_983] {strides = array<i32>} : memref<2048xi32, #tpu.memory_space<vmem>>, vector<16xi32>,
      %get3A_985 = arith.constant 672 : index
      %get3A_986 = tpu.vector_load %arg8[%get3A_985] {strides = array<i32>} : memref<2048xi32, #tpu.memory_space<vmem>>, vector<16xi32>,
      %get3A_987 = arith.constant 1184 : index
      %get3A_988 = tpu.vector_load %arg8[%get3A_987] {strides = array<i32>} : memref<2048xi32, #tpu.memory_space<vmem>>, vector<16xi32>,
      %get3A_989 = arith.constant 1696 : index
      %get3A_990 = tpu.vector_load %arg8[%get3A_989] {strides = array<i32>} : memref<2048xi32, #tpu.memory_space<vmem>>, vector<16xi32>,
      %and3A_991 = arith.constant -65536 : i32
      %and3A_992 = vector.broadcast %and3A_991 : i32 to vector<16xi32>
      %and3A_993 = arith.andi %get3A_984, %and3A_992 : vector<16xi32>
      %bitcast3A_994 = vector.bitcast %and3A_993 : vector<16xi32> to vector<16xf32>
      %and3A_995 = arith.constant -65536 : i32
      %and3A_996 = vector.broadcast %and3A_995 : i32 to vector<16xi32>
      %and3A_997 = arith.andi %get3A_986, %and3A_996 : vector<16xi32>
      %bitcast3A_998 = vector.bitcast %and3A_997 : vector<16xi32> to vector<16xf32>
      %and3A_999 = arith.constant -65536 : i32
      %and3A_1000 = vector.broadcast %and3A_999 : i32 to vector<16xi32>
      %and3A_1001 = arith.andi %get3A_988, %and3A_1000 : vector<16xi32>
      %bitcast3A_1002 = vector.bitcast %and3A_1001 : vector<16xi32> to vector<16xf32>
      %and3A_1003 = arith.constant -65536 : i32
      %and3A_1004 = vector.broadcast %and3A_1003 : i32 to vector<16xi32>
      %and3A_1005 = arith.andi %get3A_990, %and3A_1004 : vector<16xi32>
      %bitcast3A_1006 = vector.bitcast %and3A_1005 : vector<16xi32> to vector<16xf32>
      %shift_left3A_1007 = arith.constant 16 : i32
      %shift_left3A_1008 = vector.broadcast %shift_left3A_1007 : i32 to vector<16xi32>
      %shift_left3A_1009 = arith.shli %get3A_984, %shift_left3A_1008 : vector<16xi32>
      %bitcast3A_1010 = vector.bitcast %shift_left3A_1009 : vector<16xi32> to vector<16xf32>
      %shift_left3A_1011 = arith.constant 16 : i32
      %shift_left3A_1012 = vector.broadcast %shift_left3A_1011 : i32 to vector<16xi32>
      %shift_left3A_1013 = arith.shli %get3A_986, %shift_left3A_1012 : vector<16xi32>
      %bitcast3A_1014 = vector.bitcast %shift_left3A_1013 : vector<16xi32> to vector<16xf32>
      %shift_left3A_1015 = arith.constant 16 : i32
      %shift_left3A_1016 = vector.broadcast %shift_left3A_1015 : i32 to vector<16xi32>
      %shift_left3A_1017 = arith.shli %get3A_988, %shift_left3A_1016 : vector<16xi32>
      %bitcast3A_1018 = vector.bitcast %shift_left3A_1017 : vector<16xi32> to vector<16xf32>
      %shift_left3A_1019 = arith.constant 16 : i32
      %shift_left3A_1020 = vector.broadcast %shift_left3A_1019 : i32 to vector<16xi32>
      %shift_left3A_1021 = arith.shli %get3A_990, %shift_left3A_1020 : vector<16xi32>
      %bitcast3A_1022 = vector.bitcast %shift_left3A_1021 : vector<16xi32> to vector<16xf32>
      %add3A_1023 = arith.addf %bitcast3A_994, %bitcast3A_998 : vector<16xf32>
      %add3A_1024 = arith.addf %bitcast3A_1002, %bitcast3A_1006 : vector<16xf32>
      %add3A_1025 = arith.addf %add3A_1023, %add3A_1024 : vector<16xf32>
      %add3A_1026 = arith.addf %bitcast3A_1010, %bitcast3A_1014 : vector<16xf32>
      %add3A_1027 = arith.addf %bitcast3A_1018, %bitcast3A_1022 : vector<16xf32>
      %add3A_1028 = arith.addf %add3A_1026, %add3A_1027 : vector<16xf32>
      %swap3A_1029 = arith.constant 160 : index
      %swap3A_1030 = tpu.vector_load %arg10[%swap3A_1029] {strides = array<i32>} : memref<512xf32, #tpu.memory_space<vmem>>, vector<16xf32>,
      tpu.vector_store %arg10[%swap3A_1029], %add3A_1025 {add = true, strides = array<i32>} : memref<512xf32, #tpu.memory_space<vmem>>, vector<16xf32>,
      %swap3A_1031 = arith.constant 160 : index
      %swap3A_1032 = tpu.vector_load %arg11[%swap3A_1031] {strides = array<i32>} : memref<512xf32, #tpu.memory_space<vmem>>, vector<16xf32>,
      tpu.vector_store %arg11[%swap3A_1031], %add3A_1028 {add = true, strides = array<i32>} : memref<512xf32, #tpu.memory_space<vmem>>, vector<16xf32>,
      %get3A_1033 = arith.constant 176 : index
      %get3A_1034 = tpu.vector_load %arg8[%get3A_1033] {strides = array<i32>} : memref<2048xi32, #tpu.memory_space<vmem>>, vector<16xi32>,
      %get3A_1035 = arith.constant 688 : index
      %get3A_1036 = tpu.vector_load %arg8[%get3A_1035] {strides = array<i32>} : memref<2048xi32, #tpu.memory_space<vmem>>, vector<16xi32>,
      %get3A_1037 = arith.constant 1200 : index
      %get3A_1038 = tpu.vector_load %arg8[%get3A_1037] {strides = array<i32>} : memref<2048xi32, #tpu.memory_space<vmem>>, vector<16xi32>,
      %get3A_1039 = arith.constant 1712 : index
      %get3A_1040 = tpu.vector_load %arg8[%get3A_1039] {strides = array<i32>} : memref<2048xi32, #tpu.memory_space<vmem>>, vector<16xi32>,
      %and3A_1041 = arith.constant -65536 : i32
      %and3A_1042 = vector.broadcast %and3A_1041 : i32 to vector<16xi32>
      %and3A_1043 = arith.andi %get3A_1034, %and3A_1042 : vector<16xi32>
      %bitcast3A_1044 = vector.bitcast %and3A_1043 : vector<16xi32> to vector<16xf32>
      %and3A_1045 = arith.constant -65536 : i32
      %and3A_1046 = vector.broadcast %and3A_1045 : i32 to vector<16xi32>
      %and3A_1047 = arith.andi %get3A_1036, %and3A_1046 : vector<16xi32>
      %bitcast3A_1048 = vector.bitcast %and3A_1047 : vector<16xi32> to vector<16xf32>
      %and3A_1049 = arith.constant -65536 : i32
      %and3A_1050 = vector.broadcast %and3A_1049 : i32 to vector<16xi32>
      %and3A_1051 = arith.andi %get3A_1038, %and3A_1050 : vector<16xi32>
      %bitcast3A_1052 = vector.bitcast %and3A_1051 : vector<16xi32> to vector<16xf32>
      %and3A_1053 = arith.constant -65536 : i32
      %and3A_1054 = vector.broadcast %and3A_1053 : i32 to vector<16xi32>
      %and3A_1055 = arith.andi %get3A_1040, %and3A_1054 : vector<16xi32>
      %bitcast3A_1056 = vector.bitcast %and3A_1055 : vector<16xi32> to vector<16xf32>
      %shift_left3A_1057 = arith.constant 16 : i32
      %shift_left3A_1058 = vector.broadcast %shift_left3A_1057 : i32 to vector<16xi32>
      %shift_left3A_1059 = arith.shli %get3A_1034, %shift_left3A_1058 : vector<16xi32>
      %bitcast3A_1060 = vector.bitcast %shift_left3A_1059 : vector<16xi32> to vector<16xf32>
      %shift_left3A_1061 = arith.constant 16 : i32
      %shift_left3A_1062 = vector.broadcast %shift_left3A_1061 : i32 to vector<16xi32>
      %shift_left3A_1063 = arith.shli %get3A_1036, %shift_left3A_1062 : vector<16xi32>
      %bitcast3A_1064 = vector.bitcast %shift_left3A_1063 : vector<16xi32> to vector<16xf32>
      %shift_left3A_1065 = arith.constant 16 : i32
      %shift_left3A_1066 = vector.broadcast %shift_left3A_1065 : i32 to vector<16xi32>
      %shift_left3A_1067 = arith.shli %get3A_1038, %shift_left3A_1066 : vector<16xi32>
      %bitcast3A_1068 = vector.bitcast %shift_left3A_1067 : vector<16xi32> to vector<16xf32>
      %shift_left3A_1069 = arith.constant 16 : i32
      %shift_left3A_1070 = vector.broadcast %shift_left3A_1069 : i32 to vector<16xi32>
      %shift_left3A_1071 = arith.shli %get3A_1040, %shift_left3A_1070 : vector<16xi32>
      %bitcast3A_1072 = vector.bitcast %shift_left3A_1071 : vector<16xi32> to vector<16xf32>
      %add3A_1073 = arith.addf %bitcast3A_1044, %bitcast3A_1048 : vector<16xf32>
      %add3A_1074 = arith.addf %bitcast3A_1052, %bitcast3A_1056 : vector<16xf32>
      %add3A_1075 = arith.addf %add3A_1073, %add3A_1074 : vector<16xf32>
      %add3A_1076 = arith.addf %bitcast3A_1060, %bitcast3A_1064 : vector<16xf32>
      %add3A_1077 = arith.addf %bitcast3A_1068, %bitcast3A_1072 : vector<16xf32>
      %add3A_1078 = arith.addf %add3A_1076, %add3A_1077 : vector<16xf32>
      %swap3A_1079 = arith.constant 176 : index
      %swap3A_1080 = tpu.vector_load %arg10[%swap3A_1079] {strides = array<i32>} : memref<512xf32, #tpu.memory_space<vmem>>, vector<16xf32>,
      tpu.vector_store %arg10[%swap3A_1079], %add3A_1075 {add = true, strides = array<i32>} : memref<512xf32, #tpu.memory_space<vmem>>, vector<16xf32>,
      %swap3A_1081 = arith.constant 176 : index
      %swap3A_1082 = tpu.vector_load %arg11[%swap3A_1081] {strides = array<i32>} : memref<512xf32, #tpu.memory_space<vmem>>, vector<16xf32>,
      tpu.vector_store %arg11[%swap3A_1081], %add3A_1078 {add = true, strides = array<i32>} : memref<512xf32, #tpu.memory_space<vmem>>, vector<16xf32>,
      %get3A_1083 = arith.constant 192 : index
      %get3A_1084 = tpu.vector_load %arg8[%get3A_1083] {strides = array<i32>} : memref<2048xi32, #tpu.memory_space<vmem>>, vector<16xi32>,
      %get3A_1085 = arith.constant 704 : index
      %get3A_1086 = tpu.vector_load %arg8[%get3A_1085] {strides = array<i32>} : memref<2048xi32, #tpu.memory_space<vmem>>, vector<16xi32>,
      %get3A_1087 = arith.constant 1216 : index
      %get3A_1088 = tpu.vector_load %arg8[%get3A_1087] {strides = array<i32>} : memref<2048xi32, #tpu.memory_space<vmem>>, vector<16xi32>,
      %get3A_1089 = arith.constant 1728 : index
      %get3A_1090 = tpu.vector_load %arg8[%get3A_1089] {strides = array<i32>} : memref<2048xi32, #tpu.memory_space<vmem>>, vector<16xi32>,
      %and3A_1091 = arith.constant -65536 : i32
      %and3A_1092 = vector.broadcast %and3A_1091 : i32 to vector<16xi32>
      %and3A_1093 = arith.andi %get3A_1084, %and3A_1092 : vector<16xi32>
      %bitcast3A_1094 = vector.bitcast %and3A_1093 : vector<16xi32> to vector<16xf32>
      %and3A_1095 = arith.constant -65536 : i32
      %and3A_1096 = vector.broadcast %and3A_1095 : i32 to vector<16xi32>
      %and3A_1097 = arith.andi %get3A_1086, %and3A_1096 : vector<16xi32>
      %bitcast3A_1098 = vector.bitcast %and3A_1097 : vector<16xi32> to vector<16xf32>
      %and3A_1099 = arith.constant -65536 : i32
      %and3A_1100 = vector.broadcast %and3A_1099 : i32 to vector<16xi32>
      %and3A_1101 = arith.andi %get3A_1088, %and3A_1100 : vector<16xi32>
      %bitcast3A_1102 = vector.bitcast %and3A_1101 : vector<16xi32> to vector<16xf32>
      %and3A_1103 = arith.constant -65536 : i32
      %and3A_1104 = vector.broadcast %and3A_1103 : i32 to vector<16xi32>
      %and3A_1105 = arith.andi %get3A_1090, %and3A_1104 : vector<16xi32>
      %bitcast3A_1106 = vector.bitcast %and3A_1105 : vector<16xi32> to vector<16xf32>
      %shift_left3A_1107 = arith.constant 16 : i32
      %shift_left3A_1108 = vector.broadcast %shift_left3A_1107 : i32 to vector<16xi32>
      %shift_left3A_1109 = arith.shli %get3A_1084, %shift_left3A_1108 : vector<16xi32>
      %bitcast3A_1110 = vector.bitcast %shift_left3A_1109 : vector<16xi32> to vector<16xf32>
      %shift_left3A_1111 = arith.constant 16 : i32
      %shift_left3A_1112 = vector.broadcast %shift_left3A_1111 : i32 to vector<16xi32>
      %shift_left3A_1113 = arith.shli %get3A_1086, %shift_left3A_1112 : vector<16xi32>
      %bitcast3A_1114 = vector.bitcast %shift_left3A_1113 : vector<16xi32> to vector<16xf32>
      %shift_left3A_1115 = arith.constant 16 : i32
      %shift_left3A_1116 = vector.broadcast %shift_left3A_1115 : i32 to vector<16xi32>
      %shift_left3A_1117 = arith.shli %get3A_1088, %shift_left3A_1116 : vector<16xi32>
      %bitcast3A_1118 = vector.bitcast %shift_left3A_1117 : vector<16xi32> to vector<16xf32>
      %shift_left3A_1119 = arith.constant 16 : i32
      %shift_left3A_1120 = vector.broadcast %shift_left3A_1119 : i32 to vector<16xi32>
      %shift_left3A_1121 = arith.shli %get3A_1090, %shift_left3A_1120 : vector<16xi32>
      %bitcast3A_1122 = vector.bitcast %shift_left3A_1121 : vector<16xi32> to vector<16xf32>
      %add3A_1123 = arith.addf %bitcast3A_1094, %bitcast3A_1098 : vector<16xf32>
      %add3A_1124 = arith.addf %bitcast3A_1102, %bitcast3A_1106 : vector<16xf32>
      %add3A_1125 = arith.addf %add3A_1123, %add3A_1124 : vector<16xf32>
      %add3A_1126 = arith.addf %bitcast3A_1110, %bitcast3A_1114 : vector<16xf32>
      %add3A_1127 = arith.addf %bitcast3A_1118, %bitcast3A_1122 : vector<16xf32>
      %add3A_1128 = arith.addf %add3A_1126, %add3A_1127 : vector<16xf32>
      %swap3A_1129 = arith.constant 192 : index
      %swap3A_1130 = tpu.vector_load %arg10[%swap3A_1129] {strides = array<i32>} : memref<512xf32, #tpu.memory_space<vmem>>, vector<16xf32>,
      tpu.vector_store %arg10[%swap3A_1129], %add3A_1125 {add = true, strides = array<i32>} : memref<512xf32, #tpu.memory_space<vmem>>, vector<16xf32>,
      %swap3A_1131 = arith.constant 192 : index
      %swap3A_1132 = tpu.vector_load %arg11[%swap3A_1131] {strides = array<i32>} : memref<512xf32, #tpu.memory_space<vmem>>, vector<16xf32>,
      tpu.vector_store %arg11[%swap3A_1131], %add3A_1128 {add = true, strides = array<i32>} : memref<512xf32, #tpu.memory_space<vmem>>, vector<16xf32>,
      %get3A_1133 = arith.constant 208 : index
      %get3A_1134 = tpu.vector_load %arg8[%get3A_1133] {strides = array<i32>} : memref<2048xi32, #tpu.memory_space<vmem>>, vector<16xi32>,
      %get3A_1135 = arith.constant 720 : index
      %get3A_1136 = tpu.vector_load %arg8[%get3A_1135] {strides = array<i32>} : memref<2048xi32, #tpu.memory_space<vmem>>, vector<16xi32>,
      %get3A_1137 = arith.constant 1232 : index
      %get3A_1138 = tpu.vector_load %arg8[%get3A_1137] {strides = array<i32>} : memref<2048xi32, #tpu.memory_space<vmem>>, vector<16xi32>,
      %get3A_1139 = arith.constant 1744 : index
      %get3A_1140 = tpu.vector_load %arg8[%get3A_1139] {strides = array<i32>} : memref<2048xi32, #tpu.memory_space<vmem>>, vector<16xi32>,
      %and3A_1141 = arith.constant -65536 : i32
      %and3A_1142 = vector.broadcast %and3A_1141 : i32 to vector<16xi32>
      %and3A_1143 = arith.andi %get3A_1134, %and3A_1142 : vector<16xi32>
      %bitcast3A_1144 = vector.bitcast %and3A_1143 : vector<16xi32> to vector<16xf32>
      %and3A_1145 = arith.constant -65536 : i32
      %and3A_1146 = vector.broadcast %and3A_1145 : i32 to vector<16xi32>
      %and3A_1147 = arith.andi %get3A_1136, %and3A_1146 : vector<16xi32>
      %bitcast3A_1148 = vector.bitcast %and3A_1147 : vector<16xi32> to vector<16xf32>
      %and3A_1149 = arith.constant -65536 : i32
      %and3A_1150 = vector.broadcast %and3A_1149 : i32 to vector<16xi32>
      %and3A_1151 = arith.andi %get3A_1138, %and3A_1150 : vector<16xi32>
      %bitcast3A_1152 = vector.bitcast %and3A_1151 : vector<16xi32> to vector<16xf32>
      %and3A_1153 = arith.constant -65536 : i32
      %and3A_1154 = vector.broadcast %and3A_1153 : i32 to vector<16xi32>
      %and3A_1155 = arith.andi %get3A_1140, %and3A_1154 : vector<16xi32>
      %bitcast3A_1156 = vector.bitcast %and3A_1155 : vector<16xi32> to vector<16xf32>
      %shift_left3A_1157 = arith.constant 16 : i32
      %shift_left3A_1158 = vector.broadcast %shift_left3A_1157 : i32 to vector<16xi32>
      %shift_left3A_1159 = arith.shli %get3A_1134, %shift_left3A_1158 : vector<16xi32>
      %bitcast3A_1160 = vector.bitcast %shift_left3A_1159 : vector<16xi32> to vector<16xf32>
      %shift_left3A_1161 = arith.constant 16 : i32
      %shift_left3A_1162 = vector.broadcast %shift_left3A_1161 : i32 to vector<16xi32>
      %shift_left3A_1163 = arith.shli %get3A_1136, %shift_left3A_1162 : vector<16xi32>
      %bitcast3A_1164 = vector.bitcast %shift_left3A_1163 : vector<16xi32> to vector<16xf32>
      %shift_left3A_1165 = arith.constant 16 : i32
      %shift_left3A_1166 = vector.broadcast %shift_left3A_1165 : i32 to vector<16xi32>
      %shift_left3A_1167 = arith.shli %get3A_1138, %shift_left3A_1166 : vector<16xi32>
      %bitcast3A_1168 = vector.bitcast %shift_left3A_1167 : vector<16xi32> to vector<16xf32>
      %shift_left3A_1169 = arith.constant 16 : i32
      %shift_left3A_1170 = vector.broadcast %shift_left3A_1169 : i32 to vector<16xi32>
      %shift_left3A_1171 = arith.shli %get3A_1140, %shift_left3A_1170 : vector<16xi32>
      %bitcast3A_1172 = vector.bitcast %shift_left3A_1171 : vector<16xi32> to vector<16xf32>
      %add3A_1173 = arith.addf %bitcast3A_1144, %bitcast3A_1148 : vector<16xf32>
      %add3A_1174 = arith.addf %bitcast3A_1152, %bitcast3A_1156 : vector<16xf32>
      %add3A_1175 = arith.addf %add3A_1173, %add3A_1174 : vector<16xf32>
      %add3A_1176 = arith.addf %bitcast3A_1160, %bitcast3A_1164 : vector<16xf32>
      %add3A_1177 = arith.addf %bitcast3A_1168, %bitcast3A_1172 : vector<16xf32>
      %add3A_1178 = arith.addf %add3A_1176, %add3A_1177 : vector<16xf32>
      %swap3A_1179 = arith.constant 208 : index
      %swap3A_1180 = tpu.vector_load %arg10[%swap3A_1179] {strides = array<i32>} : memref<512xf32, #tpu.memory_space<vmem>>, vector<16xf32>,
      tpu.vector_store %arg10[%swap3A_1179], %add3A_1175 {add = true, strides = array<i32>} : memref<512xf32, #tpu.memory_space<vmem>>, vector<16xf32>,
      %swap3A_1181 = arith.constant 208 : index
      %swap3A_1182 = tpu.vector_load %arg11[%swap3A_1181] {strides = array<i32>} : memref<512xf32, #tpu.memory_space<vmem>>, vector<16xf32>,
      tpu.vector_store %arg11[%swap3A_1181], %add3A_1178 {add = true, strides = array<i32>} : memref<512xf32, #tpu.memory_space<vmem>>, vector<16xf32>,
      %get3A_1183 = arith.constant 224 : index
      %get3A_1184 = tpu.vector_load %arg8[%get3A_1183] {strides = array<i32>} : memref<2048xi32, #tpu.memory_space<vmem>>, vector<16xi32>,
      %get3A_1185 = arith.constant 736 : index
      %get3A_1186 = tpu.vector_load %arg8[%get3A_1185] {strides = array<i32>} : memref<2048xi32, #tpu.memory_space<vmem>>, vector<16xi32>,
      %get3A_1187 = arith.constant 1248 : index
      %get3A_1188 = tpu.vector_load %arg8[%get3A_1187] {strides = array<i32>} : memref<2048xi32, #tpu.memory_space<vmem>>, vector<16xi32>,
      %get3A_1189 = arith.constant 1760 : index
      %get3A_1190 = tpu.vector_load %arg8[%get3A_1189] {strides = array<i32>} : memref<2048xi32, #tpu.memory_space<vmem>>, vector<16xi32>,
      %and3A_1191 = arith.constant -65536 : i32
      %and3A_1192 = vector.broadcast %and3A_1191 : i32 to vector<16xi32>
      %and3A_1193 = arith.andi %get3A_1184, %and3A_1192 : vector<16xi32>
      %bitcast3A_1194 = vector.bitcast %and3A_1193 : vector<16xi32> to vector<16xf32>
      %and3A_1195 = arith.constant -65536 : i32
      %and3A_1196 = vector.broadcast %and3A_1195 : i32 to vector<16xi32>
      %and3A_1197 = arith.andi %get3A_1186, %and3A_1196 : vector<16xi32>
      %bitcast3A_1198 = vector.bitcast %and3A_1197 : vector<16xi32> to vector<16xf32>
      %and3A_1199 = arith.constant -65536 : i32
      %and3A_1200 = vector.broadcast %and3A_1199 : i32 to vector<16xi32>
      %and3A_1201 = arith.andi %get3A_1188, %and3A_1200 : vector<16xi32>
      %bitcast3A_1202 = vector.bitcast %and3A_1201 : vector<16xi32> to vector<16xf32>
      %and3A_1203 = arith.constant -65536 : i32
      %and3A_1204 = vector.broadcast %and3A_1203 : i32 to vector<16xi32>
      %and3A_1205 = arith.andi %get3A_1190, %and3A_1204 : vector<16xi32>
      %bitcast3A_1206 = vector.bitcast %and3A_1205 : vector<16xi32> to vector<16xf32>
      %shift_left3A_1207 = arith.constant 16 : i32
      %shift_left3A_1208 = vector.broadcast %shift_left3A_1207 : i32 to vector<16xi32>
      %shift_left3A_1209 = arith.shli %get3A_1184, %shift_left3A_1208 : vector<16xi32>
      %bitcast3A_1210 = vector.bitcast %shift_left3A_1209 : vector<16xi32> to vector<16xf32>
      %shift_left3A_1211 = arith.constant 16 : i32
      %shift_left3A_1212 = vector.broadcast %shift_left3A_1211 : i32 to vector<16xi32>
      %shift_left3A_1213 = arith.shli %get3A_1186, %shift_left3A_1212 : vector<16xi32>
      %bitcast3A_1214 = vector.bitcast %shift_left3A_1213 : vector<16xi32> to vector<16xf32>
      %shift_left3A_1215 = arith.constant 16 : i32
      %shift_left3A_1216 = vector.broadcast %shift_left3A_1215 : i32 to vector<16xi32>
      %shift_left3A_1217 = arith.shli %get3A_1188, %shift_left3A_1216 : vector<16xi32>
      %bitcast3A_1218 = vector.bitcast %shift_left3A_1217 : vector<16xi32> to vector<16xf32>
      %shift_left3A_1219 = arith.constant 16 : i32
      %shift_left3A_1220 = vector.broadcast %shift_left3A_1219 : i32 to vector<16xi32>
      %shift_left3A_1221 = arith.shli %get3A_1190, %shift_left3A_1220 : vector<16xi32>
      %bitcast3A_1222 = vector.bitcast %shift_left3A_1221 : vector<16xi32> to vector<16xf32>
      %add3A_1223 = arith.addf %bitcast3A_1194, %bitcast3A_1198 : vector<16xf32>
      %add3A_1224 = arith.addf %bitcast3A_1202, %bitcast3A_1206 : vector<16xf32>
      %add3A_1225 = arith.addf %add3A_1223, %add3A_1224 : vector<16xf32>
      %add3A_1226 = arith.addf %bitcast3A_1210, %bitcast3A_1214 : vector<16xf32>
      %add3A_1227 = arith.addf %bitcast3A_1218, %bitcast3A_1222 : vector<16xf32>
      %add3A_1228 = arith.addf %add3A_1226, %add3A_1227 : vector<16xf32>
      %swap3A_1229 = arith.constant 224 : index
      %swap3A_1230 = tpu.vector_load %arg10[%swap3A_1229] {strides = array<i32>} : memref<512xf32, #tpu.memory_space<vmem>>, vector<16xf32>,
      tpu.vector_store %arg10[%swap3A_1229], %add3A_1225 {add = true, strides = array<i32>} : memref<512xf32, #tpu.memory_space<vmem>>, vector<16xf32>,
      %swap3A_1231 = arith.constant 224 : index
      %swap3A_1232 = tpu.vector_load %arg11[%swap3A_1231] {strides = array<i32>} : memref<512xf32, #tpu.memory_space<vmem>>, vector<16xf32>,
      tpu.vector_store %arg11[%swap3A_1231], %add3A_1228 {add = true, strides = array<i32>} : memref<512xf32, #tpu.memory_space<vmem>>, vector<16xf32>,
      %get3A_1233 = arith.constant 240 : index
      %get3A_1234 = tpu.vector_load %arg8[%get3A_1233] {strides = array<i32>} : memref<2048xi32, #tpu.memory_space<vmem>>, vector<16xi32>,
      %get3A_1235 = arith.constant 752 : index
      %get3A_1236 = tpu.vector_load %arg8[%get3A_1235] {strides = array<i32>} : memref<2048xi32, #tpu.memory_space<vmem>>, vector<16xi32>,
      %get3A_1237 = arith.constant 1264 : index
      %get3A_1238 = tpu.vector_load %arg8[%get3A_1237] {strides = array<i32>} : memref<2048xi32, #tpu.memory_space<vmem>>, vector<16xi32>,
      %get3A_1239 = arith.constant 1776 : index
      %get3A_1240 = tpu.vector_load %arg8[%get3A_1239] {strides = array<i32>} : memref<2048xi32, #tpu.memory_space<vmem>>, vector<16xi32>,
      %and3A_1241 = arith.constant -65536 : i32
      %and3A_1242 = vector.broadcast %and3A_1241 : i32 to vector<16xi32>
      %and3A_1243 = arith.andi %get3A_1234, %and3A_1242 : vector<16xi32>
      %bitcast3A_1244 = vector.bitcast %and3A_1243 : vector<16xi32> to vector<16xf32>
      %and3A_1245 = arith.constant -65536 : i32
      %and3A_1246 = vector.broadcast %and3A_1245 : i32 to vector<16xi32>
      %and3A_1247 = arith.andi %get3A_1236, %and3A_1246 : vector<16xi32>
      %bitcast3A_1248 = vector.bitcast %and3A_1247 : vector<16xi32> to vector<16xf32>
      %and3A_1249 = arith.constant -65536 : i32
      %and3A_1250 = vector.broadcast %and3A_1249 : i32 to vector<16xi32>
      %and3A_1251 = arith.andi %get3A_1238, %and3A_1250 : vector<16xi32>
      %bitcast3A_1252 = vector.bitcast %and3A_1251 : vector<16xi32> to vector<16xf32>
      %and3A_1253 = arith.constant -65536 : i32
      %and3A_1254 = vector.broadcast %and3A_1253 : i32 to vector<16xi32>
      %and3A_1255 = arith.andi %get3A_1240, %and3A_1254 : vector<16xi32>
      %bitcast3A_1256 = vector.bitcast %and3A_1255 : vector<16xi32> to vector<16xf32>
      %shift_left3A_1257 = arith.constant 16 : i32
      %shift_left3A_1258 = vector.broadcast %shift_left3A_1257 : i32 to vector<16xi32>
      %shift_left3A_1259 = arith.shli %get3A_1234, %shift_left3A_1258 : vector<16xi32>
      %bitcast3A_1260 = vector.bitcast %shift_left3A_1259 : vector<16xi32> to vector<16xf32>
      %shift_left3A_1261 = arith.constant 16 : i32
      %shift_left3A_1262 = vector.broadcast %shift_left3A_1261 : i32 to vector<16xi32>
      %shift_left3A_1263 = arith.shli %get3A_1236, %shift_left3A_1262 : vector<16xi32>
      %bitcast3A_1264 = vector.bitcast %shift_left3A_1263 : vector<16xi32> to vector<16xf32>
      %shift_left3A_1265 = arith.constant 16 : i32
      %shift_left3A_1266 = vector.broadcast %shift_left3A_1265 : i32 to vector<16xi32>
      %shift_left3A_1267 = arith.shli %get3A_1238, %shift_left3A_1266 : vector<16xi32>
      %bitcast3A_1268 = vector.bitcast %shift_left3A_1267 : vector<16xi32> to vector<16xf32>
      %shift_left3A_1269 = arith.constant 16 : i32
      %shift_left3A_1270 = vector.broadcast %shift_left3A_1269 : i32 to vector<16xi32>
      %shift_left3A_1271 = arith.shli %get3A_1240, %shift_left3A_1270 : vector<16xi32>
      %bitcast3A_1272 = vector.bitcast %shift_left3A_1271 : vector<16xi32> to vector<16xf32>
      %add3A_1273 = arith.addf %bitcast3A_1244, %bitcast3A_1248 : vector<16xf32>
      %add3A_1274 = arith.addf %bitcast3A_1252, %bitcast3A_1256 : vector<16xf32>
      %add3A_1275 = arith.addf %add3A_1273, %add3A_1274 : vector<16xf32>
      %add3A_1276 = arith.addf %bitcast3A_1260, %bitcast3A_1264 : vector<16xf32>
      %add3A_1277 = arith.addf %bitcast3A_1268, %bitcast3A_1272 : vector<16xf32>
      %add3A_1278 = arith.addf %add3A_1276, %add3A_1277 : vector<16xf32>
      %swap3A_1279 = arith.constant 240 : index
      %swap3A_1280 = tpu.vector_load %arg10[%swap3A_1279] {strides = array<i32>} : memref<512xf32, #tpu.memory_space<vmem>>, vector<16xf32>,
      tpu.vector_store %arg10[%swap3A_1279], %add3A_1275 {add = true, strides = array<i32>} : memref<512xf32, #tpu.memory_space<vmem>>, vector<16xf32>,
      %swap3A_1281 = arith.constant 240 : index
      %swap3A_1282 = tpu.vector_load %arg11[%swap3A_1281] {strides = array<i32>} : memref<512xf32, #tpu.memory_space<vmem>>, vector<16xf32>,
      tpu.vector_store %arg11[%swap3A_1281], %add3A_1278 {add = true, strides = array<i32>} : memref<512xf32, #tpu.memory_space<vmem>>, vector<16xf32>,
      %get3A_1283 = arith.constant 256 : index
      %get3A_1284 = tpu.vector_load %arg8[%get3A_1283] {strides = array<i32>} : memref<2048xi32, #tpu.memory_space<vmem>>, vector<16xi32>,
      %get3A_1285 = arith.constant 768 : index
      %get3A_1286 = tpu.vector_load %arg8[%get3A_1285] {strides = array<i32>} : memref<2048xi32, #tpu.memory_space<vmem>>, vector<16xi32>,
      %get3A_1287 = arith.constant 1280 : index
      %get3A_1288 = tpu.vector_load %arg8[%get3A_1287] {strides = array<i32>} : memref<2048xi32, #tpu.memory_space<vmem>>, vector<16xi32>,
      %get3A_1289 = arith.constant 1792 : index
      %get3A_1290 = tpu.vector_load %arg8[%get3A_1289] {strides = array<i32>} : memref<2048xi32, #tpu.memory_space<vmem>>, vector<16xi32>,
      %and3A_1291 = arith.constant -65536 : i32
      %and3A_1292 = vector.broadcast %and3A_1291 : i32 to vector<16xi32>
      %and3A_1293 = arith.andi %get3A_1284, %and3A_1292 : vector<16xi32>
      %bitcast3A_1294 = vector.bitcast %and3A_1293 : vector<16xi32> to vector<16xf32>
      %and3A_1295 = arith.constant -65536 : i32
      %and3A_1296 = vector.broadcast %and3A_1295 : i32 to vector<16xi32>
      %and3A_1297 = arith.andi %get3A_1286, %and3A_1296 : vector<16xi32>
      %bitcast3A_1298 = vector.bitcast %and3A_1297 : vector<16xi32> to vector<16xf32>
      %and3A_1299 = arith.constant -65536 : i32
      %and3A_1300 = vector.broadcast %and3A_1299 : i32 to vector<16xi32>
      %and3A_1301 = arith.andi %get3A_1288, %and3A_1300 : vector<16xi32>
      %bitcast3A_1302 = vector.bitcast %and3A_1301 : vector<16xi32> to vector<16xf32>
      %and3A_1303 = arith.constant -65536 : i32
      %and3A_1304 = vector.broadcast %and3A_1303 : i32 to vector<16xi32>
      %and3A_1305 = arith.andi %get3A_1290, %and3A_1304 : vector<16xi32>
      %bitcast3A_1306 = vector.bitcast %and3A_1305 : vector<16xi32> to vector<16xf32>
      %shift_left3A_1307 = arith.constant 16 : i32
      %shift_left3A_1308 = vector.broadcast %shift_left3A_1307 : i32 to vector<16xi32>
      %shift_left3A_1309 = arith.shli %get3A_1284, %shift_left3A_1308 : vector<16xi32>
      %bitcast3A_1310 = vector.bitcast %shift_left3A_1309 : vector<16xi32> to vector<16xf32>
      %shift_left3A_1311 = arith.constant 16 : i32
      %shift_left3A_1312 = vector.broadcast %shift_left3A_1311 : i32 to vector<16xi32>
      %shift_left3A_1313 = arith.shli %get3A_1286, %shift_left3A_1312 : vector<16xi32>
      %bitcast3A_1314 = vector.bitcast %shift_left3A_1313 : vector<16xi32> to vector<16xf32>
      %shift_left3A_1315 = arith.constant 16 : i32
      %shift_left3A_1316 = vector.broadcast %shift_left3A_1315 : i32 to vector<16xi32>
      %shift_left3A_1317 = arith.shli %get3A_1288, %shift_left3A_1316 : vector<16xi32>
      %bitcast3A_1318 = vector.bitcast %shift_left3A_1317 : vector<16xi32> to vector<16xf32>
      %shift_left3A_1319 = arith.constant 16 : i32
      %shift_left3A_1320 = vector.broadcast %shift_left3A_1319 : i32 to vector<16xi32>
      %shift_left3A_1321 = arith.shli %get3A_1290, %shift_left3A_1320 : vector<16xi32>
      %bitcast3A_1322 = vector.bitcast %shift_left3A_1321 : vector<16xi32> to vector<16xf32>
      %add3A_1323 = arith.addf %bitcast3A_1294, %bitcast3A_1298 : vector<16xf32>
      %add3A_1324 = arith.addf %bitcast3A_1302, %bitcast3A_1306 : vector<16xf32>
      %add3A_1325 = arith.addf %add3A_1323, %add3A_1324 : vector<16xf32>
      %add3A_1326 = arith.addf %bitcast3A_1310, %bitcast3A_1314 : vector<16xf32>
      %add3A_1327 = arith.addf %bitcast3A_1318, %bitcast3A_1322 : vector<16xf32>
      %add3A_1328 = arith.addf %add3A_1326, %add3A_1327 : vector<16xf32>
      %swap3A_1329 = arith.constant 256 : index
      %swap3A_1330 = tpu.vector_load %arg10[%swap3A_1329] {strides = array<i32>} : memref<512xf32, #tpu.memory_space<vmem>>, vector<16xf32>,
      tpu.vector_store %arg10[%swap3A_1329], %add3A_1325 {add = true, strides = array<i32>} : memref<512xf32, #tpu.memory_space<vmem>>, vector<16xf32>,
      %swap3A_1331 = arith.constant 256 : index
      %swap3A_1332 = tpu.vector_load %arg11[%swap3A_1331] {strides = array<i32>} : memref<512xf32, #tpu.memory_space<vmem>>, vector<16xf32>,
      tpu.vector_store %arg11[%swap3A_1331], %add3A_1328 {add = true, strides = array<i32>} : memref<512xf32, #tpu.memory_space<vmem>>, vector<16xf32>,
      %get3A_1333 = arith.constant 272 : index
      %get3A_1334 = tpu.vector_load %arg8[%get3A_1333] {strides = array<i32>} : memref<2048xi32, #tpu.memory_space<vmem>>, vector<16xi32>,
      %get3A_1335 = arith.constant 784 : index
      %get3A_1336 = tpu.vector_load %arg8[%get3A_1335] {strides = array<i32>} : memref<2048xi32, #tpu.memory_space<vmem>>, vector<16xi32>,
      %get3A_1337 = arith.constant 1296 : index
      %get3A_1338 = tpu.vector_load %arg8[%get3A_1337] {strides = array<i32>} : memref<2048xi32, #tpu.memory_space<vmem>>, vector<16xi32>,
      %get3A_1339 = arith.constant 1808 : index
      %get3A_1340 = tpu.vector_load %arg8[%get3A_1339] {strides = array<i32>} : memref<2048xi32, #tpu.memory_space<vmem>>, vector<16xi32>,
      %and3A_1341 = arith.constant -65536 : i32
      %and3A_1342 = vector.broadcast %and3A_1341 : i32 to vector<16xi32>
      %and3A_1343 = arith.andi %get3A_1334, %and3A_1342 : vector<16xi32>
      %bitcast3A_1344 = vector.bitcast %and3A_1343 : vector<16xi32> to vector<16xf32>
      %and3A_1345 = arith.constant -65536 : i32
      %and3A_1346 = vector.broadcast %and3A_1345 : i32 to vector<16xi32>
      %and3A_1347 = arith.andi %get3A_1336, %and3A_1346 : vector<16xi32>
      %bitcast3A_1348 = vector.bitcast %and3A_1347 : vector<16xi32> to vector<16xf32>
      %and3A_1349 = arith.constant -65536 : i32
      %and3A_1350 = vector.broadcast %and3A_1349 : i32 to vector<16xi32>
      %and3A_1351 = arith.andi %get3A_1338, %and3A_1350 : vector<16xi32>
      %bitcast3A_1352 = vector.bitcast %and3A_1351 : vector<16xi32> to vector<16xf32>
      %and3A_1353 = arith.constant -65536 : i32
      %and3A_1354 = vector.broadcast %and3A_1353 : i32 to vector<16xi32>
      %and3A_1355 = arith.andi %get3A_1340, %and3A_1354 : vector<16xi32>
      %bitcast3A_1356 = vector.bitcast %and3A_1355 : vector<16xi32> to vector<16xf32>
      %shift_left3A_1357 = arith.constant 16 : i32
      %shift_left3A_1358 = vector.broadcast %shift_left3A_1357 : i32 to vector<16xi32>
      %shift_left3A_1359 = arith.shli %get3A_1334, %shift_left3A_1358 : vector<16xi32>
      %bitcast3A_1360 = vector.bitcast %shift_left3A_1359 : vector<16xi32> to vector<16xf32>
      %shift_left3A_1361 = arith.constant 16 : i32
      %shift_left3A_1362 = vector.broadcast %shift_left3A_1361 : i32 to vector<16xi32>
      %shift_left3A_1363 = arith.shli %get3A_1336, %shift_left3A_1362 : vector<16xi32>
      %bitcast3A_1364 = vector.bitcast %shift_left3A_1363 : vector<16xi32> to vector<16xf32>
      %shift_left3A_1365 = arith.constant 16 : i32
      %shift_left3A_1366 = vector.broadcast %shift_left3A_1365 : i32 to vector<16xi32>
      %shift_left3A_1367 = arith.shli %get3A_1338, %shift_left3A_1366 : vector<16xi32>
      %bitcast3A_1368 = vector.bitcast %shift_left3A_1367 : vector<16xi32> to vector<16xf32>
      %shift_left3A_1369 = arith.constant 16 : i32
      %shift_left3A_1370 = vector.broadcast %shift_left3A_1369 : i32 to vector<16xi32>
      %shift_left3A_1371 = arith.shli %get3A_1340, %shift_left3A_1370 : vector<16xi32>
      %bitcast3A_1372 = vector.bitcast %shift_left3A_1371 : vector<16xi32> to vector<16xf32>
      %add3A_1373 = arith.addf %bitcast3A_1344, %bitcast3A_1348 : vector<16xf32>
      %add3A_1374 = arith.addf %bitcast3A_1352, %bitcast3A_1356 : vector<16xf32>
      %add3A_1375 = arith.addf %add3A_1373, %add3A_1374 : vector<16xf32>
      %add3A_1376 = arith.addf %bitcast3A_1360, %bitcast3A_1364 : vector<16xf32>
      %add3A_1377 = arith.addf %bitcast3A_1368, %bitcast3A_1372 : vector<16xf32>
      %add3A_1378 = arith.addf %add3A_1376, %add3A_1377 : vector<16xf32>
      %swap3A_1379 = arith.constant 272 : index
      %swap3A_1380 = tpu.vector_load %arg10[%swap3A_1379] {strides = array<i32>} : memref<512xf32, #tpu.memory_space<vmem>>, vector<16xf32>,
      tpu.vector_store %arg10[%swap3A_1379], %add3A_1375 {add = true, strides = array<i32>} : memref<512xf32, #tpu.memory_space<vmem>>, vector<16xf32>,
      %swap3A_1381 = arith.constant 272 : index
      %swap3A_1382 = tpu.vector_load %arg11[%swap3A_1381] {strides = array<i32>} : memref<512xf32, #tpu.memory_space<vmem>>, vector<16xf32>,
      tpu.vector_store %arg11[%swap3A_1381], %add3A_1378 {add = true, strides = array<i32>} : memref<512xf32, #tpu.memory_space<vmem>>, vector<16xf32>,
      %get3A_1383 = arith.constant 288 : index
      %get3A_1384 = tpu.vector_load %arg8[%get3A_1383] {strides = array<i32>} : memref<2048xi32, #tpu.memory_space<vmem>>, vector<16xi32>,
      %get3A_1385 = arith.constant 800 : index
      %get3A_1386 = tpu.vector_load %arg8[%get3A_1385] {strides = array<i32>} : memref<2048xi32, #tpu.memory_space<vmem>>, vector<16xi32>,
      %get3A_1387 = arith.constant 1312 : index
      %get3A_1388 = tpu.vector_load %arg8[%get3A_1387] {strides = array<i32>} : memref<2048xi32, #tpu.memory_space<vmem>>, vector<16xi32>,
      %get3A_1389 = arith.constant 1824 : index
      %get3A_1390 = tpu.vector_load %arg8[%get3A_1389] {strides = array<i32>} : memref<2048xi32, #tpu.memory_space<vmem>>, vector<16xi32>,
      %and3A_1391 = arith.constant -65536 : i32
      %and3A_1392 = vector.broadcast %and3A_1391 : i32 to vector<16xi32>
      %and3A_1393 = arith.andi %get3A_1384, %and3A_1392 : vector<16xi32>
      %bitcast3A_1394 = vector.bitcast %and3A_1393 : vector<16xi32> to vector<16xf32>
      %and3A_1395 = arith.constant -65536 : i32
      %and3A_1396 = vector.broadcast %and3A_1395 : i32 to vector<16xi32>
      %and3A_1397 = arith.andi %get3A_1386, %and3A_1396 : vector<16xi32>
      %bitcast3A_1398 = vector.bitcast %and3A_1397 : vector<16xi32> to vector<16xf32>
      %and3A_1399 = arith.constant -65536 : i32
      %and3A_1400 = vector.broadcast %and3A_1399 : i32 to vector<16xi32>
      %and3A_1401 = arith.andi %get3A_1388, %and3A_1400 : vector<16xi32>
      %bitcast3A_1402 = vector.bitcast %and3A_1401 : vector<16xi32> to vector<16xf32>
      %and3A_1403 = arith.constant -65536 : i32
      %and3A_1404 = vector.broadcast %and3A_1403 : i32 to vector<16xi32>
      %and3A_1405 = arith.andi %get3A_1390, %and3A_1404 : vector<16xi32>
      %bitcast3A_1406 = vector.bitcast %and3A_1405 : vector<16xi32> to vector<16xf32>
      %shift_left3A_1407 = arith.constant 16 : i32
      %shift_left3A_1408 = vector.broadcast %shift_left3A_1407 : i32 to vector<16xi32>
      %shift_left3A_1409 = arith.shli %get3A_1384, %shift_left3A_1408 : vector<16xi32>
      %bitcast3A_1410 = vector.bitcast %shift_left3A_1409 : vector<16xi32> to vector<16xf32>
      %shift_left3A_1411 = arith.constant 16 : i32
      %shift_left3A_1412 = vector.broadcast %shift_left3A_1411 : i32 to vector<16xi32>
      %shift_left3A_1413 = arith.shli %get3A_1386, %shift_left3A_1412 : vector<16xi32>
      %bitcast3A_1414 = vector.bitcast %shift_left3A_1413 : vector<16xi32> to vector<16xf32>
      %shift_left3A_1415 = arith.constant 16 : i32
      %shift_left3A_1416 = vector.broadcast %shift_left3A_1415 : i32 to vector<16xi32>
      %shift_left3A_1417 = arith.shli %get3A_1388, %shift_left3A_1416 : vector<16xi32>
      %bitcast3A_1418 = vector.bitcast %shift_left3A_1417 : vector<16xi32> to vector<16xf32>
      %shift_left3A_1419 = arith.constant 16 : i32
      %shift_left3A_1420 = vector.broadcast %shift_left3A_1419 : i32 to vector<16xi32>
      %shift_left3A_1421 = arith.shli %get3A_1390, %shift_left3A_1420 : vector<16xi32>
      %bitcast3A_1422 = vector.bitcast %shift_left3A_1421 : vector<16xi32> to vector<16xf32>
      %add3A_1423 = arith.addf %bitcast3A_1394, %bitcast3A_1398 : vector<16xf32>
      %add3A_1424 = arith.addf %bitcast3A_1402, %bitcast3A_1406 : vector<16xf32>
      %add3A_1425 = arith.addf %add3A_1423, %add3A_1424 : vector<16xf32>
      %add3A_1426 = arith.addf %bitcast3A_1410, %bitcast3A_1414 : vector<16xf32>
      %add3A_1427 = arith.addf %bitcast3A_1418, %bitcast3A_1422 : vector<16xf32>
      %add3A_1428 = arith.addf %add3A_1426, %add3A_1427 : vector<16xf32>
      %swap3A_1429 = arith.constant 288 : index
      %swap3A_1430 = tpu.vector_load %arg10[%swap3A_1429] {strides = array<i32>} : memref<512xf32, #tpu.memory_space<vmem>>, vector<16xf32>,
      tpu.vector_store %arg10[%swap3A_1429], %add3A_1425 {add = true, strides = array<i32>} : memref<512xf32, #tpu.memory_space<vmem>>, vector<16xf32>,
      %swap3A_1431 = arith.constant 288 : index
      %swap3A_1432 = tpu.vector_load %arg11[%swap3A_1431] {strides = array<i32>} : memref<512xf32, #tpu.memory_space<vmem>>, vector<16xf32>,
      tpu.vector_store %arg11[%swap3A_1431], %add3A_1428 {add = true, strides = array<i32>} : memref<512xf32, #tpu.memory_space<vmem>>, vector<16xf32>,
      %get3A_1433 = arith.constant 304 : index
      %get3A_1434 = tpu.vector_load %arg8[%get3A_1433] {strides = array<i32>} : memref<2048xi32, #tpu.memory_space<vmem>>, vector<16xi32>,
      %get3A_1435 = arith.constant 816 : index
      %get3A_1436 = tpu.vector_load %arg8[%get3A_1435] {strides = array<i32>} : memref<2048xi32, #tpu.memory_space<vmem>>, vector<16xi32>,
      %get3A_1437 = arith.constant 1328 : index
      %get3A_1438 = tpu.vector_load %arg8[%get3A_1437] {strides = array<i32>} : memref<2048xi32, #tpu.memory_space<vmem>>, vector<16xi32>,
      %get3A_1439 = arith.constant 1840 : index
      %get3A_1440 = tpu.vector_load %arg8[%get3A_1439] {strides = array<i32>} : memref<2048xi32, #tpu.memory_space<vmem>>, vector<16xi32>,
      %and3A_1441 = arith.constant -65536 : i32
      %and3A_1442 = vector.broadcast %and3A_1441 : i32 to vector<16xi32>
      %and3A_1443 = arith.andi %get3A_1434, %and3A_1442 : vector<16xi32>
      %bitcast3A_1444 = vector.bitcast %and3A_1443 : vector<16xi32> to vector<16xf32>
      %and3A_1445 = arith.constant -65536 : i32
      %and3A_1446 = vector.broadcast %and3A_1445 : i32 to vector<16xi32>
      %and3A_1447 = arith.andi %get3A_1436, %and3A_1446 : vector<16xi32>
      %bitcast3A_1448 = vector.bitcast %and3A_1447 : vector<16xi32> to vector<16xf32>
      %and3A_1449 = arith.constant -65536 : i32
      %and3A_1450 = vector.broadcast %and3A_1449 : i32 to vector<16xi32>
      %and3A_1451 = arith.andi %get3A_1438, %and3A_1450 : vector<16xi32>
      %bitcast3A_1452 = vector.bitcast %and3A_1451 : vector<16xi32> to vector<16xf32>
      %and3A_1453 = arith.constant -65536 : i32
      %and3A_1454 = vector.broadcast %and3A_1453 : i32 to vector<16xi32>
      %and3A_1455 = arith.andi %get3A_1440, %and3A_1454 : vector<16xi32>
      %bitcast3A_1456 = vector.bitcast %and3A_1455 : vector<16xi32> to vector<16xf32>
      %shift_left3A_1457 = arith.constant 16 : i32
      %shift_left3A_1458 = vector.broadcast %shift_left3A_1457 : i32 to vector<16xi32>
      %shift_left3A_1459 = arith.shli %get3A_1434, %shift_left3A_1458 : vector<16xi32>
      %bitcast3A_1460 = vector.bitcast %shift_left3A_1459 : vector<16xi32> to vector<16xf32>
      %shift_left3A_1461 = arith.constant 16 : i32
      %shift_left3A_1462 = vector.broadcast %shift_left3A_1461 : i32 to vector<16xi32>
      %shift_left3A_1463 = arith.shli %get3A_1436, %shift_left3A_1462 : vector<16xi32>
      %bitcast3A_1464 = vector.bitcast %shift_left3A_1463 : vector<16xi32> to vector<16xf32>
      %shift_left3A_1465 = arith.constant 16 : i32
      %shift_left3A_1466 = vector.broadcast %shift_left3A_1465 : i32 to vector<16xi32>
      %shift_left3A_1467 = arith.shli %get3A_1438, %shift_left3A_1466 : vector<16xi32>
      %bitcast3A_1468 = vector.bitcast %shift_left3A_1467 : vector<16xi32> to vector<16xf32>
      %shift_left3A_1469 = arith.constant 16 : i32
      %shift_left3A_1470 = vector.broadcast %shift_left3A_1469 : i32 to vector<16xi32>
      %shift_left3A_1471 = arith.shli %get3A_1440, %shift_left3A_1470 : vector<16xi32>
      %bitcast3A_1472 = vector.bitcast %shift_left3A_1471 : vector<16xi32> to vector<16xf32>
      %add3A_1473 = arith.addf %bitcast3A_1444, %bitcast3A_1448 : vector<16xf32>
      %add3A_1474 = arith.addf %bitcast3A_1452, %bitcast3A_1456 : vector<16xf32>
      %add3A_1475 = arith.addf %add3A_1473, %add3A_1474 : vector<16xf32>
      %add3A_1476 = arith.addf %bitcast3A_1460, %bitcast3A_1464 : vector<16xf32>
      %add3A_1477 = arith.addf %bitcast3A_1468, %bitcast3A_1472 : vector<16xf32>
      %add3A_1478 = arith.addf %add3A_1476, %add3A_1477 : vector<16xf32>
      %swap3A_1479 = arith.constant 304 : index
      %swap3A_1480 = tpu.vector_load %arg10[%swap3A_1479] {strides = array<i32>} : memref<512xf32, #tpu.memory_space<vmem>>, vector<16xf32>,
      tpu.vector_store %arg10[%swap3A_1479], %add3A_1475 {add = true, strides = array<i32>} : memref<512xf32, #tpu.memory_space<vmem>>, vector<16xf32>,
      %swap3A_1481 = arith.constant 304 : index
      %swap3A_1482 = tpu.vector_load %arg11[%swap3A_1481] {strides = array<i32>} : memref<512xf32, #tpu.memory_space<vmem>>, vector<16xf32>,
      tpu.vector_store %arg11[%swap3A_1481], %add3A_1478 {add = true, strides = array<i32>} : memref<512xf32, #tpu.memory_space<vmem>>, vector<16xf32>,
      %get3A_1483 = arith.constant 320 : index
      %get3A_1484 = tpu.vector_load %arg8[%get3A_1483] {strides = array<i32>} : memref<2048xi32, #tpu.memory_space<vmem>>, vector<16xi32>,
      %get3A_1485 = arith.constant 832 : index
      %get3A_1486 = tpu.vector_load %arg8[%get3A_1485] {strides = array<i32>} : memref<2048xi32, #tpu.memory_space<vmem>>, vector<16xi32>,
      %get3A_1487 = arith.constant 1344 : index
      %get3A_1488 = tpu.vector_load %arg8[%get3A_1487] {strides = array<i32>} : memref<2048xi32, #tpu.memory_space<vmem>>, vector<16xi32>,
      %get3A_1489 = arith.constant 1856 : index
      %get3A_1490 = tpu.vector_load %arg8[%get3A_1489] {strides = array<i32>} : memref<2048xi32, #tpu.memory_space<vmem>>, vector<16xi32>,
      %and3A_1491 = arith.constant -65536 : i32
      %and3A_1492 = vector.broadcast %and3A_1491 : i32 to vector<16xi32>
      %and3A_1493 = arith.andi %get3A_1484, %and3A_1492 : vector<16xi32>
      %bitcast3A_1494 = vector.bitcast %and3A_1493 : vector<16xi32> to vector<16xf32>
      %and3A_1495 = arith.constant -65536 : i32
      %and3A_1496 = vector.broadcast %and3A_1495 : i32 to vector<16xi32>
      %and3A_1497 = arith.andi %get3A_1486, %and3A_1496 : vector<16xi32>
      %bitcast3A_1498 = vector.bitcast %and3A_1497 : vector<16xi32> to vector<16xf32>
      %and3A_1499 = arith.constant -65536 : i32
      %and3A_1500 = vector.broadcast %and3A_1499 : i32 to vector<16xi32>
      %and3A_1501 = arith.andi %get3A_1488, %and3A_1500 : vector<16xi32>
      %bitcast3A_1502 = vector.bitcast %and3A_1501 : vector<16xi32> to vector<16xf32>
      %and3A_1503 = arith.constant -65536 : i32
      %and3A_1504 = vector.broadcast %and3A_1503 : i32 to vector<16xi32>
      %and3A_1505 = arith.andi %get3A_1490, %and3A_1504 : vector<16xi32>
      %bitcast3A_1506 = vector.bitcast %and3A_1505 : vector<16xi32> to vector<16xf32>
      %shift_left3A_1507 = arith.constant 16 : i32
      %shift_left3A_1508 = vector.broadcast %shift_left3A_1507 : i32 to vector<16xi32>
      %shift_left3A_1509 = arith.shli %get3A_1484, %shift_left3A_1508 : vector<16xi32>
      %bitcast3A_1510 = vector.bitcast %shift_left3A_1509 : vector<16xi32> to vector<16xf32>
      %shift_left3A_1511 = arith.constant 16 : i32
      %shift_left3A_1512 = vector.broadcast %shift_left3A_1511 : i32 to vector<16xi32>
      %shift_left3A_1513 = arith.shli %get3A_1486, %shift_left3A_1512 : vector<16xi32>
      %bitcast3A_1514 = vector.bitcast %shift_left3A_1513 : vector<16xi32> to vector<16xf32>
      %shift_left3A_1515 = arith.constant 16 : i32
      %shift_left3A_1516 = vector.broadcast %shift_left3A_1515 : i32 to vector<16xi32>
      %shift_left3A_1517 = arith.shli %get3A_1488, %shift_left3A_1516 : vector<16xi32>
      %bitcast3A_1518 = vector.bitcast %shift_left3A_1517 : vector<16xi32> to vector<16xf32>
      %shift_left3A_1519 = arith.constant 16 : i32
      %shift_left3A_1520 = vector.broadcast %shift_left3A_1519 : i32 to vector<16xi32>
      %shift_left3A_1521 = arith.shli %get3A_1490, %shift_left3A_1520 : vector<16xi32>
      %bitcast3A_1522 = vector.bitcast %shift_left3A_1521 : vector<16xi32> to vector<16xf32>
      %add3A_1523 = arith.addf %bitcast3A_1494, %bitcast3A_1498 : vector<16xf32>
      %add3A_1524 = arith.addf %bitcast3A_1502, %bitcast3A_1506 : vector<16xf32>
      %add3A_1525 = arith.addf %add3A_1523, %add3A_1524 : vector<16xf32>
      %add3A_1526 = arith.addf %bitcast3A_1510, %bitcast3A_1514 : vector<16xf32>
      %add3A_1527 = arith.addf %bitcast3A_1518, %bitcast3A_1522 : vector<16xf32>
      %add3A_1528 = arith.addf %add3A_1526, %add3A_1527 : vector<16xf32>
      %swap3A_1529 = arith.constant 320 : index
      %swap3A_1530 = tpu.vector_load %arg10[%swap3A_1529] {strides = array<i32>} : memref<512xf32, #tpu.memory_space<vmem>>, vector<16xf32>,
      tpu.vector_store %arg10[%swap3A_1529], %add3A_1525 {add = true, strides = array<i32>} : memref<512xf32, #tpu.memory_space<vmem>>, vector<16xf32>,
      %swap3A_1531 = arith.constant 320 : index
      %swap3A_1532 = tpu.vector_load %arg11[%swap3A_1531] {strides = array<i32>} : memref<512xf32, #tpu.memory_space<vmem>>, vector<16xf32>,
      tpu.vector_store %arg11[%swap3A_1531], %add3A_1528 {add = true, strides = array<i32>} : memref<512xf32, #tpu.memory_space<vmem>>, vector<16xf32>,
      %get3A_1533 = arith.constant 336 : index
      %get3A_1534 = tpu.vector_load %arg8[%get3A_1533] {strides = array<i32>} : memref<2048xi32, #tpu.memory_space<vmem>>, vector<16xi32>,
      %get3A_1535 = arith.constant 848 : index
      %get3A_1536 = tpu.vector_load %arg8[%get3A_1535] {strides = array<i32>} : memref<2048xi32, #tpu.memory_space<vmem>>, vector<16xi32>,
      %get3A_1537 = arith.constant 1360 : index
      %get3A_1538 = tpu.vector_load %arg8[%get3A_1537] {strides = array<i32>} : memref<2048xi32, #tpu.memory_space<vmem>>, vector<16xi32>,
      %get3A_1539 = arith.constant 1872 : index
      %get3A_1540 = tpu.vector_load %arg8[%get3A_1539] {strides = array<i32>} : memref<2048xi32, #tpu.memory_space<vmem>>, vector<16xi32>,
      %and3A_1541 = arith.constant -65536 : i32
      %and3A_1542 = vector.broadcast %and3A_1541 : i32 to vector<16xi32>
      %and3A_1543 = arith.andi %get3A_1534, %and3A_1542 : vector<16xi32>
      %bitcast3A_1544 = vector.bitcast %and3A_1543 : vector<16xi32> to vector<16xf32>
      %and3A_1545 = arith.constant -65536 : i32
      %and3A_1546 = vector.broadcast %and3A_1545 : i32 to vector<16xi32>
      %and3A_1547 = arith.andi %get3A_1536, %and3A_1546 : vector<16xi32>
      %bitcast3A_1548 = vector.bitcast %and3A_1547 : vector<16xi32> to vector<16xf32>
      %and3A_1549 = arith.constant -65536 : i32
      %and3A_1550 = vector.broadcast %and3A_1549 : i32 to vector<16xi32>
      %and3A_1551 = arith.andi %get3A_1538, %and3A_1550 : vector<16xi32>
      %bitcast3A_1552 = vector.bitcast %and3A_1551 : vector<16xi32> to vector<16xf32>
      %and3A_1553 = arith.constant -65536 : i32
      %and3A_1554 = vector.broadcast %and3A_1553 : i32 to vector<16xi32>
      %and3A_1555 = arith.andi %get3A_1540, %and3A_1554 : vector<16xi32>
      %bitcast3A_1556 = vector.bitcast %and3A_1555 : vector<16xi32> to vector<16xf32>
      %shift_left3A_1557 = arith.constant 16 : i32
      %shift_left3A_1558 = vector.broadcast %shift_left3A_1557 : i32 to vector<16xi32>
      %shift_left3A_1559 = arith.shli %get3A_1534, %shift_left3A_1558 : vector<16xi32>
      %bitcast3A_1560 = vector.bitcast %shift_left3A_1559 : vector<16xi32> to vector<16xf32>
      %shift_left3A_1561 = arith.constant 16 : i32
      %shift_left3A_1562 = vector.broadcast %shift_left3A_1561 : i32 to vector<16xi32>
      %shift_left3A_1563 = arith.shli %get3A_1536, %shift_left3A_1562 : vector<16xi32>
      %bitcast3A_1564 = vector.bitcast %shift_left3A_1563 : vector<16xi32> to vector<16xf32>
      %shift_left3A_1565 = arith.constant 16 : i32
      %shift_left3A_1566 = vector.broadcast %shift_left3A_1565 : i32 to vector<16xi32>
      %shift_left3A_1567 = arith.shli %get3A_1538, %shift_left3A_1566 : vector<16xi32>
      %bitcast3A_1568 = vector.bitcast %shift_left3A_1567 : vector<16xi32> to vector<16xf32>
      %shift_left3A_1569 = arith.constant 16 : i32
      %shift_left3A_1570 = vector.broadcast %shift_left3A_1569 : i32 to vector<16xi32>
      %shift_left3A_1571 = arith.shli %get3A_1540, %shift_left3A_1570 : vector<16xi32>
      %bitcast3A_1572 = vector.bitcast %shift_left3A_1571 : vector<16xi32> to vector<16xf32>
      %add3A_1573 = arith.addf %bitcast3A_1544, %bitcast3A_1548 : vector<16xf32>
      %add3A_1574 = arith.addf %bitcast3A_1552, %bitcast3A_1556 : vector<16xf32>
      %add3A_1575 = arith.addf %add3A_1573, %add3A_1574 : vector<16xf32>
      %add3A_1576 = arith.addf %bitcast3A_1560, %bitcast3A_1564 : vector<16xf32>
      %add3A_1577 = arith.addf %bitcast3A_1568, %bitcast3A_1572 : vector<16xf32>
      %add3A_1578 = arith.addf %add3A_1576, %add3A_1577 : vector<16xf32>
      %swap3A_1579 = arith.constant 336 : index
      %swap3A_1580 = tpu.vector_load %arg10[%swap3A_1579] {strides = array<i32>} : memref<512xf32, #tpu.memory_space<vmem>>, vector<16xf32>,
      tpu.vector_store %arg10[%swap3A_1579], %add3A_1575 {add = true, strides = array<i32>} : memref<512xf32, #tpu.memory_space<vmem>>, vector<16xf32>,
      %swap3A_1581 = arith.constant 336 : index
      %swap3A_1582 = tpu.vector_load %arg11[%swap3A_1581] {strides = array<i32>} : memref<512xf32, #tpu.memory_space<vmem>>, vector<16xf32>,
      tpu.vector_store %arg11[%swap3A_1581], %add3A_1578 {add = true, strides = array<i32>} : memref<512xf32, #tpu.memory_space<vmem>>, vector<16xf32>,
      %get3A_1583 = arith.constant 352 : index
      %get3A_1584 = tpu.vector_load %arg8[%get3A_1583] {strides = array<i32>} : memref<2048xi32, #tpu.memory_space<vmem>>, vector<16xi32>,
      %get3A_1585 = arith.constant 864 : index
      %get3A_1586 = tpu.vector_load %arg8[%get3A_1585] {strides = array<i32>} : memref<2048xi32, #tpu.memory_space<vmem>>, vector<16xi32>,
      %get3A_1587 = arith.constant 1376 : index
      %get3A_1588 = tpu.vector_load %arg8[%get3A_1587] {strides = array<i32>} : memref<2048xi32, #tpu.memory_space<vmem>>, vector<16xi32>,
      %get3A_1589 = arith.constant 1888 : index
      %get3A_1590 = tpu.vector_load %arg8[%get3A_1589] {strides = array<i32>} : memref<2048xi32, #tpu.memory_space<vmem>>, vector<16xi32>,
      %and3A_1591 = arith.constant -65536 : i32
      %and3A_1592 = vector.broadcast %and3A_1591 : i32 to vector<16xi32>
      %and3A_1593 = arith.andi %get3A_1584, %and3A_1592 : vector<16xi32>
      %bitcast3A_1594 = vector.bitcast %and3A_1593 : vector<16xi32> to vector<16xf32>
      %and3A_1595 = arith.constant -65536 : i32
      %and3A_1596 = vector.broadcast %and3A_1595 : i32 to vector<16xi32>
      %and3A_1597 = arith.andi %get3A_1586, %and3A_1596 : vector<16xi32>
      %bitcast3A_1598 = vector.bitcast %and3A_1597 : vector<16xi32> to vector<16xf32>
      %and3A_1599 = arith.constant -65536 : i32
      %and3A_1600 = vector.broadcast %and3A_1599 : i32 to vector<16xi32>
      %and3A_1601 = arith.andi %get3A_1588, %and3A_1600 : vector<16xi32>
      %bitcast3A_1602 = vector.bitcast %and3A_1601 : vector<16xi32> to vector<16xf32>
      %and3A_1603 = arith.constant -65536 : i32
      %and3A_1604 = vector.broadcast %and3A_1603 : i32 to vector<16xi32>
      %and3A_1605 = arith.andi %get3A_1590, %and3A_1604 : vector<16xi32>
      %bitcast3A_1606 = vector.bitcast %and3A_1605 : vector<16xi32> to vector<16xf32>
      %shift_left3A_1607 = arith.constant 16 : i32
      %shift_left3A_1608 = vector.broadcast %shift_left3A_1607 : i32 to vector<16xi32>
      %shift_left3A_1609 = arith.shli %get3A_1584, %shift_left3A_1608 : vector<16xi32>
      %bitcast3A_1610 = vector.bitcast %shift_left3A_1609 : vector<16xi32> to vector<16xf32>
      %shift_left3A_1611 = arith.constant 16 : i32
      %shift_left3A_1612 = vector.broadcast %shift_left3A_1611 : i32 to vector<16xi32>
      %shift_left3A_1613 = arith.shli %get3A_1586, %shift_left3A_1612 : vector<16xi32>
      %bitcast3A_1614 = vector.bitcast %shift_left3A_1613 : vector<16xi32> to vector<16xf32>
      %shift_left3A_1615 = arith.constant 16 : i32
      %shift_left3A_1616 = vector.broadcast %shift_left3A_1615 : i32 to vector<16xi32>
      %shift_left3A_1617 = arith.shli %get3A_1588, %shift_left3A_1616 : vector<16xi32>
      %bitcast3A_1618 = vector.bitcast %shift_left3A_1617 : vector<16xi32> to vector<16xf32>
      %shift_left3A_1619 = arith.constant 16 : i32
      %shift_left3A_1620 = vector.broadcast %shift_left3A_1619 : i32 to vector<16xi32>
      %shift_left3A_1621 = arith.shli %get3A_1590, %shift_left3A_1620 : vector<16xi32>
      %bitcast3A_1622 = vector.bitcast %shift_left3A_1621 : vector<16xi32> to vector<16xf32>
      %add3A_1623 = arith.addf %bitcast3A_1594, %bitcast3A_1598 : vector<16xf32>
      %add3A_1624 = arith.addf %bitcast3A_1602, %bitcast3A_1606 : vector<16xf32>
      %add3A_1625 = arith.addf %add3A_1623, %add3A_1624 : vector<16xf32>
      %add3A_1626 = arith.addf %bitcast3A_1610, %bitcast3A_1614 : vector<16xf32>
      %add3A_1627 = arith.addf %bitcast3A_1618, %bitcast3A_1622 : vector<16xf32>
      %add3A_1628 = arith.addf %add3A_1626, %add3A_1627 : vector<16xf32>
      %swap3A_1629 = arith.constant 352 : index
      %swap3A_1630 = tpu.vector_load %arg10[%swap3A_1629] {strides = array<i32>} : memref<512xf32, #tpu.memory_space<vmem>>, vector<16xf32>,
      tpu.vector_store %arg10[%swap3A_1629], %add3A_1625 {add = true, strides = array<i32>} : memref<512xf32, #tpu.memory_space<vmem>>, vector<16xf32>,
      %swap3A_1631 = arith.constant 352 : index
      %swap3A_1632 = tpu.vector_load %arg11[%swap3A_1631] {strides = array<i32>} : memref<512xf32, #tpu.memory_space<vmem>>, vector<16xf32>,
      tpu.vector_store %arg11[%swap3A_1631], %add3A_1628 {add = true, strides = array<i32>} : memref<512xf32, #tpu.memory_space<vmem>>, vector<16xf32>,
      %get3A_1633 = arith.constant 368 : index
      %get3A_1634 = tpu.vector_load %arg8[%get3A_1633] {strides = array<i32>} : memref<2048xi32, #tpu.memory_space<vmem>>, vector<16xi32>,
      %get3A_1635 = arith.constant 880 : index
      %get3A_1636 = tpu.vector_load %arg8[%get3A_1635] {strides = array<i32>} : memref<2048xi32, #tpu.memory_space<vmem>>, vector<16xi32>,
      %get3A_1637 = arith.constant 1392 : index
      %get3A_1638 = tpu.vector_load %arg8[%get3A_1637] {strides = array<i32>} : memref<2048xi32, #tpu.memory_space<vmem>>, vector<16xi32>,
      %get3A_1639 = arith.constant 1904 : index
      %get3A_1640 = tpu.vector_load %arg8[%get3A_1639] {strides = array<i32>} : memref<2048xi32, #tpu.memory_space<vmem>>, vector<16xi32>,
      %and3A_1641 = arith.constant -65536 : i32
      %and3A_1642 = vector.broadcast %and3A_1641 : i32 to vector<16xi32>
      %and3A_1643 = arith.andi %get3A_1634, %and3A_1642 : vector<16xi32>
      %bitcast3A_1644 = vector.bitcast %and3A_1643 : vector<16xi32> to vector<16xf32>
      %and3A_1645 = arith.constant -65536 : i32
      %and3A_1646 = vector.broadcast %and3A_1645 : i32 to vector<16xi32>
      %and3A_1647 = arith.andi %get3A_1636, %and3A_1646 : vector<16xi32>
      %bitcast3A_1648 = vector.bitcast %and3A_1647 : vector<16xi32> to vector<16xf32>
      %and3A_1649 = arith.constant -65536 : i32
      %and3A_1650 = vector.broadcast %and3A_1649 : i32 to vector<16xi32>
      %and3A_1651 = arith.andi %get3A_1638, %and3A_1650 : vector<16xi32>
      %bitcast3A_1652 = vector.bitcast %and3A_1651 : vector<16xi32> to vector<16xf32>
      %and3A_1653 = arith.constant -65536 : i32
      %and3A_1654 = vector.broadcast %and3A_1653 : i32 to vector<16xi32>
      %and3A_1655 = arith.andi %get3A_1640, %and3A_1654 : vector<16xi32>
      %bitcast3A_1656 = vector.bitcast %and3A_1655 : vector<16xi32> to vector<16xf32>
      %shift_left3A_1657 = arith.constant 16 : i32
      %shift_left3A_1658 = vector.broadcast %shift_left3A_1657 : i32 to vector<16xi32>
      %shift_left3A_1659 = arith.shli %get3A_1634, %shift_left3A_1658 : vector<16xi32>
      %bitcast3A_1660 = vector.bitcast %shift_left3A_1659 : vector<16xi32> to vector<16xf32>
      %shift_left3A_1661 = arith.constant 16 : i32
      %shift_left3A_1662 = vector.broadcast %shift_left3A_1661 : i32 to vector<16xi32>
      %shift_left3A_1663 = arith.shli %get3A_1636, %shift_left3A_1662 : vector<16xi32>
      %bitcast3A_1664 = vector.bitcast %shift_left3A_1663 : vector<16xi32> to vector<16xf32>
      %shift_left3A_1665 = arith.constant 16 : i32
      %shift_left3A_1666 = vector.broadcast %shift_left3A_1665 : i32 to vector<16xi32>
      %shift_left3A_1667 = arith.shli %get3A_1638, %shift_left3A_1666 : vector<16xi32>
      %bitcast3A_1668 = vector.bitcast %shift_left3A_1667 : vector<16xi32> to vector<16xf32>
      %shift_left3A_1669 = arith.constant 16 : i32
      %shift_left3A_1670 = vector.broadcast %shift_left3A_1669 : i32 to vector<16xi32>
      %shift_left3A_1671 = arith.shli %get3A_1640, %shift_left3A_1670 : vector<16xi32>
      %bitcast3A_1672 = vector.bitcast %shift_left3A_1671 : vector<16xi32> to vector<16xf32>
      %add3A_1673 = arith.addf %bitcast3A_1644, %bitcast3A_1648 : vector<16xf32>
      %add3A_1674 = arith.addf %bitcast3A_1652, %bitcast3A_1656 : vector<16xf32>
      %add3A_1675 = arith.addf %add3A_1673, %add3A_1674 : vector<16xf32>
      %add3A_1676 = arith.addf %bitcast3A_1660, %bitcast3A_1664 : vector<16xf32>
      %add3A_1677 = arith.addf %bitcast3A_1668, %bitcast3A_1672 : vector<16xf32>
      %add3A_1678 = arith.addf %add3A_1676, %add3A_1677 : vector<16xf32>
      %swap3A_1679 = arith.constant 368 : index
      %swap3A_1680 = tpu.vector_load %arg10[%swap3A_1679] {strides = array<i32>} : memref<512xf32, #tpu.memory_space<vmem>>, vector<16xf32>,
      tpu.vector_store %arg10[%swap3A_1679], %add3A_1675 {add = true, strides = array<i32>} : memref<512xf32, #tpu.memory_space<vmem>>, vector<16xf32>,
      %swap3A_1681 = arith.constant 368 : index
      %swap3A_1682 = tpu.vector_load %arg11[%swap3A_1681] {strides = array<i32>} : memref<512xf32, #tpu.memory_space<vmem>>, vector<16xf32>,
      tpu.vector_store %arg11[%swap3A_1681], %add3A_1678 {add = true, strides = array<i32>} : memref<512xf32, #tpu.memory_space<vmem>>, vector<16xf32>,
      %get3A_1683 = arith.constant 384 : index
      %get3A_1684 = tpu.vector_load %arg8[%get3A_1683] {strides = array<i32>} : memref<2048xi32, #tpu.memory_space<vmem>>, vector<16xi32>,
      %get3A_1685 = arith.constant 896 : index
      %get3A_1686 = tpu.vector_load %arg8[%get3A_1685] {strides = array<i32>} : memref<2048xi32, #tpu.memory_space<vmem>>, vector<16xi32>,
      %get3A_1687 = arith.constant 1408 : index
      %get3A_1688 = tpu.vector_load %arg8[%get3A_1687] {strides = array<i32>} : memref<2048xi32, #tpu.memory_space<vmem>>, vector<16xi32>,
      %get3A_1689 = arith.constant 1920 : index
      %get3A_1690 = tpu.vector_load %arg8[%get3A_1689] {strides = array<i32>} : memref<2048xi32, #tpu.memory_space<vmem>>, vector<16xi32>,
      %and3A_1691 = arith.constant -65536 : i32
      %and3A_1692 = vector.broadcast %and3A_1691 : i32 to vector<16xi32>
      %and3A_1693 = arith.andi %get3A_1684, %and3A_1692 : vector<16xi32>
      %bitcast3A_1694 = vector.bitcast %and3A_1693 : vector<16xi32> to vector<16xf32>
      %and3A_1695 = arith.constant -65536 : i32
      %and3A_1696 = vector.broadcast %and3A_1695 : i32 to vector<16xi32>
      %and3A_1697 = arith.andi %get3A_1686, %and3A_1696 : vector<16xi32>
      %bitcast3A_1698 = vector.bitcast %and3A_1697 : vector<16xi32> to vector<16xf32>
      %and3A_1699 = arith.constant -65536 : i32
      %and3A_1700 = vector.broadcast %and3A_1699 : i32 to vector<16xi32>
      %and3A_1701 = arith.andi %get3A_1688, %and3A_1700 : vector<16xi32>
      %bitcast3A_1702 = vector.bitcast %and3A_1701 : vector<16xi32> to vector<16xf32>
      %and3A_1703 = arith.constant -65536 : i32
      %and3A_1704 = vector.broadcast %and3A_1703 : i32 to vector<16xi32>
      %and3A_1705 = arith.andi %get3A_1690, %and3A_1704 : vector<16xi32>
      %bitcast3A_1706 = vector.bitcast %and3A_1705 : vector<16xi32> to vector<16xf32>
      %shift_left3A_1707 = arith.constant 16 : i32
      %shift_left3A_1708 = vector.broadcast %shift_left3A_1707 : i32 to vector<16xi32>
      %shift_left3A_1709 = arith.shli %get3A_1684, %shift_left3A_1708 : vector<16xi32>
      %bitcast3A_1710 = vector.bitcast %shift_left3A_1709 : vector<16xi32> to vector<16xf32>
      %shift_left3A_1711 = arith.constant 16 : i32
      %shift_left3A_1712 = vector.broadcast %shift_left3A_1711 : i32 to vector<16xi32>
      %shift_left3A_1713 = arith.shli %get3A_1686, %shift_left3A_1712 : vector<16xi32>
      %bitcast3A_1714 = vector.bitcast %shift_left3A_1713 : vector<16xi32> to vector<16xf32>
      %shift_left3A_1715 = arith.constant 16 : i32
      %shift_left3A_1716 = vector.broadcast %shift_left3A_1715 : i32 to vector<16xi32>
      %shift_left3A_1717 = arith.shli %get3A_1688, %shift_left3A_1716 : vector<16xi32>
      %bitcast3A_1718 = vector.bitcast %shift_left3A_1717 : vector<16xi32> to vector<16xf32>
      %shift_left3A_1719 = arith.constant 16 : i32
      %shift_left3A_1720 = vector.broadcast %shift_left3A_1719 : i32 to vector<16xi32>
      %shift_left3A_1721 = arith.shli %get3A_1690, %shift_left3A_1720 : vector<16xi32>
      %bitcast3A_1722 = vector.bitcast %shift_left3A_1721 : vector<16xi32> to vector<16xf32>
      %add3A_1723 = arith.addf %bitcast3A_1694, %bitcast3A_1698 : vector<16xf32>
      %add3A_1724 = arith.addf %bitcast3A_1702, %bitcast3A_1706 : vector<16xf32>
      %add3A_1725 = arith.addf %add3A_1723, %add3A_1724 : vector<16xf32>
      %add3A_1726 = arith.addf %bitcast3A_1710, %bitcast3A_1714 : vector<16xf32>
      %add3A_1727 = arith.addf %bitcast3A_1718, %bitcast3A_1722 : vector<16xf32>
      %add3A_1728 = arith.addf %add3A_1726, %add3A_1727 : vector<16xf32>
      %swap3A_1729 = arith.constant 384 : index
      %swap3A_1730 = tpu.vector_load %arg10[%swap3A_1729] {strides = array<i32>} : memref<512xf32, #tpu.memory_space<vmem>>, vector<16xf32>,
      tpu.vector_store %arg10[%swap3A_1729], %add3A_1725 {add = true, strides = array<i32>} : memref<512xf32, #tpu.memory_space<vmem>>, vector<16xf32>,
      %swap3A_1731 = arith.constant 384 : index
      %swap3A_1732 = tpu.vector_load %arg11[%swap3A_1731] {strides = array<i32>} : memref<512xf32, #tpu.memory_space<vmem>>, vector<16xf32>,
      tpu.vector_store %arg11[%swap3A_1731], %add3A_1728 {add = true, strides = array<i32>} : memref<512xf32, #tpu.memory_space<vmem>>, vector<16xf32>,
      %get3A_1733 = arith.constant 400 : index
      %get3A_1734 = tpu.vector_load %arg8[%get3A_1733] {strides = array<i32>} : memref<2048xi32, #tpu.memory_space<vmem>>, vector<16xi32>,
      %get3A_1735 = arith.constant 912 : index
      %get3A_1736 = tpu.vector_load %arg8[%get3A_1735] {strides = array<i32>} : memref<2048xi32, #tpu.memory_space<vmem>>, vector<16xi32>,
      %get3A_1737 = arith.constant 1424 : index
      %get3A_1738 = tpu.vector_load %arg8[%get3A_1737] {strides = array<i32>} : memref<2048xi32, #tpu.memory_space<vmem>>, vector<16xi32>,
      %get3A_1739 = arith.constant 1936 : index
      %get3A_1740 = tpu.vector_load %arg8[%get3A_1739] {strides = array<i32>} : memref<2048xi32, #tpu.memory_space<vmem>>, vector<16xi32>,
      %and3A_1741 = arith.constant -65536 : i32
      %and3A_1742 = vector.broadcast %and3A_1741 : i32 to vector<16xi32>
      %and3A_1743 = arith.andi %get3A_1734, %and3A_1742 : vector<16xi32>
      %bitcast3A_1744 = vector.bitcast %and3A_1743 : vector<16xi32> to vector<16xf32>
      %and3A_1745 = arith.constant -65536 : i32
      %and3A_1746 = vector.broadcast %and3A_1745 : i32 to vector<16xi32>
      %and3A_1747 = arith.andi %get3A_1736, %and3A_1746 : vector<16xi32>
      %bitcast3A_1748 = vector.bitcast %and3A_1747 : vector<16xi32> to vector<16xf32>
      %and3A_1749 = arith.constant -65536 : i32
      %and3A_1750 = vector.broadcast %and3A_1749 : i32 to vector<16xi32>
      %and3A_1751 = arith.andi %get3A_1738, %and3A_1750 : vector<16xi32>
      %bitcast3A_1752 = vector.bitcast %and3A_1751 : vector<16xi32> to vector<16xf32>
      %and3A_1753 = arith.constant -65536 : i32
      %and3A_1754 = vector.broadcast %and3A_1753 : i32 to vector<16xi32>
      %and3A_1755 = arith.andi %get3A_1740, %and3A_1754 : vector<16xi32>
      %bitcast3A_1756 = vector.bitcast %and3A_1755 : vector<16xi32> to vector<16xf32>
      %shift_left3A_1757 = arith.constant 16 : i32
      %shift_left3A_1758 = vector.broadcast %shift_left3A_1757 : i32 to vector<16xi32>
      %shift_left3A_1759 = arith.shli %get3A_1734, %shift_left3A_1758 : vector<16xi32>
      %bitcast3A_1760 = vector.bitcast %shift_left3A_1759 : vector<16xi32> to vector<16xf32>
      %shift_left3A_1761 = arith.constant 16 : i32
      %shift_left3A_1762 = vector.broadcast %shift_left3A_1761 : i32 to vector<16xi32>
      %shift_left3A_1763 = arith.shli %get3A_1736, %shift_left3A_1762 : vector<16xi32>
      %bitcast3A_1764 = vector.bitcast %shift_left3A_1763 : vector<16xi32> to vector<16xf32>
      %shift_left3A_1765 = arith.constant 16 : i32
      %shift_left3A_1766 = vector.broadcast %shift_left3A_1765 : i32 to vector<16xi32>
      %shift_left3A_1767 = arith.shli %get3A_1738, %shift_left3A_1766 : vector<16xi32>
      %bitcast3A_1768 = vector.bitcast %shift_left3A_1767 : vector<16xi32> to vector<16xf32>
      %shift_left3A_1769 = arith.constant 16 : i32
      %shift_left3A_1770 = vector.broadcast %shift_left3A_1769 : i32 to vector<16xi32>
      %shift_left3A_1771 = arith.shli %get3A_1740, %shift_left3A_1770 : vector<16xi32>
      %bitcast3A_1772 = vector.bitcast %shift_left3A_1771 : vector<16xi32> to vector<16xf32>
      %add3A_1773 = arith.addf %bitcast3A_1744, %bitcast3A_1748 : vector<16xf32>
      %add3A_1774 = arith.addf %bitcast3A_1752, %bitcast3A_1756 : vector<16xf32>
      %add3A_1775 = arith.addf %add3A_1773, %add3A_1774 : vector<16xf32>
      %add3A_1776 = arith.addf %bitcast3A_1760, %bitcast3A_1764 : vector<16xf32>
      %add3A_1777 = arith.addf %bitcast3A_1768, %bitcast3A_1772 : vector<16xf32>
      %add3A_1778 = arith.addf %add3A_1776, %add3A_1777 : vector<16xf32>
      %swap3A_1779 = arith.constant 400 : index
      %swap3A_1780 = tpu.vector_load %arg10[%swap3A_1779] {strides = array<i32>} : memref<512xf32, #tpu.memory_space<vmem>>, vector<16xf32>,
      tpu.vector_store %arg10[%swap3A_1779], %add3A_1775 {add = true, strides = array<i32>} : memref<512xf32, #tpu.memory_space<vmem>>, vector<16xf32>,
      %swap3A_1781 = arith.constant 400 : index
      %swap3A_1782 = tpu.vector_load %arg11[%swap3A_1781] {strides = array<i32>} : memref<512xf32, #tpu.memory_space<vmem>>, vector<16xf32>,
      tpu.vector_store %arg11[%swap3A_1781], %add3A_1778 {add = true, strides = array<i32>} : memref<512xf32, #tpu.memory_space<vmem>>, vector<16xf32>,
      %get3A_1783 = arith.constant 416 : index
      %get3A_1784 = tpu.vector_load %arg8[%get3A_1783] {strides = array<i32>} : memref<2048xi32, #tpu.memory_space<vmem>>, vector<16xi32>,
      %get3A_1785 = arith.constant 928 : index
      %get3A_1786 = tpu.vector_load %arg8[%get3A_1785] {strides = array<i32>} : memref<2048xi32, #tpu.memory_space<vmem>>, vector<16xi32>,
      %get3A_1787 = arith.constant 1440 : index
      %get3A_1788 = tpu.vector_load %arg8[%get3A_1787] {strides = array<i32>} : memref<2048xi32, #tpu.memory_space<vmem>>, vector<16xi32>,
      %get3A_1789 = arith.constant 1952 : index
      %get3A_1790 = tpu.vector_load %arg8[%get3A_1789] {strides = array<i32>} : memref<2048xi32, #tpu.memory_space<vmem>>, vector<16xi32>,
      %and3A_1791 = arith.constant -65536 : i32
      %and3A_1792 = vector.broadcast %and3A_1791 : i32 to vector<16xi32>
      %and3A_1793 = arith.andi %get3A_1784, %and3A_1792 : vector<16xi32>
      %bitcast3A_1794 = vector.bitcast %and3A_1793 : vector<16xi32> to vector<16xf32>
      %and3A_1795 = arith.constant -65536 : i32
      %and3A_1796 = vector.broadcast %and3A_1795 : i32 to vector<16xi32>
      %and3A_1797 = arith.andi %get3A_1786, %and3A_1796 : vector<16xi32>
      %bitcast3A_1798 = vector.bitcast %and3A_1797 : vector<16xi32> to vector<16xf32>
      %and3A_1799 = arith.constant -65536 : i32
      %and3A_1800 = vector.broadcast %and3A_1799 : i32 to vector<16xi32>
      %and3A_1801 = arith.andi %get3A_1788, %and3A_1800 : vector<16xi32>
      %bitcast3A_1802 = vector.bitcast %and3A_1801 : vector<16xi32> to vector<16xf32>
      %and3A_1803 = arith.constant -65536 : i32
      %and3A_1804 = vector.broadcast %and3A_1803 : i32 to vector<16xi32>
      %and3A_1805 = arith.andi %get3A_1790, %and3A_1804 : vector<16xi32>
      %bitcast3A_1806 = vector.bitcast %and3A_1805 : vector<16xi32> to vector<16xf32>
      %shift_left3A_1807 = arith.constant 16 : i32
      %shift_left3A_1808 = vector.broadcast %shift_left3A_1807 : i32 to vector<16xi32>
      %shift_left3A_1809 = arith.shli %get3A_1784, %shift_left3A_1808 : vector<16xi32>
      %bitcast3A_1810 = vector.bitcast %shift_left3A_1809 : vector<16xi32> to vector<16xf32>
      %shift_left3A_1811 = arith.constant 16 : i32
      %shift_left3A_1812 = vector.broadcast %shift_left3A_1811 : i32 to vector<16xi32>
      %shift_left3A_1813 = arith.shli %get3A_1786, %shift_left3A_1812 : vector<16xi32>
      %bitcast3A_1814 = vector.bitcast %shift_left3A_1813 : vector<16xi32> to vector<16xf32>
      %shift_left3A_1815 = arith.constant 16 : i32
      %shift_left3A_1816 = vector.broadcast %shift_left3A_1815 : i32 to vector<16xi32>
      %shift_left3A_1817 = arith.shli %get3A_1788, %shift_left3A_1816 : vector<16xi32>
      %bitcast3A_1818 = vector.bitcast %shift_left3A_1817 : vector<16xi32> to vector<16xf32>
      %shift_left3A_1819 = arith.constant 16 : i32
      %shift_left3A_1820 = vector.broadcast %shift_left3A_1819 : i32 to vector<16xi32>
      %shift_left3A_1821 = arith.shli %get3A_1790, %shift_left3A_1820 : vector<16xi32>
      %bitcast3A_1822 = vector.bitcast %shift_left3A_1821 : vector<16xi32> to vector<16xf32>
      %add3A_1823 = arith.addf %bitcast3A_1794, %bitcast3A_1798 : vector<16xf32>
      %add3A_1824 = arith.addf %bitcast3A_1802, %bitcast3A_1806 : vector<16xf32>
      %add3A_1825 = arith.addf %add3A_1823, %add3A_1824 : vector<16xf32>
      %add3A_1826 = arith.addf %bitcast3A_1810, %bitcast3A_1814 : vector<16xf32>
      %add3A_1827 = arith.addf %bitcast3A_1818, %bitcast3A_1822 : vector<16xf32>
      %add3A_1828 = arith.addf %add3A_1826, %add3A_1827 : vector<16xf32>
      %swap3A_1829 = arith.constant 416 : index
      %swap3A_1830 = tpu.vector_load %arg10[%swap3A_1829] {strides = array<i32>} : memref<512xf32, #tpu.memory_space<vmem>>, vector<16xf32>,
      tpu.vector_store %arg10[%swap3A_1829], %add3A_1825 {add = true, strides = array<i32>} : memref<512xf32, #tpu.memory_space<vmem>>, vector<16xf32>,
      %swap3A_1831 = arith.constant 416 : index
      %swap3A_1832 = tpu.vector_load %arg11[%swap3A_1831] {strides = array<i32>} : memref<512xf32, #tpu.memory_space<vmem>>, vector<16xf32>,
      tpu.vector_store %arg11[%swap3A_1831], %add3A_1828 {add = true, strides = array<i32>} : memref<512xf32, #tpu.memory_space<vmem>>, vector<16xf32>,
      %get3A_1833 = arith.constant 432 : index
      %get3A_1834 = tpu.vector_load %arg8[%get3A_1833] {strides = array<i32>} : memref<2048xi32, #tpu.memory_space<vmem>>, vector<16xi32>,
      %get3A_1835 = arith.constant 944 : index
      %get3A_1836 = tpu.vector_load %arg8[%get3A_1835] {strides = array<i32>} : memref<2048xi32, #tpu.memory_space<vmem>>, vector<16xi32>,
      %get3A_1837 = arith.constant 1456 : index
      %get3A_1838 = tpu.vector_load %arg8[%get3A_1837] {strides = array<i32>} : memref<2048xi32, #tpu.memory_space<vmem>>, vector<16xi32>,
      %get3A_1839 = arith.constant 1968 : index
      %get3A_1840 = tpu.vector_load %arg8[%get3A_1839] {strides = array<i32>} : memref<2048xi32, #tpu.memory_space<vmem>>, vector<16xi32>,
      %and3A_1841 = arith.constant -65536 : i32
      %and3A_1842 = vector.broadcast %and3A_1841 : i32 to vector<16xi32>
      %and3A_1843 = arith.andi %get3A_1834, %and3A_1842 : vector<16xi32>
      %bitcast3A_1844 = vector.bitcast %and3A_1843 : vector<16xi32> to vector<16xf32>
      %and3A_1845 = arith.constant -65536 : i32
      %and3A_1846 = vector.broadcast %and3A_1845 : i32 to vector<16xi32>
      %and3A_1847 = arith.andi %get3A_1836, %and3A_1846 : vector<16xi32>
      %bitcast3A_1848 = vector.bitcast %and3A_1847 : vector<16xi32> to vector<16xf32>
      %and3A_1849 = arith.constant -65536 : i32
      %and3A_1850 = vector.broadcast %and3A_1849 : i32 to vector<16xi32>
      %and3A_1851 = arith.andi %get3A_1838, %and3A_1850 : vector<16xi32>
      %bitcast3A_1852 = vector.bitcast %and3A_1851 : vector<16xi32> to vector<16xf32>
      %and3A_1853 = arith.constant -65536 : i32
      %and3A_1854 = vector.broadcast %and3A_1853 : i32 to vector<16xi32>
      %and3A_1855 = arith.andi %get3A_1840, %and3A_1854 : vector<16xi32>
      %bitcast3A_1856 = vector.bitcast %and3A_1855 : vector<16xi32> to vector<16xf32>
      %shift_left3A_1857 = arith.constant 16 : i32
      %shift_left3A_1858 = vector.broadcast %shift_left3A_1857 : i32 to vector<16xi32>
      %shift_left3A_1859 = arith.shli %get3A_1834, %shift_left3A_1858 : vector<16xi32>
      %bitcast3A_1860 = vector.bitcast %shift_left3A_1859 : vector<16xi32> to vector<16xf32>
      %shift_left3A_1861 = arith.constant 16 : i32
      %shift_left3A_1862 = vector.broadcast %shift_left3A_1861 : i32 to vector<16xi32>
      %shift_left3A_1863 = arith.shli %get3A_1836, %shift_left3A_1862 : vector<16xi32>
      %bitcast3A_1864 = vector.bitcast %shift_left3A_1863 : vector<16xi32> to vector<16xf32>
      %shift_left3A_1865 = arith.constant 16 : i32
      %shift_left3A_1866 = vector.broadcast %shift_left3A_1865 : i32 to vector<16xi32>
      %shift_left3A_1867 = arith.shli %get3A_1838, %shift_left3A_1866 : vector<16xi32>
      %bitcast3A_1868 = vector.bitcast %shift_left3A_1867 : vector<16xi32> to vector<16xf32>
      %shift_left3A_1869 = arith.constant 16 : i32
      %shift_left3A_1870 = vector.broadcast %shift_left3A_1869 : i32 to vector<16xi32>
      %shift_left3A_1871 = arith.shli %get3A_1840, %shift_left3A_1870 : vector<16xi32>
      %bitcast3A_1872 = vector.bitcast %shift_left3A_1871 : vector<16xi32> to vector<16xf32>
      %add3A_1873 = arith.addf %bitcast3A_1844, %bitcast3A_1848 : vector<16xf32>
      %add3A_1874 = arith.addf %bitcast3A_1852, %bitcast3A_1856 : vector<16xf32>
      %add3A_1875 = arith.addf %add3A_1873, %add3A_1874 : vector<16xf32>
      %add3A_1876 = arith.addf %bitcast3A_1860, %bitcast3A_1864 : vector<16xf32>
      %add3A_1877 = arith.addf %bitcast3A_1868, %bitcast3A_1872 : vector<16xf32>
      %add3A_1878 = arith.addf %add3A_1876, %add3A_1877 : vector<16xf32>
      %swap3A_1879 = arith.constant 432 : index
      %swap3A_1880 = tpu.vector_load %arg10[%swap3A_1879] {strides = array<i32>} : memref<512xf32, #tpu.memory_space<vmem>>, vector<16xf32>,
      tpu.vector_store %arg10[%swap3A_1879], %add3A_1875 {add = true, strides = array<i32>} : memref<512xf32, #tpu.memory_space<vmem>>, vector<16xf32>,
      %swap3A_1881 = arith.constant 432 : index
      %swap3A_1882 = tpu.vector_load %arg11[%swap3A_1881] {strides = array<i32>} : memref<512xf32, #tpu.memory_space<vmem>>, vector<16xf32>,
      tpu.vector_store %arg11[%swap3A_1881], %add3A_1878 {add = true, strides = array<i32>} : memref<512xf32, #tpu.memory_space<vmem>>, vector<16xf32>,
      %get3A_1883 = arith.constant 448 : index
      %get3A_1884 = tpu.vector_load %arg8[%get3A_1883] {strides = array<i32>} : memref<2048xi32, #tpu.memory_space<vmem>>, vector<16xi32>,
      %get3A_1885 = arith.constant 960 : index
      %get3A_1886 = tpu.vector_load %arg8[%get3A_1885] {strides = array<i32>} : memref<2048xi32, #tpu.memory_space<vmem>>, vector<16xi32>,
      %get3A_1887 = arith.constant 1472 : index
      %get3A_1888 = tpu.vector_load %arg8[%get3A_1887] {strides = array<i32>} : memref<2048xi32, #tpu.memory_space<vmem>>, vector<16xi32>,
      %get3A_1889 = arith.constant 1984 : index
      %get3A_1890 = tpu.vector_load %arg8[%get3A_1889] {strides = array<i32>} : memref<2048xi32, #tpu.memory_space<vmem>>, vector<16xi32>,
      %and3A_1891 = arith.constant -65536 : i32
      %and3A_1892 = vector.broadcast %and3A_1891 : i32 to vector<16xi32>
      %and3A_1893 = arith.andi %get3A_1884, %and3A_1892 : vector<16xi32>
      %bitcast3A_1894 = vector.bitcast %and3A_1893 : vector<16xi32> to vector<16xf32>
      %and3A_1895 = arith.constant -65536 : i32
      %and3A_1896 = vector.broadcast %and3A_1895 : i32 to vector<16xi32>
      %and3A_1897 = arith.andi %get3A_1886, %and3A_1896 : vector<16xi32>
      %bitcast3A_1898 = vector.bitcast %and3A_1897 : vector<16xi32> to vector<16xf32>
      %and3A_1899 = arith.constant -65536 : i32
      %and3A_1900 = vector.broadcast %and3A_1899 : i32 to vector<16xi32>
      %and3A_1901 = arith.andi %get3A_1888, %and3A_1900 : vector<16xi32>
      %bitcast3A_1902 = vector.bitcast %and3A_1901 : vector<16xi32> to vector<16xf32>
      %and3A_1903 = arith.constant -65536 : i32
      %and3A_1904 = vector.broadcast %and3A_1903 : i32 to vector<16xi32>
      %and3A_1905 = arith.andi %get3A_1890, %and3A_1904 : vector<16xi32>
      %bitcast3A_1906 = vector.bitcast %and3A_1905 : vector<16xi32> to vector<16xf32>
      %shift_left3A_1907 = arith.constant 16 : i32
      %shift_left3A_1908 = vector.broadcast %shift_left3A_1907 : i32 to vector<16xi32>
      %shift_left3A_1909 = arith.shli %get3A_1884, %shift_left3A_1908 : vector<16xi32>
      %bitcast3A_1910 = vector.bitcast %shift_left3A_1909 : vector<16xi32> to vector<16xf32>
      %shift_left3A_1911 = arith.constant 16 : i32
      %shift_left3A_1912 = vector.broadcast %shift_left3A_1911 : i32 to vector<16xi32>
      %shift_left3A_1913 = arith.shli %get3A_1886, %shift_left3A_1912 : vector<16xi32>
      %bitcast3A_1914 = vector.bitcast %shift_left3A_1913 : vector<16xi32> to vector<16xf32>
      %shift_left3A_1915 = arith.constant 16 : i32
      %shift_left3A_1916 = vector.broadcast %shift_left3A_1915 : i32 to vector<16xi32>
      %shift_left3A_1917 = arith.shli %get3A_1888, %shift_left3A_1916 : vector<16xi32>
      %bitcast3A_1918 = vector.bitcast %shift_left3A_1917 : vector<16xi32> to vector<16xf32>
      %shift_left3A_1919 = arith.constant 16 : i32
      %shift_left3A_1920 = vector.broadcast %shift_left3A_1919 : i32 to vector<16xi32>
      %shift_left3A_1921 = arith.shli %get3A_1890, %shift_left3A_1920 : vector<16xi32>
      %bitcast3A_1922 = vector.bitcast %shift_left3A_1921 : vector<16xi32> to vector<16xf32>
      %add3A_1923 = arith.addf %bitcast3A_1894, %bitcast3A_1898 : vector<16xf32>
      %add3A_1924 = arith.addf %bitcast3A_1902, %bitcast3A_1906 : vector<16xf32>
      %add3A_1925 = arith.addf %add3A_1923, %add3A_1924 : vector<16xf32>
      %add3A_1926 = arith.addf %bitcast3A_1910, %bitcast3A_1914 : vector<16xf32>
      %add3A_1927 = arith.addf %bitcast3A_1918, %bitcast3A_1922 : vector<16xf32>
      %add3A_1928 = arith.addf %add3A_1926, %add3A_1927 : vector<16xf32>
      %swap3A_1929 = arith.constant 448 : index
      %swap3A_1930 = tpu.vector_load %arg10[%swap3A_1929] {strides = array<i32>} : memref<512xf32, #tpu.memory_space<vmem>>, vector<16xf32>,
      tpu.vector_store %arg10[%swap3A_1929], %add3A_1925 {add = true, strides = array<i32>} : memref<512xf32, #tpu.memory_space<vmem>>, vector<16xf32>,
      %swap3A_1931 = arith.constant 448 : index
      %swap3A_1932 = tpu.vector_load %arg11[%swap3A_1931] {strides = array<i32>} : memref<512xf32, #tpu.memory_space<vmem>>, vector<16xf32>,
      tpu.vector_store %arg11[%swap3A_1931], %add3A_1928 {add = true, strides = array<i32>} : memref<512xf32, #tpu.memory_space<vmem>>, vector<16xf32>,
      %get3A_1933 = arith.constant 464 : index
      %get3A_1934 = tpu.vector_load %arg8[%get3A_1933] {strides = array<i32>} : memref<2048xi32, #tpu.memory_space<vmem>>, vector<16xi32>,
      %get3A_1935 = arith.constant 976 : index
      %get3A_1936 = tpu.vector_load %arg8[%get3A_1935] {strides = array<i32>} : memref<2048xi32, #tpu.memory_space<vmem>>, vector<16xi32>,
      %get3A_1937 = arith.constant 1488 : index
      %get3A_1938 = tpu.vector_load %arg8[%get3A_1937] {strides = array<i32>} : memref<2048xi32, #tpu.memory_space<vmem>>, vector<16xi32>,
      %get3A_1939 = arith.constant 2000 : index
      %get3A_1940 = tpu.vector_load %arg8[%get3A_1939] {strides = array<i32>} : memref<2048xi32, #tpu.memory_space<vmem>>, vector<16xi32>,
      %and3A_1941 = arith.constant -65536 : i32
      %and3A_1942 = vector.broadcast %and3A_1941 : i32 to vector<16xi32>
      %and3A_1943 = arith.andi %get3A_1934, %and3A_1942 : vector<16xi32>
      %bitcast3A_1944 = vector.bitcast %and3A_1943 : vector<16xi32> to vector<16xf32>
      %and3A_1945 = arith.constant -65536 : i32
      %and3A_1946 = vector.broadcast %and3A_1945 : i32 to vector<16xi32>
      %and3A_1947 = arith.andi %get3A_1936, %and3A_1946 : vector<16xi32>
      %bitcast3A_1948 = vector.bitcast %and3A_1947 : vector<16xi32> to vector<16xf32>
      %and3A_1949 = arith.constant -65536 : i32
      %and3A_1950 = vector.broadcast %and3A_1949 : i32 to vector<16xi32>
      %and3A_1951 = arith.andi %get3A_1938, %and3A_1950 : vector<16xi32>
      %bitcast3A_1952 = vector.bitcast %and3A_1951 : vector<16xi32> to vector<16xf32>
      %and3A_1953 = arith.constant -65536 : i32
      %and3A_1954 = vector.broadcast %and3A_1953 : i32 to vector<16xi32>
      %and3A_1955 = arith.andi %get3A_1940, %and3A_1954 : vector<16xi32>
      %bitcast3A_1956 = vector.bitcast %and3A_1955 : vector<16xi32> to vector<16xf32>
      %shift_left3A_1957 = arith.constant 16 : i32
      %shift_left3A_1958 = vector.broadcast %shift_left3A_1957 : i32 to vector<16xi32>
      %shift_left3A_1959 = arith.shli %get3A_1934, %shift_left3A_1958 : vector<16xi32>
      %bitcast3A_1960 = vector.bitcast %shift_left3A_1959 : vector<16xi32> to vector<16xf32>
      %shift_left3A_1961 = arith.constant 16 : i32
      %shift_left3A_1962 = vector.broadcast %shift_left3A_1961 : i32 to vector<16xi32>
      %shift_left3A_1963 = arith.shli %get3A_1936, %shift_left3A_1962 : vector<16xi32>
      %bitcast3A_1964 = vector.bitcast %shift_left3A_1963 : vector<16xi32> to vector<16xf32>
      %shift_left3A_1965 = arith.constant 16 : i32
      %shift_left3A_1966 = vector.broadcast %shift_left3A_1965 : i32 to vector<16xi32>
      %shift_left3A_1967 = arith.shli %get3A_1938, %shift_left3A_1966 : vector<16xi32>
      %bitcast3A_1968 = vector.bitcast %shift_left3A_1967 : vector<16xi32> to vector<16xf32>
      %shift_left3A_1969 = arith.constant 16 : i32
      %shift_left3A_1970 = vector.broadcast %shift_left3A_1969 : i32 to vector<16xi32>
      %shift_left3A_1971 = arith.shli %get3A_1940, %shift_left3A_1970 : vector<16xi32>
      %bitcast3A_1972 = vector.bitcast %shift_left3A_1971 : vector<16xi32> to vector<16xf32>
      %add3A_1973 = arith.addf %bitcast3A_1944, %bitcast3A_1948 : vector<16xf32>
      %add3A_1974 = arith.addf %bitcast3A_1952, %bitcast3A_1956 : vector<16xf32>
      %add3A_1975 = arith.addf %add3A_1973, %add3A_1974 : vector<16xf32>
      %add3A_1976 = arith.addf %bitcast3A_1960, %bitcast3A_1964 : vector<16xf32>
      %add3A_1977 = arith.addf %bitcast3A_1968, %bitcast3A_1972 : vector<16xf32>
      %add3A_1978 = arith.addf %add3A_1976, %add3A_1977 : vector<16xf32>
      %swap3A_1979 = arith.constant 464 : index
      %swap3A_1980 = tpu.vector_load %arg10[%swap3A_1979] {strides = array<i32>} : memref<512xf32, #tpu.memory_space<vmem>>, vector<16xf32>,
      tpu.vector_store %arg10[%swap3A_1979], %add3A_1975 {add = true, strides = array<i32>} : memref<512xf32, #tpu.memory_space<vmem>>, vector<16xf32>,
      %swap3A_1981 = arith.constant 464 : index
      %swap3A_1982 = tpu.vector_load %arg11[%swap3A_1981] {strides = array<i32>} : memref<512xf32, #tpu.memory_space<vmem>>, vector<16xf32>,
      tpu.vector_store %arg11[%swap3A_1981], %add3A_1978 {add = true, strides = array<i32>} : memref<512xf32, #tpu.memory_space<vmem>>, vector<16xf32>,
      %get3A_1983 = arith.constant 480 : index
      %get3A_1984 = tpu.vector_load %arg8[%get3A_1983] {strides = array<i32>} : memref<2048xi32, #tpu.memory_space<vmem>>, vector<16xi32>,
      %get3A_1985 = arith.constant 992 : index
      %get3A_1986 = tpu.vector_load %arg8[%get3A_1985] {strides = array<i32>} : memref<2048xi32, #tpu.memory_space<vmem>>, vector<16xi32>,
      %get3A_1987 = arith.constant 1504 : index
      %get3A_1988 = tpu.vector_load %arg8[%get3A_1987] {strides = array<i32>} : memref<2048xi32, #tpu.memory_space<vmem>>, vector<16xi32>,
      %get3A_1989 = arith.constant 2016 : index
      %get3A_1990 = tpu.vector_load %arg8[%get3A_1989] {strides = array<i32>} : memref<2048xi32, #tpu.memory_space<vmem>>, vector<16xi32>,
      %and3A_1991 = arith.constant -65536 : i32
      %and3A_1992 = vector.broadcast %and3A_1991 : i32 to vector<16xi32>
      %and3A_1993 = arith.andi %get3A_1984, %and3A_1992 : vector<16xi32>
      %bitcast3A_1994 = vector.bitcast %and3A_1993 : vector<16xi32> to vector<16xf32>
      %and3A_1995 = arith.constant -65536 : i32
      %and3A_1996 = vector.broadcast %and3A_1995 : i32 to vector<16xi32>
      %and3A_1997 = arith.andi %get3A_1986, %and3A_1996 : vector<16xi32>
      %bitcast3A_1998 = vector.bitcast %and3A_1997 : vector<16xi32> to vector<16xf32>
      %and3A_1999 = arith.constant -65536 : i32
      %and3A_2000 = vector.broadcast %and3A_1999 : i32 to vector<16xi32>
      %and3A_2001 = arith.andi %get3A_1988, %and3A_2000 : vector<16xi32>
      %bitcast3A_2002 = vector.bitcast %and3A_2001 : vector<16xi32> to vector<16xf32>
      %and3A_2003 = arith.constant -65536 : i32
      %and3A_2004 = vector.broadcast %and3A_2003 : i32 to vector<16xi32>
      %and3A_2005 = arith.andi %get3A_1990, %and3A_2004 : vector<16xi32>
      %bitcast3A_2006 = vector.bitcast %and3A_2005 : vector<16xi32> to vector<16xf32>
      %shift_left3A_2007 = arith.constant 16 : i32
      %shift_left3A_2008 = vector.broadcast %shift_left3A_2007 : i32 to vector<16xi32>
      %shift_left3A_2009 = arith.shli %get3A_1984, %shift_left3A_2008 : vector<16xi32>
      %bitcast3A_2010 = vector.bitcast %shift_left3A_2009 : vector<16xi32> to vector<16xf32>
      %shift_left3A_2011 = arith.constant 16 : i32
      %shift_left3A_2012 = vector.broadcast %shift_left3A_2011 : i32 to vector<16xi32>
      %shift_left3A_2013 = arith.shli %get3A_1986, %shift_left3A_2012 : vector<16xi32>
      %bitcast3A_2014 = vector.bitcast %shift_left3A_2013 : vector<16xi32> to vector<16xf32>
      %shift_left3A_2015 = arith.constant 16 : i32
      %shift_left3A_2016 = vector.broadcast %shift_left3A_2015 : i32 to vector<16xi32>
      %shift_left3A_2017 = arith.shli %get3A_1988, %shift_left3A_2016 : vector<16xi32>
      %bitcast3A_2018 = vector.bitcast %shift_left3A_2017 : vector<16xi32> to vector<16xf32>
      %shift_left3A_2019 = arith.constant 16 : i32
      %shift_left3A_2020 = vector.broadcast %shift_left3A_2019 : i32 to vector<16xi32>
      %shift_left3A_2021 = arith.shli %get3A_1990, %shift_left3A_2020 : vector<16xi32>
      %bitcast3A_2022 = vector.bitcast %shift_left3A_2021 : vector<16xi32> to vector<16xf32>
      %add3A_2023 = arith.addf %bitcast3A_1994, %bitcast3A_1998 : vector<16xf32>
      %add3A_2024 = arith.addf %bitcast3A_2002, %bitcast3A_2006 : vector<16xf32>
      %add3A_2025 = arith.addf %add3A_2023, %add3A_2024 : vector<16xf32>
      %add3A_2026 = arith.addf %bitcast3A_2010, %bitcast3A_2014 : vector<16xf32>
      %add3A_2027 = arith.addf %bitcast3A_2018, %bitcast3A_2022 : vector<16xf32>
      %add3A_2028 = arith.addf %add3A_2026, %add3A_2027 : vector<16xf32>
      %swap3A_2029 = arith.constant 480 : index
      %swap3A_2030 = tpu.vector_load %arg10[%swap3A_2029] {strides = array<i32>} : memref<512xf32, #tpu.memory_space<vmem>>, vector<16xf32>,
      tpu.vector_store %arg10[%swap3A_2029], %add3A_2025 {add = true, strides = array<i32>} : memref<512xf32, #tpu.memory_space<vmem>>, vector<16xf32>,
      %swap3A_2031 = arith.constant 480 : index
      %swap3A_2032 = tpu.vector_load %arg11[%swap3A_2031] {strides = array<i32>} : memref<512xf32, #tpu.memory_space<vmem>>, vector<16xf32>,
      tpu.vector_store %arg11[%swap3A_2031], %add3A_2028 {add = true, strides = array<i32>} : memref<512xf32, #tpu.memory_space<vmem>>, vector<16xf32>,
      %get3A_2033 = arith.constant 496 : index
      %get3A_2034 = tpu.vector_load %arg8[%get3A_2033] {strides = array<i32>} : memref<2048xi32, #tpu.memory_space<vmem>>, vector<16xi32>,
      %get3A_2035 = arith.constant 1008 : index
      %get3A_2036 = tpu.vector_load %arg8[%get3A_2035] {strides = array<i32>} : memref<2048xi32, #tpu.memory_space<vmem>>, vector<16xi32>,
      %get3A_2037 = arith.constant 1520 : index
      %get3A_2038 = tpu.vector_load %arg8[%get3A_2037] {strides = array<i32>} : memref<2048xi32, #tpu.memory_space<vmem>>, vector<16xi32>,
      %get3A_2039 = arith.constant 2032 : index
      %get3A_2040 = tpu.vector_load %arg8[%get3A_2039] {strides = array<i32>} : memref<2048xi32, #tpu.memory_space<vmem>>, vector<16xi32>,
      %and3A_2041 = arith.constant -65536 : i32
      %and3A_2042 = vector.broadcast %and3A_2041 : i32 to vector<16xi32>
      %and3A_2043 = arith.andi %get3A_2034, %and3A_2042 : vector<16xi32>
      %bitcast3A_2044 = vector.bitcast %and3A_2043 : vector<16xi32> to vector<16xf32>
      %and3A_2045 = arith.constant -65536 : i32
      %and3A_2046 = vector.broadcast %and3A_2045 : i32 to vector<16xi32>
      %and3A_2047 = arith.andi %get3A_2036, %and3A_2046 : vector<16xi32>
      %bitcast3A_2048 = vector.bitcast %and3A_2047 : vector<16xi32> to vector<16xf32>
      %and3A_2049 = arith.constant -65536 : i32
      %and3A_2050 = vector.broadcast %and3A_2049 : i32 to vector<16xi32>
      %and3A_2051 = arith.andi %get3A_2038, %and3A_2050 : vector<16xi32>
      %bitcast3A_2052 = vector.bitcast %and3A_2051 : vector<16xi32> to vector<16xf32>
      %and3A_2053 = arith.constant -65536 : i32
      %and3A_2054 = vector.broadcast %and3A_2053 : i32 to vector<16xi32>
      %and3A_2055 = arith.andi %get3A_2040, %and3A_2054 : vector<16xi32>
      %bitcast3A_2056 = vector.bitcast %and3A_2055 : vector<16xi32> to vector<16xf32>
      %shift_left3A_2057 = arith.constant 16 : i32
      %shift_left3A_2058 = vector.broadcast %shift_left3A_2057 : i32 to vector<16xi32>
      %shift_left3A_2059 = arith.shli %get3A_2034, %shift_left3A_2058 : vector<16xi32>
      %bitcast3A_2060 = vector.bitcast %shift_left3A_2059 : vector<16xi32> to vector<16xf32>
      %shift_left3A_2061 = arith.constant 16 : i32
      %shift_left3A_2062 = vector.broadcast %shift_left3A_2061 : i32 to vector<16xi32>
      %shift_left3A_2063 = arith.shli %get3A_2036, %shift_left3A_2062 : vector<16xi32>
      %bitcast3A_2064 = vector.bitcast %shift_left3A_2063 : vector<16xi32> to vector<16xf32>
      %shift_left3A_2065 = arith.constant 16 : i32
      %shift_left3A_2066 = vector.broadcast %shift_left3A_2065 : i32 to vector<16xi32>
      %shift_left3A_2067 = arith.shli %get3A_2038, %shift_left3A_2066 : vector<16xi32>
      %bitcast3A_2068 = vector.bitcast %shift_left3A_2067 : vector<16xi32> to vector<16xf32>
      %shift_left3A_2069 = arith.constant 16 : i32
      %shift_left3A_2070 = vector.broadcast %shift_left3A_2069 : i32 to vector<16xi32>
      %shift_left3A_2071 = arith.shli %get3A_2040, %shift_left3A_2070 : vector<16xi32>
      %bitcast3A_2072 = vector.bitcast %shift_left3A_2071 : vector<16xi32> to vector<16xf32>
      %add3A_2073 = arith.addf %bitcast3A_2044, %bitcast3A_2048 : vector<16xf32>
      %add3A_2074 = arith.addf %bitcast3A_2052, %bitcast3A_2056 : vector<16xf32>
      %add3A_2075 = arith.addf %add3A_2073, %add3A_2074 : vector<16xf32>
      %add3A_2076 = arith.addf %bitcast3A_2060, %bitcast3A_2064 : vector<16xf32>
      %add3A_2077 = arith.addf %bitcast3A_2068, %bitcast3A_2072 : vector<16xf32>
      %add3A_2078 = arith.addf %add3A_2076, %add3A_2077 : vector<16xf32>
      %swap3A_2079 = arith.constant 496 : index
      %swap3A_2080 = tpu.vector_load %arg10[%swap3A_2079] {strides = array<i32>} : memref<512xf32, #tpu.memory_space<vmem>>, vector<16xf32>,
      tpu.vector_store %arg10[%swap3A_2079], %add3A_2075 {add = true, strides = array<i32>} : memref<512xf32, #tpu.memory_space<vmem>>, vector<16xf32>,
      %swap3A_2081 = arith.constant 496 : index
      %swap3A_2082 = tpu.vector_load %arg11[%swap3A_2081] {strides = array<i32>} : memref<512xf32, #tpu.memory_space<vmem>>, vector<16xf32>,
      tpu.vector_store %arg11[%swap3A_2081], %add3A_2078 {add = true, strides = array<i32>} : memref<512xf32, #tpu.memory_space<vmem>>, vector<16xf32>,
      %add3A_2083 = arith.constant 2 : i32
      %add3A_2084 = arith.addi %add3A_481, %add3A_2083 : i32
      %lt3A = arith.constant 50 : i32
      %lt3A_2085 = arith.cmpi slt, %add3A_2084, %lt3A : i32
      %convert_element_type3A_2086 = arith.extui %lt3A_2085 : i1 to i32
      %cond3A_2087 = arith.constant 0 : i32
      %cond3A_2088 = arith.cmpi ne, %convert_element_type3A_2086, %cond3A_2087 : i32
      scf.if %cond3A_2088 {
        %dma_wait3A_3716 = arith.constant 0 : i32
        %dma_wait3A_3717 = arith.constant 0 : i32
        %dma_wait3A_3718 = arith.constant 0 : i32
        %dma_wait3A_3719 = tpu.memref_slice %arg7[%dma_wait3A_3718] : memref<16384xi32, #tpu.memory_space<vmem>> -> memref<512xi32, #tpu.memory_space<vmem>>
        %dma_wait3A_3720 = arith.constant 0 : i32
        %dma_wait3A_3721 = tpu.memref_slice %arg3[%dma_wait3A_3716, %dma_wait3A_3717, %dma_wait3A_3720] : memref<200x32x512xi32, #tpu.memory_space<hbm>> -> memref<1x1x512xi32, #tpu.memory_space<hbm>>
        %dma_wait3A_3722 = tpu.memref_squeeze %dma_wait3A_3721 : memref<1x1x512xi32, #tpu.memory_space<hbm>> -> memref<512xi32, #tpu.memory_space<hbm>>
        %dma_wait3A_3723 = arith.constant 0 : i32
        %dma_wait3A_3724 = tpu.memref_slice %arg7[%dma_wait3A_3723] : memref<16384xi32, #tpu.memory_space<vmem>> -> memref<512xi32, #tpu.memory_space<vmem>>
        %dma_wait3A_3725 = arith.constant 0 : i32
        %dma_wait3A_3726 = tpu.memref_slice %arg3[%dma_wait3A_3716, %dma_wait3A_3717, %dma_wait3A_3725] : memref<200x32x512xi32, #tpu.memory_space<hbm>> -> memref<1x1x512xi32, #tpu.memory_space<hbm>>
        %dma_wait3A_3727 = tpu.memref_squeeze %dma_wait3A_3726 : memref<1x1x512xi32, #tpu.memory_space<hbm>> -> memref<512xi32, #tpu.memory_space<hbm>>
        tpu.wait_dma2 semaphore(%arg15 : memref<!tpu.dma_semaphore, #tpu.memory_space<semaphore_mem>>) src(%dma_wait3A_3727 : memref<512xi32, #tpu.memory_space<hbm>>) dst(%dma_wait3A_3724 : memref<512xi32, #tpu.memory_space<vmem>>)
        %dma_wait3A_3728 = arith.constant 0 : i32
        %dma_wait3A_3729 = arith.constant 0 : i32
        %dma_wait3A_3730 = arith.constant 0 : i32
        %dma_wait3A_3731 = tpu.memref_slice %arg7[%dma_wait3A_3730] : memref<16384xi32, #tpu.memory_space<vmem>> -> memref<512xi32, #tpu.memory_space<vmem>>
        %dma_wait3A_3732 = arith.constant 0 : i32
        %dma_wait3A_3733 = tpu.memref_slice %arg3[%dma_wait3A_3728, %dma_wait3A_3729, %dma_wait3A_3732] : memref<200x32x512xi32, #tpu.memory_space<hbm>> -> memref<1x1x512xi32, #tpu.memory_space<hbm>>
        %dma_wait3A_3734 = tpu.memref_squeeze %dma_wait3A_3733 : memref<1x1x512xi32, #tpu.memory_space<hbm>> -> memref<512xi32, #tpu.memory_space<hbm>>
        %dma_wait3A_3735 = arith.constant 0 : i32
        %dma_wait3A_3736 = tpu.memref_slice %arg7[%dma_wait3A_3735] : memref<16384xi32, #tpu.memory_space<vmem>> -> memref<512xi32, #tpu.memory_space<vmem>>
        %dma_wait3A_3737 = arith.constant 0 : i32
        %dma_wait3A_3738 = tpu.memref_slice %arg3[%dma_wait3A_3728, %dma_wait3A_3729, %dma_wait3A_3737] : memref<200x32x512xi32, #tpu.memory_space<hbm>> -> memref<1x1x512xi32, #tpu.memory_space<hbm>>
        %dma_wait3A_3739 = tpu.memref_squeeze %dma_wait3A_3738 : memref<1x1x512xi32, #tpu.memory_space<hbm>> -> memref<512xi32, #tpu.memory_space<hbm>>
        tpu.wait_dma2 semaphore(%arg15 : memref<!tpu.dma_semaphore, #tpu.memory_space<semaphore_mem>>) src(%dma_wait3A_3739 : memref<512xi32, #tpu.memory_space<hbm>>) dst(%dma_wait3A_3736 : memref<512xi32, #tpu.memory_space<vmem>>)
        %dma_wait3A_3740 = arith.constant 0 : i32
        %dma_wait3A_3741 = arith.constant 0 : i32
        %dma_wait3A_3742 = arith.constant 0 : i32
        %dma_wait3A_3743 = tpu.memref_slice %arg7[%dma_wait3A_3742] : memref<16384xi32, #tpu.memory_space<vmem>> -> memref<512xi32, #tpu.memory_space<vmem>>
        %dma_wait3A_3744 = arith.constant 0 : i32
        %dma_wait3A_3745 = tpu.memref_slice %arg3[%dma_wait3A_3740, %dma_wait3A_3741, %dma_wait3A_3744] : memref<200x32x512xi32, #tpu.memory_space<hbm>> -> memref<1x1x512xi32, #tpu.memory_space<hbm>>
        %dma_wait3A_3746 = tpu.memref_squeeze %dma_wait3A_3745 : memref<1x1x512xi32, #tpu.memory_space<hbm>> -> memref<512xi32, #tpu.memory_space<hbm>>
        %dma_wait3A_3747 = arith.constant 0 : i32
        %dma_wait3A_3748 = tpu.memref_slice %arg7[%dma_wait3A_3747] : memref<16384xi32, #tpu.memory_space<vmem>> -> memref<512xi32, #tpu.memory_space<vmem>>
        %dma_wait3A_3749 = arith.constant 0 : i32
        %dma_wait3A_3750 = tpu.memref_slice %arg3[%dma_wait3A_3740, %dma_wait3A_3741, %dma_wait3A_3749] : memref<200x32x512xi32, #tpu.memory_space<hbm>> -> memref<1x1x512xi32, #tpu.memory_space<hbm>>
        %dma_wait3A_3751 = tpu.memref_squeeze %dma_wait3A_3750 : memref<1x1x512xi32, #tpu.memory_space<hbm>> -> memref<512xi32, #tpu.memory_space<hbm>>
        tpu.wait_dma2 semaphore(%arg15 : memref<!tpu.dma_semaphore, #tpu.memory_space<semaphore_mem>>) src(%dma_wait3A_3751 : memref<512xi32, #tpu.memory_space<hbm>>) dst(%dma_wait3A_3748 : memref<512xi32, #tpu.memory_space<vmem>>)
        %dma_wait3A_3752 = arith.constant 0 : i32
        %dma_wait3A_3753 = arith.constant 0 : i32
        %dma_wait3A_3754 = arith.constant 0 : i32
        %dma_wait3A_3755 = tpu.memref_slice %arg7[%dma_wait3A_3754] : memref<16384xi32, #tpu.memory_space<vmem>> -> memref<512xi32, #tpu.memory_space<vmem>>
        %dma_wait3A_3756 = arith.constant 0 : i32
        %dma_wait3A_3757 = tpu.memref_slice %arg3[%dma_wait3A_3752, %dma_wait3A_3753, %dma_wait3A_3756] : memref<200x32x512xi32, #tpu.memory_space<hbm>> -> memref<1x1x512xi32, #tpu.memory_space<hbm>>
        %dma_wait3A_3758 = tpu.memref_squeeze %dma_wait3A_3757 : memref<1x1x512xi32, #tpu.memory_space<hbm>> -> memref<512xi32, #tpu.memory_space<hbm>>
        %dma_wait3A_3759 = arith.constant 0 : i32
        %dma_wait3A_3760 = tpu.memref_slice %arg7[%dma_wait3A_3759] : memref<16384xi32, #tpu.memory_space<vmem>> -> memref<512xi32, #tpu.memory_space<vmem>>
        %dma_wait3A_3761 = arith.constant 0 : i32
        %dma_wait3A_3762 = tpu.memref_slice %arg3[%dma_wait3A_3752, %dma_wait3A_3753, %dma_wait3A_3761] : memref<200x32x512xi32, #tpu.memory_space<hbm>> -> memref<1x1x512xi32, #tpu.memory_space<hbm>>
        %dma_wait3A_3763 = tpu.memref_squeeze %dma_wait3A_3762 : memref<1x1x512xi32, #tpu.memory_space<hbm>> -> memref<512xi32, #tpu.memory_space<hbm>>
        tpu.wait_dma2 semaphore(%arg15 : memref<!tpu.dma_semaphore, #tpu.memory_space<semaphore_mem>>) src(%dma_wait3A_3763 : memref<512xi32, #tpu.memory_space<hbm>>) dst(%dma_wait3A_3760 : memref<512xi32, #tpu.memory_space<vmem>>)
        %add3A_3764 = arith.constant 2 : i32
        %add3A_3765 = arith.addi %add3A_481, %add3A_3764 : i32
        %rem3A_3766 = arith.constant 8 : i32
        %rem3A_3767 = arith.remsi %add3A_3765, %rem3A_3766 : i32
        %mul3A_3768 = arith.constant 2048 : i32
        %mul3A_3769 = arith.muli %rem3A_3767, %mul3A_3768 : i32
        %dma_start3A_3770 = tpu.memref_slice %arg7[%mul3A_3769] : memref<16384xi32, #tpu.memory_space<vmem>> -> memref<2048xi32, #tpu.memory_space<vmem>>
        %dma_start3A_3771 = arith.constant 0 : i32
        %dma_start3A_3772 = tpu.memref_slice %arg13[%dma_start3A_3771] : memref<1000000xi32, #tpu.memory_space<vmem_shared>> -> memref<1000000xi32, #tpu.memory_space<vmem_shared>>
        tpu.enqueue_indirect_dma source(%dma_start3A_3772 : memref<1000000xi32, #tpu.memory_space<vmem_shared>>) target(%arg8 : memref<2048xi32, #tpu.memory_space<vmem>>) offsets(%dma_start3A_3770 : memref<2048xi32, #tpu.memory_space<vmem>>) semaphore(%arg17 : memref<!tpu.dma_semaphore, #tpu.memory_space<semaphore_mem>>)
      } else {
      }
      %add3A_2089 = arith.constant 4 : i32
      %add3A_2090 = arith.addi %add3A_481, %add3A_2089 : i32
      %lt3A_2091 = arith.constant 50 : i32
      %lt3A_2092 = arith.cmpi slt, %add3A_2090, %lt3A_2091 : i32
      %convert_element_type3A_2093 = arith.extui %lt3A_2092 : i1 to i32
      %cond3A_2094 = arith.constant 0 : i32
      %cond3A_2095 = arith.cmpi ne, %convert_element_type3A_2093, %cond3A_2094 : i32
      scf.if %cond3A_2095 {
        %add3A_3716 = arith.constant 4 : i32
        %add3A_3717 = arith.addi %add3A_481, %add3A_3716 : i32
        %rem3A_3718 = arith.constant 8 : i32
        %rem3A_3719 = arith.remsi %add3A_3717, %rem3A_3718 : i32
        %mul3A_3720 = arith.constant 2048 : i32
        %mul3A_3721 = arith.muli %rem3A_3719, %mul3A_3720 : i32
        %mul3A_3722 = arith.constant 4 : i32
        %mul3A_3723 = arith.muli %add3A_3717, %mul3A_3722 : i32
        %add3A_3724 = arith.constant 0 : i32
        %add3A_3725 = arith.addi %mul3A_3723, %add3A_3724 : i32
        %add3A_3726 = arith.constant 0 : i32
        %add3A_3727 = arith.addi %mul3A_3721, %add3A_3726 : i32
        %dma_start3A_3728 = tpu.memref_slice %arg7[%add3A_3727] : memref<16384xi32, #tpu.memory_space<vmem>> -> memref<512xi32, #tpu.memory_space<vmem>>
        %dma_start3A_3729 = arith.constant 0 : i32
        %dma_start3A_3730 = tpu.memref_slice %arg3[%add3A_3725, %add3A, %dma_start3A_3729] : memref<200x32x512xi32, #tpu.memory_space<hbm>> -> memref<1x1x512xi32, #tpu.memory_space<hbm>>
        %dma_start3A_3731 = tpu.memref_squeeze %dma_start3A_3730 : memref<1x1x512xi32, #tpu.memory_space<hbm>> -> memref<512xi32, #tpu.memory_space<hbm>>
        %dma_start3A_3732 = tpu.memref_slice %arg7[%add3A_3727] : memref<16384xi32, #tpu.memory_space<vmem>> -> memref<512xi32, #tpu.memory_space<vmem>>
        %dma_start3A_3733 = arith.constant 0 : i32
        %dma_start3A_3734 = tpu.memref_slice %arg3[%add3A_3725, %add3A, %dma_start3A_3733] : memref<200x32x512xi32, #tpu.memory_space<hbm>> -> memref<1x1x512xi32, #tpu.memory_space<hbm>>
        %dma_start3A_3735 = tpu.memref_squeeze %dma_start3A_3734 : memref<1x1x512xi32, #tpu.memory_space<hbm>> -> memref<512xi32, #tpu.memory_space<hbm>>
        tpu.enqueue_dma source(%dma_start3A_3735 : memref<512xi32, #tpu.memory_space<hbm>>) target(%dma_start3A_3732 : memref<512xi32, #tpu.memory_space<vmem>>) target_semaphore(%arg15 : memref<!tpu.dma_semaphore, #tpu.memory_space<semaphore_mem>>)
        %mul3A_3736 = arith.constant 4 : i32
        %mul3A_3737 = arith.muli %add3A_3717, %mul3A_3736 : i32
        %add3A_3738 = arith.constant 1 : i32
        %add3A_3739 = arith.addi %mul3A_3737, %add3A_3738 : i32
        %add3A_3740 = arith.constant 512 : i32
        %add3A_3741 = arith.addi %mul3A_3721, %add3A_3740 : i32
        %dma_start3A_3742 = tpu.memref_slice %arg7[%add3A_3741] : memref<16384xi32, #tpu.memory_space<vmem>> -> memref<512xi32, #tpu.memory_space<vmem>>
        %dma_start3A_3743 = arith.constant 0 : i32
        %dma_start3A_3744 = tpu.memref_slice %arg3[%add3A_3739, %add3A, %dma_start3A_3743] : memref<200x32x512xi32, #tpu.memory_space<hbm>> -> memref<1x1x512xi32, #tpu.memory_space<hbm>>
        %dma_start3A_3745 = tpu.memref_squeeze %dma_start3A_3744 : memref<1x1x512xi32, #tpu.memory_space<hbm>> -> memref<512xi32, #tpu.memory_space<hbm>>
        %dma_start3A_3746 = tpu.memref_slice %arg7[%add3A_3741] : memref<16384xi32, #tpu.memory_space<vmem>> -> memref<512xi32, #tpu.memory_space<vmem>>
        %dma_start3A_3747 = arith.constant 0 : i32
        %dma_start3A_3748 = tpu.memref_slice %arg3[%add3A_3739, %add3A, %dma_start3A_3747] : memref<200x32x512xi32, #tpu.memory_space<hbm>> -> memref<1x1x512xi32, #tpu.memory_space<hbm>>
        %dma_start3A_3749 = tpu.memref_squeeze %dma_start3A_3748 : memref<1x1x512xi32, #tpu.memory_space<hbm>> -> memref<512xi32, #tpu.memory_space<hbm>>
        tpu.enqueue_dma source(%dma_start3A_3749 : memref<512xi32, #tpu.memory_space<hbm>>) target(%dma_start3A_3746 : memref<512xi32, #tpu.memory_space<vmem>>) target_semaphore(%arg15 : memref<!tpu.dma_semaphore, #tpu.memory_space<semaphore_mem>>)
        %mul3A_3750 = arith.constant 4 : i32
        %mul3A_3751 = arith.muli %add3A_3717, %mul3A_3750 : i32
        %add3A_3752 = arith.constant 2 : i32
        %add3A_3753 = arith.addi %mul3A_3751, %add3A_3752 : i32
        %add3A_3754 = arith.constant 1024 : i32
        %add3A_3755 = arith.addi %mul3A_3721, %add3A_3754 : i32
        %dma_start3A_3756 = tpu.memref_slice %arg7[%add3A_3755] : memref<16384xi32, #tpu.memory_space<vmem>> -> memref<512xi32, #tpu.memory_space<vmem>>
        %dma_start3A_3757 = arith.constant 0 : i32
        %dma_start3A_3758 = tpu.memref_slice %arg3[%add3A_3753, %add3A, %dma_start3A_3757] : memref<200x32x512xi32, #tpu.memory_space<hbm>> -> memref<1x1x512xi32, #tpu.memory_space<hbm>>
        %dma_start3A_3759 = tpu.memref_squeeze %dma_start3A_3758 : memref<1x1x512xi32, #tpu.memory_space<hbm>> -> memref<512xi32, #tpu.memory_space<hbm>>
        %dma_start3A_3760 = tpu.memref_slice %arg7[%add3A_3755] : memref<16384xi32, #tpu.memory_space<vmem>> -> memref<512xi32, #tpu.memory_space<vmem>>
        %dma_start3A_3761 = arith.constant 0 : i32
        %dma_start3A_3762 = tpu.memref_slice %arg3[%add3A_3753, %add3A, %dma_start3A_3761] : memref<200x32x512xi32, #tpu.memory_space<hbm>> -> memref<1x1x512xi32, #tpu.memory_space<hbm>>
        %dma_start3A_3763 = tpu.memref_squeeze %dma_start3A_3762 : memref<1x1x512xi32, #tpu.memory_space<hbm>> -> memref<512xi32, #tpu.memory_space<hbm>>
        tpu.enqueue_dma source(%dma_start3A_3763 : memref<512xi32, #tpu.memory_space<hbm>>) target(%dma_start3A_3760 : memref<512xi32, #tpu.memory_space<vmem>>) target_semaphore(%arg15 : memref<!tpu.dma_semaphore, #tpu.memory_space<semaphore_mem>>)
        %mul3A_3764 = arith.constant 4 : i32
        %mul3A_3765 = arith.muli %add3A_3717, %mul3A_3764 : i32
        %add3A_3766 = arith.constant 3 : i32
        %add3A_3767 = arith.addi %mul3A_3765, %add3A_3766 : i32
        %add3A_3768 = arith.constant 1536 : i32
        %add3A_3769 = arith.addi %mul3A_3721, %add3A_3768 : i32
        %dma_start3A_3770 = tpu.memref_slice %arg7[%add3A_3769] : memref<16384xi32, #tpu.memory_space<vmem>> -> memref<512xi32, #tpu.memory_space<vmem>>
        %dma_start3A_3771 = arith.constant 0 : i32
        %dma_start3A_3772 = tpu.memref_slice %arg3[%add3A_3767, %add3A, %dma_start3A_3771] : memref<200x32x512xi32, #tpu.memory_space<hbm>> -> memref<1x1x512xi32, #tpu.memory_space<hbm>>
        %dma_start3A_3773 = tpu.memref_squeeze %dma_start3A_3772 : memref<1x1x512xi32, #tpu.memory_space<hbm>> -> memref<512xi32, #tpu.memory_space<hbm>>
        %dma_start3A_3774 = tpu.memref_slice %arg7[%add3A_3769] : memref<16384xi32, #tpu.memory_space<vmem>> -> memref<512xi32, #tpu.memory_space<vmem>>
        %dma_start3A_3775 = arith.constant 0 : i32
        %dma_start3A_3776 = tpu.memref_slice %arg3[%add3A_3767, %add3A, %dma_start3A_3775] : memref<200x32x512xi32, #tpu.memory_space<hbm>> -> memref<1x1x512xi32, #tpu.memory_space<hbm>>
        %dma_start3A_3777 = tpu.memref_squeeze %dma_start3A_3776 : memref<1x1x512xi32, #tpu.memory_space<hbm>> -> memref<512xi32, #tpu.memory_space<hbm>>
        tpu.enqueue_dma source(%dma_start3A_3777 : memref<512xi32, #tpu.memory_space<hbm>>) target(%dma_start3A_3774 : memref<512xi32, #tpu.memory_space<vmem>>) target_semaphore(%arg15 : memref<!tpu.dma_semaphore, #tpu.memory_space<semaphore_mem>>)
      } else {
      }
      %add3A_2096 = arith.constant 1 : i32
      %add3A_2097 = arith.addi %mul3A_479, %add3A_2096 : i32
      %dma_wait3A_2098 = arith.constant 0 : i32
      %dma_wait3A_2099 = tpu.memref_slice %arg7[%dma_wait3A_2098] : memref<16384xi32, #tpu.memory_space<vmem>> -> memref<2048xi32, #tpu.memory_space<vmem>>
      %dma_wait3A_2100 = arith.constant 0 : i32
      %dma_wait3A_2101 = tpu.memref_slice %arg13[%dma_wait3A_2100] : memref<1000000xi32, #tpu.memory_space<vmem_shared>> -> memref<1000000xi32, #tpu.memory_space<vmem_shared>>
      tpu.wait_indirect_dma semaphore(%arg18 : memref<!tpu.dma_semaphore, #tpu.memory_space<semaphore_mem>>) src(%dma_wait3A_2101 : memref<1000000xi32, #tpu.memory_space<vmem_shared>>) dst(%arg9 : memref<2048xi32, #tpu.memory_space<vmem>>)
      %get3A_2102 = arith.constant 0 : index
      %get3A_2103 = tpu.vector_load %arg9[%get3A_2102] {strides = array<i32>} : memref<2048xi32, #tpu.memory_space<vmem>>, vector<16xi32>,
      %get3A_2104 = arith.constant 512 : index
      %get3A_2105 = tpu.vector_load %arg9[%get3A_2104] {strides = array<i32>} : memref<2048xi32, #tpu.memory_space<vmem>>, vector<16xi32>,
      %get3A_2106 = arith.constant 1024 : index
      %get3A_2107 = tpu.vector_load %arg9[%get3A_2106] {strides = array<i32>} : memref<2048xi32, #tpu.memory_space<vmem>>, vector<16xi32>,
      %get3A_2108 = arith.constant 1536 : index
      %get3A_2109 = tpu.vector_load %arg9[%get3A_2108] {strides = array<i32>} : memref<2048xi32, #tpu.memory_space<vmem>>, vector<16xi32>,
      %and3A_2110 = arith.constant -65536 : i32
      %and3A_2111 = vector.broadcast %and3A_2110 : i32 to vector<16xi32>
      %and3A_2112 = arith.andi %get3A_2103, %and3A_2111 : vector<16xi32>
      %bitcast3A_2113 = vector.bitcast %and3A_2112 : vector<16xi32> to vector<16xf32>
      %and3A_2114 = arith.constant -65536 : i32
      %and3A_2115 = vector.broadcast %and3A_2114 : i32 to vector<16xi32>
      %and3A_2116 = arith.andi %get3A_2105, %and3A_2115 : vector<16xi32>
      %bitcast3A_2117 = vector.bitcast %and3A_2116 : vector<16xi32> to vector<16xf32>
      %and3A_2118 = arith.constant -65536 : i32
      %and3A_2119 = vector.broadcast %and3A_2118 : i32 to vector<16xi32>
      %and3A_2120 = arith.andi %get3A_2107, %and3A_2119 : vector<16xi32>
      %bitcast3A_2121 = vector.bitcast %and3A_2120 : vector<16xi32> to vector<16xf32>
      %and3A_2122 = arith.constant -65536 : i32
      %and3A_2123 = vector.broadcast %and3A_2122 : i32 to vector<16xi32>
      %and3A_2124 = arith.andi %get3A_2109, %and3A_2123 : vector<16xi32>
      %bitcast3A_2125 = vector.bitcast %and3A_2124 : vector<16xi32> to vector<16xf32>
      %shift_left3A_2126 = arith.constant 16 : i32
      %shift_left3A_2127 = vector.broadcast %shift_left3A_2126 : i32 to vector<16xi32>
      %shift_left3A_2128 = arith.shli %get3A_2103, %shift_left3A_2127 : vector<16xi32>
      %bitcast3A_2129 = vector.bitcast %shift_left3A_2128 : vector<16xi32> to vector<16xf32>
      %shift_left3A_2130 = arith.constant 16 : i32
      %shift_left3A_2131 = vector.broadcast %shift_left3A_2130 : i32 to vector<16xi32>
      %shift_left3A_2132 = arith.shli %get3A_2105, %shift_left3A_2131 : vector<16xi32>
      %bitcast3A_2133 = vector.bitcast %shift_left3A_2132 : vector<16xi32> to vector<16xf32>
      %shift_left3A_2134 = arith.constant 16 : i32
      %shift_left3A_2135 = vector.broadcast %shift_left3A_2134 : i32 to vector<16xi32>
      %shift_left3A_2136 = arith.shli %get3A_2107, %shift_left3A_2135 : vector<16xi32>
      %bitcast3A_2137 = vector.bitcast %shift_left3A_2136 : vector<16xi32> to vector<16xf32>
      %shift_left3A_2138 = arith.constant 16 : i32
      %shift_left3A_2139 = vector.broadcast %shift_left3A_2138 : i32 to vector<16xi32>
      %shift_left3A_2140 = arith.shli %get3A_2109, %shift_left3A_2139 : vector<16xi32>
      %bitcast3A_2141 = vector.bitcast %shift_left3A_2140 : vector<16xi32> to vector<16xf32>
      %add3A_2142 = arith.addf %bitcast3A_2113, %bitcast3A_2117 : vector<16xf32>
      %add3A_2143 = arith.addf %bitcast3A_2121, %bitcast3A_2125 : vector<16xf32>
      %add3A_2144 = arith.addf %add3A_2142, %add3A_2143 : vector<16xf32>
      %add3A_2145 = arith.addf %bitcast3A_2129, %bitcast3A_2133 : vector<16xf32>
      %add3A_2146 = arith.addf %bitcast3A_2137, %bitcast3A_2141 : vector<16xf32>
      %add3A_2147 = arith.addf %add3A_2145, %add3A_2146 : vector<16xf32>
      %swap3A_2148 = arith.constant 0 : index
      %swap3A_2149 = tpu.vector_load %arg10[%swap3A_2148] {strides = array<i32>} : memref<512xf32, #tpu.memory_space<vmem>>, vector<16xf32>,
      tpu.vector_store %arg10[%swap3A_2148], %add3A_2144 {add = true, strides = array<i32>} : memref<512xf32, #tpu.memory_space<vmem>>, vector<16xf32>,
      %swap3A_2150 = arith.constant 0 : index
      %swap3A_2151 = tpu.vector_load %arg11[%swap3A_2150] {strides = array<i32>} : memref<512xf32, #tpu.memory_space<vmem>>, vector<16xf32>,
      tpu.vector_store %arg11[%swap3A_2150], %add3A_2147 {add = true, strides = array<i32>} : memref<512xf32, #tpu.memory_space<vmem>>, vector<16xf32>,
      %get3A_2152 = arith.constant 16 : index
      %get3A_2153 = tpu.vector_load %arg9[%get3A_2152] {strides = array<i32>} : memref<2048xi32, #tpu.memory_space<vmem>>, vector<16xi32>,
      %get3A_2154 = arith.constant 528 : index
      %get3A_2155 = tpu.vector_load %arg9[%get3A_2154] {strides = array<i32>} : memref<2048xi32, #tpu.memory_space<vmem>>, vector<16xi32>,
      %get3A_2156 = arith.constant 1040 : index
      %get3A_2157 = tpu.vector_load %arg9[%get3A_2156] {strides = array<i32>} : memref<2048xi32, #tpu.memory_space<vmem>>, vector<16xi32>,
      %get3A_2158 = arith.constant 1552 : index
      %get3A_2159 = tpu.vector_load %arg9[%get3A_2158] {strides = array<i32>} : memref<2048xi32, #tpu.memory_space<vmem>>, vector<16xi32>,
      %and3A_2160 = arith.constant -65536 : i32
      %and3A_2161 = vector.broadcast %and3A_2160 : i32 to vector<16xi32>
      %and3A_2162 = arith.andi %get3A_2153, %and3A_2161 : vector<16xi32>
      %bitcast3A_2163 = vector.bitcast %and3A_2162 : vector<16xi32> to vector<16xf32>
      %and3A_2164 = arith.constant -65536 : i32
      %and3A_2165 = vector.broadcast %and3A_2164 : i32 to vector<16xi32>
      %and3A_2166 = arith.andi %get3A_2155, %and3A_2165 : vector<16xi32>
      %bitcast3A_2167 = vector.bitcast %and3A_2166 : vector<16xi32> to vector<16xf32>
      %and3A_2168 = arith.constant -65536 : i32
      %and3A_2169 = vector.broadcast %and3A_2168 : i32 to vector<16xi32>
      %and3A_2170 = arith.andi %get3A_2157, %and3A_2169 : vector<16xi32>
      %bitcast3A_2171 = vector.bitcast %and3A_2170 : vector<16xi32> to vector<16xf32>
      %and3A_2172 = arith.constant -65536 : i32
      %and3A_2173 = vector.broadcast %and3A_2172 : i32 to vector<16xi32>
      %and3A_2174 = arith.andi %get3A_2159, %and3A_2173 : vector<16xi32>
      %bitcast3A_2175 = vector.bitcast %and3A_2174 : vector<16xi32> to vector<16xf32>
      %shift_left3A_2176 = arith.constant 16 : i32
      %shift_left3A_2177 = vector.broadcast %shift_left3A_2176 : i32 to vector<16xi32>
      %shift_left3A_2178 = arith.shli %get3A_2153, %shift_left3A_2177 : vector<16xi32>
      %bitcast3A_2179 = vector.bitcast %shift_left3A_2178 : vector<16xi32> to vector<16xf32>
      %shift_left3A_2180 = arith.constant 16 : i32
      %shift_left3A_2181 = vector.broadcast %shift_left3A_2180 : i32 to vector<16xi32>
      %shift_left3A_2182 = arith.shli %get3A_2155, %shift_left3A_2181 : vector<16xi32>
      %bitcast3A_2183 = vector.bitcast %shift_left3A_2182 : vector<16xi32> to vector<16xf32>
      %shift_left3A_2184 = arith.constant 16 : i32
      %shift_left3A_2185 = vector.broadcast %shift_left3A_2184 : i32 to vector<16xi32>
      %shift_left3A_2186 = arith.shli %get3A_2157, %shift_left3A_2185 : vector<16xi32>
      %bitcast3A_2187 = vector.bitcast %shift_left3A_2186 : vector<16xi32> to vector<16xf32>
      %shift_left3A_2188 = arith.constant 16 : i32
      %shift_left3A_2189 = vector.broadcast %shift_left3A_2188 : i32 to vector<16xi32>
      %shift_left3A_2190 = arith.shli %get3A_2159, %shift_left3A_2189 : vector<16xi32>
      %bitcast3A_2191 = vector.bitcast %shift_left3A_2190 : vector<16xi32> to vector<16xf32>
      %add3A_2192 = arith.addf %bitcast3A_2163, %bitcast3A_2167 : vector<16xf32>
      %add3A_2193 = arith.addf %bitcast3A_2171, %bitcast3A_2175 : vector<16xf32>
      %add3A_2194 = arith.addf %add3A_2192, %add3A_2193 : vector<16xf32>
      %add3A_2195 = arith.addf %bitcast3A_2179, %bitcast3A_2183 : vector<16xf32>
      %add3A_2196 = arith.addf %bitcast3A_2187, %bitcast3A_2191 : vector<16xf32>
      %add3A_2197 = arith.addf %add3A_2195, %add3A_2196 : vector<16xf32>
      %swap3A_2198 = arith.constant 16 : index
      %swap3A_2199 = tpu.vector_load %arg10[%swap3A_2198] {strides = array<i32>} : memref<512xf32, #tpu.memory_space<vmem>>, vector<16xf32>,
      tpu.vector_store %arg10[%swap3A_2198], %add3A_2194 {add = true, strides = array<i32>} : memref<512xf32, #tpu.memory_space<vmem>>, vector<16xf32>,
      %swap3A_2200 = arith.constant 16 : index
      %swap3A_2201 = tpu.vector_load %arg11[%swap3A_2200] {strides = array<i32>} : memref<512xf32, #tpu.memory_space<vmem>>, vector<16xf32>,
      tpu.vector_store %arg11[%swap3A_2200], %add3A_2197 {add = true, strides = array<i32>} : memref<512xf32, #tpu.memory_space<vmem>>, vector<16xf32>,
      %get3A_2202 = arith.constant 32 : index
      %get3A_2203 = tpu.vector_load %arg9[%get3A_2202] {strides = array<i32>} : memref<2048xi32, #tpu.memory_space<vmem>>, vector<16xi32>,
      %get3A_2204 = arith.constant 544 : index
      %get3A_2205 = tpu.vector_load %arg9[%get3A_2204] {strides = array<i32>} : memref<2048xi32, #tpu.memory_space<vmem>>, vector<16xi32>,
      %get3A_2206 = arith.constant 1056 : index
      %get3A_2207 = tpu.vector_load %arg9[%get3A_2206] {strides = array<i32>} : memref<2048xi32, #tpu.memory_space<vmem>>, vector<16xi32>,
      %get3A_2208 = arith.constant 1568 : index
      %get3A_2209 = tpu.vector_load %arg9[%get3A_2208] {strides = array<i32>} : memref<2048xi32, #tpu.memory_space<vmem>>, vector<16xi32>,
      %and3A_2210 = arith.constant -65536 : i32
      %and3A_2211 = vector.broadcast %and3A_2210 : i32 to vector<16xi32>
      %and3A_2212 = arith.andi %get3A_2203, %and3A_2211 : vector<16xi32>
      %bitcast3A_2213 = vector.bitcast %and3A_2212 : vector<16xi32> to vector<16xf32>
      %and3A_2214 = arith.constant -65536 : i32
      %and3A_2215 = vector.broadcast %and3A_2214 : i32 to vector<16xi32>
      %and3A_2216 = arith.andi %get3A_2205, %and3A_2215 : vector<16xi32>
      %bitcast3A_2217 = vector.bitcast %and3A_2216 : vector<16xi32> to vector<16xf32>
      %and3A_2218 = arith.constant -65536 : i32
      %and3A_2219 = vector.broadcast %and3A_2218 : i32 to vector<16xi32>
      %and3A_2220 = arith.andi %get3A_2207, %and3A_2219 : vector<16xi32>
      %bitcast3A_2221 = vector.bitcast %and3A_2220 : vector<16xi32> to vector<16xf32>
      %and3A_2222 = arith.constant -65536 : i32
      %and3A_2223 = vector.broadcast %and3A_2222 : i32 to vector<16xi32>
      %and3A_2224 = arith.andi %get3A_2209, %and3A_2223 : vector<16xi32>
      %bitcast3A_2225 = vector.bitcast %and3A_2224 : vector<16xi32> to vector<16xf32>
      %shift_left3A_2226 = arith.constant 16 : i32
      %shift_left3A_2227 = vector.broadcast %shift_left3A_2226 : i32 to vector<16xi32>
      %shift_left3A_2228 = arith.shli %get3A_2203, %shift_left3A_2227 : vector<16xi32>
      %bitcast3A_2229 = vector.bitcast %shift_left3A_2228 : vector<16xi32> to vector<16xf32>
      %shift_left3A_2230 = arith.constant 16 : i32
      %shift_left3A_2231 = vector.broadcast %shift_left3A_2230 : i32 to vector<16xi32>
      %shift_left3A_2232 = arith.shli %get3A_2205, %shift_left3A_2231 : vector<16xi32>
      %bitcast3A_2233 = vector.bitcast %shift_left3A_2232 : vector<16xi32> to vector<16xf32>
      %shift_left3A_2234 = arith.constant 16 : i32
      %shift_left3A_2235 = vector.broadcast %shift_left3A_2234 : i32 to vector<16xi32>
      %shift_left3A_2236 = arith.shli %get3A_2207, %shift_left3A_2235 : vector<16xi32>
      %bitcast3A_2237 = vector.bitcast %shift_left3A_2236 : vector<16xi32> to vector<16xf32>
      %shift_left3A_2238 = arith.constant 16 : i32
      %shift_left3A_2239 = vector.broadcast %shift_left3A_2238 : i32 to vector<16xi32>
      %shift_left3A_2240 = arith.shli %get3A_2209, %shift_left3A_2239 : vector<16xi32>
      %bitcast3A_2241 = vector.bitcast %shift_left3A_2240 : vector<16xi32> to vector<16xf32>
      %add3A_2242 = arith.addf %bitcast3A_2213, %bitcast3A_2217 : vector<16xf32>
      %add3A_2243 = arith.addf %bitcast3A_2221, %bitcast3A_2225 : vector<16xf32>
      %add3A_2244 = arith.addf %add3A_2242, %add3A_2243 : vector<16xf32>
      %add3A_2245 = arith.addf %bitcast3A_2229, %bitcast3A_2233 : vector<16xf32>
      %add3A_2246 = arith.addf %bitcast3A_2237, %bitcast3A_2241 : vector<16xf32>
      %add3A_2247 = arith.addf %add3A_2245, %add3A_2246 : vector<16xf32>
      %swap3A_2248 = arith.constant 32 : index
      %swap3A_2249 = tpu.vector_load %arg10[%swap3A_2248] {strides = array<i32>} : memref<512xf32, #tpu.memory_space<vmem>>, vector<16xf32>,
      tpu.vector_store %arg10[%swap3A_2248], %add3A_2244 {add = true, strides = array<i32>} : memref<512xf32, #tpu.memory_space<vmem>>, vector<16xf32>,
      %swap3A_2250 = arith.constant 32 : index
      %swap3A_2251 = tpu.vector_load %arg11[%swap3A_2250] {strides = array<i32>} : memref<512xf32, #tpu.memory_space<vmem>>, vector<16xf32>,
      tpu.vector_store %arg11[%swap3A_2250], %add3A_2247 {add = true, strides = array<i32>} : memref<512xf32, #tpu.memory_space<vmem>>, vector<16xf32>,
      %get3A_2252 = arith.constant 48 : index
      %get3A_2253 = tpu.vector_load %arg9[%get3A_2252] {strides = array<i32>} : memref<2048xi32, #tpu.memory_space<vmem>>, vector<16xi32>,
      %get3A_2254 = arith.constant 560 : index
      %get3A_2255 = tpu.vector_load %arg9[%get3A_2254] {strides = array<i32>} : memref<2048xi32, #tpu.memory_space<vmem>>, vector<16xi32>,
      %get3A_2256 = arith.constant 1072 : index
      %get3A_2257 = tpu.vector_load %arg9[%get3A_2256] {strides = array<i32>} : memref<2048xi32, #tpu.memory_space<vmem>>, vector<16xi32>,
      %get3A_2258 = arith.constant 1584 : index
      %get3A_2259 = tpu.vector_load %arg9[%get3A_2258] {strides = array<i32>} : memref<2048xi32, #tpu.memory_space<vmem>>, vector<16xi32>,
      %and3A_2260 = arith.constant -65536 : i32
      %and3A_2261 = vector.broadcast %and3A_2260 : i32 to vector<16xi32>
      %and3A_2262 = arith.andi %get3A_2253, %and3A_2261 : vector<16xi32>
      %bitcast3A_2263 = vector.bitcast %and3A_2262 : vector<16xi32> to vector<16xf32>
      %and3A_2264 = arith.constant -65536 : i32
      %and3A_2265 = vector.broadcast %and3A_2264 : i32 to vector<16xi32>
      %and3A_2266 = arith.andi %get3A_2255, %and3A_2265 : vector<16xi32>
      %bitcast3A_2267 = vector.bitcast %and3A_2266 : vector<16xi32> to vector<16xf32>
      %and3A_2268 = arith.constant -65536 : i32
      %and3A_2269 = vector.broadcast %and3A_2268 : i32 to vector<16xi32>
      %and3A_2270 = arith.andi %get3A_2257, %and3A_2269 : vector<16xi32>
      %bitcast3A_2271 = vector.bitcast %and3A_2270 : vector<16xi32> to vector<16xf32>
      %and3A_2272 = arith.constant -65536 : i32
      %and3A_2273 = vector.broadcast %and3A_2272 : i32 to vector<16xi32>
      %and3A_2274 = arith.andi %get3A_2259, %and3A_2273 : vector<16xi32>
      %bitcast3A_2275 = vector.bitcast %and3A_2274 : vector<16xi32> to vector<16xf32>
      %shift_left3A_2276 = arith.constant 16 : i32
      %shift_left3A_2277 = vector.broadcast %shift_left3A_2276 : i32 to vector<16xi32>
      %shift_left3A_2278 = arith.shli %get3A_2253, %shift_left3A_2277 : vector<16xi32>
      %bitcast3A_2279 = vector.bitcast %shift_left3A_2278 : vector<16xi32> to vector<16xf32>
      %shift_left3A_2280 = arith.constant 16 : i32
      %shift_left3A_2281 = vector.broadcast %shift_left3A_2280 : i32 to vector<16xi32>
      %shift_left3A_2282 = arith.shli %get3A_2255, %shift_left3A_2281 : vector<16xi32>
      %bitcast3A_2283 = vector.bitcast %shift_left3A_2282 : vector<16xi32> to vector<16xf32>
      %shift_left3A_2284 = arith.constant 16 : i32
      %shift_left3A_2285 = vector.broadcast %shift_left3A_2284 : i32 to vector<16xi32>
      %shift_left3A_2286 = arith.shli %get3A_2257, %shift_left3A_2285 : vector<16xi32>
      %bitcast3A_2287 = vector.bitcast %shift_left3A_2286 : vector<16xi32> to vector<16xf32>
      %shift_left3A_2288 = arith.constant 16 : i32
      %shift_left3A_2289 = vector.broadcast %shift_left3A_2288 : i32 to vector<16xi32>
      %shift_left3A_2290 = arith.shli %get3A_2259, %shift_left3A_2289 : vector<16xi32>
      %bitcast3A_2291 = vector.bitcast %shift_left3A_2290 : vector<16xi32> to vector<16xf32>
      %add3A_2292 = arith.addf %bitcast3A_2263, %bitcast3A_2267 : vector<16xf32>
      %add3A_2293 = arith.addf %bitcast3A_2271, %bitcast3A_2275 : vector<16xf32>
      %add3A_2294 = arith.addf %add3A_2292, %add3A_2293 : vector<16xf32>
      %add3A_2295 = arith.addf %bitcast3A_2279, %bitcast3A_2283 : vector<16xf32>
      %add3A_2296 = arith.addf %bitcast3A_2287, %bitcast3A_2291 : vector<16xf32>
      %add3A_2297 = arith.addf %add3A_2295, %add3A_2296 : vector<16xf32>
      %swap3A_2298 = arith.constant 48 : index
      %swap3A_2299 = tpu.vector_load %arg10[%swap3A_2298] {strides = array<i32>} : memref<512xf32, #tpu.memory_space<vmem>>, vector<16xf32>,
      tpu.vector_store %arg10[%swap3A_2298], %add3A_2294 {add = true, strides = array<i32>} : memref<512xf32, #tpu.memory_space<vmem>>, vector<16xf32>,
      %swap3A_2300 = arith.constant 48 : index
      %swap3A_2301 = tpu.vector_load %arg11[%swap3A_2300] {strides = array<i32>} : memref<512xf32, #tpu.memory_space<vmem>>, vector<16xf32>,
      tpu.vector_store %arg11[%swap3A_2300], %add3A_2297 {add = true, strides = array<i32>} : memref<512xf32, #tpu.memory_space<vmem>>, vector<16xf32>,
      %get3A_2302 = arith.constant 64 : index
      %get3A_2303 = tpu.vector_load %arg9[%get3A_2302] {strides = array<i32>} : memref<2048xi32, #tpu.memory_space<vmem>>, vector<16xi32>,
      %get3A_2304 = arith.constant 576 : index
      %get3A_2305 = tpu.vector_load %arg9[%get3A_2304] {strides = array<i32>} : memref<2048xi32, #tpu.memory_space<vmem>>, vector<16xi32>,
      %get3A_2306 = arith.constant 1088 : index
      %get3A_2307 = tpu.vector_load %arg9[%get3A_2306] {strides = array<i32>} : memref<2048xi32, #tpu.memory_space<vmem>>, vector<16xi32>,
      %get3A_2308 = arith.constant 1600 : index
      %get3A_2309 = tpu.vector_load %arg9[%get3A_2308] {strides = array<i32>} : memref<2048xi32, #tpu.memory_space<vmem>>, vector<16xi32>,
      %and3A_2310 = arith.constant -65536 : i32
      %and3A_2311 = vector.broadcast %and3A_2310 : i32 to vector<16xi32>
      %and3A_2312 = arith.andi %get3A_2303, %and3A_2311 : vector<16xi32>
      %bitcast3A_2313 = vector.bitcast %and3A_2312 : vector<16xi32> to vector<16xf32>
      %and3A_2314 = arith.constant -65536 : i32
      %and3A_2315 = vector.broadcast %and3A_2314 : i32 to vector<16xi32>
      %and3A_2316 = arith.andi %get3A_2305, %and3A_2315 : vector<16xi32>
      %bitcast3A_2317 = vector.bitcast %and3A_2316 : vector<16xi32> to vector<16xf32>
      %and3A_2318 = arith.constant -65536 : i32
      %and3A_2319 = vector.broadcast %and3A_2318 : i32 to vector<16xi32>
      %and3A_2320 = arith.andi %get3A_2307, %and3A_2319 : vector<16xi32>
      %bitcast3A_2321 = vector.bitcast %and3A_2320 : vector<16xi32> to vector<16xf32>
      %and3A_2322 = arith.constant -65536 : i32
      %and3A_2323 = vector.broadcast %and3A_2322 : i32 to vector<16xi32>
      %and3A_2324 = arith.andi %get3A_2309, %and3A_2323 : vector<16xi32>
      %bitcast3A_2325 = vector.bitcast %and3A_2324 : vector<16xi32> to vector<16xf32>
      %shift_left3A_2326 = arith.constant 16 : i32
      %shift_left3A_2327 = vector.broadcast %shift_left3A_2326 : i32 to vector<16xi32>
      %shift_left3A_2328 = arith.shli %get3A_2303, %shift_left3A_2327 : vector<16xi32>
      %bitcast3A_2329 = vector.bitcast %shift_left3A_2328 : vector<16xi32> to vector<16xf32>
      %shift_left3A_2330 = arith.constant 16 : i32
      %shift_left3A_2331 = vector.broadcast %shift_left3A_2330 : i32 to vector<16xi32>
      %shift_left3A_2332 = arith.shli %get3A_2305, %shift_left3A_2331 : vector<16xi32>
      %bitcast3A_2333 = vector.bitcast %shift_left3A_2332 : vector<16xi32> to vector<16xf32>
      %shift_left3A_2334 = arith.constant 16 : i32
      %shift_left3A_2335 = vector.broadcast %shift_left3A_2334 : i32 to vector<16xi32>
      %shift_left3A_2336 = arith.shli %get3A_2307, %shift_left3A_2335 : vector<16xi32>
      %bitcast3A_2337 = vector.bitcast %shift_left3A_2336 : vector<16xi32> to vector<16xf32>
      %shift_left3A_2338 = arith.constant 16 : i32
      %shift_left3A_2339 = vector.broadcast %shift_left3A_2338 : i32 to vector<16xi32>
      %shift_left3A_2340 = arith.shli %get3A_2309, %shift_left3A_2339 : vector<16xi32>
      %bitcast3A_2341 = vector.bitcast %shift_left3A_2340 : vector<16xi32> to vector<16xf32>
      %add3A_2342 = arith.addf %bitcast3A_2313, %bitcast3A_2317 : vector<16xf32>
      %add3A_2343 = arith.addf %bitcast3A_2321, %bitcast3A_2325 : vector<16xf32>
      %add3A_2344 = arith.addf %add3A_2342, %add3A_2343 : vector<16xf32>
      %add3A_2345 = arith.addf %bitcast3A_2329, %bitcast3A_2333 : vector<16xf32>
      %add3A_2346 = arith.addf %bitcast3A_2337, %bitcast3A_2341 : vector<16xf32>
      %add3A_2347 = arith.addf %add3A_2345, %add3A_2346 : vector<16xf32>
      %swap3A_2348 = arith.constant 64 : index
      %swap3A_2349 = tpu.vector_load %arg10[%swap3A_2348] {strides = array<i32>} : memref<512xf32, #tpu.memory_space<vmem>>, vector<16xf32>,
      tpu.vector_store %arg10[%swap3A_2348], %add3A_2344 {add = true, strides = array<i32>} : memref<512xf32, #tpu.memory_space<vmem>>, vector<16xf32>,
      %swap3A_2350 = arith.constant 64 : index
      %swap3A_2351 = tpu.vector_load %arg11[%swap3A_2350] {strides = array<i32>} : memref<512xf32, #tpu.memory_space<vmem>>, vector<16xf32>,
      tpu.vector_store %arg11[%swap3A_2350], %add3A_2347 {add = true, strides = array<i32>} : memref<512xf32, #tpu.memory_space<vmem>>, vector<16xf32>,
      %get3A_2352 = arith.constant 80 : index
      %get3A_2353 = tpu.vector_load %arg9[%get3A_2352] {strides = array<i32>} : memref<2048xi32, #tpu.memory_space<vmem>>, vector<16xi32>,
      %get3A_2354 = arith.constant 592 : index
      %get3A_2355 = tpu.vector_load %arg9[%get3A_2354] {strides = array<i32>} : memref<2048xi32, #tpu.memory_space<vmem>>, vector<16xi32>,
      %get3A_2356 = arith.constant 1104 : index
      %get3A_2357 = tpu.vector_load %arg9[%get3A_2356] {strides = array<i32>} : memref<2048xi32, #tpu.memory_space<vmem>>, vector<16xi32>,
      %get3A_2358 = arith.constant 1616 : index
      %get3A_2359 = tpu.vector_load %arg9[%get3A_2358] {strides = array<i32>} : memref<2048xi32, #tpu.memory_space<vmem>>, vector<16xi32>,
      %and3A_2360 = arith.constant -65536 : i32
      %and3A_2361 = vector.broadcast %and3A_2360 : i32 to vector<16xi32>
      %and3A_2362 = arith.andi %get3A_2353, %and3A_2361 : vector<16xi32>
      %bitcast3A_2363 = vector.bitcast %and3A_2362 : vector<16xi32> to vector<16xf32>
      %and3A_2364 = arith.constant -65536 : i32
      %and3A_2365 = vector.broadcast %and3A_2364 : i32 to vector<16xi32>
      %and3A_2366 = arith.andi %get3A_2355, %and3A_2365 : vector<16xi32>
      %bitcast3A_2367 = vector.bitcast %and3A_2366 : vector<16xi32> to vector<16xf32>
      %and3A_2368 = arith.constant -65536 : i32
      %and3A_2369 = vector.broadcast %and3A_2368 : i32 to vector<16xi32>
      %and3A_2370 = arith.andi %get3A_2357, %and3A_2369 : vector<16xi32>
      %bitcast3A_2371 = vector.bitcast %and3A_2370 : vector<16xi32> to vector<16xf32>
      %and3A_2372 = arith.constant -65536 : i32
      %and3A_2373 = vector.broadcast %and3A_2372 : i32 to vector<16xi32>
      %and3A_2374 = arith.andi %get3A_2359, %and3A_2373 : vector<16xi32>
      %bitcast3A_2375 = vector.bitcast %and3A_2374 : vector<16xi32> to vector<16xf32>
      %shift_left3A_2376 = arith.constant 16 : i32
      %shift_left3A_2377 = vector.broadcast %shift_left3A_2376 : i32 to vector<16xi32>
      %shift_left3A_2378 = arith.shli %get3A_2353, %shift_left3A_2377 : vector<16xi32>
      %bitcast3A_2379 = vector.bitcast %shift_left3A_2378 : vector<16xi32> to vector<16xf32>
      %shift_left3A_2380 = arith.constant 16 : i32
      %shift_left3A_2381 = vector.broadcast %shift_left3A_2380 : i32 to vector<16xi32>
      %shift_left3A_2382 = arith.shli %get3A_2355, %shift_left3A_2381 : vector<16xi32>
      %bitcast3A_2383 = vector.bitcast %shift_left3A_2382 : vector<16xi32> to vector<16xf32>
      %shift_left3A_2384 = arith.constant 16 : i32
      %shift_left3A_2385 = vector.broadcast %shift_left3A_2384 : i32 to vector<16xi32>
      %shift_left3A_2386 = arith.shli %get3A_2357, %shift_left3A_2385 : vector<16xi32>
      %bitcast3A_2387 = vector.bitcast %shift_left3A_2386 : vector<16xi32> to vector<16xf32>
      %shift_left3A_2388 = arith.constant 16 : i32
      %shift_left3A_2389 = vector.broadcast %shift_left3A_2388 : i32 to vector<16xi32>
      %shift_left3A_2390 = arith.shli %get3A_2359, %shift_left3A_2389 : vector<16xi32>
      %bitcast3A_2391 = vector.bitcast %shift_left3A_2390 : vector<16xi32> to vector<16xf32>
      %add3A_2392 = arith.addf %bitcast3A_2363, %bitcast3A_2367 : vector<16xf32>
      %add3A_2393 = arith.addf %bitcast3A_2371, %bitcast3A_2375 : vector<16xf32>
      %add3A_2394 = arith.addf %add3A_2392, %add3A_2393 : vector<16xf32>
      %add3A_2395 = arith.addf %bitcast3A_2379, %bitcast3A_2383 : vector<16xf32>
      %add3A_2396 = arith.addf %bitcast3A_2387, %bitcast3A_2391 : vector<16xf32>
      %add3A_2397 = arith.addf %add3A_2395, %add3A_2396 : vector<16xf32>
      %swap3A_2398 = arith.constant 80 : index
      %swap3A_2399 = tpu.vector_load %arg10[%swap3A_2398] {strides = array<i32>} : memref<512xf32, #tpu.memory_space<vmem>>, vector<16xf32>,
      tpu.vector_store %arg10[%swap3A_2398], %add3A_2394 {add = true, strides = array<i32>} : memref<512xf32, #tpu.memory_space<vmem>>, vector<16xf32>,
      %swap3A_2400 = arith.constant 80 : index
      %swap3A_2401 = tpu.vector_load %arg11[%swap3A_2400] {strides = array<i32>} : memref<512xf32, #tpu.memory_space<vmem>>, vector<16xf32>,
      tpu.vector_store %arg11[%swap3A_2400], %add3A_2397 {add = true, strides = array<i32>} : memref<512xf32, #tpu.memory_space<vmem>>, vector<16xf32>,
      %get3A_2402 = arith.constant 96 : index
      %get3A_2403 = tpu.vector_load %arg9[%get3A_2402] {strides = array<i32>} : memref<2048xi32, #tpu.memory_space<vmem>>, vector<16xi32>,
      %get3A_2404 = arith.constant 608 : index
      %get3A_2405 = tpu.vector_load %arg9[%get3A_2404] {strides = array<i32>} : memref<2048xi32, #tpu.memory_space<vmem>>, vector<16xi32>,
      %get3A_2406 = arith.constant 1120 : index
      %get3A_2407 = tpu.vector_load %arg9[%get3A_2406] {strides = array<i32>} : memref<2048xi32, #tpu.memory_space<vmem>>, vector<16xi32>,
      %get3A_2408 = arith.constant 1632 : index
      %get3A_2409 = tpu.vector_load %arg9[%get3A_2408] {strides = array<i32>} : memref<2048xi32, #tpu.memory_space<vmem>>, vector<16xi32>,
      %and3A_2410 = arith.constant -65536 : i32
      %and3A_2411 = vector.broadcast %and3A_2410 : i32 to vector<16xi32>
      %and3A_2412 = arith.andi %get3A_2403, %and3A_2411 : vector<16xi32>
      %bitcast3A_2413 = vector.bitcast %and3A_2412 : vector<16xi32> to vector<16xf32>
      %and3A_2414 = arith.constant -65536 : i32
      %and3A_2415 = vector.broadcast %and3A_2414 : i32 to vector<16xi32>
      %and3A_2416 = arith.andi %get3A_2405, %and3A_2415 : vector<16xi32>
      %bitcast3A_2417 = vector.bitcast %and3A_2416 : vector<16xi32> to vector<16xf32>
      %and3A_2418 = arith.constant -65536 : i32
      %and3A_2419 = vector.broadcast %and3A_2418 : i32 to vector<16xi32>
      %and3A_2420 = arith.andi %get3A_2407, %and3A_2419 : vector<16xi32>
      %bitcast3A_2421 = vector.bitcast %and3A_2420 : vector<16xi32> to vector<16xf32>
      %and3A_2422 = arith.constant -65536 : i32
      %and3A_2423 = vector.broadcast %and3A_2422 : i32 to vector<16xi32>
      %and3A_2424 = arith.andi %get3A_2409, %and3A_2423 : vector<16xi32>
      %bitcast3A_2425 = vector.bitcast %and3A_2424 : vector<16xi32> to vector<16xf32>
      %shift_left3A_2426 = arith.constant 16 : i32
      %shift_left3A_2427 = vector.broadcast %shift_left3A_2426 : i32 to vector<16xi32>
      %shift_left3A_2428 = arith.shli %get3A_2403, %shift_left3A_2427 : vector<16xi32>
      %bitcast3A_2429 = vector.bitcast %shift_left3A_2428 : vector<16xi32> to vector<16xf32>
      %shift_left3A_2430 = arith.constant 16 : i32
      %shift_left3A_2431 = vector.broadcast %shift_left3A_2430 : i32 to vector<16xi32>
      %shift_left3A_2432 = arith.shli %get3A_2405, %shift_left3A_2431 : vector<16xi32>
      %bitcast3A_2433 = vector.bitcast %shift_left3A_2432 : vector<16xi32> to vector<16xf32>
      %shift_left3A_2434 = arith.constant 16 : i32
      %shift_left3A_2435 = vector.broadcast %shift_left3A_2434 : i32 to vector<16xi32>
      %shift_left3A_2436 = arith.shli %get3A_2407, %shift_left3A_2435 : vector<16xi32>
      %bitcast3A_2437 = vector.bitcast %shift_left3A_2436 : vector<16xi32> to vector<16xf32>
      %shift_left3A_2438 = arith.constant 16 : i32
      %shift_left3A_2439 = vector.broadcast %shift_left3A_2438 : i32 to vector<16xi32>
      %shift_left3A_2440 = arith.shli %get3A_2409, %shift_left3A_2439 : vector<16xi32>
      %bitcast3A_2441 = vector.bitcast %shift_left3A_2440 : vector<16xi32> to vector<16xf32>
      %add3A_2442 = arith.addf %bitcast3A_2413, %bitcast3A_2417 : vector<16xf32>
      %add3A_2443 = arith.addf %bitcast3A_2421, %bitcast3A_2425 : vector<16xf32>
      %add3A_2444 = arith.addf %add3A_2442, %add3A_2443 : vector<16xf32>
      %add3A_2445 = arith.addf %bitcast3A_2429, %bitcast3A_2433 : vector<16xf32>
      %add3A_2446 = arith.addf %bitcast3A_2437, %bitcast3A_2441 : vector<16xf32>
      %add3A_2447 = arith.addf %add3A_2445, %add3A_2446 : vector<16xf32>
      %swap3A_2448 = arith.constant 96 : index
      %swap3A_2449 = tpu.vector_load %arg10[%swap3A_2448] {strides = array<i32>} : memref<512xf32, #tpu.memory_space<vmem>>, vector<16xf32>,
      tpu.vector_store %arg10[%swap3A_2448], %add3A_2444 {add = true, strides = array<i32>} : memref<512xf32, #tpu.memory_space<vmem>>, vector<16xf32>,
      %swap3A_2450 = arith.constant 96 : index
      %swap3A_2451 = tpu.vector_load %arg11[%swap3A_2450] {strides = array<i32>} : memref<512xf32, #tpu.memory_space<vmem>>, vector<16xf32>,
      tpu.vector_store %arg11[%swap3A_2450], %add3A_2447 {add = true, strides = array<i32>} : memref<512xf32, #tpu.memory_space<vmem>>, vector<16xf32>,
      %get3A_2452 = arith.constant 112 : index
      %get3A_2453 = tpu.vector_load %arg9[%get3A_2452] {strides = array<i32>} : memref<2048xi32, #tpu.memory_space<vmem>>, vector<16xi32>,
      %get3A_2454 = arith.constant 624 : index
      %get3A_2455 = tpu.vector_load %arg9[%get3A_2454] {strides = array<i32>} : memref<2048xi32, #tpu.memory_space<vmem>>, vector<16xi32>,
      %get3A_2456 = arith.constant 1136 : index
      %get3A_2457 = tpu.vector_load %arg9[%get3A_2456] {strides = array<i32>} : memref<2048xi32, #tpu.memory_space<vmem>>, vector<16xi32>,
      %get3A_2458 = arith.constant 1648 : index
      %get3A_2459 = tpu.vector_load %arg9[%get3A_2458] {strides = array<i32>} : memref<2048xi32, #tpu.memory_space<vmem>>, vector<16xi32>,
      %and3A_2460 = arith.constant -65536 : i32
      %and3A_2461 = vector.broadcast %and3A_2460 : i32 to vector<16xi32>
      %and3A_2462 = arith.andi %get3A_2453, %and3A_2461 : vector<16xi32>
      %bitcast3A_2463 = vector.bitcast %and3A_2462 : vector<16xi32> to vector<16xf32>
      %and3A_2464 = arith.constant -65536 : i32
      %and3A_2465 = vector.broadcast %and3A_2464 : i32 to vector<16xi32>
      %and3A_2466 = arith.andi %get3A_2455, %and3A_2465 : vector<16xi32>
      %bitcast3A_2467 = vector.bitcast %and3A_2466 : vector<16xi32> to vector<16xf32>
      %and3A_2468 = arith.constant -65536 : i32
      %and3A_2469 = vector.broadcast %and3A_2468 : i32 to vector<16xi32>
      %and3A_2470 = arith.andi %get3A_2457, %and3A_2469 : vector<16xi32>
      %bitcast3A_2471 = vector.bitcast %and3A_2470 : vector<16xi32> to vector<16xf32>
      %and3A_2472 = arith.constant -65536 : i32
      %and3A_2473 = vector.broadcast %and3A_2472 : i32 to vector<16xi32>
      %and3A_2474 = arith.andi %get3A_2459, %and3A_2473 : vector<16xi32>
      %bitcast3A_2475 = vector.bitcast %and3A_2474 : vector<16xi32> to vector<16xf32>
      %shift_left3A_2476 = arith.constant 16 : i32
      %shift_left3A_2477 = vector.broadcast %shift_left3A_2476 : i32 to vector<16xi32>
      %shift_left3A_2478 = arith.shli %get3A_2453, %shift_left3A_2477 : vector<16xi32>
      %bitcast3A_2479 = vector.bitcast %shift_left3A_2478 : vector<16xi32> to vector<16xf32>
      %shift_left3A_2480 = arith.constant 16 : i32
      %shift_left3A_2481 = vector.broadcast %shift_left3A_2480 : i32 to vector<16xi32>
      %shift_left3A_2482 = arith.shli %get3A_2455, %shift_left3A_2481 : vector<16xi32>
      %bitcast3A_2483 = vector.bitcast %shift_left3A_2482 : vector<16xi32> to vector<16xf32>
      %shift_left3A_2484 = arith.constant 16 : i32
      %shift_left3A_2485 = vector.broadcast %shift_left3A_2484 : i32 to vector<16xi32>
      %shift_left3A_2486 = arith.shli %get3A_2457, %shift_left3A_2485 : vector<16xi32>
      %bitcast3A_2487 = vector.bitcast %shift_left3A_2486 : vector<16xi32> to vector<16xf32>
      %shift_left3A_2488 = arith.constant 16 : i32
      %shift_left3A_2489 = vector.broadcast %shift_left3A_2488 : i32 to vector<16xi32>
      %shift_left3A_2490 = arith.shli %get3A_2459, %shift_left3A_2489 : vector<16xi32>
      %bitcast3A_2491 = vector.bitcast %shift_left3A_2490 : vector<16xi32> to vector<16xf32>
      %add3A_2492 = arith.addf %bitcast3A_2463, %bitcast3A_2467 : vector<16xf32>
      %add3A_2493 = arith.addf %bitcast3A_2471, %bitcast3A_2475 : vector<16xf32>
      %add3A_2494 = arith.addf %add3A_2492, %add3A_2493 : vector<16xf32>
      %add3A_2495 = arith.addf %bitcast3A_2479, %bitcast3A_2483 : vector<16xf32>
      %add3A_2496 = arith.addf %bitcast3A_2487, %bitcast3A_2491 : vector<16xf32>
      %add3A_2497 = arith.addf %add3A_2495, %add3A_2496 : vector<16xf32>
      %swap3A_2498 = arith.constant 112 : index
      %swap3A_2499 = tpu.vector_load %arg10[%swap3A_2498] {strides = array<i32>} : memref<512xf32, #tpu.memory_space<vmem>>, vector<16xf32>,
      tpu.vector_store %arg10[%swap3A_2498], %add3A_2494 {add = true, strides = array<i32>} : memref<512xf32, #tpu.memory_space<vmem>>, vector<16xf32>,
      %swap3A_2500 = arith.constant 112 : index
      %swap3A_2501 = tpu.vector_load %arg11[%swap3A_2500] {strides = array<i32>} : memref<512xf32, #tpu.memory_space<vmem>>, vector<16xf32>,
      tpu.vector_store %arg11[%swap3A_2500], %add3A_2497 {add = true, strides = array<i32>} : memref<512xf32, #tpu.memory_space<vmem>>, vector<16xf32>,
      %get3A_2502 = arith.constant 128 : index
      %get3A_2503 = tpu.vector_load %arg9[%get3A_2502] {strides = array<i32>} : memref<2048xi32, #tpu.memory_space<vmem>>, vector<16xi32>,
      %get3A_2504 = arith.constant 640 : index
      %get3A_2505 = tpu.vector_load %arg9[%get3A_2504] {strides = array<i32>} : memref<2048xi32, #tpu.memory_space<vmem>>, vector<16xi32>,
      %get3A_2506 = arith.constant 1152 : index
      %get3A_2507 = tpu.vector_load %arg9[%get3A_2506] {strides = array<i32>} : memref<2048xi32, #tpu.memory_space<vmem>>, vector<16xi32>,
      %get3A_2508 = arith.constant 1664 : index
      %get3A_2509 = tpu.vector_load %arg9[%get3A_2508] {strides = array<i32>} : memref<2048xi32, #tpu.memory_space<vmem>>, vector<16xi32>,
      %and3A_2510 = arith.constant -65536 : i32
      %and3A_2511 = vector.broadcast %and3A_2510 : i32 to vector<16xi32>
      %and3A_2512 = arith.andi %get3A_2503, %and3A_2511 : vector<16xi32>
      %bitcast3A_2513 = vector.bitcast %and3A_2512 : vector<16xi32> to vector<16xf32>
      %and3A_2514 = arith.constant -65536 : i32
      %and3A_2515 = vector.broadcast %and3A_2514 : i32 to vector<16xi32>
      %and3A_2516 = arith.andi %get3A_2505, %and3A_2515 : vector<16xi32>
      %bitcast3A_2517 = vector.bitcast %and3A_2516 : vector<16xi32> to vector<16xf32>
      %and3A_2518 = arith.constant -65536 : i32
      %and3A_2519 = vector.broadcast %and3A_2518 : i32 to vector<16xi32>
      %and3A_2520 = arith.andi %get3A_2507, %and3A_2519 : vector<16xi32>
      %bitcast3A_2521 = vector.bitcast %and3A_2520 : vector<16xi32> to vector<16xf32>
      %and3A_2522 = arith.constant -65536 : i32
      %and3A_2523 = vector.broadcast %and3A_2522 : i32 to vector<16xi32>
      %and3A_2524 = arith.andi %get3A_2509, %and3A_2523 : vector<16xi32>
      %bitcast3A_2525 = vector.bitcast %and3A_2524 : vector<16xi32> to vector<16xf32>
      %shift_left3A_2526 = arith.constant 16 : i32
      %shift_left3A_2527 = vector.broadcast %shift_left3A_2526 : i32 to vector<16xi32>
      %shift_left3A_2528 = arith.shli %get3A_2503, %shift_left3A_2527 : vector<16xi32>
      %bitcast3A_2529 = vector.bitcast %shift_left3A_2528 : vector<16xi32> to vector<16xf32>
      %shift_left3A_2530 = arith.constant 16 : i32
      %shift_left3A_2531 = vector.broadcast %shift_left3A_2530 : i32 to vector<16xi32>
      %shift_left3A_2532 = arith.shli %get3A_2505, %shift_left3A_2531 : vector<16xi32>
      %bitcast3A_2533 = vector.bitcast %shift_left3A_2532 : vector<16xi32> to vector<16xf32>
      %shift_left3A_2534 = arith.constant 16 : i32
      %shift_left3A_2535 = vector.broadcast %shift_left3A_2534 : i32 to vector<16xi32>
      %shift_left3A_2536 = arith.shli %get3A_2507, %shift_left3A_2535 : vector<16xi32>
      %bitcast3A_2537 = vector.bitcast %shift_left3A_2536 : vector<16xi32> to vector<16xf32>
      %shift_left3A_2538 = arith.constant 16 : i32
      %shift_left3A_2539 = vector.broadcast %shift_left3A_2538 : i32 to vector<16xi32>
      %shift_left3A_2540 = arith.shli %get3A_2509, %shift_left3A_2539 : vector<16xi32>
      %bitcast3A_2541 = vector.bitcast %shift_left3A_2540 : vector<16xi32> to vector<16xf32>
      %add3A_2542 = arith.addf %bitcast3A_2513, %bitcast3A_2517 : vector<16xf32>
      %add3A_2543 = arith.addf %bitcast3A_2521, %bitcast3A_2525 : vector<16xf32>
      %add3A_2544 = arith.addf %add3A_2542, %add3A_2543 : vector<16xf32>
      %add3A_2545 = arith.addf %bitcast3A_2529, %bitcast3A_2533 : vector<16xf32>
      %add3A_2546 = arith.addf %bitcast3A_2537, %bitcast3A_2541 : vector<16xf32>
      %add3A_2547 = arith.addf %add3A_2545, %add3A_2546 : vector<16xf32>
      %swap3A_2548 = arith.constant 128 : index
      %swap3A_2549 = tpu.vector_load %arg10[%swap3A_2548] {strides = array<i32>} : memref<512xf32, #tpu.memory_space<vmem>>, vector<16xf32>,
      tpu.vector_store %arg10[%swap3A_2548], %add3A_2544 {add = true, strides = array<i32>} : memref<512xf32, #tpu.memory_space<vmem>>, vector<16xf32>,
      %swap3A_2550 = arith.constant 128 : index
      %swap3A_2551 = tpu.vector_load %arg11[%swap3A_2550] {strides = array<i32>} : memref<512xf32, #tpu.memory_space<vmem>>, vector<16xf32>,
      tpu.vector_store %arg11[%swap3A_2550], %add3A_2547 {add = true, strides = array<i32>} : memref<512xf32, #tpu.memory_space<vmem>>, vector<16xf32>,
      %get3A_2552 = arith.constant 144 : index
      %get3A_2553 = tpu.vector_load %arg9[%get3A_2552] {strides = array<i32>} : memref<2048xi32, #tpu.memory_space<vmem>>, vector<16xi32>,
      %get3A_2554 = arith.constant 656 : index
      %get3A_2555 = tpu.vector_load %arg9[%get3A_2554] {strides = array<i32>} : memref<2048xi32, #tpu.memory_space<vmem>>, vector<16xi32>,
      %get3A_2556 = arith.constant 1168 : index
      %get3A_2557 = tpu.vector_load %arg9[%get3A_2556] {strides = array<i32>} : memref<2048xi32, #tpu.memory_space<vmem>>, vector<16xi32>,
      %get3A_2558 = arith.constant 1680 : index
      %get3A_2559 = tpu.vector_load %arg9[%get3A_2558] {strides = array<i32>} : memref<2048xi32, #tpu.memory_space<vmem>>, vector<16xi32>,
      %and3A_2560 = arith.constant -65536 : i32
      %and3A_2561 = vector.broadcast %and3A_2560 : i32 to vector<16xi32>
      %and3A_2562 = arith.andi %get3A_2553, %and3A_2561 : vector<16xi32>
      %bitcast3A_2563 = vector.bitcast %and3A_2562 : vector<16xi32> to vector<16xf32>
      %and3A_2564 = arith.constant -65536 : i32
      %and3A_2565 = vector.broadcast %and3A_2564 : i32 to vector<16xi32>
      %and3A_2566 = arith.andi %get3A_2555, %and3A_2565 : vector<16xi32>
      %bitcast3A_2567 = vector.bitcast %and3A_2566 : vector<16xi32> to vector<16xf32>
      %and3A_2568 = arith.constant -65536 : i32
      %and3A_2569 = vector.broadcast %and3A_2568 : i32 to vector<16xi32>
      %and3A_2570 = arith.andi %get3A_2557, %and3A_2569 : vector<16xi32>
      %bitcast3A_2571 = vector.bitcast %and3A_2570 : vector<16xi32> to vector<16xf32>
      %and3A_2572 = arith.constant -65536 : i32
      %and3A_2573 = vector.broadcast %and3A_2572 : i32 to vector<16xi32>
      %and3A_2574 = arith.andi %get3A_2559, %and3A_2573 : vector<16xi32>
      %bitcast3A_2575 = vector.bitcast %and3A_2574 : vector<16xi32> to vector<16xf32>
      %shift_left3A_2576 = arith.constant 16 : i32
      %shift_left3A_2577 = vector.broadcast %shift_left3A_2576 : i32 to vector<16xi32>
      %shift_left3A_2578 = arith.shli %get3A_2553, %shift_left3A_2577 : vector<16xi32>
      %bitcast3A_2579 = vector.bitcast %shift_left3A_2578 : vector<16xi32> to vector<16xf32>
      %shift_left3A_2580 = arith.constant 16 : i32
      %shift_left3A_2581 = vector.broadcast %shift_left3A_2580 : i32 to vector<16xi32>
      %shift_left3A_2582 = arith.shli %get3A_2555, %shift_left3A_2581 : vector<16xi32>
      %bitcast3A_2583 = vector.bitcast %shift_left3A_2582 : vector<16xi32> to vector<16xf32>
      %shift_left3A_2584 = arith.constant 16 : i32
      %shift_left3A_2585 = vector.broadcast %shift_left3A_2584 : i32 to vector<16xi32>
      %shift_left3A_2586 = arith.shli %get3A_2557, %shift_left3A_2585 : vector<16xi32>
      %bitcast3A_2587 = vector.bitcast %shift_left3A_2586 : vector<16xi32> to vector<16xf32>
      %shift_left3A_2588 = arith.constant 16 : i32
      %shift_left3A_2589 = vector.broadcast %shift_left3A_2588 : i32 to vector<16xi32>
      %shift_left3A_2590 = arith.shli %get3A_2559, %shift_left3A_2589 : vector<16xi32>
      %bitcast3A_2591 = vector.bitcast %shift_left3A_2590 : vector<16xi32> to vector<16xf32>
      %add3A_2592 = arith.addf %bitcast3A_2563, %bitcast3A_2567 : vector<16xf32>
      %add3A_2593 = arith.addf %bitcast3A_2571, %bitcast3A_2575 : vector<16xf32>
      %add3A_2594 = arith.addf %add3A_2592, %add3A_2593 : vector<16xf32>
      %add3A_2595 = arith.addf %bitcast3A_2579, %bitcast3A_2583 : vector<16xf32>
      %add3A_2596 = arith.addf %bitcast3A_2587, %bitcast3A_2591 : vector<16xf32>
      %add3A_2597 = arith.addf %add3A_2595, %add3A_2596 : vector<16xf32>
      %swap3A_2598 = arith.constant 144 : index
      %swap3A_2599 = tpu.vector_load %arg10[%swap3A_2598] {strides = array<i32>} : memref<512xf32, #tpu.memory_space<vmem>>, vector<16xf32>,
      tpu.vector_store %arg10[%swap3A_2598], %add3A_2594 {add = true, strides = array<i32>} : memref<512xf32, #tpu.memory_space<vmem>>, vector<16xf32>,
      %swap3A_2600 = arith.constant 144 : index
      %swap3A_2601 = tpu.vector_load %arg11[%swap3A_2600] {strides = array<i32>} : memref<512xf32, #tpu.memory_space<vmem>>, vector<16xf32>,
      tpu.vector_store %arg11[%swap3A_2600], %add3A_2597 {add = true, strides = array<i32>} : memref<512xf32, #tpu.memory_space<vmem>>, vector<16xf32>,
      %get3A_2602 = arith.constant 160 : index
      %get3A_2603 = tpu.vector_load %arg9[%get3A_2602] {strides = array<i32>} : memref<2048xi32, #tpu.memory_space<vmem>>, vector<16xi32>,
      %get3A_2604 = arith.constant 672 : index
      %get3A_2605 = tpu.vector_load %arg9[%get3A_2604] {strides = array<i32>} : memref<2048xi32, #tpu.memory_space<vmem>>, vector<16xi32>,
      %get3A_2606 = arith.constant 1184 : index
      %get3A_2607 = tpu.vector_load %arg9[%get3A_2606] {strides = array<i32>} : memref<2048xi32, #tpu.memory_space<vmem>>, vector<16xi32>,
      %get3A_2608 = arith.constant 1696 : index
      %get3A_2609 = tpu.vector_load %arg9[%get3A_2608] {strides = array<i32>} : memref<2048xi32, #tpu.memory_space<vmem>>, vector<16xi32>,
      %and3A_2610 = arith.constant -65536 : i32
      %and3A_2611 = vector.broadcast %and3A_2610 : i32 to vector<16xi32>
      %and3A_2612 = arith.andi %get3A_2603, %and3A_2611 : vector<16xi32>
      %bitcast3A_2613 = vector.bitcast %and3A_2612 : vector<16xi32> to vector<16xf32>
      %and3A_2614 = arith.constant -65536 : i32
      %and3A_2615 = vector.broadcast %and3A_2614 : i32 to vector<16xi32>
      %and3A_2616 = arith.andi %get3A_2605, %and3A_2615 : vector<16xi32>
      %bitcast3A_2617 = vector.bitcast %and3A_2616 : vector<16xi32> to vector<16xf32>
      %and3A_2618 = arith.constant -65536 : i32
      %and3A_2619 = vector.broadcast %and3A_2618 : i32 to vector<16xi32>
      %and3A_2620 = arith.andi %get3A_2607, %and3A_2619 : vector<16xi32>
      %bitcast3A_2621 = vector.bitcast %and3A_2620 : vector<16xi32> to vector<16xf32>
      %and3A_2622 = arith.constant -65536 : i32
      %and3A_2623 = vector.broadcast %and3A_2622 : i32 to vector<16xi32>
      %and3A_2624 = arith.andi %get3A_2609, %and3A_2623 : vector<16xi32>
      %bitcast3A_2625 = vector.bitcast %and3A_2624 : vector<16xi32> to vector<16xf32>
      %shift_left3A_2626 = arith.constant 16 : i32
      %shift_left3A_2627 = vector.broadcast %shift_left3A_2626 : i32 to vector<16xi32>
      %shift_left3A_2628 = arith.shli %get3A_2603, %shift_left3A_2627 : vector<16xi32>
      %bitcast3A_2629 = vector.bitcast %shift_left3A_2628 : vector<16xi32> to vector<16xf32>
      %shift_left3A_2630 = arith.constant 16 : i32
      %shift_left3A_2631 = vector.broadcast %shift_left3A_2630 : i32 to vector<16xi32>
      %shift_left3A_2632 = arith.shli %get3A_2605, %shift_left3A_2631 : vector<16xi32>
      %bitcast3A_2633 = vector.bitcast %shift_left3A_2632 : vector<16xi32> to vector<16xf32>
      %shift_left3A_2634 = arith.constant 16 : i32
      %shift_left3A_2635 = vector.broadcast %shift_left3A_2634 : i32 to vector<16xi32>
      %shift_left3A_2636 = arith.shli %get3A_2607, %shift_left3A_2635 : vector<16xi32>
      %bitcast3A_2637 = vector.bitcast %shift_left3A_2636 : vector<16xi32> to vector<16xf32>
      %shift_left3A_2638 = arith.constant 16 : i32
      %shift_left3A_2639 = vector.broadcast %shift_left3A_2638 : i32 to vector<16xi32>
      %shift_left3A_2640 = arith.shli %get3A_2609, %shift_left3A_2639 : vector<16xi32>
      %bitcast3A_2641 = vector.bitcast %shift_left3A_2640 : vector<16xi32> to vector<16xf32>
      %add3A_2642 = arith.addf %bitcast3A_2613, %bitcast3A_2617 : vector<16xf32>
      %add3A_2643 = arith.addf %bitcast3A_2621, %bitcast3A_2625 : vector<16xf32>
      %add3A_2644 = arith.addf %add3A_2642, %add3A_2643 : vector<16xf32>
      %add3A_2645 = arith.addf %bitcast3A_2629, %bitcast3A_2633 : vector<16xf32>
      %add3A_2646 = arith.addf %bitcast3A_2637, %bitcast3A_2641 : vector<16xf32>
      %add3A_2647 = arith.addf %add3A_2645, %add3A_2646 : vector<16xf32>
      %swap3A_2648 = arith.constant 160 : index
      %swap3A_2649 = tpu.vector_load %arg10[%swap3A_2648] {strides = array<i32>} : memref<512xf32, #tpu.memory_space<vmem>>, vector<16xf32>,
      tpu.vector_store %arg10[%swap3A_2648], %add3A_2644 {add = true, strides = array<i32>} : memref<512xf32, #tpu.memory_space<vmem>>, vector<16xf32>,
      %swap3A_2650 = arith.constant 160 : index
      %swap3A_2651 = tpu.vector_load %arg11[%swap3A_2650] {strides = array<i32>} : memref<512xf32, #tpu.memory_space<vmem>>, vector<16xf32>,
      tpu.vector_store %arg11[%swap3A_2650], %add3A_2647 {add = true, strides = array<i32>} : memref<512xf32, #tpu.memory_space<vmem>>, vector<16xf32>,
      %get3A_2652 = arith.constant 176 : index
      %get3A_2653 = tpu.vector_load %arg9[%get3A_2652] {strides = array<i32>} : memref<2048xi32, #tpu.memory_space<vmem>>, vector<16xi32>,
      %get3A_2654 = arith.constant 688 : index
      %get3A_2655 = tpu.vector_load %arg9[%get3A_2654] {strides = array<i32>} : memref<2048xi32, #tpu.memory_space<vmem>>, vector<16xi32>,
      %get3A_2656 = arith.constant 1200 : index
      %get3A_2657 = tpu.vector_load %arg9[%get3A_2656] {strides = array<i32>} : memref<2048xi32, #tpu.memory_space<vmem>>, vector<16xi32>,
      %get3A_2658 = arith.constant 1712 : index
      %get3A_2659 = tpu.vector_load %arg9[%get3A_2658] {strides = array<i32>} : memref<2048xi32, #tpu.memory_space<vmem>>, vector<16xi32>,
      %and3A_2660 = arith.constant -65536 : i32
      %and3A_2661 = vector.broadcast %and3A_2660 : i32 to vector<16xi32>
      %and3A_2662 = arith.andi %get3A_2653, %and3A_2661 : vector<16xi32>
      %bitcast3A_2663 = vector.bitcast %and3A_2662 : vector<16xi32> to vector<16xf32>
      %and3A_2664 = arith.constant -65536 : i32
      %and3A_2665 = vector.broadcast %and3A_2664 : i32 to vector<16xi32>
      %and3A_2666 = arith.andi %get3A_2655, %and3A_2665 : vector<16xi32>
      %bitcast3A_2667 = vector.bitcast %and3A_2666 : vector<16xi32> to vector<16xf32>
      %and3A_2668 = arith.constant -65536 : i32
      %and3A_2669 = vector.broadcast %and3A_2668 : i32 to vector<16xi32>
      %and3A_2670 = arith.andi %get3A_2657, %and3A_2669 : vector<16xi32>
      %bitcast3A_2671 = vector.bitcast %and3A_2670 : vector<16xi32> to vector<16xf32>
      %and3A_2672 = arith.constant -65536 : i32
      %and3A_2673 = vector.broadcast %and3A_2672 : i32 to vector<16xi32>
      %and3A_2674 = arith.andi %get3A_2659, %and3A_2673 : vector<16xi32>
      %bitcast3A_2675 = vector.bitcast %and3A_2674 : vector<16xi32> to vector<16xf32>
      %shift_left3A_2676 = arith.constant 16 : i32
      %shift_left3A_2677 = vector.broadcast %shift_left3A_2676 : i32 to vector<16xi32>
      %shift_left3A_2678 = arith.shli %get3A_2653, %shift_left3A_2677 : vector<16xi32>
      %bitcast3A_2679 = vector.bitcast %shift_left3A_2678 : vector<16xi32> to vector<16xf32>
      %shift_left3A_2680 = arith.constant 16 : i32
      %shift_left3A_2681 = vector.broadcast %shift_left3A_2680 : i32 to vector<16xi32>
      %shift_left3A_2682 = arith.shli %get3A_2655, %shift_left3A_2681 : vector<16xi32>
      %bitcast3A_2683 = vector.bitcast %shift_left3A_2682 : vector<16xi32> to vector<16xf32>
      %shift_left3A_2684 = arith.constant 16 : i32
      %shift_left3A_2685 = vector.broadcast %shift_left3A_2684 : i32 to vector<16xi32>
      %shift_left3A_2686 = arith.shli %get3A_2657, %shift_left3A_2685 : vector<16xi32>
      %bitcast3A_2687 = vector.bitcast %shift_left3A_2686 : vector<16xi32> to vector<16xf32>
      %shift_left3A_2688 = arith.constant 16 : i32
      %shift_left3A_2689 = vector.broadcast %shift_left3A_2688 : i32 to vector<16xi32>
      %shift_left3A_2690 = arith.shli %get3A_2659, %shift_left3A_2689 : vector<16xi32>
      %bitcast3A_2691 = vector.bitcast %shift_left3A_2690 : vector<16xi32> to vector<16xf32>
      %add3A_2692 = arith.addf %bitcast3A_2663, %bitcast3A_2667 : vector<16xf32>
      %add3A_2693 = arith.addf %bitcast3A_2671, %bitcast3A_2675 : vector<16xf32>
      %add3A_2694 = arith.addf %add3A_2692, %add3A_2693 : vector<16xf32>
      %add3A_2695 = arith.addf %bitcast3A_2679, %bitcast3A_2683 : vector<16xf32>
      %add3A_2696 = arith.addf %bitcast3A_2687, %bitcast3A_2691 : vector<16xf32>
      %add3A_2697 = arith.addf %add3A_2695, %add3A_2696 : vector<16xf32>
      %swap3A_2698 = arith.constant 176 : index
      %swap3A_2699 = tpu.vector_load %arg10[%swap3A_2698] {strides = array<i32>} : memref<512xf32, #tpu.memory_space<vmem>>, vector<16xf32>,
      tpu.vector_store %arg10[%swap3A_2698], %add3A_2694 {add = true, strides = array<i32>} : memref<512xf32, #tpu.memory_space<vmem>>, vector<16xf32>,
      %swap3A_2700 = arith.constant 176 : index
      %swap3A_2701 = tpu.vector_load %arg11[%swap3A_2700] {strides = array<i32>} : memref<512xf32, #tpu.memory_space<vmem>>, vector<16xf32>,
      tpu.vector_store %arg11[%swap3A_2700], %add3A_2697 {add = true, strides = array<i32>} : memref<512xf32, #tpu.memory_space<vmem>>, vector<16xf32>,
      %get3A_2702 = arith.constant 192 : index
      %get3A_2703 = tpu.vector_load %arg9[%get3A_2702] {strides = array<i32>} : memref<2048xi32, #tpu.memory_space<vmem>>, vector<16xi32>,
      %get3A_2704 = arith.constant 704 : index
      %get3A_2705 = tpu.vector_load %arg9[%get3A_2704] {strides = array<i32>} : memref<2048xi32, #tpu.memory_space<vmem>>, vector<16xi32>,
      %get3A_2706 = arith.constant 1216 : index
      %get3A_2707 = tpu.vector_load %arg9[%get3A_2706] {strides = array<i32>} : memref<2048xi32, #tpu.memory_space<vmem>>, vector<16xi32>,
      %get3A_2708 = arith.constant 1728 : index
      %get3A_2709 = tpu.vector_load %arg9[%get3A_2708] {strides = array<i32>} : memref<2048xi32, #tpu.memory_space<vmem>>, vector<16xi32>,
      %and3A_2710 = arith.constant -65536 : i32
      %and3A_2711 = vector.broadcast %and3A_2710 : i32 to vector<16xi32>
      %and3A_2712 = arith.andi %get3A_2703, %and3A_2711 : vector<16xi32>
      %bitcast3A_2713 = vector.bitcast %and3A_2712 : vector<16xi32> to vector<16xf32>
      %and3A_2714 = arith.constant -65536 : i32
      %and3A_2715 = vector.broadcast %and3A_2714 : i32 to vector<16xi32>
      %and3A_2716 = arith.andi %get3A_2705, %and3A_2715 : vector<16xi32>
      %bitcast3A_2717 = vector.bitcast %and3A_2716 : vector<16xi32> to vector<16xf32>
      %and3A_2718 = arith.constant -65536 : i32
      %and3A_2719 = vector.broadcast %and3A_2718 : i32 to vector<16xi32>
      %and3A_2720 = arith.andi %get3A_2707, %and3A_2719 : vector<16xi32>
      %bitcast3A_2721 = vector.bitcast %and3A_2720 : vector<16xi32> to vector<16xf32>
      %and3A_2722 = arith.constant -65536 : i32
      %and3A_2723 = vector.broadcast %and3A_2722 : i32 to vector<16xi32>
      %and3A_2724 = arith.andi %get3A_2709, %and3A_2723 : vector<16xi32>
      %bitcast3A_2725 = vector.bitcast %and3A_2724 : vector<16xi32> to vector<16xf32>
      %shift_left3A_2726 = arith.constant 16 : i32
      %shift_left3A_2727 = vector.broadcast %shift_left3A_2726 : i32 to vector<16xi32>
      %shift_left3A_2728 = arith.shli %get3A_2703, %shift_left3A_2727 : vector<16xi32>
      %bitcast3A_2729 = vector.bitcast %shift_left3A_2728 : vector<16xi32> to vector<16xf32>
      %shift_left3A_2730 = arith.constant 16 : i32
      %shift_left3A_2731 = vector.broadcast %shift_left3A_2730 : i32 to vector<16xi32>
      %shift_left3A_2732 = arith.shli %get3A_2705, %shift_left3A_2731 : vector<16xi32>
      %bitcast3A_2733 = vector.bitcast %shift_left3A_2732 : vector<16xi32> to vector<16xf32>
      %shift_left3A_2734 = arith.constant 16 : i32
      %shift_left3A_2735 = vector.broadcast %shift_left3A_2734 : i32 to vector<16xi32>
      %shift_left3A_2736 = arith.shli %get3A_2707, %shift_left3A_2735 : vector<16xi32>
      %bitcast3A_2737 = vector.bitcast %shift_left3A_2736 : vector<16xi32> to vector<16xf32>
      %shift_left3A_2738 = arith.constant 16 : i32
      %shift_left3A_2739 = vector.broadcast %shift_left3A_2738 : i32 to vector<16xi32>
      %shift_left3A_2740 = arith.shli %get3A_2709, %shift_left3A_2739 : vector<16xi32>
      %bitcast3A_2741 = vector.bitcast %shift_left3A_2740 : vector<16xi32> to vector<16xf32>
      %add3A_2742 = arith.addf %bitcast3A_2713, %bitcast3A_2717 : vector<16xf32>
      %add3A_2743 = arith.addf %bitcast3A_2721, %bitcast3A_2725 : vector<16xf32>
      %add3A_2744 = arith.addf %add3A_2742, %add3A_2743 : vector<16xf32>
      %add3A_2745 = arith.addf %bitcast3A_2729, %bitcast3A_2733 : vector<16xf32>
      %add3A_2746 = arith.addf %bitcast3A_2737, %bitcast3A_2741 : vector<16xf32>
      %add3A_2747 = arith.addf %add3A_2745, %add3A_2746 : vector<16xf32>
      %swap3A_2748 = arith.constant 192 : index
      %swap3A_2749 = tpu.vector_load %arg10[%swap3A_2748] {strides = array<i32>} : memref<512xf32, #tpu.memory_space<vmem>>, vector<16xf32>,
      tpu.vector_store %arg10[%swap3A_2748], %add3A_2744 {add = true, strides = array<i32>} : memref<512xf32, #tpu.memory_space<vmem>>, vector<16xf32>,
      %swap3A_2750 = arith.constant 192 : index
      %swap3A_2751 = tpu.vector_load %arg11[%swap3A_2750] {strides = array<i32>} : memref<512xf32, #tpu.memory_space<vmem>>, vector<16xf32>,
      tpu.vector_store %arg11[%swap3A_2750], %add3A_2747 {add = true, strides = array<i32>} : memref<512xf32, #tpu.memory_space<vmem>>, vector<16xf32>,
      %get3A_2752 = arith.constant 208 : index
      %get3A_2753 = tpu.vector_load %arg9[%get3A_2752] {strides = array<i32>} : memref<2048xi32, #tpu.memory_space<vmem>>, vector<16xi32>,
      %get3A_2754 = arith.constant 720 : index
      %get3A_2755 = tpu.vector_load %arg9[%get3A_2754] {strides = array<i32>} : memref<2048xi32, #tpu.memory_space<vmem>>, vector<16xi32>,
      %get3A_2756 = arith.constant 1232 : index
      %get3A_2757 = tpu.vector_load %arg9[%get3A_2756] {strides = array<i32>} : memref<2048xi32, #tpu.memory_space<vmem>>, vector<16xi32>,
      %get3A_2758 = arith.constant 1744 : index
      %get3A_2759 = tpu.vector_load %arg9[%get3A_2758] {strides = array<i32>} : memref<2048xi32, #tpu.memory_space<vmem>>, vector<16xi32>,
      %and3A_2760 = arith.constant -65536 : i32
      %and3A_2761 = vector.broadcast %and3A_2760 : i32 to vector<16xi32>
      %and3A_2762 = arith.andi %get3A_2753, %and3A_2761 : vector<16xi32>
      %bitcast3A_2763 = vector.bitcast %and3A_2762 : vector<16xi32> to vector<16xf32>
      %and3A_2764 = arith.constant -65536 : i32
      %and3A_2765 = vector.broadcast %and3A_2764 : i32 to vector<16xi32>
      %and3A_2766 = arith.andi %get3A_2755, %and3A_2765 : vector<16xi32>
      %bitcast3A_2767 = vector.bitcast %and3A_2766 : vector<16xi32> to vector<16xf32>
      %and3A_2768 = arith.constant -65536 : i32
      %and3A_2769 = vector.broadcast %and3A_2768 : i32 to vector<16xi32>
      %and3A_2770 = arith.andi %get3A_2757, %and3A_2769 : vector<16xi32>
      %bitcast3A_2771 = vector.bitcast %and3A_2770 : vector<16xi32> to vector<16xf32>
      %and3A_2772 = arith.constant -65536 : i32
      %and3A_2773 = vector.broadcast %and3A_2772 : i32 to vector<16xi32>
      %and3A_2774 = arith.andi %get3A_2759, %and3A_2773 : vector<16xi32>
      %bitcast3A_2775 = vector.bitcast %and3A_2774 : vector<16xi32> to vector<16xf32>
      %shift_left3A_2776 = arith.constant 16 : i32
      %shift_left3A_2777 = vector.broadcast %shift_left3A_2776 : i32 to vector<16xi32>
      %shift_left3A_2778 = arith.shli %get3A_2753, %shift_left3A_2777 : vector<16xi32>
      %bitcast3A_2779 = vector.bitcast %shift_left3A_2778 : vector<16xi32> to vector<16xf32>
      %shift_left3A_2780 = arith.constant 16 : i32
      %shift_left3A_2781 = vector.broadcast %shift_left3A_2780 : i32 to vector<16xi32>
      %shift_left3A_2782 = arith.shli %get3A_2755, %shift_left3A_2781 : vector<16xi32>
      %bitcast3A_2783 = vector.bitcast %shift_left3A_2782 : vector<16xi32> to vector<16xf32>
      %shift_left3A_2784 = arith.constant 16 : i32
      %shift_left3A_2785 = vector.broadcast %shift_left3A_2784 : i32 to vector<16xi32>
      %shift_left3A_2786 = arith.shli %get3A_2757, %shift_left3A_2785 : vector<16xi32>
      %bitcast3A_2787 = vector.bitcast %shift_left3A_2786 : vector<16xi32> to vector<16xf32>
      %shift_left3A_2788 = arith.constant 16 : i32
      %shift_left3A_2789 = vector.broadcast %shift_left3A_2788 : i32 to vector<16xi32>
      %shift_left3A_2790 = arith.shli %get3A_2759, %shift_left3A_2789 : vector<16xi32>
      %bitcast3A_2791 = vector.bitcast %shift_left3A_2790 : vector<16xi32> to vector<16xf32>
      %add3A_2792 = arith.addf %bitcast3A_2763, %bitcast3A_2767 : vector<16xf32>
      %add3A_2793 = arith.addf %bitcast3A_2771, %bitcast3A_2775 : vector<16xf32>
      %add3A_2794 = arith.addf %add3A_2792, %add3A_2793 : vector<16xf32>
      %add3A_2795 = arith.addf %bitcast3A_2779, %bitcast3A_2783 : vector<16xf32>
      %add3A_2796 = arith.addf %bitcast3A_2787, %bitcast3A_2791 : vector<16xf32>
      %add3A_2797 = arith.addf %add3A_2795, %add3A_2796 : vector<16xf32>
      %swap3A_2798 = arith.constant 208 : index
      %swap3A_2799 = tpu.vector_load %arg10[%swap3A_2798] {strides = array<i32>} : memref<512xf32, #tpu.memory_space<vmem>>, vector<16xf32>,
      tpu.vector_store %arg10[%swap3A_2798], %add3A_2794 {add = true, strides = array<i32>} : memref<512xf32, #tpu.memory_space<vmem>>, vector<16xf32>,
      %swap3A_2800 = arith.constant 208 : index
      %swap3A_2801 = tpu.vector_load %arg11[%swap3A_2800] {strides = array<i32>} : memref<512xf32, #tpu.memory_space<vmem>>, vector<16xf32>,
      tpu.vector_store %arg11[%swap3A_2800], %add3A_2797 {add = true, strides = array<i32>} : memref<512xf32, #tpu.memory_space<vmem>>, vector<16xf32>,
      %get3A_2802 = arith.constant 224 : index
      %get3A_2803 = tpu.vector_load %arg9[%get3A_2802] {strides = array<i32>} : memref<2048xi32, #tpu.memory_space<vmem>>, vector<16xi32>,
      %get3A_2804 = arith.constant 736 : index
      %get3A_2805 = tpu.vector_load %arg9[%get3A_2804] {strides = array<i32>} : memref<2048xi32, #tpu.memory_space<vmem>>, vector<16xi32>,
      %get3A_2806 = arith.constant 1248 : index
      %get3A_2807 = tpu.vector_load %arg9[%get3A_2806] {strides = array<i32>} : memref<2048xi32, #tpu.memory_space<vmem>>, vector<16xi32>,
      %get3A_2808 = arith.constant 1760 : index
      %get3A_2809 = tpu.vector_load %arg9[%get3A_2808] {strides = array<i32>} : memref<2048xi32, #tpu.memory_space<vmem>>, vector<16xi32>,
      %and3A_2810 = arith.constant -65536 : i32
      %and3A_2811 = vector.broadcast %and3A_2810 : i32 to vector<16xi32>
      %and3A_2812 = arith.andi %get3A_2803, %and3A_2811 : vector<16xi32>
      %bitcast3A_2813 = vector.bitcast %and3A_2812 : vector<16xi32> to vector<16xf32>
      %and3A_2814 = arith.constant -65536 : i32
      %and3A_2815 = vector.broadcast %and3A_2814 : i32 to vector<16xi32>
      %and3A_2816 = arith.andi %get3A_2805, %and3A_2815 : vector<16xi32>
      %bitcast3A_2817 = vector.bitcast %and3A_2816 : vector<16xi32> to vector<16xf32>
      %and3A_2818 = arith.constant -65536 : i32
      %and3A_2819 = vector.broadcast %and3A_2818 : i32 to vector<16xi32>
      %and3A_2820 = arith.andi %get3A_2807, %and3A_2819 : vector<16xi32>
      %bitcast3A_2821 = vector.bitcast %and3A_2820 : vector<16xi32> to vector<16xf32>
      %and3A_2822 = arith.constant -65536 : i32
      %and3A_2823 = vector.broadcast %and3A_2822 : i32 to vector<16xi32>
      %and3A_2824 = arith.andi %get3A_2809, %and3A_2823 : vector<16xi32>
      %bitcast3A_2825 = vector.bitcast %and3A_2824 : vector<16xi32> to vector<16xf32>
      %shift_left3A_2826 = arith.constant 16 : i32
      %shift_left3A_2827 = vector.broadcast %shift_left3A_2826 : i32 to vector<16xi32>
      %shift_left3A_2828 = arith.shli %get3A_2803, %shift_left3A_2827 : vector<16xi32>
      %bitcast3A_2829 = vector.bitcast %shift_left3A_2828 : vector<16xi32> to vector<16xf32>
      %shift_left3A_2830 = arith.constant 16 : i32
      %shift_left3A_2831 = vector.broadcast %shift_left3A_2830 : i32 to vector<16xi32>
      %shift_left3A_2832 = arith.shli %get3A_2805, %shift_left3A_2831 : vector<16xi32>
      %bitcast3A_2833 = vector.bitcast %shift_left3A_2832 : vector<16xi32> to vector<16xf32>
      %shift_left3A_2834 = arith.constant 16 : i32
      %shift_left3A_2835 = vector.broadcast %shift_left3A_2834 : i32 to vector<16xi32>
      %shift_left3A_2836 = arith.shli %get3A_2807, %shift_left3A_2835 : vector<16xi32>
      %bitcast3A_2837 = vector.bitcast %shift_left3A_2836 : vector<16xi32> to vector<16xf32>
      %shift_left3A_2838 = arith.constant 16 : i32
      %shift_left3A_2839 = vector.broadcast %shift_left3A_2838 : i32 to vector<16xi32>
      %shift_left3A_2840 = arith.shli %get3A_2809, %shift_left3A_2839 : vector<16xi32>
      %bitcast3A_2841 = vector.bitcast %shift_left3A_2840 : vector<16xi32> to vector<16xf32>
      %add3A_2842 = arith.addf %bitcast3A_2813, %bitcast3A_2817 : vector<16xf32>
      %add3A_2843 = arith.addf %bitcast3A_2821, %bitcast3A_2825 : vector<16xf32>
      %add3A_2844 = arith.addf %add3A_2842, %add3A_2843 : vector<16xf32>
      %add3A_2845 = arith.addf %bitcast3A_2829, %bitcast3A_2833 : vector<16xf32>
      %add3A_2846 = arith.addf %bitcast3A_2837, %bitcast3A_2841 : vector<16xf32>
      %add3A_2847 = arith.addf %add3A_2845, %add3A_2846 : vector<16xf32>
      %swap3A_2848 = arith.constant 224 : index
      %swap3A_2849 = tpu.vector_load %arg10[%swap3A_2848] {strides = array<i32>} : memref<512xf32, #tpu.memory_space<vmem>>, vector<16xf32>,
      tpu.vector_store %arg10[%swap3A_2848], %add3A_2844 {add = true, strides = array<i32>} : memref<512xf32, #tpu.memory_space<vmem>>, vector<16xf32>,
      %swap3A_2850 = arith.constant 224 : index
      %swap3A_2851 = tpu.vector_load %arg11[%swap3A_2850] {strides = array<i32>} : memref<512xf32, #tpu.memory_space<vmem>>, vector<16xf32>,
      tpu.vector_store %arg11[%swap3A_2850], %add3A_2847 {add = true, strides = array<i32>} : memref<512xf32, #tpu.memory_space<vmem>>, vector<16xf32>,
      %get3A_2852 = arith.constant 240 : index
      %get3A_2853 = tpu.vector_load %arg9[%get3A_2852] {strides = array<i32>} : memref<2048xi32, #tpu.memory_space<vmem>>, vector<16xi32>,
      %get3A_2854 = arith.constant 752 : index
      %get3A_2855 = tpu.vector_load %arg9[%get3A_2854] {strides = array<i32>} : memref<2048xi32, #tpu.memory_space<vmem>>, vector<16xi32>,
      %get3A_2856 = arith.constant 1264 : index
      %get3A_2857 = tpu.vector_load %arg9[%get3A_2856] {strides = array<i32>} : memref<2048xi32, #tpu.memory_space<vmem>>, vector<16xi32>,
      %get3A_2858 = arith.constant 1776 : index
      %get3A_2859 = tpu.vector_load %arg9[%get3A_2858] {strides = array<i32>} : memref<2048xi32, #tpu.memory_space<vmem>>, vector<16xi32>,
      %and3A_2860 = arith.constant -65536 : i32
      %and3A_2861 = vector.broadcast %and3A_2860 : i32 to vector<16xi32>
      %and3A_2862 = arith.andi %get3A_2853, %and3A_2861 : vector<16xi32>
      %bitcast3A_2863 = vector.bitcast %and3A_2862 : vector<16xi32> to vector<16xf32>
      %and3A_2864 = arith.constant -65536 : i32
      %and3A_2865 = vector.broadcast %and3A_2864 : i32 to vector<16xi32>
      %and3A_2866 = arith.andi %get3A_2855, %and3A_2865 : vector<16xi32>
      %bitcast3A_2867 = vector.bitcast %and3A_2866 : vector<16xi32> to vector<16xf32>
      %and3A_2868 = arith.constant -65536 : i32
      %and3A_2869 = vector.broadcast %and3A_2868 : i32 to vector<16xi32>
      %and3A_2870 = arith.andi %get3A_2857, %and3A_2869 : vector<16xi32>
      %bitcast3A_2871 = vector.bitcast %and3A_2870 : vector<16xi32> to vector<16xf32>
      %and3A_2872 = arith.constant -65536 : i32
      %and3A_2873 = vector.broadcast %and3A_2872 : i32 to vector<16xi32>
      %and3A_2874 = arith.andi %get3A_2859, %and3A_2873 : vector<16xi32>
      %bitcast3A_2875 = vector.bitcast %and3A_2874 : vector<16xi32> to vector<16xf32>
      %shift_left3A_2876 = arith.constant 16 : i32
      %shift_left3A_2877 = vector.broadcast %shift_left3A_2876 : i32 to vector<16xi32>
      %shift_left3A_2878 = arith.shli %get3A_2853, %shift_left3A_2877 : vector<16xi32>
      %bitcast3A_2879 = vector.bitcast %shift_left3A_2878 : vector<16xi32> to vector<16xf32>
      %shift_left3A_2880 = arith.constant 16 : i32
      %shift_left3A_2881 = vector.broadcast %shift_left3A_2880 : i32 to vector<16xi32>
      %shift_left3A_2882 = arith.shli %get3A_2855, %shift_left3A_2881 : vector<16xi32>
      %bitcast3A_2883 = vector.bitcast %shift_left3A_2882 : vector<16xi32> to vector<16xf32>
      %shift_left3A_2884 = arith.constant 16 : i32
      %shift_left3A_2885 = vector.broadcast %shift_left3A_2884 : i32 to vector<16xi32>
      %shift_left3A_2886 = arith.shli %get3A_2857, %shift_left3A_2885 : vector<16xi32>
      %bitcast3A_2887 = vector.bitcast %shift_left3A_2886 : vector<16xi32> to vector<16xf32>
      %shift_left3A_2888 = arith.constant 16 : i32
      %shift_left3A_2889 = vector.broadcast %shift_left3A_2888 : i32 to vector<16xi32>
      %shift_left3A_2890 = arith.shli %get3A_2859, %shift_left3A_2889 : vector<16xi32>
      %bitcast3A_2891 = vector.bitcast %shift_left3A_2890 : vector<16xi32> to vector<16xf32>
      %add3A_2892 = arith.addf %bitcast3A_2863, %bitcast3A_2867 : vector<16xf32>
      %add3A_2893 = arith.addf %bitcast3A_2871, %bitcast3A_2875 : vector<16xf32>
      %add3A_2894 = arith.addf %add3A_2892, %add3A_2893 : vector<16xf32>
      %add3A_2895 = arith.addf %bitcast3A_2879, %bitcast3A_2883 : vector<16xf32>
      %add3A_2896 = arith.addf %bitcast3A_2887, %bitcast3A_2891 : vector<16xf32>
      %add3A_2897 = arith.addf %add3A_2895, %add3A_2896 : vector<16xf32>
      %swap3A_2898 = arith.constant 240 : index
      %swap3A_2899 = tpu.vector_load %arg10[%swap3A_2898] {strides = array<i32>} : memref<512xf32, #tpu.memory_space<vmem>>, vector<16xf32>,
      tpu.vector_store %arg10[%swap3A_2898], %add3A_2894 {add = true, strides = array<i32>} : memref<512xf32, #tpu.memory_space<vmem>>, vector<16xf32>,
      %swap3A_2900 = arith.constant 240 : index
      %swap3A_2901 = tpu.vector_load %arg11[%swap3A_2900] {strides = array<i32>} : memref<512xf32, #tpu.memory_space<vmem>>, vector<16xf32>,
      tpu.vector_store %arg11[%swap3A_2900], %add3A_2897 {add = true, strides = array<i32>} : memref<512xf32, #tpu.memory_space<vmem>>, vector<16xf32>,
      %get3A_2902 = arith.constant 256 : index
      %get3A_2903 = tpu.vector_load %arg9[%get3A_2902] {strides = array<i32>} : memref<2048xi32, #tpu.memory_space<vmem>>, vector<16xi32>,
      %get3A_2904 = arith.constant 768 : index
      %get3A_2905 = tpu.vector_load %arg9[%get3A_2904] {strides = array<i32>} : memref<2048xi32, #tpu.memory_space<vmem>>, vector<16xi32>,
      %get3A_2906 = arith.constant 1280 : index
      %get3A_2907 = tpu.vector_load %arg9[%get3A_2906] {strides = array<i32>} : memref<2048xi32, #tpu.memory_space<vmem>>, vector<16xi32>,
      %get3A_2908 = arith.constant 1792 : index
      %get3A_2909 = tpu.vector_load %arg9[%get3A_2908] {strides = array<i32>} : memref<2048xi32, #tpu.memory_space<vmem>>, vector<16xi32>,
      %and3A_2910 = arith.constant -65536 : i32
      %and3A_2911 = vector.broadcast %and3A_2910 : i32 to vector<16xi32>
      %and3A_2912 = arith.andi %get3A_2903, %and3A_2911 : vector<16xi32>
      %bitcast3A_2913 = vector.bitcast %and3A_2912 : vector<16xi32> to vector<16xf32>
      %and3A_2914 = arith.constant -65536 : i32
      %and3A_2915 = vector.broadcast %and3A_2914 : i32 to vector<16xi32>
      %and3A_2916 = arith.andi %get3A_2905, %and3A_2915 : vector<16xi32>
      %bitcast3A_2917 = vector.bitcast %and3A_2916 : vector<16xi32> to vector<16xf32>
      %and3A_2918 = arith.constant -65536 : i32
      %and3A_2919 = vector.broadcast %and3A_2918 : i32 to vector<16xi32>
      %and3A_2920 = arith.andi %get3A_2907, %and3A_2919 : vector<16xi32>
      %bitcast3A_2921 = vector.bitcast %and3A_2920 : vector<16xi32> to vector<16xf32>
      %and3A_2922 = arith.constant -65536 : i32
      %and3A_2923 = vector.broadcast %and3A_2922 : i32 to vector<16xi32>
      %and3A_2924 = arith.andi %get3A_2909, %and3A_2923 : vector<16xi32>
      %bitcast3A_2925 = vector.bitcast %and3A_2924 : vector<16xi32> to vector<16xf32>
      %shift_left3A_2926 = arith.constant 16 : i32
      %shift_left3A_2927 = vector.broadcast %shift_left3A_2926 : i32 to vector<16xi32>
      %shift_left3A_2928 = arith.shli %get3A_2903, %shift_left3A_2927 : vector<16xi32>
      %bitcast3A_2929 = vector.bitcast %shift_left3A_2928 : vector<16xi32> to vector<16xf32>
      %shift_left3A_2930 = arith.constant 16 : i32
      %shift_left3A_2931 = vector.broadcast %shift_left3A_2930 : i32 to vector<16xi32>
      %shift_left3A_2932 = arith.shli %get3A_2905, %shift_left3A_2931 : vector<16xi32>
      %bitcast3A_2933 = vector.bitcast %shift_left3A_2932 : vector<16xi32> to vector<16xf32>
      %shift_left3A_2934 = arith.constant 16 : i32
      %shift_left3A_2935 = vector.broadcast %shift_left3A_2934 : i32 to vector<16xi32>
      %shift_left3A_2936 = arith.shli %get3A_2907, %shift_left3A_2935 : vector<16xi32>
      %bitcast3A_2937 = vector.bitcast %shift_left3A_2936 : vector<16xi32> to vector<16xf32>
      %shift_left3A_2938 = arith.constant 16 : i32
      %shift_left3A_2939 = vector.broadcast %shift_left3A_2938 : i32 to vector<16xi32>
      %shift_left3A_2940 = arith.shli %get3A_2909, %shift_left3A_2939 : vector<16xi32>
      %bitcast3A_2941 = vector.bitcast %shift_left3A_2940 : vector<16xi32> to vector<16xf32>
      %add3A_2942 = arith.addf %bitcast3A_2913, %bitcast3A_2917 : vector<16xf32>
      %add3A_2943 = arith.addf %bitcast3A_2921, %bitcast3A_2925 : vector<16xf32>
      %add3A_2944 = arith.addf %add3A_2942, %add3A_2943 : vector<16xf32>
      %add3A_2945 = arith.addf %bitcast3A_2929, %bitcast3A_2933 : vector<16xf32>
      %add3A_2946 = arith.addf %bitcast3A_2937, %bitcast3A_2941 : vector<16xf32>
      %add3A_2947 = arith.addf %add3A_2945, %add3A_2946 : vector<16xf32>
      %swap3A_2948 = arith.constant 256 : index
      %swap3A_2949 = tpu.vector_load %arg10[%swap3A_2948] {strides = array<i32>} : memref<512xf32, #tpu.memory_space<vmem>>, vector<16xf32>,
      tpu.vector_store %arg10[%swap3A_2948], %add3A_2944 {add = true, strides = array<i32>} : memref<512xf32, #tpu.memory_space<vmem>>, vector<16xf32>,
      %swap3A_2950 = arith.constant 256 : index
      %swap3A_2951 = tpu.vector_load %arg11[%swap3A_2950] {strides = array<i32>} : memref<512xf32, #tpu.memory_space<vmem>>, vector<16xf32>,
      tpu.vector_store %arg11[%swap3A_2950], %add3A_2947 {add = true, strides = array<i32>} : memref<512xf32, #tpu.memory_space<vmem>>, vector<16xf32>,
      %get3A_2952 = arith.constant 272 : index
      %get3A_2953 = tpu.vector_load %arg9[%get3A_2952] {strides = array<i32>} : memref<2048xi32, #tpu.memory_space<vmem>>, vector<16xi32>,
      %get3A_2954 = arith.constant 784 : index
      %get3A_2955 = tpu.vector_load %arg9[%get3A_2954] {strides = array<i32>} : memref<2048xi32, #tpu.memory_space<vmem>>, vector<16xi32>,
      %get3A_2956 = arith.constant 1296 : index
      %get3A_2957 = tpu.vector_load %arg9[%get3A_2956] {strides = array<i32>} : memref<2048xi32, #tpu.memory_space<vmem>>, vector<16xi32>,
      %get3A_2958 = arith.constant 1808 : index
      %get3A_2959 = tpu.vector_load %arg9[%get3A_2958] {strides = array<i32>} : memref<2048xi32, #tpu.memory_space<vmem>>, vector<16xi32>,
      %and3A_2960 = arith.constant -65536 : i32
      %and3A_2961 = vector.broadcast %and3A_2960 : i32 to vector<16xi32>
      %and3A_2962 = arith.andi %get3A_2953, %and3A_2961 : vector<16xi32>
      %bitcast3A_2963 = vector.bitcast %and3A_2962 : vector<16xi32> to vector<16xf32>
      %and3A_2964 = arith.constant -65536 : i32
      %and3A_2965 = vector.broadcast %and3A_2964 : i32 to vector<16xi32>
      %and3A_2966 = arith.andi %get3A_2955, %and3A_2965 : vector<16xi32>
      %bitcast3A_2967 = vector.bitcast %and3A_2966 : vector<16xi32> to vector<16xf32>
      %and3A_2968 = arith.constant -65536 : i32
      %and3A_2969 = vector.broadcast %and3A_2968 : i32 to vector<16xi32>
      %and3A_2970 = arith.andi %get3A_2957, %and3A_2969 : vector<16xi32>
      %bitcast3A_2971 = vector.bitcast %and3A_2970 : vector<16xi32> to vector<16xf32>
      %and3A_2972 = arith.constant -65536 : i32
      %and3A_2973 = vector.broadcast %and3A_2972 : i32 to vector<16xi32>
      %and3A_2974 = arith.andi %get3A_2959, %and3A_2973 : vector<16xi32>
      %bitcast3A_2975 = vector.bitcast %and3A_2974 : vector<16xi32> to vector<16xf32>
      %shift_left3A_2976 = arith.constant 16 : i32
      %shift_left3A_2977 = vector.broadcast %shift_left3A_2976 : i32 to vector<16xi32>
      %shift_left3A_2978 = arith.shli %get3A_2953, %shift_left3A_2977 : vector<16xi32>
      %bitcast3A_2979 = vector.bitcast %shift_left3A_2978 : vector<16xi32> to vector<16xf32>
      %shift_left3A_2980 = arith.constant 16 : i32
      %shift_left3A_2981 = vector.broadcast %shift_left3A_2980 : i32 to vector<16xi32>
      %shift_left3A_2982 = arith.shli %get3A_2955, %shift_left3A_2981 : vector<16xi32>
      %bitcast3A_2983 = vector.bitcast %shift_left3A_2982 : vector<16xi32> to vector<16xf32>
      %shift_left3A_2984 = arith.constant 16 : i32
      %shift_left3A_2985 = vector.broadcast %shift_left3A_2984 : i32 to vector<16xi32>
      %shift_left3A_2986 = arith.shli %get3A_2957, %shift_left3A_2985 : vector<16xi32>
      %bitcast3A_2987 = vector.bitcast %shift_left3A_2986 : vector<16xi32> to vector<16xf32>
      %shift_left3A_2988 = arith.constant 16 : i32
      %shift_left3A_2989 = vector.broadcast %shift_left3A_2988 : i32 to vector<16xi32>
      %shift_left3A_2990 = arith.shli %get3A_2959, %shift_left3A_2989 : vector<16xi32>
      %bitcast3A_2991 = vector.bitcast %shift_left3A_2990 : vector<16xi32> to vector<16xf32>
      %add3A_2992 = arith.addf %bitcast3A_2963, %bitcast3A_2967 : vector<16xf32>
      %add3A_2993 = arith.addf %bitcast3A_2971, %bitcast3A_2975 : vector<16xf32>
      %add3A_2994 = arith.addf %add3A_2992, %add3A_2993 : vector<16xf32>
      %add3A_2995 = arith.addf %bitcast3A_2979, %bitcast3A_2983 : vector<16xf32>
      %add3A_2996 = arith.addf %bitcast3A_2987, %bitcast3A_2991 : vector<16xf32>
      %add3A_2997 = arith.addf %add3A_2995, %add3A_2996 : vector<16xf32>
      %swap3A_2998 = arith.constant 272 : index
      %swap3A_2999 = tpu.vector_load %arg10[%swap3A_2998] {strides = array<i32>} : memref<512xf32, #tpu.memory_space<vmem>>, vector<16xf32>,
      tpu.vector_store %arg10[%swap3A_2998], %add3A_2994 {add = true, strides = array<i32>} : memref<512xf32, #tpu.memory_space<vmem>>, vector<16xf32>,
      %swap3A_3000 = arith.constant 272 : index
      %swap3A_3001 = tpu.vector_load %arg11[%swap3A_3000] {strides = array<i32>} : memref<512xf32, #tpu.memory_space<vmem>>, vector<16xf32>,
      tpu.vector_store %arg11[%swap3A_3000], %add3A_2997 {add = true, strides = array<i32>} : memref<512xf32, #tpu.memory_space<vmem>>, vector<16xf32>,
      %get3A_3002 = arith.constant 288 : index
      %get3A_3003 = tpu.vector_load %arg9[%get3A_3002] {strides = array<i32>} : memref<2048xi32, #tpu.memory_space<vmem>>, vector<16xi32>,
      %get3A_3004 = arith.constant 800 : index
      %get3A_3005 = tpu.vector_load %arg9[%get3A_3004] {strides = array<i32>} : memref<2048xi32, #tpu.memory_space<vmem>>, vector<16xi32>,
      %get3A_3006 = arith.constant 1312 : index
      %get3A_3007 = tpu.vector_load %arg9[%get3A_3006] {strides = array<i32>} : memref<2048xi32, #tpu.memory_space<vmem>>, vector<16xi32>,
      %get3A_3008 = arith.constant 1824 : index
      %get3A_3009 = tpu.vector_load %arg9[%get3A_3008] {strides = array<i32>} : memref<2048xi32, #tpu.memory_space<vmem>>, vector<16xi32>,
      %and3A_3010 = arith.constant -65536 : i32
      %and3A_3011 = vector.broadcast %and3A_3010 : i32 to vector<16xi32>
      %and3A_3012 = arith.andi %get3A_3003, %and3A_3011 : vector<16xi32>
      %bitcast3A_3013 = vector.bitcast %and3A_3012 : vector<16xi32> to vector<16xf32>
      %and3A_3014 = arith.constant -65536 : i32
      %and3A_3015 = vector.broadcast %and3A_3014 : i32 to vector<16xi32>
      %and3A_3016 = arith.andi %get3A_3005, %and3A_3015 : vector<16xi32>
      %bitcast3A_3017 = vector.bitcast %and3A_3016 : vector<16xi32> to vector<16xf32>
      %and3A_3018 = arith.constant -65536 : i32
      %and3A_3019 = vector.broadcast %and3A_3018 : i32 to vector<16xi32>
      %and3A_3020 = arith.andi %get3A_3007, %and3A_3019 : vector<16xi32>
      %bitcast3A_3021 = vector.bitcast %and3A_3020 : vector<16xi32> to vector<16xf32>
      %and3A_3022 = arith.constant -65536 : i32
      %and3A_3023 = vector.broadcast %and3A_3022 : i32 to vector<16xi32>
      %and3A_3024 = arith.andi %get3A_3009, %and3A_3023 : vector<16xi32>
      %bitcast3A_3025 = vector.bitcast %and3A_3024 : vector<16xi32> to vector<16xf32>
      %shift_left3A_3026 = arith.constant 16 : i32
      %shift_left3A_3027 = vector.broadcast %shift_left3A_3026 : i32 to vector<16xi32>
      %shift_left3A_3028 = arith.shli %get3A_3003, %shift_left3A_3027 : vector<16xi32>
      %bitcast3A_3029 = vector.bitcast %shift_left3A_3028 : vector<16xi32> to vector<16xf32>
      %shift_left3A_3030 = arith.constant 16 : i32
      %shift_left3A_3031 = vector.broadcast %shift_left3A_3030 : i32 to vector<16xi32>
      %shift_left3A_3032 = arith.shli %get3A_3005, %shift_left3A_3031 : vector<16xi32>
      %bitcast3A_3033 = vector.bitcast %shift_left3A_3032 : vector<16xi32> to vector<16xf32>
      %shift_left3A_3034 = arith.constant 16 : i32
      %shift_left3A_3035 = vector.broadcast %shift_left3A_3034 : i32 to vector<16xi32>
      %shift_left3A_3036 = arith.shli %get3A_3007, %shift_left3A_3035 : vector<16xi32>
      %bitcast3A_3037 = vector.bitcast %shift_left3A_3036 : vector<16xi32> to vector<16xf32>
      %shift_left3A_3038 = arith.constant 16 : i32
      %shift_left3A_3039 = vector.broadcast %shift_left3A_3038 : i32 to vector<16xi32>
      %shift_left3A_3040 = arith.shli %get3A_3009, %shift_left3A_3039 : vector<16xi32>
      %bitcast3A_3041 = vector.bitcast %shift_left3A_3040 : vector<16xi32> to vector<16xf32>
      %add3A_3042 = arith.addf %bitcast3A_3013, %bitcast3A_3017 : vector<16xf32>
      %add3A_3043 = arith.addf %bitcast3A_3021, %bitcast3A_3025 : vector<16xf32>
      %add3A_3044 = arith.addf %add3A_3042, %add3A_3043 : vector<16xf32>
      %add3A_3045 = arith.addf %bitcast3A_3029, %bitcast3A_3033 : vector<16xf32>
      %add3A_3046 = arith.addf %bitcast3A_3037, %bitcast3A_3041 : vector<16xf32>
      %add3A_3047 = arith.addf %add3A_3045, %add3A_3046 : vector<16xf32>
      %swap3A_3048 = arith.constant 288 : index
      %swap3A_3049 = tpu.vector_load %arg10[%swap3A_3048] {strides = array<i32>} : memref<512xf32, #tpu.memory_space<vmem>>, vector<16xf32>,
      tpu.vector_store %arg10[%swap3A_3048], %add3A_3044 {add = true, strides = array<i32>} : memref<512xf32, #tpu.memory_space<vmem>>, vector<16xf32>,
      %swap3A_3050 = arith.constant 288 : index
      %swap3A_3051 = tpu.vector_load %arg11[%swap3A_3050] {strides = array<i32>} : memref<512xf32, #tpu.memory_space<vmem>>, vector<16xf32>,
      tpu.vector_store %arg11[%swap3A_3050], %add3A_3047 {add = true, strides = array<i32>} : memref<512xf32, #tpu.memory_space<vmem>>, vector<16xf32>,
      %get3A_3052 = arith.constant 304 : index
      %get3A_3053 = tpu.vector_load %arg9[%get3A_3052] {strides = array<i32>} : memref<2048xi32, #tpu.memory_space<vmem>>, vector<16xi32>,
      %get3A_3054 = arith.constant 816 : index
      %get3A_3055 = tpu.vector_load %arg9[%get3A_3054] {strides = array<i32>} : memref<2048xi32, #tpu.memory_space<vmem>>, vector<16xi32>,
      %get3A_3056 = arith.constant 1328 : index
      %get3A_3057 = tpu.vector_load %arg9[%get3A_3056] {strides = array<i32>} : memref<2048xi32, #tpu.memory_space<vmem>>, vector<16xi32>,
      %get3A_3058 = arith.constant 1840 : index
      %get3A_3059 = tpu.vector_load %arg9[%get3A_3058] {strides = array<i32>} : memref<2048xi32, #tpu.memory_space<vmem>>, vector<16xi32>,
      %and3A_3060 = arith.constant -65536 : i32
      %and3A_3061 = vector.broadcast %and3A_3060 : i32 to vector<16xi32>
      %and3A_3062 = arith.andi %get3A_3053, %and3A_3061 : vector<16xi32>
      %bitcast3A_3063 = vector.bitcast %and3A_3062 : vector<16xi32> to vector<16xf32>
      %and3A_3064 = arith.constant -65536 : i32
      %and3A_3065 = vector.broadcast %and3A_3064 : i32 to vector<16xi32>
      %and3A_3066 = arith.andi %get3A_3055, %and3A_3065 : vector<16xi32>
      %bitcast3A_3067 = vector.bitcast %and3A_3066 : vector<16xi32> to vector<16xf32>
      %and3A_3068 = arith.constant -65536 : i32
      %and3A_3069 = vector.broadcast %and3A_3068 : i32 to vector<16xi32>
      %and3A_3070 = arith.andi %get3A_3057, %and3A_3069 : vector<16xi32>
      %bitcast3A_3071 = vector.bitcast %and3A_3070 : vector<16xi32> to vector<16xf32>
      %and3A_3072 = arith.constant -65536 : i32
      %and3A_3073 = vector.broadcast %and3A_3072 : i32 to vector<16xi32>
      %and3A_3074 = arith.andi %get3A_3059, %and3A_3073 : vector<16xi32>
      %bitcast3A_3075 = vector.bitcast %and3A_3074 : vector<16xi32> to vector<16xf32>
      %shift_left3A_3076 = arith.constant 16 : i32
      %shift_left3A_3077 = vector.broadcast %shift_left3A_3076 : i32 to vector<16xi32>
      %shift_left3A_3078 = arith.shli %get3A_3053, %shift_left3A_3077 : vector<16xi32>
      %bitcast3A_3079 = vector.bitcast %shift_left3A_3078 : vector<16xi32> to vector<16xf32>
      %shift_left3A_3080 = arith.constant 16 : i32
      %shift_left3A_3081 = vector.broadcast %shift_left3A_3080 : i32 to vector<16xi32>
      %shift_left3A_3082 = arith.shli %get3A_3055, %shift_left3A_3081 : vector<16xi32>
      %bitcast3A_3083 = vector.bitcast %shift_left3A_3082 : vector<16xi32> to vector<16xf32>
      %shift_left3A_3084 = arith.constant 16 : i32
      %shift_left3A_3085 = vector.broadcast %shift_left3A_3084 : i32 to vector<16xi32>
      %shift_left3A_3086 = arith.shli %get3A_3057, %shift_left3A_3085 : vector<16xi32>
      %bitcast3A_3087 = vector.bitcast %shift_left3A_3086 : vector<16xi32> to vector<16xf32>
      %shift_left3A_3088 = arith.constant 16 : i32
      %shift_left3A_3089 = vector.broadcast %shift_left3A_3088 : i32 to vector<16xi32>
      %shift_left3A_3090 = arith.shli %get3A_3059, %shift_left3A_3089 : vector<16xi32>
      %bitcast3A_3091 = vector.bitcast %shift_left3A_3090 : vector<16xi32> to vector<16xf32>
      %add3A_3092 = arith.addf %bitcast3A_3063, %bitcast3A_3067 : vector<16xf32>
      %add3A_3093 = arith.addf %bitcast3A_3071, %bitcast3A_3075 : vector<16xf32>
      %add3A_3094 = arith.addf %add3A_3092, %add3A_3093 : vector<16xf32>
      %add3A_3095 = arith.addf %bitcast3A_3079, %bitcast3A_3083 : vector<16xf32>
      %add3A_3096 = arith.addf %bitcast3A_3087, %bitcast3A_3091 : vector<16xf32>
      %add3A_3097 = arith.addf %add3A_3095, %add3A_3096 : vector<16xf32>
      %swap3A_3098 = arith.constant 304 : index
      %swap3A_3099 = tpu.vector_load %arg10[%swap3A_3098] {strides = array<i32>} : memref<512xf32, #tpu.memory_space<vmem>>, vector<16xf32>,
      tpu.vector_store %arg10[%swap3A_3098], %add3A_3094 {add = true, strides = array<i32>} : memref<512xf32, #tpu.memory_space<vmem>>, vector<16xf32>,
      %swap3A_3100 = arith.constant 304 : index
      %swap3A_3101 = tpu.vector_load %arg11[%swap3A_3100] {strides = array<i32>} : memref<512xf32, #tpu.memory_space<vmem>>, vector<16xf32>,
      tpu.vector_store %arg11[%swap3A_3100], %add3A_3097 {add = true, strides = array<i32>} : memref<512xf32, #tpu.memory_space<vmem>>, vector<16xf32>,
      %get3A_3102 = arith.constant 320 : index
      %get3A_3103 = tpu.vector_load %arg9[%get3A_3102] {strides = array<i32>} : memref<2048xi32, #tpu.memory_space<vmem>>, vector<16xi32>,
      %get3A_3104 = arith.constant 832 : index
      %get3A_3105 = tpu.vector_load %arg9[%get3A_3104] {strides = array<i32>} : memref<2048xi32, #tpu.memory_space<vmem>>, vector<16xi32>,
      %get3A_3106 = arith.constant 1344 : index
      %get3A_3107 = tpu.vector_load %arg9[%get3A_3106] {strides = array<i32>} : memref<2048xi32, #tpu.memory_space<vmem>>, vector<16xi32>,
      %get3A_3108 = arith.constant 1856 : index
      %get3A_3109 = tpu.vector_load %arg9[%get3A_3108] {strides = array<i32>} : memref<2048xi32, #tpu.memory_space<vmem>>, vector<16xi32>,
      %and3A_3110 = arith.constant -65536 : i32
      %and3A_3111 = vector.broadcast %and3A_3110 : i32 to vector<16xi32>
      %and3A_3112 = arith.andi %get3A_3103, %and3A_3111 : vector<16xi32>
      %bitcast3A_3113 = vector.bitcast %and3A_3112 : vector<16xi32> to vector<16xf32>
      %and3A_3114 = arith.constant -65536 : i32
      %and3A_3115 = vector.broadcast %and3A_3114 : i32 to vector<16xi32>
      %and3A_3116 = arith.andi %get3A_3105, %and3A_3115 : vector<16xi32>
      %bitcast3A_3117 = vector.bitcast %and3A_3116 : vector<16xi32> to vector<16xf32>
      %and3A_3118 = arith.constant -65536 : i32
      %and3A_3119 = vector.broadcast %and3A_3118 : i32 to vector<16xi32>
      %and3A_3120 = arith.andi %get3A_3107, %and3A_3119 : vector<16xi32>
      %bitcast3A_3121 = vector.bitcast %and3A_3120 : vector<16xi32> to vector<16xf32>
      %and3A_3122 = arith.constant -65536 : i32
      %and3A_3123 = vector.broadcast %and3A_3122 : i32 to vector<16xi32>
      %and3A_3124 = arith.andi %get3A_3109, %and3A_3123 : vector<16xi32>
      %bitcast3A_3125 = vector.bitcast %and3A_3124 : vector<16xi32> to vector<16xf32>
      %shift_left3A_3126 = arith.constant 16 : i32
      %shift_left3A_3127 = vector.broadcast %shift_left3A_3126 : i32 to vector<16xi32>
      %shift_left3A_3128 = arith.shli %get3A_3103, %shift_left3A_3127 : vector<16xi32>
      %bitcast3A_3129 = vector.bitcast %shift_left3A_3128 : vector<16xi32> to vector<16xf32>
      %shift_left3A_3130 = arith.constant 16 : i32
      %shift_left3A_3131 = vector.broadcast %shift_left3A_3130 : i32 to vector<16xi32>
      %shift_left3A_3132 = arith.shli %get3A_3105, %shift_left3A_3131 : vector<16xi32>
      %bitcast3A_3133 = vector.bitcast %shift_left3A_3132 : vector<16xi32> to vector<16xf32>
      %shift_left3A_3134 = arith.constant 16 : i32
      %shift_left3A_3135 = vector.broadcast %shift_left3A_3134 : i32 to vector<16xi32>
      %shift_left3A_3136 = arith.shli %get3A_3107, %shift_left3A_3135 : vector<16xi32>
      %bitcast3A_3137 = vector.bitcast %shift_left3A_3136 : vector<16xi32> to vector<16xf32>
      %shift_left3A_3138 = arith.constant 16 : i32
      %shift_left3A_3139 = vector.broadcast %shift_left3A_3138 : i32 to vector<16xi32>
      %shift_left3A_3140 = arith.shli %get3A_3109, %shift_left3A_3139 : vector<16xi32>
      %bitcast3A_3141 = vector.bitcast %shift_left3A_3140 : vector<16xi32> to vector<16xf32>
      %add3A_3142 = arith.addf %bitcast3A_3113, %bitcast3A_3117 : vector<16xf32>
      %add3A_3143 = arith.addf %bitcast3A_3121, %bitcast3A_3125 : vector<16xf32>
      %add3A_3144 = arith.addf %add3A_3142, %add3A_3143 : vector<16xf32>
      %add3A_3145 = arith.addf %bitcast3A_3129, %bitcast3A_3133 : vector<16xf32>
      %add3A_3146 = arith.addf %bitcast3A_3137, %bitcast3A_3141 : vector<16xf32>
      %add3A_3147 = arith.addf %add3A_3145, %add3A_3146 : vector<16xf32>
      %swap3A_3148 = arith.constant 320 : index
      %swap3A_3149 = tpu.vector_load %arg10[%swap3A_3148] {strides = array<i32>} : memref<512xf32, #tpu.memory_space<vmem>>, vector<16xf32>,
      tpu.vector_store %arg10[%swap3A_3148], %add3A_3144 {add = true, strides = array<i32>} : memref<512xf32, #tpu.memory_space<vmem>>, vector<16xf32>,
      %swap3A_3150 = arith.constant 320 : index
      %swap3A_3151 = tpu.vector_load %arg11[%swap3A_3150] {strides = array<i32>} : memref<512xf32, #tpu.memory_space<vmem>>, vector<16xf32>,
      tpu.vector_store %arg11[%swap3A_3150], %add3A_3147 {add = true, strides = array<i32>} : memref<512xf32, #tpu.memory_space<vmem>>, vector<16xf32>,
      %get3A_3152 = arith.constant 336 : index
      %get3A_3153 = tpu.vector_load %arg9[%get3A_3152] {strides = array<i32>} : memref<2048xi32, #tpu.memory_space<vmem>>, vector<16xi32>,
      %get3A_3154 = arith.constant 848 : index
      %get3A_3155 = tpu.vector_load %arg9[%get3A_3154] {strides = array<i32>} : memref<2048xi32, #tpu.memory_space<vmem>>, vector<16xi32>,
      %get3A_3156 = arith.constant 1360 : index
      %get3A_3157 = tpu.vector_load %arg9[%get3A_3156] {strides = array<i32>} : memref<2048xi32, #tpu.memory_space<vmem>>, vector<16xi32>,
      %get3A_3158 = arith.constant 1872 : index
      %get3A_3159 = tpu.vector_load %arg9[%get3A_3158] {strides = array<i32>} : memref<2048xi32, #tpu.memory_space<vmem>>, vector<16xi32>,
      %and3A_3160 = arith.constant -65536 : i32
      %and3A_3161 = vector.broadcast %and3A_3160 : i32 to vector<16xi32>
      %and3A_3162 = arith.andi %get3A_3153, %and3A_3161 : vector<16xi32>
      %bitcast3A_3163 = vector.bitcast %and3A_3162 : vector<16xi32> to vector<16xf32>
      %and3A_3164 = arith.constant -65536 : i32
      %and3A_3165 = vector.broadcast %and3A_3164 : i32 to vector<16xi32>
      %and3A_3166 = arith.andi %get3A_3155, %and3A_3165 : vector<16xi32>
      %bitcast3A_3167 = vector.bitcast %and3A_3166 : vector<16xi32> to vector<16xf32>
      %and3A_3168 = arith.constant -65536 : i32
      %and3A_3169 = vector.broadcast %and3A_3168 : i32 to vector<16xi32>
      %and3A_3170 = arith.andi %get3A_3157, %and3A_3169 : vector<16xi32>
      %bitcast3A_3171 = vector.bitcast %and3A_3170 : vector<16xi32> to vector<16xf32>
      %and3A_3172 = arith.constant -65536 : i32
      %and3A_3173 = vector.broadcast %and3A_3172 : i32 to vector<16xi32>
      %and3A_3174 = arith.andi %get3A_3159, %and3A_3173 : vector<16xi32>
      %bitcast3A_3175 = vector.bitcast %and3A_3174 : vector<16xi32> to vector<16xf32>
      %shift_left3A_3176 = arith.constant 16 : i32
      %shift_left3A_3177 = vector.broadcast %shift_left3A_3176 : i32 to vector<16xi32>
      %shift_left3A_3178 = arith.shli %get3A_3153, %shift_left3A_3177 : vector<16xi32>
      %bitcast3A_3179 = vector.bitcast %shift_left3A_3178 : vector<16xi32> to vector<16xf32>
      %shift_left3A_3180 = arith.constant 16 : i32
      %shift_left3A_3181 = vector.broadcast %shift_left3A_3180 : i32 to vector<16xi32>
      %shift_left3A_3182 = arith.shli %get3A_3155, %shift_left3A_3181 : vector<16xi32>
      %bitcast3A_3183 = vector.bitcast %shift_left3A_3182 : vector<16xi32> to vector<16xf32>
      %shift_left3A_3184 = arith.constant 16 : i32
      %shift_left3A_3185 = vector.broadcast %shift_left3A_3184 : i32 to vector<16xi32>
      %shift_left3A_3186 = arith.shli %get3A_3157, %shift_left3A_3185 : vector<16xi32>
      %bitcast3A_3187 = vector.bitcast %shift_left3A_3186 : vector<16xi32> to vector<16xf32>
      %shift_left3A_3188 = arith.constant 16 : i32
      %shift_left3A_3189 = vector.broadcast %shift_left3A_3188 : i32 to vector<16xi32>
      %shift_left3A_3190 = arith.shli %get3A_3159, %shift_left3A_3189 : vector<16xi32>
      %bitcast3A_3191 = vector.bitcast %shift_left3A_3190 : vector<16xi32> to vector<16xf32>
      %add3A_3192 = arith.addf %bitcast3A_3163, %bitcast3A_3167 : vector<16xf32>
      %add3A_3193 = arith.addf %bitcast3A_3171, %bitcast3A_3175 : vector<16xf32>
      %add3A_3194 = arith.addf %add3A_3192, %add3A_3193 : vector<16xf32>
      %add3A_3195 = arith.addf %bitcast3A_3179, %bitcast3A_3183 : vector<16xf32>
      %add3A_3196 = arith.addf %bitcast3A_3187, %bitcast3A_3191 : vector<16xf32>
      %add3A_3197 = arith.addf %add3A_3195, %add3A_3196 : vector<16xf32>
      %swap3A_3198 = arith.constant 336 : index
      %swap3A_3199 = tpu.vector_load %arg10[%swap3A_3198] {strides = array<i32>} : memref<512xf32, #tpu.memory_space<vmem>>, vector<16xf32>,
      tpu.vector_store %arg10[%swap3A_3198], %add3A_3194 {add = true, strides = array<i32>} : memref<512xf32, #tpu.memory_space<vmem>>, vector<16xf32>,
      %swap3A_3200 = arith.constant 336 : index
      %swap3A_3201 = tpu.vector_load %arg11[%swap3A_3200] {strides = array<i32>} : memref<512xf32, #tpu.memory_space<vmem>>, vector<16xf32>,
      tpu.vector_store %arg11[%swap3A_3200], %add3A_3197 {add = true, strides = array<i32>} : memref<512xf32, #tpu.memory_space<vmem>>, vector<16xf32>,
      %get3A_3202 = arith.constant 352 : index
      %get3A_3203 = tpu.vector_load %arg9[%get3A_3202] {strides = array<i32>} : memref<2048xi32, #tpu.memory_space<vmem>>, vector<16xi32>,
      %get3A_3204 = arith.constant 864 : index
      %get3A_3205 = tpu.vector_load %arg9[%get3A_3204] {strides = array<i32>} : memref<2048xi32, #tpu.memory_space<vmem>>, vector<16xi32>,
      %get3A_3206 = arith.constant 1376 : index
      %get3A_3207 = tpu.vector_load %arg9[%get3A_3206] {strides = array<i32>} : memref<2048xi32, #tpu.memory_space<vmem>>, vector<16xi32>,
      %get3A_3208 = arith.constant 1888 : index
      %get3A_3209 = tpu.vector_load %arg9[%get3A_3208] {strides = array<i32>} : memref<2048xi32, #tpu.memory_space<vmem>>, vector<16xi32>,
      %and3A_3210 = arith.constant -65536 : i32
      %and3A_3211 = vector.broadcast %and3A_3210 : i32 to vector<16xi32>
      %and3A_3212 = arith.andi %get3A_3203, %and3A_3211 : vector<16xi32>
      %bitcast3A_3213 = vector.bitcast %and3A_3212 : vector<16xi32> to vector<16xf32>
      %and3A_3214 = arith.constant -65536 : i32
      %and3A_3215 = vector.broadcast %and3A_3214 : i32 to vector<16xi32>
      %and3A_3216 = arith.andi %get3A_3205, %and3A_3215 : vector<16xi32>
      %bitcast3A_3217 = vector.bitcast %and3A_3216 : vector<16xi32> to vector<16xf32>
      %and3A_3218 = arith.constant -65536 : i32
      %and3A_3219 = vector.broadcast %and3A_3218 : i32 to vector<16xi32>
      %and3A_3220 = arith.andi %get3A_3207, %and3A_3219 : vector<16xi32>
      %bitcast3A_3221 = vector.bitcast %and3A_3220 : vector<16xi32> to vector<16xf32>
      %and3A_3222 = arith.constant -65536 : i32
      %and3A_3223 = vector.broadcast %and3A_3222 : i32 to vector<16xi32>
      %and3A_3224 = arith.andi %get3A_3209, %and3A_3223 : vector<16xi32>
      %bitcast3A_3225 = vector.bitcast %and3A_3224 : vector<16xi32> to vector<16xf32>
      %shift_left3A_3226 = arith.constant 16 : i32
      %shift_left3A_3227 = vector.broadcast %shift_left3A_3226 : i32 to vector<16xi32>
      %shift_left3A_3228 = arith.shli %get3A_3203, %shift_left3A_3227 : vector<16xi32>
      %bitcast3A_3229 = vector.bitcast %shift_left3A_3228 : vector<16xi32> to vector<16xf32>
      %shift_left3A_3230 = arith.constant 16 : i32
      %shift_left3A_3231 = vector.broadcast %shift_left3A_3230 : i32 to vector<16xi32>
      %shift_left3A_3232 = arith.shli %get3A_3205, %shift_left3A_3231 : vector<16xi32>
      %bitcast3A_3233 = vector.bitcast %shift_left3A_3232 : vector<16xi32> to vector<16xf32>
      %shift_left3A_3234 = arith.constant 16 : i32
      %shift_left3A_3235 = vector.broadcast %shift_left3A_3234 : i32 to vector<16xi32>
      %shift_left3A_3236 = arith.shli %get3A_3207, %shift_left3A_3235 : vector<16xi32>
      %bitcast3A_3237 = vector.bitcast %shift_left3A_3236 : vector<16xi32> to vector<16xf32>
      %shift_left3A_3238 = arith.constant 16 : i32
      %shift_left3A_3239 = vector.broadcast %shift_left3A_3238 : i32 to vector<16xi32>
      %shift_left3A_3240 = arith.shli %get3A_3209, %shift_left3A_3239 : vector<16xi32>
      %bitcast3A_3241 = vector.bitcast %shift_left3A_3240 : vector<16xi32> to vector<16xf32>
      %add3A_3242 = arith.addf %bitcast3A_3213, %bitcast3A_3217 : vector<16xf32>
      %add3A_3243 = arith.addf %bitcast3A_3221, %bitcast3A_3225 : vector<16xf32>
      %add3A_3244 = arith.addf %add3A_3242, %add3A_3243 : vector<16xf32>
      %add3A_3245 = arith.addf %bitcast3A_3229, %bitcast3A_3233 : vector<16xf32>
      %add3A_3246 = arith.addf %bitcast3A_3237, %bitcast3A_3241 : vector<16xf32>
      %add3A_3247 = arith.addf %add3A_3245, %add3A_3246 : vector<16xf32>
      %swap3A_3248 = arith.constant 352 : index
      %swap3A_3249 = tpu.vector_load %arg10[%swap3A_3248] {strides = array<i32>} : memref<512xf32, #tpu.memory_space<vmem>>, vector<16xf32>,
      tpu.vector_store %arg10[%swap3A_3248], %add3A_3244 {add = true, strides = array<i32>} : memref<512xf32, #tpu.memory_space<vmem>>, vector<16xf32>,
      %swap3A_3250 = arith.constant 352 : index
      %swap3A_3251 = tpu.vector_load %arg11[%swap3A_3250] {strides = array<i32>} : memref<512xf32, #tpu.memory_space<vmem>>, vector<16xf32>,
      tpu.vector_store %arg11[%swap3A_3250], %add3A_3247 {add = true, strides = array<i32>} : memref<512xf32, #tpu.memory_space<vmem>>, vector<16xf32>,
      %get3A_3252 = arith.constant 368 : index
      %get3A_3253 = tpu.vector_load %arg9[%get3A_3252] {strides = array<i32>} : memref<2048xi32, #tpu.memory_space<vmem>>, vector<16xi32>,
      %get3A_3254 = arith.constant 880 : index
      %get3A_3255 = tpu.vector_load %arg9[%get3A_3254] {strides = array<i32>} : memref<2048xi32, #tpu.memory_space<vmem>>, vector<16xi32>,
      %get3A_3256 = arith.constant 1392 : index
      %get3A_3257 = tpu.vector_load %arg9[%get3A_3256] {strides = array<i32>} : memref<2048xi32, #tpu.memory_space<vmem>>, vector<16xi32>,
      %get3A_3258 = arith.constant 1904 : index
      %get3A_3259 = tpu.vector_load %arg9[%get3A_3258] {strides = array<i32>} : memref<2048xi32, #tpu.memory_space<vmem>>, vector<16xi32>,
      %and3A_3260 = arith.constant -65536 : i32
      %and3A_3261 = vector.broadcast %and3A_3260 : i32 to vector<16xi32>
      %and3A_3262 = arith.andi %get3A_3253, %and3A_3261 : vector<16xi32>
      %bitcast3A_3263 = vector.bitcast %and3A_3262 : vector<16xi32> to vector<16xf32>
      %and3A_3264 = arith.constant -65536 : i32
      %and3A_3265 = vector.broadcast %and3A_3264 : i32 to vector<16xi32>
      %and3A_3266 = arith.andi %get3A_3255, %and3A_3265 : vector<16xi32>
      %bitcast3A_3267 = vector.bitcast %and3A_3266 : vector<16xi32> to vector<16xf32>
      %and3A_3268 = arith.constant -65536 : i32
      %and3A_3269 = vector.broadcast %and3A_3268 : i32 to vector<16xi32>
      %and3A_3270 = arith.andi %get3A_3257, %and3A_3269 : vector<16xi32>
      %bitcast3A_3271 = vector.bitcast %and3A_3270 : vector<16xi32> to vector<16xf32>
      %and3A_3272 = arith.constant -65536 : i32
      %and3A_3273 = vector.broadcast %and3A_3272 : i32 to vector<16xi32>
      %and3A_3274 = arith.andi %get3A_3259, %and3A_3273 : vector<16xi32>
      %bitcast3A_3275 = vector.bitcast %and3A_3274 : vector<16xi32> to vector<16xf32>
      %shift_left3A_3276 = arith.constant 16 : i32
      %shift_left3A_3277 = vector.broadcast %shift_left3A_3276 : i32 to vector<16xi32>
      %shift_left3A_3278 = arith.shli %get3A_3253, %shift_left3A_3277 : vector<16xi32>
      %bitcast3A_3279 = vector.bitcast %shift_left3A_3278 : vector<16xi32> to vector<16xf32>
      %shift_left3A_3280 = arith.constant 16 : i32
      %shift_left3A_3281 = vector.broadcast %shift_left3A_3280 : i32 to vector<16xi32>
      %shift_left3A_3282 = arith.shli %get3A_3255, %shift_left3A_3281 : vector<16xi32>
      %bitcast3A_3283 = vector.bitcast %shift_left3A_3282 : vector<16xi32> to vector<16xf32>
      %shift_left3A_3284 = arith.constant 16 : i32
      %shift_left3A_3285 = vector.broadcast %shift_left3A_3284 : i32 to vector<16xi32>
      %shift_left3A_3286 = arith.shli %get3A_3257, %shift_left3A_3285 : vector<16xi32>
      %bitcast3A_3287 = vector.bitcast %shift_left3A_3286 : vector<16xi32> to vector<16xf32>
      %shift_left3A_3288 = arith.constant 16 : i32
      %shift_left3A_3289 = vector.broadcast %shift_left3A_3288 : i32 to vector<16xi32>
      %shift_left3A_3290 = arith.shli %get3A_3259, %shift_left3A_3289 : vector<16xi32>
      %bitcast3A_3291 = vector.bitcast %shift_left3A_3290 : vector<16xi32> to vector<16xf32>
      %add3A_3292 = arith.addf %bitcast3A_3263, %bitcast3A_3267 : vector<16xf32>
      %add3A_3293 = arith.addf %bitcast3A_3271, %bitcast3A_3275 : vector<16xf32>
      %add3A_3294 = arith.addf %add3A_3292, %add3A_3293 : vector<16xf32>
      %add3A_3295 = arith.addf %bitcast3A_3279, %bitcast3A_3283 : vector<16xf32>
      %add3A_3296 = arith.addf %bitcast3A_3287, %bitcast3A_3291 : vector<16xf32>
      %add3A_3297 = arith.addf %add3A_3295, %add3A_3296 : vector<16xf32>
      %swap3A_3298 = arith.constant 368 : index
      %swap3A_3299 = tpu.vector_load %arg10[%swap3A_3298] {strides = array<i32>} : memref<512xf32, #tpu.memory_space<vmem>>, vector<16xf32>,
      tpu.vector_store %arg10[%swap3A_3298], %add3A_3294 {add = true, strides = array<i32>} : memref<512xf32, #tpu.memory_space<vmem>>, vector<16xf32>,
      %swap3A_3300 = arith.constant 368 : index
      %swap3A_3301 = tpu.vector_load %arg11[%swap3A_3300] {strides = array<i32>} : memref<512xf32, #tpu.memory_space<vmem>>, vector<16xf32>,
      tpu.vector_store %arg11[%swap3A_3300], %add3A_3297 {add = true, strides = array<i32>} : memref<512xf32, #tpu.memory_space<vmem>>, vector<16xf32>,
      %get3A_3302 = arith.constant 384 : index
      %get3A_3303 = tpu.vector_load %arg9[%get3A_3302] {strides = array<i32>} : memref<2048xi32, #tpu.memory_space<vmem>>, vector<16xi32>,
      %get3A_3304 = arith.constant 896 : index
      %get3A_3305 = tpu.vector_load %arg9[%get3A_3304] {strides = array<i32>} : memref<2048xi32, #tpu.memory_space<vmem>>, vector<16xi32>,
      %get3A_3306 = arith.constant 1408 : index
      %get3A_3307 = tpu.vector_load %arg9[%get3A_3306] {strides = array<i32>} : memref<2048xi32, #tpu.memory_space<vmem>>, vector<16xi32>,
      %get3A_3308 = arith.constant 1920 : index
      %get3A_3309 = tpu.vector_load %arg9[%get3A_3308] {strides = array<i32>} : memref<2048xi32, #tpu.memory_space<vmem>>, vector<16xi32>,
      %and3A_3310 = arith.constant -65536 : i32
      %and3A_3311 = vector.broadcast %and3A_3310 : i32 to vector<16xi32>
      %and3A_3312 = arith.andi %get3A_3303, %and3A_3311 : vector<16xi32>
      %bitcast3A_3313 = vector.bitcast %and3A_3312 : vector<16xi32> to vector<16xf32>
      %and3A_3314 = arith.constant -65536 : i32
      %and3A_3315 = vector.broadcast %and3A_3314 : i32 to vector<16xi32>
      %and3A_3316 = arith.andi %get3A_3305, %and3A_3315 : vector<16xi32>
      %bitcast3A_3317 = vector.bitcast %and3A_3316 : vector<16xi32> to vector<16xf32>
      %and3A_3318 = arith.constant -65536 : i32
      %and3A_3319 = vector.broadcast %and3A_3318 : i32 to vector<16xi32>
      %and3A_3320 = arith.andi %get3A_3307, %and3A_3319 : vector<16xi32>
      %bitcast3A_3321 = vector.bitcast %and3A_3320 : vector<16xi32> to vector<16xf32>
      %and3A_3322 = arith.constant -65536 : i32
      %and3A_3323 = vector.broadcast %and3A_3322 : i32 to vector<16xi32>
      %and3A_3324 = arith.andi %get3A_3309, %and3A_3323 : vector<16xi32>
      %bitcast3A_3325 = vector.bitcast %and3A_3324 : vector<16xi32> to vector<16xf32>
      %shift_left3A_3326 = arith.constant 16 : i32
      %shift_left3A_3327 = vector.broadcast %shift_left3A_3326 : i32 to vector<16xi32>
      %shift_left3A_3328 = arith.shli %get3A_3303, %shift_left3A_3327 : vector<16xi32>
      %bitcast3A_3329 = vector.bitcast %shift_left3A_3328 : vector<16xi32> to vector<16xf32>
      %shift_left3A_3330 = arith.constant 16 : i32
      %shift_left3A_3331 = vector.broadcast %shift_left3A_3330 : i32 to vector<16xi32>
      %shift_left3A_3332 = arith.shli %get3A_3305, %shift_left3A_3331 : vector<16xi32>
      %bitcast3A_3333 = vector.bitcast %shift_left3A_3332 : vector<16xi32> to vector<16xf32>
      %shift_left3A_3334 = arith.constant 16 : i32
      %shift_left3A_3335 = vector.broadcast %shift_left3A_3334 : i32 to vector<16xi32>
      %shift_left3A_3336 = arith.shli %get3A_3307, %shift_left3A_3335 : vector<16xi32>
      %bitcast3A_3337 = vector.bitcast %shift_left3A_3336 : vector<16xi32> to vector<16xf32>
      %shift_left3A_3338 = arith.constant 16 : i32
      %shift_left3A_3339 = vector.broadcast %shift_left3A_3338 : i32 to vector<16xi32>
      %shift_left3A_3340 = arith.shli %get3A_3309, %shift_left3A_3339 : vector<16xi32>
      %bitcast3A_3341 = vector.bitcast %shift_left3A_3340 : vector<16xi32> to vector<16xf32>
      %add3A_3342 = arith.addf %bitcast3A_3313, %bitcast3A_3317 : vector<16xf32>
      %add3A_3343 = arith.addf %bitcast3A_3321, %bitcast3A_3325 : vector<16xf32>
      %add3A_3344 = arith.addf %add3A_3342, %add3A_3343 : vector<16xf32>
      %add3A_3345 = arith.addf %bitcast3A_3329, %bitcast3A_3333 : vector<16xf32>
      %add3A_3346 = arith.addf %bitcast3A_3337, %bitcast3A_3341 : vector<16xf32>
      %add3A_3347 = arith.addf %add3A_3345, %add3A_3346 : vector<16xf32>
      %swap3A_3348 = arith.constant 384 : index
      %swap3A_3349 = tpu.vector_load %arg10[%swap3A_3348] {strides = array<i32>} : memref<512xf32, #tpu.memory_space<vmem>>, vector<16xf32>,
      tpu.vector_store %arg10[%swap3A_3348], %add3A_3344 {add = true, strides = array<i32>} : memref<512xf32, #tpu.memory_space<vmem>>, vector<16xf32>,
      %swap3A_3350 = arith.constant 384 : index
      %swap3A_3351 = tpu.vector_load %arg11[%swap3A_3350] {strides = array<i32>} : memref<512xf32, #tpu.memory_space<vmem>>, vector<16xf32>,
      tpu.vector_store %arg11[%swap3A_3350], %add3A_3347 {add = true, strides = array<i32>} : memref<512xf32, #tpu.memory_space<vmem>>, vector<16xf32>,
      %get3A_3352 = arith.constant 400 : index
      %get3A_3353 = tpu.vector_load %arg9[%get3A_3352] {strides = array<i32>} : memref<2048xi32, #tpu.memory_space<vmem>>, vector<16xi32>,
      %get3A_3354 = arith.constant 912 : index
      %get3A_3355 = tpu.vector_load %arg9[%get3A_3354] {strides = array<i32>} : memref<2048xi32, #tpu.memory_space<vmem>>, vector<16xi32>,
      %get3A_3356 = arith.constant 1424 : index
      %get3A_3357 = tpu.vector_load %arg9[%get3A_3356] {strides = array<i32>} : memref<2048xi32, #tpu.memory_space<vmem>>, vector<16xi32>,
      %get3A_3358 = arith.constant 1936 : index
      %get3A_3359 = tpu.vector_load %arg9[%get3A_3358] {strides = array<i32>} : memref<2048xi32, #tpu.memory_space<vmem>>, vector<16xi32>,
      %and3A_3360 = arith.constant -65536 : i32
      %and3A_3361 = vector.broadcast %and3A_3360 : i32 to vector<16xi32>
      %and3A_3362 = arith.andi %get3A_3353, %and3A_3361 : vector<16xi32>
      %bitcast3A_3363 = vector.bitcast %and3A_3362 : vector<16xi32> to vector<16xf32>
      %and3A_3364 = arith.constant -65536 : i32
      %and3A_3365 = vector.broadcast %and3A_3364 : i32 to vector<16xi32>
      %and3A_3366 = arith.andi %get3A_3355, %and3A_3365 : vector<16xi32>
      %bitcast3A_3367 = vector.bitcast %and3A_3366 : vector<16xi32> to vector<16xf32>
      %and3A_3368 = arith.constant -65536 : i32
      %and3A_3369 = vector.broadcast %and3A_3368 : i32 to vector<16xi32>
      %and3A_3370 = arith.andi %get3A_3357, %and3A_3369 : vector<16xi32>
      %bitcast3A_3371 = vector.bitcast %and3A_3370 : vector<16xi32> to vector<16xf32>
      %and3A_3372 = arith.constant -65536 : i32
      %and3A_3373 = vector.broadcast %and3A_3372 : i32 to vector<16xi32>
      %and3A_3374 = arith.andi %get3A_3359, %and3A_3373 : vector<16xi32>
      %bitcast3A_3375 = vector.bitcast %and3A_3374 : vector<16xi32> to vector<16xf32>
      %shift_left3A_3376 = arith.constant 16 : i32
      %shift_left3A_3377 = vector.broadcast %shift_left3A_3376 : i32 to vector<16xi32>
      %shift_left3A_3378 = arith.shli %get3A_3353, %shift_left3A_3377 : vector<16xi32>
      %bitcast3A_3379 = vector.bitcast %shift_left3A_3378 : vector<16xi32> to vector<16xf32>
      %shift_left3A_3380 = arith.constant 16 : i32
      %shift_left3A_3381 = vector.broadcast %shift_left3A_3380 : i32 to vector<16xi32>
      %shift_left3A_3382 = arith.shli %get3A_3355, %shift_left3A_3381 : vector<16xi32>
      %bitcast3A_3383 = vector.bitcast %shift_left3A_3382 : vector<16xi32> to vector<16xf32>
      %shift_left3A_3384 = arith.constant 16 : i32
      %shift_left3A_3385 = vector.broadcast %shift_left3A_3384 : i32 to vector<16xi32>
      %shift_left3A_3386 = arith.shli %get3A_3357, %shift_left3A_3385 : vector<16xi32>
      %bitcast3A_3387 = vector.bitcast %shift_left3A_3386 : vector<16xi32> to vector<16xf32>
      %shift_left3A_3388 = arith.constant 16 : i32
      %shift_left3A_3389 = vector.broadcast %shift_left3A_3388 : i32 to vector<16xi32>
      %shift_left3A_3390 = arith.shli %get3A_3359, %shift_left3A_3389 : vector<16xi32>
      %bitcast3A_3391 = vector.bitcast %shift_left3A_3390 : vector<16xi32> to vector<16xf32>
      %add3A_3392 = arith.addf %bitcast3A_3363, %bitcast3A_3367 : vector<16xf32>
      %add3A_3393 = arith.addf %bitcast3A_3371, %bitcast3A_3375 : vector<16xf32>
      %add3A_3394 = arith.addf %add3A_3392, %add3A_3393 : vector<16xf32>
      %add3A_3395 = arith.addf %bitcast3A_3379, %bitcast3A_3383 : vector<16xf32>
      %add3A_3396 = arith.addf %bitcast3A_3387, %bitcast3A_3391 : vector<16xf32>
      %add3A_3397 = arith.addf %add3A_3395, %add3A_3396 : vector<16xf32>
      %swap3A_3398 = arith.constant 400 : index
      %swap3A_3399 = tpu.vector_load %arg10[%swap3A_3398] {strides = array<i32>} : memref<512xf32, #tpu.memory_space<vmem>>, vector<16xf32>,
      tpu.vector_store %arg10[%swap3A_3398], %add3A_3394 {add = true, strides = array<i32>} : memref<512xf32, #tpu.memory_space<vmem>>, vector<16xf32>,
      %swap3A_3400 = arith.constant 400 : index
      %swap3A_3401 = tpu.vector_load %arg11[%swap3A_3400] {strides = array<i32>} : memref<512xf32, #tpu.memory_space<vmem>>, vector<16xf32>,
      tpu.vector_store %arg11[%swap3A_3400], %add3A_3397 {add = true, strides = array<i32>} : memref<512xf32, #tpu.memory_space<vmem>>, vector<16xf32>,
      %get3A_3402 = arith.constant 416 : index
      %get3A_3403 = tpu.vector_load %arg9[%get3A_3402] {strides = array<i32>} : memref<2048xi32, #tpu.memory_space<vmem>>, vector<16xi32>,
      %get3A_3404 = arith.constant 928 : index
      %get3A_3405 = tpu.vector_load %arg9[%get3A_3404] {strides = array<i32>} : memref<2048xi32, #tpu.memory_space<vmem>>, vector<16xi32>,
      %get3A_3406 = arith.constant 1440 : index
      %get3A_3407 = tpu.vector_load %arg9[%get3A_3406] {strides = array<i32>} : memref<2048xi32, #tpu.memory_space<vmem>>, vector<16xi32>,
      %get3A_3408 = arith.constant 1952 : index
      %get3A_3409 = tpu.vector_load %arg9[%get3A_3408] {strides = array<i32>} : memref<2048xi32, #tpu.memory_space<vmem>>, vector<16xi32>,
      %and3A_3410 = arith.constant -65536 : i32
      %and3A_3411 = vector.broadcast %and3A_3410 : i32 to vector<16xi32>
      %and3A_3412 = arith.andi %get3A_3403, %and3A_3411 : vector<16xi32>
      %bitcast3A_3413 = vector.bitcast %and3A_3412 : vector<16xi32> to vector<16xf32>
      %and3A_3414 = arith.constant -65536 : i32
      %and3A_3415 = vector.broadcast %and3A_3414 : i32 to vector<16xi32>
      %and3A_3416 = arith.andi %get3A_3405, %and3A_3415 : vector<16xi32>
      %bitcast3A_3417 = vector.bitcast %and3A_3416 : vector<16xi32> to vector<16xf32>
      %and3A_3418 = arith.constant -65536 : i32
      %and3A_3419 = vector.broadcast %and3A_3418 : i32 to vector<16xi32>
      %and3A_3420 = arith.andi %get3A_3407, %and3A_3419 : vector<16xi32>
      %bitcast3A_3421 = vector.bitcast %and3A_3420 : vector<16xi32> to vector<16xf32>
      %and3A_3422 = arith.constant -65536 : i32
      %and3A_3423 = vector.broadcast %and3A_3422 : i32 to vector<16xi32>
      %and3A_3424 = arith.andi %get3A_3409, %and3A_3423 : vector<16xi32>
      %bitcast3A_3425 = vector.bitcast %and3A_3424 : vector<16xi32> to vector<16xf32>
      %shift_left3A_3426 = arith.constant 16 : i32
      %shift_left3A_3427 = vector.broadcast %shift_left3A_3426 : i32 to vector<16xi32>
      %shift_left3A_3428 = arith.shli %get3A_3403, %shift_left3A_3427 : vector<16xi32>
      %bitcast3A_3429 = vector.bitcast %shift_left3A_3428 : vector<16xi32> to vector<16xf32>
      %shift_left3A_3430 = arith.constant 16 : i32
      %shift_left3A_3431 = vector.broadcast %shift_left3A_3430 : i32 to vector<16xi32>
      %shift_left3A_3432 = arith.shli %get3A_3405, %shift_left3A_3431 : vector<16xi32>
      %bitcast3A_3433 = vector.bitcast %shift_left3A_3432 : vector<16xi32> to vector<16xf32>
      %shift_left3A_3434 = arith.constant 16 : i32
      %shift_left3A_3435 = vector.broadcast %shift_left3A_3434 : i32 to vector<16xi32>
      %shift_left3A_3436 = arith.shli %get3A_3407, %shift_left3A_3435 : vector<16xi32>
      %bitcast3A_3437 = vector.bitcast %shift_left3A_3436 : vector<16xi32> to vector<16xf32>
      %shift_left3A_3438 = arith.constant 16 : i32
      %shift_left3A_3439 = vector.broadcast %shift_left3A_3438 : i32 to vector<16xi32>
      %shift_left3A_3440 = arith.shli %get3A_3409, %shift_left3A_3439 : vector<16xi32>
      %bitcast3A_3441 = vector.bitcast %shift_left3A_3440 : vector<16xi32> to vector<16xf32>
      %add3A_3442 = arith.addf %bitcast3A_3413, %bitcast3A_3417 : vector<16xf32>
      %add3A_3443 = arith.addf %bitcast3A_3421, %bitcast3A_3425 : vector<16xf32>
      %add3A_3444 = arith.addf %add3A_3442, %add3A_3443 : vector<16xf32>
      %add3A_3445 = arith.addf %bitcast3A_3429, %bitcast3A_3433 : vector<16xf32>
      %add3A_3446 = arith.addf %bitcast3A_3437, %bitcast3A_3441 : vector<16xf32>
      %add3A_3447 = arith.addf %add3A_3445, %add3A_3446 : vector<16xf32>
      %swap3A_3448 = arith.constant 416 : index
      %swap3A_3449 = tpu.vector_load %arg10[%swap3A_3448] {strides = array<i32>} : memref<512xf32, #tpu.memory_space<vmem>>, vector<16xf32>,
      tpu.vector_store %arg10[%swap3A_3448], %add3A_3444 {add = true, strides = array<i32>} : memref<512xf32, #tpu.memory_space<vmem>>, vector<16xf32>,
      %swap3A_3450 = arith.constant 416 : index
      %swap3A_3451 = tpu.vector_load %arg11[%swap3A_3450] {strides = array<i32>} : memref<512xf32, #tpu.memory_space<vmem>>, vector<16xf32>,
      tpu.vector_store %arg11[%swap3A_3450], %add3A_3447 {add = true, strides = array<i32>} : memref<512xf32, #tpu.memory_space<vmem>>, vector<16xf32>,
      %get3A_3452 = arith.constant 432 : index
      %get3A_3453 = tpu.vector_load %arg9[%get3A_3452] {strides = array<i32>} : memref<2048xi32, #tpu.memory_space<vmem>>, vector<16xi32>,
      %get3A_3454 = arith.constant 944 : index
      %get3A_3455 = tpu.vector_load %arg9[%get3A_3454] {strides = array<i32>} : memref<2048xi32, #tpu.memory_space<vmem>>, vector<16xi32>,
      %get3A_3456 = arith.constant 1456 : index
      %get3A_3457 = tpu.vector_load %arg9[%get3A_3456] {strides = array<i32>} : memref<2048xi32, #tpu.memory_space<vmem>>, vector<16xi32>,
      %get3A_3458 = arith.constant 1968 : index
      %get3A_3459 = tpu.vector_load %arg9[%get3A_3458] {strides = array<i32>} : memref<2048xi32, #tpu.memory_space<vmem>>, vector<16xi32>,
      %and3A_3460 = arith.constant -65536 : i32
      %and3A_3461 = vector.broadcast %and3A_3460 : i32 to vector<16xi32>
      %and3A_3462 = arith.andi %get3A_3453, %and3A_3461 : vector<16xi32>
      %bitcast3A_3463 = vector.bitcast %and3A_3462 : vector<16xi32> to vector<16xf32>
      %and3A_3464 = arith.constant -65536 : i32
      %and3A_3465 = vector.broadcast %and3A_3464 : i32 to vector<16xi32>
      %and3A_3466 = arith.andi %get3A_3455, %and3A_3465 : vector<16xi32>
      %bitcast3A_3467 = vector.bitcast %and3A_3466 : vector<16xi32> to vector<16xf32>
      %and3A_3468 = arith.constant -65536 : i32
      %and3A_3469 = vector.broadcast %and3A_3468 : i32 to vector<16xi32>
      %and3A_3470 = arith.andi %get3A_3457, %and3A_3469 : vector<16xi32>
      %bitcast3A_3471 = vector.bitcast %and3A_3470 : vector<16xi32> to vector<16xf32>
      %and3A_3472 = arith.constant -65536 : i32
      %and3A_3473 = vector.broadcast %and3A_3472 : i32 to vector<16xi32>
      %and3A_3474 = arith.andi %get3A_3459, %and3A_3473 : vector<16xi32>
      %bitcast3A_3475 = vector.bitcast %and3A_3474 : vector<16xi32> to vector<16xf32>
      %shift_left3A_3476 = arith.constant 16 : i32
      %shift_left3A_3477 = vector.broadcast %shift_left3A_3476 : i32 to vector<16xi32>
      %shift_left3A_3478 = arith.shli %get3A_3453, %shift_left3A_3477 : vector<16xi32>
      %bitcast3A_3479 = vector.bitcast %shift_left3A_3478 : vector<16xi32> to vector<16xf32>
      %shift_left3A_3480 = arith.constant 16 : i32
      %shift_left3A_3481 = vector.broadcast %shift_left3A_3480 : i32 to vector<16xi32>
      %shift_left3A_3482 = arith.shli %get3A_3455, %shift_left3A_3481 : vector<16xi32>
      %bitcast3A_3483 = vector.bitcast %shift_left3A_3482 : vector<16xi32> to vector<16xf32>
      %shift_left3A_3484 = arith.constant 16 : i32
      %shift_left3A_3485 = vector.broadcast %shift_left3A_3484 : i32 to vector<16xi32>
      %shift_left3A_3486 = arith.shli %get3A_3457, %shift_left3A_3485 : vector<16xi32>
      %bitcast3A_3487 = vector.bitcast %shift_left3A_3486 : vector<16xi32> to vector<16xf32>
      %shift_left3A_3488 = arith.constant 16 : i32
      %shift_left3A_3489 = vector.broadcast %shift_left3A_3488 : i32 to vector<16xi32>
      %shift_left3A_3490 = arith.shli %get3A_3459, %shift_left3A_3489 : vector<16xi32>
      %bitcast3A_3491 = vector.bitcast %shift_left3A_3490 : vector<16xi32> to vector<16xf32>
      %add3A_3492 = arith.addf %bitcast3A_3463, %bitcast3A_3467 : vector<16xf32>
      %add3A_3493 = arith.addf %bitcast3A_3471, %bitcast3A_3475 : vector<16xf32>
      %add3A_3494 = arith.addf %add3A_3492, %add3A_3493 : vector<16xf32>
      %add3A_3495 = arith.addf %bitcast3A_3479, %bitcast3A_3483 : vector<16xf32>
      %add3A_3496 = arith.addf %bitcast3A_3487, %bitcast3A_3491 : vector<16xf32>
      %add3A_3497 = arith.addf %add3A_3495, %add3A_3496 : vector<16xf32>
      %swap3A_3498 = arith.constant 432 : index
      %swap3A_3499 = tpu.vector_load %arg10[%swap3A_3498] {strides = array<i32>} : memref<512xf32, #tpu.memory_space<vmem>>, vector<16xf32>,
      tpu.vector_store %arg10[%swap3A_3498], %add3A_3494 {add = true, strides = array<i32>} : memref<512xf32, #tpu.memory_space<vmem>>, vector<16xf32>,
      %swap3A_3500 = arith.constant 432 : index
      %swap3A_3501 = tpu.vector_load %arg11[%swap3A_3500] {strides = array<i32>} : memref<512xf32, #tpu.memory_space<vmem>>, vector<16xf32>,
      tpu.vector_store %arg11[%swap3A_3500], %add3A_3497 {add = true, strides = array<i32>} : memref<512xf32, #tpu.memory_space<vmem>>, vector<16xf32>,
      %get3A_3502 = arith.constant 448 : index
      %get3A_3503 = tpu.vector_load %arg9[%get3A_3502] {strides = array<i32>} : memref<2048xi32, #tpu.memory_space<vmem>>, vector<16xi32>,
      %get3A_3504 = arith.constant 960 : index
      %get3A_3505 = tpu.vector_load %arg9[%get3A_3504] {strides = array<i32>} : memref<2048xi32, #tpu.memory_space<vmem>>, vector<16xi32>,
      %get3A_3506 = arith.constant 1472 : index
      %get3A_3507 = tpu.vector_load %arg9[%get3A_3506] {strides = array<i32>} : memref<2048xi32, #tpu.memory_space<vmem>>, vector<16xi32>,
      %get3A_3508 = arith.constant 1984 : index
      %get3A_3509 = tpu.vector_load %arg9[%get3A_3508] {strides = array<i32>} : memref<2048xi32, #tpu.memory_space<vmem>>, vector<16xi32>,
      %and3A_3510 = arith.constant -65536 : i32
      %and3A_3511 = vector.broadcast %and3A_3510 : i32 to vector<16xi32>
      %and3A_3512 = arith.andi %get3A_3503, %and3A_3511 : vector<16xi32>
      %bitcast3A_3513 = vector.bitcast %and3A_3512 : vector<16xi32> to vector<16xf32>
      %and3A_3514 = arith.constant -65536 : i32
      %and3A_3515 = vector.broadcast %and3A_3514 : i32 to vector<16xi32>
      %and3A_3516 = arith.andi %get3A_3505, %and3A_3515 : vector<16xi32>
      %bitcast3A_3517 = vector.bitcast %and3A_3516 : vector<16xi32> to vector<16xf32>
      %and3A_3518 = arith.constant -65536 : i32
      %and3A_3519 = vector.broadcast %and3A_3518 : i32 to vector<16xi32>
      %and3A_3520 = arith.andi %get3A_3507, %and3A_3519 : vector<16xi32>
      %bitcast3A_3521 = vector.bitcast %and3A_3520 : vector<16xi32> to vector<16xf32>
      %and3A_3522 = arith.constant -65536 : i32
      %and3A_3523 = vector.broadcast %and3A_3522 : i32 to vector<16xi32>
      %and3A_3524 = arith.andi %get3A_3509, %and3A_3523 : vector<16xi32>
      %bitcast3A_3525 = vector.bitcast %and3A_3524 : vector<16xi32> to vector<16xf32>
      %shift_left3A_3526 = arith.constant 16 : i32
      %shift_left3A_3527 = vector.broadcast %shift_left3A_3526 : i32 to vector<16xi32>
      %shift_left3A_3528 = arith.shli %get3A_3503, %shift_left3A_3527 : vector<16xi32>
      %bitcast3A_3529 = vector.bitcast %shift_left3A_3528 : vector<16xi32> to vector<16xf32>
      %shift_left3A_3530 = arith.constant 16 : i32
      %shift_left3A_3531 = vector.broadcast %shift_left3A_3530 : i32 to vector<16xi32>
      %shift_left3A_3532 = arith.shli %get3A_3505, %shift_left3A_3531 : vector<16xi32>
      %bitcast3A_3533 = vector.bitcast %shift_left3A_3532 : vector<16xi32> to vector<16xf32>
      %shift_left3A_3534 = arith.constant 16 : i32
      %shift_left3A_3535 = vector.broadcast %shift_left3A_3534 : i32 to vector<16xi32>
      %shift_left3A_3536 = arith.shli %get3A_3507, %shift_left3A_3535 : vector<16xi32>
      %bitcast3A_3537 = vector.bitcast %shift_left3A_3536 : vector<16xi32> to vector<16xf32>
      %shift_left3A_3538 = arith.constant 16 : i32
      %shift_left3A_3539 = vector.broadcast %shift_left3A_3538 : i32 to vector<16xi32>
      %shift_left3A_3540 = arith.shli %get3A_3509, %shift_left3A_3539 : vector<16xi32>
      %bitcast3A_3541 = vector.bitcast %shift_left3A_3540 : vector<16xi32> to vector<16xf32>
      %add3A_3542 = arith.addf %bitcast3A_3513, %bitcast3A_3517 : vector<16xf32>
      %add3A_3543 = arith.addf %bitcast3A_3521, %bitcast3A_3525 : vector<16xf32>
      %add3A_3544 = arith.addf %add3A_3542, %add3A_3543 : vector<16xf32>
      %add3A_3545 = arith.addf %bitcast3A_3529, %bitcast3A_3533 : vector<16xf32>
      %add3A_3546 = arith.addf %bitcast3A_3537, %bitcast3A_3541 : vector<16xf32>
      %add3A_3547 = arith.addf %add3A_3545, %add3A_3546 : vector<16xf32>
      %swap3A_3548 = arith.constant 448 : index
      %swap3A_3549 = tpu.vector_load %arg10[%swap3A_3548] {strides = array<i32>} : memref<512xf32, #tpu.memory_space<vmem>>, vector<16xf32>,
      tpu.vector_store %arg10[%swap3A_3548], %add3A_3544 {add = true, strides = array<i32>} : memref<512xf32, #tpu.memory_space<vmem>>, vector<16xf32>,
      %swap3A_3550 = arith.constant 448 : index
      %swap3A_3551 = tpu.vector_load %arg11[%swap3A_3550] {strides = array<i32>} : memref<512xf32, #tpu.memory_space<vmem>>, vector<16xf32>,
      tpu.vector_store %arg11[%swap3A_3550], %add3A_3547 {add = true, strides = array<i32>} : memref<512xf32, #tpu.memory_space<vmem>>, vector<16xf32>,
      %get3A_3552 = arith.constant 464 : index
      %get3A_3553 = tpu.vector_load %arg9[%get3A_3552] {strides = array<i32>} : memref<2048xi32, #tpu.memory_space<vmem>>, vector<16xi32>,
      %get3A_3554 = arith.constant 976 : index
      %get3A_3555 = tpu.vector_load %arg9[%get3A_3554] {strides = array<i32>} : memref<2048xi32, #tpu.memory_space<vmem>>, vector<16xi32>,
      %get3A_3556 = arith.constant 1488 : index
      %get3A_3557 = tpu.vector_load %arg9[%get3A_3556] {strides = array<i32>} : memref<2048xi32, #tpu.memory_space<vmem>>, vector<16xi32>,
      %get3A_3558 = arith.constant 2000 : index
      %get3A_3559 = tpu.vector_load %arg9[%get3A_3558] {strides = array<i32>} : memref<2048xi32, #tpu.memory_space<vmem>>, vector<16xi32>,
      %and3A_3560 = arith.constant -65536 : i32
      %and3A_3561 = vector.broadcast %and3A_3560 : i32 to vector<16xi32>
      %and3A_3562 = arith.andi %get3A_3553, %and3A_3561 : vector<16xi32>
      %bitcast3A_3563 = vector.bitcast %and3A_3562 : vector<16xi32> to vector<16xf32>
      %and3A_3564 = arith.constant -65536 : i32
      %and3A_3565 = vector.broadcast %and3A_3564 : i32 to vector<16xi32>
      %and3A_3566 = arith.andi %get3A_3555, %and3A_3565 : vector<16xi32>
      %bitcast3A_3567 = vector.bitcast %and3A_3566 : vector<16xi32> to vector<16xf32>
      %and3A_3568 = arith.constant -65536 : i32
      %and3A_3569 = vector.broadcast %and3A_3568 : i32 to vector<16xi32>
      %and3A_3570 = arith.andi %get3A_3557, %and3A_3569 : vector<16xi32>
      %bitcast3A_3571 = vector.bitcast %and3A_3570 : vector<16xi32> to vector<16xf32>
      %and3A_3572 = arith.constant -65536 : i32
      %and3A_3573 = vector.broadcast %and3A_3572 : i32 to vector<16xi32>
      %and3A_3574 = arith.andi %get3A_3559, %and3A_3573 : vector<16xi32>
      %bitcast3A_3575 = vector.bitcast %and3A_3574 : vector<16xi32> to vector<16xf32>
      %shift_left3A_3576 = arith.constant 16 : i32
      %shift_left3A_3577 = vector.broadcast %shift_left3A_3576 : i32 to vector<16xi32>
      %shift_left3A_3578 = arith.shli %get3A_3553, %shift_left3A_3577 : vector<16xi32>
      %bitcast3A_3579 = vector.bitcast %shift_left3A_3578 : vector<16xi32> to vector<16xf32>
      %shift_left3A_3580 = arith.constant 16 : i32
      %shift_left3A_3581 = vector.broadcast %shift_left3A_3580 : i32 to vector<16xi32>
      %shift_left3A_3582 = arith.shli %get3A_3555, %shift_left3A_3581 : vector<16xi32>
      %bitcast3A_3583 = vector.bitcast %shift_left3A_3582 : vector<16xi32> to vector<16xf32>
      %shift_left3A_3584 = arith.constant 16 : i32
      %shift_left3A_3585 = vector.broadcast %shift_left3A_3584 : i32 to vector<16xi32>
      %shift_left3A_3586 = arith.shli %get3A_3557, %shift_left3A_3585 : vector<16xi32>
      %bitcast3A_3587 = vector.bitcast %shift_left3A_3586 : vector<16xi32> to vector<16xf32>
      %shift_left3A_3588 = arith.constant 16 : i32
      %shift_left3A_3589 = vector.broadcast %shift_left3A_3588 : i32 to vector<16xi32>
      %shift_left3A_3590 = arith.shli %get3A_3559, %shift_left3A_3589 : vector<16xi32>
      %bitcast3A_3591 = vector.bitcast %shift_left3A_3590 : vector<16xi32> to vector<16xf32>
      %add3A_3592 = arith.addf %bitcast3A_3563, %bitcast3A_3567 : vector<16xf32>
      %add3A_3593 = arith.addf %bitcast3A_3571, %bitcast3A_3575 : vector<16xf32>
      %add3A_3594 = arith.addf %add3A_3592, %add3A_3593 : vector<16xf32>
      %add3A_3595 = arith.addf %bitcast3A_3579, %bitcast3A_3583 : vector<16xf32>
      %add3A_3596 = arith.addf %bitcast3A_3587, %bitcast3A_3591 : vector<16xf32>
      %add3A_3597 = arith.addf %add3A_3595, %add3A_3596 : vector<16xf32>
      %swap3A_3598 = arith.constant 464 : index
      %swap3A_3599 = tpu.vector_load %arg10[%swap3A_3598] {strides = array<i32>} : memref<512xf32, #tpu.memory_space<vmem>>, vector<16xf32>,
      tpu.vector_store %arg10[%swap3A_3598], %add3A_3594 {add = true, strides = array<i32>} : memref<512xf32, #tpu.memory_space<vmem>>, vector<16xf32>,
      %swap3A_3600 = arith.constant 464 : index
      %swap3A_3601 = tpu.vector_load %arg11[%swap3A_3600] {strides = array<i32>} : memref<512xf32, #tpu.memory_space<vmem>>, vector<16xf32>,
      tpu.vector_store %arg11[%swap3A_3600], %add3A_3597 {add = true, strides = array<i32>} : memref<512xf32, #tpu.memory_space<vmem>>, vector<16xf32>,
      %get3A_3602 = arith.constant 480 : index
      %get3A_3603 = tpu.vector_load %arg9[%get3A_3602] {strides = array<i32>} : memref<2048xi32, #tpu.memory_space<vmem>>, vector<16xi32>,
      %get3A_3604 = arith.constant 992 : index
      %get3A_3605 = tpu.vector_load %arg9[%get3A_3604] {strides = array<i32>} : memref<2048xi32, #tpu.memory_space<vmem>>, vector<16xi32>,
      %get3A_3606 = arith.constant 1504 : index
      %get3A_3607 = tpu.vector_load %arg9[%get3A_3606] {strides = array<i32>} : memref<2048xi32, #tpu.memory_space<vmem>>, vector<16xi32>,
      %get3A_3608 = arith.constant 2016 : index
      %get3A_3609 = tpu.vector_load %arg9[%get3A_3608] {strides = array<i32>} : memref<2048xi32, #tpu.memory_space<vmem>>, vector<16xi32>,
      %and3A_3610 = arith.constant -65536 : i32
      %and3A_3611 = vector.broadcast %and3A_3610 : i32 to vector<16xi32>
      %and3A_3612 = arith.andi %get3A_3603, %and3A_3611 : vector<16xi32>
      %bitcast3A_3613 = vector.bitcast %and3A_3612 : vector<16xi32> to vector<16xf32>
      %and3A_3614 = arith.constant -65536 : i32
      %and3A_3615 = vector.broadcast %and3A_3614 : i32 to vector<16xi32>
      %and3A_3616 = arith.andi %get3A_3605, %and3A_3615 : vector<16xi32>
      %bitcast3A_3617 = vector.bitcast %and3A_3616 : vector<16xi32> to vector<16xf32>
      %and3A_3618 = arith.constant -65536 : i32
      %and3A_3619 = vector.broadcast %and3A_3618 : i32 to vector<16xi32>
      %and3A_3620 = arith.andi %get3A_3607, %and3A_3619 : vector<16xi32>
      %bitcast3A_3621 = vector.bitcast %and3A_3620 : vector<16xi32> to vector<16xf32>
      %and3A_3622 = arith.constant -65536 : i32
      %and3A_3623 = vector.broadcast %and3A_3622 : i32 to vector<16xi32>
      %and3A_3624 = arith.andi %get3A_3609, %and3A_3623 : vector<16xi32>
      %bitcast3A_3625 = vector.bitcast %and3A_3624 : vector<16xi32> to vector<16xf32>
      %shift_left3A_3626 = arith.constant 16 : i32
      %shift_left3A_3627 = vector.broadcast %shift_left3A_3626 : i32 to vector<16xi32>
      %shift_left3A_3628 = arith.shli %get3A_3603, %shift_left3A_3627 : vector<16xi32>
      %bitcast3A_3629 = vector.bitcast %shift_left3A_3628 : vector<16xi32> to vector<16xf32>
      %shift_left3A_3630 = arith.constant 16 : i32
      %shift_left3A_3631 = vector.broadcast %shift_left3A_3630 : i32 to vector<16xi32>
      %shift_left3A_3632 = arith.shli %get3A_3605, %shift_left3A_3631 : vector<16xi32>
      %bitcast3A_3633 = vector.bitcast %shift_left3A_3632 : vector<16xi32> to vector<16xf32>
      %shift_left3A_3634 = arith.constant 16 : i32
      %shift_left3A_3635 = vector.broadcast %shift_left3A_3634 : i32 to vector<16xi32>
      %shift_left3A_3636 = arith.shli %get3A_3607, %shift_left3A_3635 : vector<16xi32>
      %bitcast3A_3637 = vector.bitcast %shift_left3A_3636 : vector<16xi32> to vector<16xf32>
      %shift_left3A_3638 = arith.constant 16 : i32
      %shift_left3A_3639 = vector.broadcast %shift_left3A_3638 : i32 to vector<16xi32>
      %shift_left3A_3640 = arith.shli %get3A_3609, %shift_left3A_3639 : vector<16xi32>
      %bitcast3A_3641 = vector.bitcast %shift_left3A_3640 : vector<16xi32> to vector<16xf32>
      %add3A_3642 = arith.addf %bitcast3A_3613, %bitcast3A_3617 : vector<16xf32>
      %add3A_3643 = arith.addf %bitcast3A_3621, %bitcast3A_3625 : vector<16xf32>
      %add3A_3644 = arith.addf %add3A_3642, %add3A_3643 : vector<16xf32>
      %add3A_3645 = arith.addf %bitcast3A_3629, %bitcast3A_3633 : vector<16xf32>
      %add3A_3646 = arith.addf %bitcast3A_3637, %bitcast3A_3641 : vector<16xf32>
      %add3A_3647 = arith.addf %add3A_3645, %add3A_3646 : vector<16xf32>
      %swap3A_3648 = arith.constant 480 : index
      %swap3A_3649 = tpu.vector_load %arg10[%swap3A_3648] {strides = array<i32>} : memref<512xf32, #tpu.memory_space<vmem>>, vector<16xf32>,
      tpu.vector_store %arg10[%swap3A_3648], %add3A_3644 {add = true, strides = array<i32>} : memref<512xf32, #tpu.memory_space<vmem>>, vector<16xf32>,
      %swap3A_3650 = arith.constant 480 : index
      %swap3A_3651 = tpu.vector_load %arg11[%swap3A_3650] {strides = array<i32>} : memref<512xf32, #tpu.memory_space<vmem>>, vector<16xf32>,
      tpu.vector_store %arg11[%swap3A_3650], %add3A_3647 {add = true, strides = array<i32>} : memref<512xf32, #tpu.memory_space<vmem>>, vector<16xf32>,
      %get3A_3652 = arith.constant 496 : index
      %get3A_3653 = tpu.vector_load %arg9[%get3A_3652] {strides = array<i32>} : memref<2048xi32, #tpu.memory_space<vmem>>, vector<16xi32>,
      %get3A_3654 = arith.constant 1008 : index
      %get3A_3655 = tpu.vector_load %arg9[%get3A_3654] {strides = array<i32>} : memref<2048xi32, #tpu.memory_space<vmem>>, vector<16xi32>,
      %get3A_3656 = arith.constant 1520 : index
      %get3A_3657 = tpu.vector_load %arg9[%get3A_3656] {strides = array<i32>} : memref<2048xi32, #tpu.memory_space<vmem>>, vector<16xi32>,
      %get3A_3658 = arith.constant 2032 : index
      %get3A_3659 = tpu.vector_load %arg9[%get3A_3658] {strides = array<i32>} : memref<2048xi32, #tpu.memory_space<vmem>>, vector<16xi32>,
      %and3A_3660 = arith.constant -65536 : i32
      %and3A_3661 = vector.broadcast %and3A_3660 : i32 to vector<16xi32>
      %and3A_3662 = arith.andi %get3A_3653, %and3A_3661 : vector<16xi32>
      %bitcast3A_3663 = vector.bitcast %and3A_3662 : vector<16xi32> to vector<16xf32>
      %and3A_3664 = arith.constant -65536 : i32
      %and3A_3665 = vector.broadcast %and3A_3664 : i32 to vector<16xi32>
      %and3A_3666 = arith.andi %get3A_3655, %and3A_3665 : vector<16xi32>
      %bitcast3A_3667 = vector.bitcast %and3A_3666 : vector<16xi32> to vector<16xf32>
      %and3A_3668 = arith.constant -65536 : i32
      %and3A_3669 = vector.broadcast %and3A_3668 : i32 to vector<16xi32>
      %and3A_3670 = arith.andi %get3A_3657, %and3A_3669 : vector<16xi32>
      %bitcast3A_3671 = vector.bitcast %and3A_3670 : vector<16xi32> to vector<16xf32>
      %and3A_3672 = arith.constant -65536 : i32
      %and3A_3673 = vector.broadcast %and3A_3672 : i32 to vector<16xi32>
      %and3A_3674 = arith.andi %get3A_3659, %and3A_3673 : vector<16xi32>
      %bitcast3A_3675 = vector.bitcast %and3A_3674 : vector<16xi32> to vector<16xf32>
      %shift_left3A_3676 = arith.constant 16 : i32
      %shift_left3A_3677 = vector.broadcast %shift_left3A_3676 : i32 to vector<16xi32>
      %shift_left3A_3678 = arith.shli %get3A_3653, %shift_left3A_3677 : vector<16xi32>
      %bitcast3A_3679 = vector.bitcast %shift_left3A_3678 : vector<16xi32> to vector<16xf32>
      %shift_left3A_3680 = arith.constant 16 : i32
      %shift_left3A_3681 = vector.broadcast %shift_left3A_3680 : i32 to vector<16xi32>
      %shift_left3A_3682 = arith.shli %get3A_3655, %shift_left3A_3681 : vector<16xi32>
      %bitcast3A_3683 = vector.bitcast %shift_left3A_3682 : vector<16xi32> to vector<16xf32>
      %shift_left3A_3684 = arith.constant 16 : i32
      %shift_left3A_3685 = vector.broadcast %shift_left3A_3684 : i32 to vector<16xi32>
      %shift_left3A_3686 = arith.shli %get3A_3657, %shift_left3A_3685 : vector<16xi32>
      %bitcast3A_3687 = vector.bitcast %shift_left3A_3686 : vector<16xi32> to vector<16xf32>
      %shift_left3A_3688 = arith.constant 16 : i32
      %shift_left3A_3689 = vector.broadcast %shift_left3A_3688 : i32 to vector<16xi32>
      %shift_left3A_3690 = arith.shli %get3A_3659, %shift_left3A_3689 : vector<16xi32>
      %bitcast3A_3691 = vector.bitcast %shift_left3A_3690 : vector<16xi32> to vector<16xf32>
      %add3A_3692 = arith.addf %bitcast3A_3663, %bitcast3A_3667 : vector<16xf32>
      %add3A_3693 = arith.addf %bitcast3A_3671, %bitcast3A_3675 : vector<16xf32>
      %add3A_3694 = arith.addf %add3A_3692, %add3A_3693 : vector<16xf32>
      %add3A_3695 = arith.addf %bitcast3A_3679, %bitcast3A_3683 : vector<16xf32>
      %add3A_3696 = arith.addf %bitcast3A_3687, %bitcast3A_3691 : vector<16xf32>
      %add3A_3697 = arith.addf %add3A_3695, %add3A_3696 : vector<16xf32>
      %swap3A_3698 = arith.constant 496 : index
      %swap3A_3699 = tpu.vector_load %arg10[%swap3A_3698] {strides = array<i32>} : memref<512xf32, #tpu.memory_space<vmem>>, vector<16xf32>,
      tpu.vector_store %arg10[%swap3A_3698], %add3A_3694 {add = true, strides = array<i32>} : memref<512xf32, #tpu.memory_space<vmem>>, vector<16xf32>,
      %swap3A_3700 = arith.constant 496 : index
      %swap3A_3701 = tpu.vector_load %arg11[%swap3A_3700] {strides = array<i32>} : memref<512xf32, #tpu.memory_space<vmem>>, vector<16xf32>,
      tpu.vector_store %arg11[%swap3A_3700], %add3A_3697 {add = true, strides = array<i32>} : memref<512xf32, #tpu.memory_space<vmem>>, vector<16xf32>,
      %add3A_3702 = arith.constant 2 : i32
      %add3A_3703 = arith.addi %add3A_2097, %add3A_3702 : i32
      %lt3A_3704 = arith.constant 50 : i32
      %lt3A_3705 = arith.cmpi slt, %add3A_3703, %lt3A_3704 : i32
      %convert_element_type3A_3706 = arith.extui %lt3A_3705 : i1 to i32
      %cond3A_3707 = arith.constant 0 : i32
      %cond3A_3708 = arith.cmpi ne, %convert_element_type3A_3706, %cond3A_3707 : i32
      scf.if %cond3A_3708 {
        %dma_wait3A_3716 = arith.constant 0 : i32
        %dma_wait3A_3717 = arith.constant 0 : i32
        %dma_wait3A_3718 = arith.constant 0 : i32
        %dma_wait3A_3719 = tpu.memref_slice %arg7[%dma_wait3A_3718] : memref<16384xi32, #tpu.memory_space<vmem>> -> memref<512xi32, #tpu.memory_space<vmem>>
        %dma_wait3A_3720 = arith.constant 0 : i32
        %dma_wait3A_3721 = tpu.memref_slice %arg3[%dma_wait3A_3716, %dma_wait3A_3717, %dma_wait3A_3720] : memref<200x32x512xi32, #tpu.memory_space<hbm>> -> memref<1x1x512xi32, #tpu.memory_space<hbm>>
        %dma_wait3A_3722 = tpu.memref_squeeze %dma_wait3A_3721 : memref<1x1x512xi32, #tpu.memory_space<hbm>> -> memref<512xi32, #tpu.memory_space<hbm>>
        %dma_wait3A_3723 = arith.constant 0 : i32
        %dma_wait3A_3724 = tpu.memref_slice %arg7[%dma_wait3A_3723] : memref<16384xi32, #tpu.memory_space<vmem>> -> memref<512xi32, #tpu.memory_space<vmem>>
        %dma_wait3A_3725 = arith.constant 0 : i32
        %dma_wait3A_3726 = tpu.memref_slice %arg3[%dma_wait3A_3716, %dma_wait3A_3717, %dma_wait3A_3725] : memref<200x32x512xi32, #tpu.memory_space<hbm>> -> memref<1x1x512xi32, #tpu.memory_space<hbm>>
        %dma_wait3A_3727 = tpu.memref_squeeze %dma_wait3A_3726 : memref<1x1x512xi32, #tpu.memory_space<hbm>> -> memref<512xi32, #tpu.memory_space<hbm>>
        tpu.wait_dma2 semaphore(%arg16 : memref<!tpu.dma_semaphore, #tpu.memory_space<semaphore_mem>>) src(%dma_wait3A_3727 : memref<512xi32, #tpu.memory_space<hbm>>) dst(%dma_wait3A_3724 : memref<512xi32, #tpu.memory_space<vmem>>)
        %dma_wait3A_3728 = arith.constant 0 : i32
        %dma_wait3A_3729 = arith.constant 0 : i32
        %dma_wait3A_3730 = arith.constant 0 : i32
        %dma_wait3A_3731 = tpu.memref_slice %arg7[%dma_wait3A_3730] : memref<16384xi32, #tpu.memory_space<vmem>> -> memref<512xi32, #tpu.memory_space<vmem>>
        %dma_wait3A_3732 = arith.constant 0 : i32
        %dma_wait3A_3733 = tpu.memref_slice %arg3[%dma_wait3A_3728, %dma_wait3A_3729, %dma_wait3A_3732] : memref<200x32x512xi32, #tpu.memory_space<hbm>> -> memref<1x1x512xi32, #tpu.memory_space<hbm>>
        %dma_wait3A_3734 = tpu.memref_squeeze %dma_wait3A_3733 : memref<1x1x512xi32, #tpu.memory_space<hbm>> -> memref<512xi32, #tpu.memory_space<hbm>>
        %dma_wait3A_3735 = arith.constant 0 : i32
        %dma_wait3A_3736 = tpu.memref_slice %arg7[%dma_wait3A_3735] : memref<16384xi32, #tpu.memory_space<vmem>> -> memref<512xi32, #tpu.memory_space<vmem>>
        %dma_wait3A_3737 = arith.constant 0 : i32
        %dma_wait3A_3738 = tpu.memref_slice %arg3[%dma_wait3A_3728, %dma_wait3A_3729, %dma_wait3A_3737] : memref<200x32x512xi32, #tpu.memory_space<hbm>> -> memref<1x1x512xi32, #tpu.memory_space<hbm>>
        %dma_wait3A_3739 = tpu.memref_squeeze %dma_wait3A_3738 : memref<1x1x512xi32, #tpu.memory_space<hbm>> -> memref<512xi32, #tpu.memory_space<hbm>>
        tpu.wait_dma2 semaphore(%arg16 : memref<!tpu.dma_semaphore, #tpu.memory_space<semaphore_mem>>) src(%dma_wait3A_3739 : memref<512xi32, #tpu.memory_space<hbm>>) dst(%dma_wait3A_3736 : memref<512xi32, #tpu.memory_space<vmem>>)
        %dma_wait3A_3740 = arith.constant 0 : i32
        %dma_wait3A_3741 = arith.constant 0 : i32
        %dma_wait3A_3742 = arith.constant 0 : i32
        %dma_wait3A_3743 = tpu.memref_slice %arg7[%dma_wait3A_3742] : memref<16384xi32, #tpu.memory_space<vmem>> -> memref<512xi32, #tpu.memory_space<vmem>>
        %dma_wait3A_3744 = arith.constant 0 : i32
        %dma_wait3A_3745 = tpu.memref_slice %arg3[%dma_wait3A_3740, %dma_wait3A_3741, %dma_wait3A_3744] : memref<200x32x512xi32, #tpu.memory_space<hbm>> -> memref<1x1x512xi32, #tpu.memory_space<hbm>>
        %dma_wait3A_3746 = tpu.memref_squeeze %dma_wait3A_3745 : memref<1x1x512xi32, #tpu.memory_space<hbm>> -> memref<512xi32, #tpu.memory_space<hbm>>
        %dma_wait3A_3747 = arith.constant 0 : i32
        %dma_wait3A_3748 = tpu.memref_slice %arg7[%dma_wait3A_3747] : memref<16384xi32, #tpu.memory_space<vmem>> -> memref<512xi32, #tpu.memory_space<vmem>>
        %dma_wait3A_3749 = arith.constant 0 : i32
        %dma_wait3A_3750 = tpu.memref_slice %arg3[%dma_wait3A_3740, %dma_wait3A_3741, %dma_wait3A_3749] : memref<200x32x512xi32, #tpu.memory_space<hbm>> -> memref<1x1x512xi32, #tpu.memory_space<hbm>>
        %dma_wait3A_3751 = tpu.memref_squeeze %dma_wait3A_3750 : memref<1x1x512xi32, #tpu.memory_space<hbm>> -> memref<512xi32, #tpu.memory_space<hbm>>
        tpu.wait_dma2 semaphore(%arg16 : memref<!tpu.dma_semaphore, #tpu.memory_space<semaphore_mem>>) src(%dma_wait3A_3751 : memref<512xi32, #tpu.memory_space<hbm>>) dst(%dma_wait3A_3748 : memref<512xi32, #tpu.memory_space<vmem>>)
        %dma_wait3A_3752 = arith.constant 0 : i32
        %dma_wait3A_3753 = arith.constant 0 : i32
        %dma_wait3A_3754 = arith.constant 0 : i32
        %dma_wait3A_3755 = tpu.memref_slice %arg7[%dma_wait3A_3754] : memref<16384xi32, #tpu.memory_space<vmem>> -> memref<512xi32, #tpu.memory_space<vmem>>
        %dma_wait3A_3756 = arith.constant 0 : i32
        %dma_wait3A_3757 = tpu.memref_slice %arg3[%dma_wait3A_3752, %dma_wait3A_3753, %dma_wait3A_3756] : memref<200x32x512xi32, #tpu.memory_space<hbm>> -> memref<1x1x512xi32, #tpu.memory_space<hbm>>
        %dma_wait3A_3758 = tpu.memref_squeeze %dma_wait3A_3757 : memref<1x1x512xi32, #tpu.memory_space<hbm>> -> memref<512xi32, #tpu.memory_space<hbm>>
        %dma_wait3A_3759 = arith.constant 0 : i32
        %dma_wait3A_3760 = tpu.memref_slice %arg7[%dma_wait3A_3759] : memref<16384xi32, #tpu.memory_space<vmem>> -> memref<512xi32, #tpu.memory_space<vmem>>
        %dma_wait3A_3761 = arith.constant 0 : i32
        %dma_wait3A_3762 = tpu.memref_slice %arg3[%dma_wait3A_3752, %dma_wait3A_3753, %dma_wait3A_3761] : memref<200x32x512xi32, #tpu.memory_space<hbm>> -> memref<1x1x512xi32, #tpu.memory_space<hbm>>
        %dma_wait3A_3763 = tpu.memref_squeeze %dma_wait3A_3762 : memref<1x1x512xi32, #tpu.memory_space<hbm>> -> memref<512xi32, #tpu.memory_space<hbm>>
        tpu.wait_dma2 semaphore(%arg16 : memref<!tpu.dma_semaphore, #tpu.memory_space<semaphore_mem>>) src(%dma_wait3A_3763 : memref<512xi32, #tpu.memory_space<hbm>>) dst(%dma_wait3A_3760 : memref<512xi32, #tpu.memory_space<vmem>>)
        %add3A_3764 = arith.constant 2 : i32
        %add3A_3765 = arith.addi %add3A_2097, %add3A_3764 : i32
        %rem3A_3766 = arith.constant 8 : i32
        %rem3A_3767 = arith.remsi %add3A_3765, %rem3A_3766 : i32
        %mul3A_3768 = arith.constant 2048 : i32
        %mul3A_3769 = arith.muli %rem3A_3767, %mul3A_3768 : i32
        %dma_start3A_3770 = tpu.memref_slice %arg7[%mul3A_3769] : memref<16384xi32, #tpu.memory_space<vmem>> -> memref<2048xi32, #tpu.memory_space<vmem>>
        %dma_start3A_3771 = arith.constant 0 : i32
        %dma_start3A_3772 = tpu.memref_slice %arg13[%dma_start3A_3771] : memref<1000000xi32, #tpu.memory_space<vmem_shared>> -> memref<1000000xi32, #tpu.memory_space<vmem_shared>>
        tpu.enqueue_indirect_dma source(%dma_start3A_3772 : memref<1000000xi32, #tpu.memory_space<vmem_shared>>) target(%arg9 : memref<2048xi32, #tpu.memory_space<vmem>>) offsets(%dma_start3A_3770 : memref<2048xi32, #tpu.memory_space<vmem>>) semaphore(%arg18 : memref<!tpu.dma_semaphore, #tpu.memory_space<semaphore_mem>>)
      } else {
      }
      %add3A_3709 = arith.constant 4 : i32
      %add3A_3710 = arith.addi %add3A_2097, %add3A_3709 : i32
      %lt3A_3711 = arith.constant 50 : i32
      %lt3A_3712 = arith.cmpi slt, %add3A_3710, %lt3A_3711 : i32
      %convert_element_type3A_3713 = arith.extui %lt3A_3712 : i1 to i32
      %cond3A_3714 = arith.constant 0 : i32
      %cond3A_3715 = arith.cmpi ne, %convert_element_type3A_3713, %cond3A_3714 : i32
      scf.if %cond3A_3715 {
        %add3A_3716 = arith.constant 4 : i32
        %add3A_3717 = arith.addi %add3A_2097, %add3A_3716 : i32
        %rem3A_3718 = arith.constant 8 : i32
        %rem3A_3719 = arith.remsi %add3A_3717, %rem3A_3718 : i32
        %mul3A_3720 = arith.constant 2048 : i32
        %mul3A_3721 = arith.muli %rem3A_3719, %mul3A_3720 : i32
        %mul3A_3722 = arith.constant 4 : i32
        %mul3A_3723 = arith.muli %add3A_3717, %mul3A_3722 : i32
        %add3A_3724 = arith.constant 0 : i32
        %add3A_3725 = arith.addi %mul3A_3723, %add3A_3724 : i32
        %add3A_3726 = arith.constant 0 : i32
        %add3A_3727 = arith.addi %mul3A_3721, %add3A_3726 : i32
        %dma_start3A_3728 = tpu.memref_slice %arg7[%add3A_3727] : memref<16384xi32, #tpu.memory_space<vmem>> -> memref<512xi32, #tpu.memory_space<vmem>>
        %dma_start3A_3729 = arith.constant 0 : i32
        %dma_start3A_3730 = tpu.memref_slice %arg3[%add3A_3725, %add3A, %dma_start3A_3729] : memref<200x32x512xi32, #tpu.memory_space<hbm>> -> memref<1x1x512xi32, #tpu.memory_space<hbm>>
        %dma_start3A_3731 = tpu.memref_squeeze %dma_start3A_3730 : memref<1x1x512xi32, #tpu.memory_space<hbm>> -> memref<512xi32, #tpu.memory_space<hbm>>
        %dma_start3A_3732 = tpu.memref_slice %arg7[%add3A_3727] : memref<16384xi32, #tpu.memory_space<vmem>> -> memref<512xi32, #tpu.memory_space<vmem>>
        %dma_start3A_3733 = arith.constant 0 : i32
        %dma_start3A_3734 = tpu.memref_slice %arg3[%add3A_3725, %add3A, %dma_start3A_3733] : memref<200x32x512xi32, #tpu.memory_space<hbm>> -> memref<1x1x512xi32, #tpu.memory_space<hbm>>
        %dma_start3A_3735 = tpu.memref_squeeze %dma_start3A_3734 : memref<1x1x512xi32, #tpu.memory_space<hbm>> -> memref<512xi32, #tpu.memory_space<hbm>>
        tpu.enqueue_dma source(%dma_start3A_3735 : memref<512xi32, #tpu.memory_space<hbm>>) target(%dma_start3A_3732 : memref<512xi32, #tpu.memory_space<vmem>>) target_semaphore(%arg16 : memref<!tpu.dma_semaphore, #tpu.memory_space<semaphore_mem>>)
        %mul3A_3736 = arith.constant 4 : i32
        %mul3A_3737 = arith.muli %add3A_3717, %mul3A_3736 : i32
        %add3A_3738 = arith.constant 1 : i32
        %add3A_3739 = arith.addi %mul3A_3737, %add3A_3738 : i32
        %add3A_3740 = arith.constant 512 : i32
        %add3A_3741 = arith.addi %mul3A_3721, %add3A_3740 : i32
        %dma_start3A_3742 = tpu.memref_slice %arg7[%add3A_3741] : memref<16384xi32, #tpu.memory_space<vmem>> -> memref<512xi32, #tpu.memory_space<vmem>>
        %dma_start3A_3743 = arith.constant 0 : i32
        %dma_start3A_3744 = tpu.memref_slice %arg3[%add3A_3739, %add3A, %dma_start3A_3743] : memref<200x32x512xi32, #tpu.memory_space<hbm>> -> memref<1x1x512xi32, #tpu.memory_space<hbm>>
        %dma_start3A_3745 = tpu.memref_squeeze %dma_start3A_3744 : memref<1x1x512xi32, #tpu.memory_space<hbm>> -> memref<512xi32, #tpu.memory_space<hbm>>
        %dma_start3A_3746 = tpu.memref_slice %arg7[%add3A_3741] : memref<16384xi32, #tpu.memory_space<vmem>> -> memref<512xi32, #tpu.memory_space<vmem>>
        %dma_start3A_3747 = arith.constant 0 : i32
        %dma_start3A_3748 = tpu.memref_slice %arg3[%add3A_3739, %add3A, %dma_start3A_3747] : memref<200x32x512xi32, #tpu.memory_space<hbm>> -> memref<1x1x512xi32, #tpu.memory_space<hbm>>
        %dma_start3A_3749 = tpu.memref_squeeze %dma_start3A_3748 : memref<1x1x512xi32, #tpu.memory_space<hbm>> -> memref<512xi32, #tpu.memory_space<hbm>>
        tpu.enqueue_dma source(%dma_start3A_3749 : memref<512xi32, #tpu.memory_space<hbm>>) target(%dma_start3A_3746 : memref<512xi32, #tpu.memory_space<vmem>>) target_semaphore(%arg16 : memref<!tpu.dma_semaphore, #tpu.memory_space<semaphore_mem>>)
        %mul3A_3750 = arith.constant 4 : i32
        %mul3A_3751 = arith.muli %add3A_3717, %mul3A_3750 : i32
        %add3A_3752 = arith.constant 2 : i32
        %add3A_3753 = arith.addi %mul3A_3751, %add3A_3752 : i32
        %add3A_3754 = arith.constant 1024 : i32
        %add3A_3755 = arith.addi %mul3A_3721, %add3A_3754 : i32
        %dma_start3A_3756 = tpu.memref_slice %arg7[%add3A_3755] : memref<16384xi32, #tpu.memory_space<vmem>> -> memref<512xi32, #tpu.memory_space<vmem>>
        %dma_start3A_3757 = arith.constant 0 : i32
        %dma_start3A_3758 = tpu.memref_slice %arg3[%add3A_3753, %add3A, %dma_start3A_3757] : memref<200x32x512xi32, #tpu.memory_space<hbm>> -> memref<1x1x512xi32, #tpu.memory_space<hbm>>
        %dma_start3A_3759 = tpu.memref_squeeze %dma_start3A_3758 : memref<1x1x512xi32, #tpu.memory_space<hbm>> -> memref<512xi32, #tpu.memory_space<hbm>>
        %dma_start3A_3760 = tpu.memref_slice %arg7[%add3A_3755] : memref<16384xi32, #tpu.memory_space<vmem>> -> memref<512xi32, #tpu.memory_space<vmem>>
        %dma_start3A_3761 = arith.constant 0 : i32
        %dma_start3A_3762 = tpu.memref_slice %arg3[%add3A_3753, %add3A, %dma_start3A_3761] : memref<200x32x512xi32, #tpu.memory_space<hbm>> -> memref<1x1x512xi32, #tpu.memory_space<hbm>>
        %dma_start3A_3763 = tpu.memref_squeeze %dma_start3A_3762 : memref<1x1x512xi32, #tpu.memory_space<hbm>> -> memref<512xi32, #tpu.memory_space<hbm>>
        tpu.enqueue_dma source(%dma_start3A_3763 : memref<512xi32, #tpu.memory_space<hbm>>) target(%dma_start3A_3760 : memref<512xi32, #tpu.memory_space<vmem>>) target_semaphore(%arg16 : memref<!tpu.dma_semaphore, #tpu.memory_space<semaphore_mem>>)
        %mul3A_3764 = arith.constant 4 : i32
        %mul3A_3765 = arith.muli %add3A_3717, %mul3A_3764 : i32
        %add3A_3766 = arith.constant 3 : i32
        %add3A_3767 = arith.addi %mul3A_3765, %add3A_3766 : i32
        %add3A_3768 = arith.constant 1536 : i32
        %add3A_3769 = arith.addi %mul3A_3721, %add3A_3768 : i32
        %dma_start3A_3770 = tpu.memref_slice %arg7[%add3A_3769] : memref<16384xi32, #tpu.memory_space<vmem>> -> memref<512xi32, #tpu.memory_space<vmem>>
        %dma_start3A_3771 = arith.constant 0 : i32
        %dma_start3A_3772 = tpu.memref_slice %arg3[%add3A_3767, %add3A, %dma_start3A_3771] : memref<200x32x512xi32, #tpu.memory_space<hbm>> -> memref<1x1x512xi32, #tpu.memory_space<hbm>>
        %dma_start3A_3773 = tpu.memref_squeeze %dma_start3A_3772 : memref<1x1x512xi32, #tpu.memory_space<hbm>> -> memref<512xi32, #tpu.memory_space<hbm>>
        %dma_start3A_3774 = tpu.memref_slice %arg7[%add3A_3769] : memref<16384xi32, #tpu.memory_space<vmem>> -> memref<512xi32, #tpu.memory_space<vmem>>
        %dma_start3A_3775 = arith.constant 0 : i32
        %dma_start3A_3776 = tpu.memref_slice %arg3[%add3A_3767, %add3A, %dma_start3A_3775] : memref<200x32x512xi32, #tpu.memory_space<hbm>> -> memref<1x1x512xi32, #tpu.memory_space<hbm>>
        %dma_start3A_3777 = tpu.memref_squeeze %dma_start3A_3776 : memref<1x1x512xi32, #tpu.memory_space<hbm>> -> memref<512xi32, #tpu.memory_space<hbm>>
        tpu.enqueue_dma source(%dma_start3A_3777 : memref<512xi32, #tpu.memory_space<hbm>>) target(%dma_start3A_3774 : memref<512xi32, #tpu.memory_space<vmem>>) target_semaphore(%arg16 : memref<!tpu.dma_semaphore, #tpu.memory_space<semaphore_mem>>)
      } else {
      }
    }
    %scan3A_472 = arith.constant 25 : i32
    %mul3A_473 = arith.constant 512 : i32
    %mul3A_474 = arith.muli %add3A, %mul3A_473 : i32
    "tpu.region"() ({
      %run_scoped3A = tpu.sem_alloc : memref<!tpu.dma_semaphore, #tpu.memory_space<semaphore_mem>>
      %dma_start3A_477 = tpu.memref_slice %arg5[%mul3A_474] : memref<16384xf32, #tpu.memory_space<hbm>> -> memref<512xf32, #tpu.memory_space<hbm>>
      %dma_start3A_478 = tpu.memref_slice %arg5[%mul3A_474] : memref<16384xf32, #tpu.memory_space<hbm>> -> memref<512xf32, #tpu.memory_space<hbm>>
      tpu.enqueue_dma source(%arg10 : memref<512xf32, #tpu.memory_space<vmem>>) target(%dma_start3A_478 : memref<512xf32, #tpu.memory_space<hbm>>) target_semaphore(%run_scoped3A : memref<!tpu.dma_semaphore, #tpu.memory_space<semaphore_mem>>)
      %dma_wait3A_479 = tpu.memref_slice %arg5[%mul3A_474] : memref<16384xf32, #tpu.memory_space<hbm>> -> memref<512xf32, #tpu.memory_space<hbm>>
      %dma_wait3A_480 = tpu.memref_slice %arg5[%mul3A_474] : memref<16384xf32, #tpu.memory_space<hbm>> -> memref<512xf32, #tpu.memory_space<hbm>>
      tpu.wait_dma2 semaphore(%run_scoped3A : memref<!tpu.dma_semaphore, #tpu.memory_space<semaphore_mem>>) src(%arg10 : memref<512xf32, #tpu.memory_space<vmem>>) dst(%dma_wait3A_480 : memref<512xf32, #tpu.memory_space<hbm>>)
      tpu.yield
    }) : () -> ()
    %mul3A_475 = arith.constant 512 : i32
    %mul3A_476 = arith.muli %add3A, %mul3A_475 : i32
    "tpu.region"() ({
      %run_scoped3A = tpu.sem_alloc : memref<!tpu.dma_semaphore, #tpu.memory_space<semaphore_mem>>
      %dma_start3A_477 = tpu.memref_slice %arg6[%mul3A_476] : memref<16384xf32, #tpu.memory_space<hbm>> -> memref<512xf32, #tpu.memory_space<hbm>>
      %dma_start3A_478 = tpu.memref_slice %arg6[%mul3A_476] : memref<16384xf32, #tpu.memory_space<hbm>> -> memref<512xf32, #tpu.memory_space<hbm>>
      tpu.enqueue_dma source(%arg11 : memref<512xf32, #tpu.memory_space<vmem>>) target(%dma_start3A_478 : memref<512xf32, #tpu.memory_space<hbm>>) target_semaphore(%run_scoped3A : memref<!tpu.dma_semaphore, #tpu.memory_space<semaphore_mem>>)
      %dma_wait3A_479 = tpu.memref_slice %arg6[%mul3A_476] : memref<16384xf32, #tpu.memory_space<hbm>> -> memref<512xf32, #tpu.memory_space<hbm>>
      %dma_wait3A_480 = tpu.memref_slice %arg6[%mul3A_476] : memref<16384xf32, #tpu.memory_space<hbm>> -> memref<512xf32, #tpu.memory_space<hbm>>
      tpu.wait_dma2 semaphore(%run_scoped3A : memref<!tpu.dma_semaphore, #tpu.memory_space<semaphore_mem>>) src(%arg11 : memref<512xf32, #tpu.memory_space<vmem>>) dst(%dma_wait3A_480 : memref<512xf32, #tpu.memory_space<hbm>>)
      tpu.yield
    }) : () -> ()
    return
  }
}

module attributes {stable_mosaic.version = 14 : i64} {
  func.func @_tw_body(%arg0: i32, %arg1: memref<2x64xf32, #tpu.memory_space<vmem>>, %arg2: memref<64x32768xf32, #tpu.memory_space<vmem>>, %arg3: memref<32768xi32, #tpu.memory_space<vmem>>) attributes {dimension_semantics = [#tpu.dimension_semantics<arbitrary>], iteration_bounds = array<i64: 31>, scalar_prefetch = 0 : i64, scratch_operands = 0 : i64, tpu.core_type = #tpu.core_type<tc>, window_params = [{pipeline_mode = #tpu.pipeline_mode<synchronous>, transform_indices = @transform_0, window_bounds = array<i64: 2, 64>}, {transform_indices = @transform_1, window_bounds = array<i64: 64, 32768>}, {transform_indices = @transform_2, window_bounds = array<i64: 32768>}]} {
    %get3A = arith.constant 0 : index
    %get3A_0 = arith.constant 0 : index
    %get3A_1 = vector.load %arg1[%get3A, %get3A_0] : memref<2x64xf32, #tpu.memory_space<vmem>>, vector<2x64xf32>
    %mul3A = arith.constant 5.000000e-03 : f32
    %mul3A_2 = vector.broadcast %mul3A : f32 to vector<2x64xf32>
    %mul3A_3 = arith.mulf %get3A_1, %mul3A_2 : vector<2x64xf32>
    %get3A_4 = arith.constant 0 : index
    %get3A_5 = arith.constant 0 : index
    %get3A_6 = vector.load %arg2[%get3A_4, %get3A_5] : memref<64x32768xf32, #tpu.memory_space<vmem>>, vector<64x32768xf32>
    %dot_general3A = arith.constant dense<0.000000e+00> : vector<2x32768xf32>
    %dot_general3A_7 = tpu.matmul %mul3A_3, %get3A_6, %dot_general3A {dimension_numbers = #tpu.dot_dimension_numbers<[1], [0], [0], [1], [0, 0, 1, 1], [], []>, transpose_lhs_hint = false} : vector<2x64xf32>, vector<64x32768xf32>, vector<2x32768xf32> -> vector<2x32768xf32>
    %slice3A = vector.extract_strided_slice %dot_general3A_7 {offsets = [0, 0], sizes = [1, 32768], strides = [1, 1]} : vector<2x32768xf32> to vector<1x32768xf32>
    %squeeze3A = vector.shape_cast %slice3A : vector<1x32768xf32> to vector<32768xf32>
    %bitcast_convert_type3A = tpu.bitcast %squeeze3A : vector<32768xf32> -> vector<32768xi32>
    %add3A = arith.constant 32767 : i32
    %add3A_8 = vector.broadcast %add3A : i32 to vector<32768xi32>
    %add3A_9 = arith.addi %bitcast_convert_type3A, %add3A_8 : vector<32768xi32>
    %shift_right_logical3A = arith.constant 16 : i32
    %shift_right_logical3A_10 = vector.broadcast %shift_right_logical3A : i32 to vector<32768xi32>
    %shift_right_logical3A_11 = arith.shrui %bitcast_convert_type3A, %shift_right_logical3A_10 : vector<32768xi32>
    %and3A = arith.constant 1 : i32
    %and3A_12 = vector.broadcast %and3A : i32 to vector<32768xi32>
    %and3A_13 = arith.andi %shift_right_logical3A_11, %and3A_12 : vector<32768xi32>
    %add3A_14 = arith.addi %add3A_9, %and3A_13 : vector<32768xi32>
    %and3A_15 = arith.constant -65536 : i32
    %and3A_16 = vector.broadcast %and3A_15 : i32 to vector<32768xi32>
    %and3A_17 = arith.andi %add3A_14, %and3A_16 : vector<32768xi32>
    %slice3A_18 = vector.extract_strided_slice %dot_general3A_7 {offsets = [1, 0], sizes = [1, 32768], strides = [1, 1]} : vector<2x32768xf32> to vector<1x32768xf32>
    %squeeze3A_19 = vector.shape_cast %slice3A_18 : vector<1x32768xf32> to vector<32768xf32>
    %bitcast_convert_type3A_20 = tpu.bitcast %squeeze3A_19 : vector<32768xf32> -> vector<32768xi32>
    %add3A_21 = arith.constant 32767 : i32
    %add3A_22 = vector.broadcast %add3A_21 : i32 to vector<32768xi32>
    %add3A_23 = arith.addi %bitcast_convert_type3A_20, %add3A_22 : vector<32768xi32>
    %shift_right_logical3A_24 = arith.constant 16 : i32
    %shift_right_logical3A_25 = vector.broadcast %shift_right_logical3A_24 : i32 to vector<32768xi32>
    %shift_right_logical3A_26 = arith.shrui %bitcast_convert_type3A_20, %shift_right_logical3A_25 : vector<32768xi32>
    %and3A_27 = arith.constant 1 : i32
    %and3A_28 = vector.broadcast %and3A_27 : i32 to vector<32768xi32>
    %and3A_29 = arith.andi %shift_right_logical3A_26, %and3A_28 : vector<32768xi32>
    %add3A_30 = arith.addi %add3A_23, %and3A_29 : vector<32768xi32>
    %shift_right_logical3A_31 = arith.constant 16 : i32
    %shift_right_logical3A_32 = vector.broadcast %shift_right_logical3A_31 : i32 to vector<32768xi32>
    %shift_right_logical3A_33 = arith.shrui %add3A_30, %shift_right_logical3A_32 : vector<32768xi32>
    %or3A = arith.ori %and3A_17, %shift_right_logical3A_33 : vector<32768xi32>
    %swap3A = arith.constant 0 : index
    %swap3A_34 = vector.load %arg3[%swap3A] : memref<32768xi32, #tpu.memory_space<vmem>>, vector<32768xi32>
    tpu.vector_store %arg3[%swap3A], %or3A {strides = array<i32>} : memref<32768xi32, #tpu.memory_space<vmem>>, vector<32768xi32>,
    return
  }
  func.func @transform_0(%arg0: i32) -> (i32, i32) {
    %c0_i32 = arith.constant 0 : i32
    %c0_i32_0 = arith.constant 0 : i32
    %c0_i32_1 = arith.constant 0 : i32
    return %c0_i32, %c0_i32_0 : i32, i32
  }
  func.func @transform_1(%arg0: i32) -> (i32, i32) {
    %c0_i32 = arith.constant 0 : i32
    %c0_i32_0 = arith.constant 0 : i32
    return %c0_i32, %arg0 : i32, i32
  }
  func.func @transform_2(%arg0: i32) -> i32 {
    %c0_i32 = arith.constant 0 : i32
    return %arg0 : i32
  }
}

</mosaic_0001>

<sc_bundles>
// kernel: _run.4.cloned.1.call-start
scs
__scs_entry_jumppad:
0x0: {  	(pc) =	sbr.rel $0x88, $3  }
0x1: {  	(tag) =	ssettag $0x0;
	lr =	simm.s32 $0x1  }
0x2: {  	[smem:$0x3F9D] =	sst lr;
	_ =	strace $0xD0000000  }
0x3: {  	_ = 	snop  }
0x4: {  	_ = 	snop  }
0x5: {  	_ = 	snop  }
0x6: {  	_ = 	snop  }
0x7: {  	_ = 	snop  }
__scs_overlays_trampoline_lowered:
0x8: {  	[smem:$0x3FAC] =	sst s0  }
0x9: {  	[smem:$0x3FAD] =	sst s1  }
0xa: {  	[smem:$0x3FAE] =	sst s2  }
0xb: {  	[smem:$0x3FAF] =	sst s3  }
0xc: {  	[smem:$0x3FB0] =	sst s4  }
0xd: {  	[smem:$0x3FB1] =	sst s5  }
0xe: {  	[smem:$0x3FB2] =	sst s6  }
0xf: {  	[smem:$0x3FB3] =	sst s7  }
0x10: {  	[smem:$0x3FB4] =	sst s8  }
0x11: {  	[smem:$0x3FB5] =	sst s9;
	s0 =	simm.s32 @!p0 $0x0  }
0x12: {  	s1 =	sld [smem:$0x3F9B];
	s0 =	simm.s32 @p0 $0x1  }
0x13: {  	[smem:$0x3FB6] =	sst s0;
	s0 =	simm.s32 @!p1 $0x0  }
0x14: {  	s2 =	sld [smem:$0x3F9A];
	s0 =	simm.s32 @p1 $0x1  }
0x15: {  	[smem:$0x3FB7] =	sst s0;
	s0 =	simm.s32 @!p2 $0x0  }
0x16: {  	s3 =	sld [smem:$0x3FDB];
	s0 =	simm.s32 @p2 $0x1  }
0x17: {  	s4 =	simm.s32 $0x1BF5;
	[smem:$0x3FB9] =	sst s0  }
0x18: {  	s0 =	sld [smem:$0x3F9C];
	_ =	swait.ge [sflag:s4], $0x0  }
0x19: {  	s7 =	sld [smem:$0x3F9D]  }
0x1a: {  	s8 =	sadd.s32 $0xFFFFE003, lr  }
0x1b: {  	s9 =	sadd.s32 $0xFFFFFEF7, lr;
	s5 =	simm.s32 $0xFFFFFFFF;
	p2 =	slt.u32 s8, $0xFFFFF086  }
0x1c: {  	p1 =	slt.u32 s9, $0xF7A;
	s5 =	simm.s32 @!p2 $0x0  }
0x1d: {  	s5 =	simm.s32 @p1 $0x1;
	p0 =	seq.s32 s7, s2  }
0x1e: {  	s7 =	smul.u32 @!p0 $0xF7A, s2;
	p2 =	seq.s32 @!p0 s5, $0x0  }
0x1f: {  	s9 =	smul.u32 $0xF7A, s1;
	s8 =	simm.s32 @!p0 $0x1BF5;
	p2 =	por !p2, p0  }
0x20: {  	[sflag:s8] =	ssyncset.s32 @!p0 $0xFFFFF086;
	s6 =	sadd.s32 @!p0 s3, s7;
	s7 =	simm.s32 @!p0 $0x108  }
0x21: {  	s3 =	sadd.s32 s3, s9;
	s6 =	sadd.s32 @!p0 $0x88, s6;
	s7 =	simm.s32 @p2 $0x1082  }
0x22: {  	[simem:s7], [sflag:s8] =	dma.local @!p0 [hbm:s6], $0xF7A  }
0x23: {  	s9 =	sor.u32 $0xD0000000, s2;
	s6 =	simm.s32 $0x108;
	_ =	swait.ge @!p0 [sflag:s8], $0x0  }
0x24: {  	s3 =	sadd.s32 $0x88, s3;
	s6 =	simm.s32 @!p1 $0x1082;
	[sflag:s4] =	ssyncset.s32 $0xFFFFF086  }
0x25: {  	[simem:s6], [sflag:s4] =	dma.local [hbm:s3], $0xF7A  }
0x26: {  	[smem:$0x3F9D] =	sst s1;
	(tag) =	ssettag s2;
	_ =	strace s9  }
0x27: {  	s1 =	sld [smem:$0x3FAD]  }
0x28: {  	s2 =	sld [smem:$0x3FAE]  }
0x29: {  	s4 =	sld [smem:$0x3FB0]  }
0x2a: {  	p0 =	seq.s32 s5, $0x0;
	s5 =	sld [smem:$0x3FB1]  }
0x2b: {  	s6 =	sld [smem:$0x3FB2]  }
0x2c: {  	s7 =	sld [smem:$0x3FB3]  }
0x2d: {  	s3 =	simm.s32 $0x108;
	s8 =	sld [smem:$0x3FB4]  }
0x2e: {  	s3 =	simm.s32 @!p0 $0x1082;
	s9 =	sld [smem:$0x3FB5]  }
0x2f: {  	lr =	sadd.s32 s0, s3;
	s0 =	sld [smem:$0x3FAC]  }
0x30: {  	s3 =	sld [smem:$0x3FAF]  }
0x31: {  	[smem:$0x3FB8] =	sst s10  }
0x32: {  	s10 =	sld [smem:$0x3FB6];
	_ =	sdelay $0x3  }
0x33: {  	p0 =	seq.s32 s10, $0x1;
	s10 =	sld [smem:$0x3FB8];
	_ =	sdelay $0x3  }
0x34: {  	[smem:$0x3FB8] =	sst s10  }
0x35: {  	s10 =	sld [smem:$0x3FB7];
	_ =	sdelay $0x3  }
0x36: {  	p1 =	seq.s32 s10, $0x1;
	s10 =	sld [smem:$0x3FB8];
	_ =	sdelay $0x3  }
0x37: {  	[smem:$0x3FB8] =	sst s10  }
0x38: {  	s10 =	sld [smem:$0x3FB9]  }
0x39: {  	_ = 	snop;
	(pc) =	sbr.ind lr, $3  }
0x3a: {  	_ = 	snop  }
0x3b: {  	_ = 	snop  }
0x3c: {  	p2 =	seq.s32 s10, $0x1;
	s10 =	sld [smem:$0x3FB8]  }
0x3d: {  	_ =	shalt  }
0x3e: {  	_ =	shalt  }
0x3f: {  	_ =	shalt  }
0x40: {  	_ =	shalt  }
0x41: {  	_ =	shalt  }
0x42: {  	_ =	shalt  }
0x43: {  	_ =	shalt  }
0x44: {  	_ =	shalt  }
0x45: {  	_ =	shalt  }
0x46: {  	_ =	shalt  }
0x47: {  	_ =	shalt  }
0x48: {  	_ =	shalt  }
0x49: {  	_ =	shalt  }
0x4a: {  	_ =	shalt  }
0x4b: {  	_ =	shalt  }
0x4c: {  	_ =	shalt  }
0x4d: {  	_ =	shalt  }
0x4e: {  	_ =	shalt  }
0x4f: {  	_ =	shalt  }
0x50: {  	_ =	shalt  }
0x51: {  	_ =	shalt  }
0x52: {  	_ =	shalt  }
0x53: {  	_ =	shalt  }
0x54: {  	_ =	shalt  }
0x55: {  	_ =	shalt  }
0x56: {  	_ =	shalt  }
0x57: {  	_ =	shalt  }
0x58: {  	_ =	shalt  }
0x59: {  	_ =	shalt  }
0x5a: {  	_ =	shalt  }
0x5b: {  	_ =	shalt  }
0x5c: {  	_ =	shalt  }
0x5d: {  	_ =	shalt  }
0x5e: {  	_ =	shalt  }
0x5f: {  	_ =	shalt  }
0x60: {  	_ =	shalt  }
0x61: {  	_ =	shalt  }
0x62: {  	_ =	shalt  }
0x63: {  	_ =	shalt  }
0x64: {  	_ =	shalt  }
0x65: {  	_ =	shalt  }
0x66: {  	_ =	shalt  }
0x67: {  	_ =	shalt  }
0x68: {  	_ =	shalt  }
0x69: {  	_ =	shalt  }
0x6a: {  	_ =	shalt  }
0x6b: {  	_ =	shalt  }
0x6c: {  	_ =	shalt  }
0x6d: {  	_ =	shalt  }
0x6e: {  	_ =	shalt  }
0x6f: {  	_ =	shalt  }
0x70: {  	_ =	shalt  }
0x71: {  	_ =	shalt  }
0x72: {  	_ =	shalt  }
0x73: {  	_ =	shalt  }
0x74: {  	_ =	shalt  }
0x75: {  	_ =	shalt  }
0x76: {  	_ =	shalt  }
0x77: {  	_ =	shalt  }
0x78: {  	_ =	shalt  }
0x79: {  	_ =	shalt  }
0x7a: {  	_ =	shalt  }
0x7b: {  	_ =	shalt  }
0x7c: {  	_ =	shalt  }
0x7d: {  	_ =	shalt  }
0x7e: {  	_ =	shalt  }
0x7f: {  	_ =	shalt  }
0x80: {  	_ =	shalt  }
0x81: {  	_ =	shalt  }
0x82: {  	_ =	shalt  }
0x83: {  	_ =	shalt  }
0x84: {  	_ =	shalt  }
0x85: {  	_ =	shalt  }
0x86: {  	_ =	shalt  }
0x87: {  	_ =	shalt  }
.Lfunc_end0:
.L_simem_size_0:
called_computation_lowered:
.L_overlay_start_0:
0x88: {  	s2 =	sld [smem:$0x3FD9]  }
0x89: {  	s3 =	sld [smem:$0x3FFE];
	_ =	sdelay $0x1  }
0x8a: {  	s1 =	srdreg.scid  }
0x8b: {  	s0 =	sand.u32 $0x1, s1  }
0x8c: {  	s17 =	sshll.u32 s0, $0xA;
	s2 =	sadd.s32 s3, s2  }
0x8d: {  	s2 =	sadd.s32 s2, s17  }
0x8e: {  	[smem:$0x3FC4] =	sst s2  }
0x8f: {  	_ = 	snop  }
0x90: {  	s2 =	sld [smem:$0x3FD0];
	(tm) =	ssettm $0x1  }
0x91: {  	s18 =	sld [smem:$0x3FFB];
	_ =	sdelay $0x3  }
0x92: {  	_ =	strace s18  }
0x93: {  	s3 =	sld [smem:$0x3FFC];
	_ =	sdelay $0x3  }
0x94: {  	_ =	strace s3  }
0x95: {  	s3 =	sld [smem:$0x3FFD];
	_ =	sdelay $0x3  }
0x96: {  	_ =	strace s3  }
0x97: {  	_ =	strace $0x8FFFFFFF  }
0x98: {  	s19 =	sld [smem:$0x3FDB];
	_ =	sdelay $0x1  }
0x99: {  	s4 =	simm.s32 $_scs_section_size  }
0x9a: {  	s5 =	simm.s32 $_size__tile_overlayer_lowered;
	s6 =	simm.s32 $_tile_overlayer_lowered  }
0x9b: {  	s22 =	simm.s32 $0x1BFF;
	s21 =	sshll.u32 s6, $0x1;
	s3 =	sadd.s32 s4, s19  }
0x9c: {  	s7 =	simm.s32 $0x0;
	s20 =	sshll.u32 s5, $0x1;
	s5 =	sadd.s32 s21, s3  }
0x9d: {  	[timem:s7], [sflag:s22] =	dma.local [hbm:s5], s20  }
0x9e: {  	_ =	swait.ge [sflag:s22], s20  }
0x9f: {  	s4 =	ssub.s32 $0x0, s20;
	[sflag:s22] =	ssyncset.done $0x0  }
0xa0: {  	[sflag:s22] =	ssyncadd.s32 s4;
	_ =	sdelay $0x1  }
0xa1: {  	s23 =	simm.s32 $0x1B8B  }
0xa2: {  	_ =	swait.ge [sflag:s23], $0x1  }
0xa3: {  	[sflag:s23] =	ssyncset.done $0x0  }
0xa4: {  	s25 =	simm.s32 $0x1B8E;
	s24 =	sld [smem:$0x3FFE];
	[sflag:s23] =	ssyncadd.s32 $0xFFFFFFFF  }
0xa5: {  	s26 =	simm.s32 $execute0_lowered;
	[smem:$0x3FD2] =	sst s25  }
0xa6: {  	s5 =	sshll.u32 s26, $0x1;
	_ =	strace $0x80000046;
	[dreg:$0x1] =	wrdreg $0xFFFFFFFF  }
0xa7: {  	s28 =	simm.s32 $_size_execute0_lowered;
	s3 =	sadd.s32 s3, s5;
	[dreg:$0x0] =	wrdreg $0x0  }
0xa8: {  	s5 =	sshll.u32 s28, $0x1;
	[dreg:$0x2] =	wrdreg s3  }
0xa9: {  	[dreg:$0x3] =	wrdreg s5  }
0xaa: {  	[dreg:$0x4] =	wrdreg $0xC0  }
0xab: {  	_ =	task [dreg:s7], $0x5FFFF  }
0xac: {  	[dreg:$0x1] =	wrdreg $0xFFFFFFFF  }
0xad: {  	[dreg:$0x0] =	wrdreg $0x60  }
0xae: {  	[dreg:$0x2] =	wrdreg s24  }
0xaf: {  	[dreg:$0x3] =	wrdreg s2  }
0xb0: {  	[dreg:$0x4] =	wrdreg $0x55000  }
0xb1: {  	[dreg:$0x5] =	wrdreg $0x9  }
0xb2: {  	_ =	task.clear_ibuf [dreg:s7], $0x6FFFF;
	_ =	strace $0x90000046  }
0xb3: {  	s29 =	simm.s32 $0x9;
	_ =	strace $0x80000048  }
0xb4: {  	_ =	swait.ge [sflag:s29], $0x1  }
0xb5: {  	[sflag:s29] =	ssyncadd.s32 $0xFFFFFFFF  }
0xb6: {  	_ =	strace $0x90000048  }
0xb7: {  	_ =	sfence  }
0xb8: {  	s30 =	sld [smem:$0x0];
	_ =	sdelay $0x2  }
0xb9: {  	s31 =	sshll.u32 s1, $0xD;
	s1 =	sshrl.u32 s1, $0x2  }
0xba: {  	s3 =	sand.u32 $0x4000, s31;
	s1 =	sadd.s32 s1, s30  }
0xbb: {  	s0 =	sor.u32 s3, s0;
	s1 =	sshll.u32 s1, $0x11  }
0xbc: {  	s0 =	sor.u32 s1, s0  }
0xbd: {  	s0 =	sadd.s32 $0x8F2B, s0  }
0xbe: {  	[sflag:s0] =	ssyncadd.remote.s32 $0x1  }
0xbf: {  	_ =	sfence.sel $0xFFFF  }
0xc0: {  	[dreg:$0x0] =	wrdreg $0xFFFFFFFF;
	(pc) =	sbr.abs _section_cstart, $3  }
0xc1: {  	[dreg:$0x1] =	wrdreg $0xFFFFFFFF  }
0xc2: {  	_ =	task.clear_ibuf [dreg:s7], $0x2FFFF;
	_ =	strace $0x9FFFFFFF  }
0xc3: {  	(tm) =	ssettm $0x7FFFFFFF  }
tec
execute0_lowered:
.L_overlay_start_1:
0x0: {  	(tag) =	ssettag $0x1  }
0x1: {  	s0 =	rddreg [dreg:$0x0]  }
0x2: {  	s15 =	rddreg [dreg:$0x2]  }
0x3: {  	s11 =	stileid.u32;
	s2 =	simm.s32 $0x0;
	s8 =	srdreg.scid  }
0x4: {  	s1 =	smul.u32 $0xF420, s11;
	[smem:$0x7FF] =	sst s2;
	s2 =	sand.u32 $0x1, s8  }
0x5: {  	s4 =	sshll.u32 s11, $0x1;
	s5 =	sadd.s32 $0xE00, s0;
	s6 =	sshll.u32 s11, $0xA  }
0x6: {  	s10 =	sshll.u32 s11, $0x8;
	s21 =	sadd.s32 $0xF4200, s15;
	_ =	strace $0x80000047  }
0x7: {  	s4 =	sor.u32 s2, s4;
	s8 =	ssub.s32 $0x2, s2;
	s2 =	sshll.u32 s2, $0x7  }
0x8: {  	[dreg:$0x12] =	wrdreg s21;
	s3 =	sshrl.u32 s1, $0x3;
	s7 =	sshll.u32 s4, $0x7  }
0x9: {  	s4 =	sshll.u32 s4, $0x6;
	s2 =	sor.u32 s2, s10;
	s3 =	sadd.s32 s3, s0  }
0xa: {  	s7 =	sor.u32 s6, s7;
	s4 =	sadd.s32 s4, s0;
	s0 =	sadd.s32 $0x83640, s0  }
0xb: {  	s2 =	sor.u32 s2, s6;
	s6 =	sadd.s32 s1, s15;
	[dreg:$0x11] =	wrdreg s0  }
0xc: {  	s18 =	sadd.s32 $0x64E00, s3;
	[dreg:$0x10] =	wrdreg s6  }
0xd: {  	s19 =	sadd.s32 $0x6525C, s3;
	[dreg:$0xe] =	wrdreg s18  }
0xe: {  	s9 =	sshrl.u32 s8, $0x1;
	s23 =	sadd.s32 $0x83800, s4;
	[dreg:$0xf] =	wrdreg s19  }
0xf: {  	s8 =	ssub.s32 s8, s9;
	s4 =	sadd.s32 $0x84000, s4;
	[dreg:$0x13] =	wrdreg s23  }
0x10: {  	s24 =	smax.u32 s8, $0x1;
	[dreg:$0x14] =	wrdreg s4  }
0x11: {  	s25 =	sadd.s32 $0x656B8, s3;
	[dreg:$0x15] =	wrdreg s24  }
0x12: {  	s8 =	sadd.s32 $0x65F70, s3;
	[dreg:$0x16] =	wrdreg s25  }
0x13: {  	s21 =	sadd.s32 $0x22E0, s6;
	[dreg:$0x18] =	wrdreg s8  }
0x14: {  	s4 =	sadd.s32 $0x65B14, s3;
	[smem:$0x7F8] =	sst s21  }
0x15: {  	s7 =	sand.u32 $0x3380, s7;
	s23 =	sadd.s32 $0x68A0, s6;
	[dreg:$0x17] =	wrdreg s4  }
0x16: {  	s20 =	sand.u32 $0x3380, s2;
	s24 =	sadd.s32 $0x8B80, s6;
	[smem:$0x7FA] =	sst s23  }
0x17: {  	s7 =	sshrl.u32 s7, $0x3;
	s25 =	sadd.s32 $0xAE60, s6;
	[smem:$0x7FB] =	sst s24  }
0x18: {  	s22 =	sor.u32 $0x40000, s20;
	s7 =	sadd.s32 s5, s7;
	[smem:$0x7FC] =	sst s25  }
0x19: {  	s0 =	sshrl.u32 s22, $0x3;
	s22 =	sadd.s32 $0x45C0, s6;
	[dreg:$0x6] =	wrdreg s7  }
0x1a: {  	s9 =	sadd.s32 $0x800, s7;
	[smem:$0x7F9] =	sst s22  }
0x1b: {  	s28 =	simm.s32 $0x5030;
	s10 =	sadd.s32 $0x1000, s7;
	[dreg:$0x7] =	wrdreg s9  }
0x1c: {  	s29 =	simm.s32 $0x5230;
	s12 =	sadd.s32 $0x1800, s7;
	[dreg:$0x8] =	wrdreg s10  }
0x1d: {  	s30 =	simm.s32 $0x5040;
	s13 =	sadd.s32 $0x2000, s7;
	[dreg:$0x9] =	wrdreg s12  }
0x1e: {  	s31 =	simm.s32 $0x5290;
	s14 =	sadd.s32 $0x2800, s7;
	[dreg:$0xa] =	wrdreg s13  }
0x1f: {  	p0 =	sne.s32 s11, $0xF;
	s16 =	sadd.s32 $0x3000, s7;
	[dreg:$0xb] =	wrdreg s14  }
0x20: {  	s2 =	simm.s32 $0x0;
	s17 =	sadd.s32 $0x3800, s7;
	[dreg:$0xc] =	wrdreg s16  }
0x21: {  	s1 =	sor.u32 $0x50000, s20;
	s0 =	sadd.s32 s0, s5;
	[dreg:$0xd] =	wrdreg s17  }
0x22: {  	s21 =	simm.s32 $0x5270;
	s18 =	sadd.s32 $0x6800, s7;
	[dreg:$0x4] =	wrdreg s0  }
0x23: {  	s26 =	sshrl.u32 s1, $0x3;
	s19 =	sadd.s32 $0x7000, s7;
	[smem:$0x7F5] =	sst s18  }
0x24: {  	s1 =	simm.s32 $0x0;
	s20 =	sadd.s32 $0x7800, s7;
	[smem:$0x7F6] =	sst s19  }
0x25: {  	s25 =	simm.s32 $0x5200;
	s0 =	sadd.s32 s26, s5;
	[smem:$0x7F7] =	sst s20  }
0x26: {  	s24 =	simm.s32 $0x5280;
	s9 =	sadd.s32 $0x663CC, s3;
	[dreg:$0x5] =	wrdreg s0  }
0x27: {  	s23 =	simm.s32 $0x5090;
	s10 =	sadd.s32 $0x66828, s3;
	[dreg:$0x19] =	wrdreg s9  }
0x28: {  	s22 =	simm.s32 $0x5080;
	s12 =	sadd.s32 $0x4000, s7;
	[dreg:$0x1a] =	wrdreg s10  }
0x29: {  	s13 =	sadd.s32 $0x4800, s7;
	s14 =	sadd.s32 $0x5000, s7;
	[dreg:$0x1b] =	wrdreg s12  }
0x2a: {  	s16 =	sadd.s32 $0x5800, s7;
	s17 =	sadd.s32 $0x6000, s7;
	[dreg:$0x1c] =	wrdreg s13  }
0x2b: {  	s26 =	sadd.s32 $0xD140, s6;
	s5 =	simm.s32 $0x7;
	[dreg:$0x1d] =	wrdreg s14  }
0x2c: {  	s3 =	simm.s32 $0x3;
	s18 =	simm.s32 $0x5240;
	[dreg:$0x1e] =	wrdreg s16  }
0x2d: {  	s20 =	simm.s32 $0x5060;
	s19 =	simm.s32 $0x5070;
	[dreg:$0x1f] =	wrdreg s17  }
0x2e: {  	[smem:$0x7FD] =	sst s26;
	s12 =	simm.s32 $0x5210;
	s26 =	simm.s32 $0x5220  }
0x2f: {  	s16 =	simm.s32 $0x5050;
	s17 =	simm.s32 $0x5250;
	s14 =	simm.s32 $0x50A0  }
.LBB2_1:
0x30: {  	[smem:$0x7F4] =	sst s1  }
0x31: {  	s0 =	rddreg [dreg:$0x1];
	s9 =	simm.s32 $0x5400  }
0x32: {  	[tilespmem:s9], [sflag:$0x7] =	stream.linear.gather [hbm4b:s0+s2], $0x100, $0x38;
	[tilespmem:$0x18F28] =	vst v63  }
0x33: {  	_ =	swait.ge [sflag:s5], $0x100  }
0x34: {  	s6 =	simm.s32 $0x80;
	[sflag:s5] =	ssyncset.done $0x0  }
0x35: {  	s7 =	simm.s32 $0x400;
	s10 =	rddreg [dreg:$0x6];
	[sflag:s5] =	ssyncadd.s32 $0xFFFFFF00  }
0x36: {  	[tilespmem:s2], [sflag:$0x1] =	stream.strided.gather [hbm4b:s10+s6], $0x200, s7, s6, $0x38;
	[tilespmem:$0x18F28] =	vst v63  }
0x37: {  	s13 =	simm.s32 $0x200;
	s11 =	rddreg [dreg:$0x7]  }
0x38: {  	[tilespmem:s13], [sflag:$0x1] =	stream.strided.gather [hbm4b:s11+s6], $0x200, s7, s6, $0x38;
	[tilespmem:$0x18F28] =	vst v63  }
0x39: {  	s4 =	rddreg [dreg:$0x8]  }
0x3a: {  	[tilespmem:s7], [sflag:$0x1] =	stream.strided.gather [hbm4b:s4+s6], $0x200, s7, s6, $0x38;
	[tilespmem:$0x18F28] =	vst v63  }
0x3b: {  	s9 =	simm.s32 $0x600;
	s8 =	rddreg [dreg:$0x9]  }
0x3c: {  	[tilespmem:s9], [sflag:$0x1] =	stream.strided.gather [hbm4b:s8+s6], $0x200, s7, s6, $0x38;
	[tilespmem:$0x18F28] =	vst v63  }
0x3d: {  	s10 =	rddreg [dreg:$0xa];
	s8 =	simm.s32 $0x800  }
0x3e: {  	[tilespmem:s8], [sflag:$0x2] =	stream.strided.gather [hbm4b:s10+s6], $0x200, s7, s6, $0x38;
	[tilespmem:$0x18F28] =	vst v63  }
0x3f: {  	s11 =	rddreg [dreg:$0xb];
	s13 =	simm.s32 $0xA00  }
0x40: {  	[tilespmem:s13], [sflag:$0x2] =	stream.strided.gather [hbm4b:s11+s6], $0x200, s7, s6, $0x38;
	[tilespmem:$0x18F28] =	vst v63  }
0x41: {  	s1 =	rddreg [dreg:$0xc];
	s4 =	simm.s32 $0xC00  }
0x42: {  	[tilespmem:s4], [sflag:$0x2] =	stream.strided.gather [hbm4b:s1+s6], $0x200, s7, s6, $0x38;
	[tilespmem:$0x18F28] =	vst v63  }
0x43: {  	s9 =	rddreg [dreg:$0xd];
	s10 =	simm.s32 $0xE00  }
0x44: {  	[tilespmem:s10], [sflag:$0x2] =	stream.strided.gather [hbm4b:s9+s6], $0x200, s7, s6, $0x38;
	[tilespmem:$0x18F28] =	vst v63  }
0x45: {  	s11 =	rddreg [dreg:$0xe];
	s1 =	simm.s32 $0x14928  }
0x46: {  	[tilespmem:s1], [sflag:$0x5] =	stream.linear.gather [hbm4b:s11+s2], $0x22E0, $0x38;
	[tilespmem:$0x18F28] =	vst v63  }
0x47: {  	s13 =	rddreg [dreg:$0xf];
	s9 =	simm.s32 $0x16C08;
	s10 =	simm.s32 $0x5  }
0x48: {  	[tilespmem:s9], [sflag:$0x6] =	stream.linear.gather [hbm4b:s13+s2], $0x22E0, $0x38;
	[tilespmem:$0x18F28] =	vst v63  }
0x49: {  	_ =	swait.ge [sflag:s10], $0x22E0  }
0x4a: {  	[sflag:s10] =	ssyncset.done $0x0  }
0x4b: {  	s4 =	rddreg [dreg:$0x10];
	[sflag:s10] =	ssyncadd.s32 $0xFFFFDD20  }
0x4c: {  	[spmem:s4] =	stream.linear.scatter [tilespmem:s1], [sflag:$0x7], $0x22E0, $0x38;
	[tilespmem:$0x18F28] =	vst v63  }
0x4d: {  	_ =	swait.ge [sflag:s5], $0x22E0  }
0x4e: {  	[sflag:s5] =	ssyncset.done $0x0  }
0x4f: {  	s11 =	rddreg [dreg:$0x16];
	[sflag:s5] =	ssyncadd.s32 $0xFFFFDD20  }
0x50: {  	[tilespmem:s1], [sflag:$0x5] =	stream.linear.gather [hbm4b:s11+s2], $0x22E0, $0x38;
	[tilespmem:$0x18F28] =	vst v63  }
0x51: {  	s11 =	simm.s32 $0x6  }
0x52: {  	_ =	swait.ge [sflag:s11], $0x22E0  }
0x53: {  	s13 =	sld [smem:$0x7F8]  }
0x54: {  	[sflag:s11] =	ssyncset.done $0x0  }
0x55: {  	[sflag:s11] =	ssyncadd.s32 $0xFFFFDD20  }
0x56: {  	[spmem:s13] =	stream.linear.scatter [tilespmem:s9], [sflag:$0x7], $0x22E0, $0x38;
	[tilespmem:$0x18F28] =	vst v63  }
0x57: {  	_ =	swait.ge [sflag:s5], $0x22E0  }
0x58: {  	[sflag:s5] =	ssyncset.done $0x0  }
0x59: {  	s4 =	rddreg [dreg:$0x17];
	[sflag:s5] =	ssyncadd.s32 $0xFFFFDD20  }
0x5a: {  	[tilespmem:s9], [sflag:$0x6] =	stream.linear.gather [hbm4b:s4+s2], $0x22E0, $0x38;
	[tilespmem:$0x18F28] =	vst v63  }
0x5b: {  	_ =	swait.ge [sflag:s10], $0x22E0  }
0x5c: {  	s13 =	sld [smem:$0x7F9]  }
0x5d: {  	[sflag:s10] =	ssyncset.done $0x0  }
0x5e: {  	[sflag:s10] =	ssyncadd.s32 $0xFFFFDD20  }
0x5f: {  	[spmem:s13] =	stream.linear.scatter [tilespmem:s1], [sflag:$0x7], $0x22E0, $0x38;
	[tilespmem:$0x18F28] =	vst v63  }
0x60: {  	_ =	swait.ge [sflag:s5], $0x22E0  }
0x61: {  	[sflag:s5] =	ssyncset.done $0x0  }
0x62: {  	s4 =	rddreg [dreg:$0x18];
	[sflag:s5] =	ssyncadd.s32 $0xFFFFDD20  }
0x63: {  	[tilespmem:s1], [sflag:$0x5] =	stream.linear.gather [hbm4b:s4+s2], $0x22E0, $0x38;
	[tilespmem:$0x18F28] =	vst v63  }
0x64: {  	_ =	swait.ge [sflag:s11], $0x22E0  }
0x65: {  	s13 =	sld [smem:$0x7FA]  }
0x66: {  	[sflag:s11] =	ssyncset.done $0x0  }
0x67: {  	[sflag:s11] =	ssyncadd.s32 $0xFFFFDD20  }
0x68: {  	[spmem:s13] =	stream.linear.scatter [tilespmem:s9], [sflag:$0x7], $0x22E0, $0x38;
	[tilespmem:$0x18F28] =	vst v63  }
0x69: {  	_ =	swait.ge [sflag:s5], $0x22E0  }
0x6a: {  	[sflag:s5] =	ssyncset.done $0x0  }
0x6b: {  	s4 =	rddreg [dreg:$0x19];
	[sflag:s5] =	ssyncadd.s32 $0xFFFFDD20  }
0x6c: {  	[tilespmem:s9], [sflag:$0x6] =	stream.linear.gather [hbm4b:s4+s2], $0x22E0, $0x38;
	[tilespmem:$0x18F28] =	vst v63  }
0x6d: {  	_ =	swait.ge [sflag:s10], $0x22E0  }
0x6e: {  	s13 =	sld [smem:$0x7FB]  }
0x6f: {  	[sflag:s10] =	ssyncset.done $0x0  }
0x70: {  	[sflag:s10] =	ssyncadd.s32 $0xFFFFDD20  }
0x71: {  	[spmem:s13] =	stream.linear.scatter [tilespmem:s1], [sflag:$0x7], $0x22E0, $0x38;
	[tilespmem:$0x18F28] =	vst v63  }
0x72: {  	_ =	swait.ge [sflag:s5], $0x22E0  }
0x73: {  	[sflag:s5] =	ssyncset.done $0x0  }
0x74: {  	s4 =	rddreg [dreg:$0x1a];
	[sflag:s5] =	ssyncadd.s32 $0xFFFFDD20  }
0x75: {  	[tilespmem:s1], [sflag:$0x5] =	stream.linear.gather [hbm4b:s4+s2], $0x22E0, $0x38;
	[tilespmem:$0x18F28] =	vst v63  }
0x76: {  	_ =	swait.ge [sflag:s11], $0x22E0  }
0x77: {  	s13 =	sld [smem:$0x7FC]  }
0x78: {  	[sflag:s11] =	ssyncset.done $0x0  }
0x79: {  	[sflag:s11] =	ssyncadd.s32 $0xFFFFDD20  }
0x7a: {  	[spmem:s13] =	stream.linear.scatter [tilespmem:s9], [sflag:$0x7], $0x22E0, $0x38;
	[tilespmem:$0x18F28] =	vst v63  }
0x7b: {  	_ =	swait.ge [sflag:s5], $0x22E0  }
0x7c: {  	[sflag:s5] =	ssyncset.done $0x0  }
0x7d: {  	[sflag:s5] =	ssyncadd.s32 $0xFFFFDD20  }
0x7e: {  	_ =	swait.ge [sflag:s10], $0x22E0  }
0x7f: {  	s4 =	sld [smem:$0x7FD]  }
0x80: {  	[sflag:s10] =	ssyncset.done $0x0  }
0x81: {  	[sflag:s10] =	ssyncadd.s32 $0xFFFFDD20  }
0x82: {  	[spmem:s4] =	stream.linear.scatter [tilespmem:s1], [sflag:$0x7], $0x22E0, $0x38;
	[tilespmem:$0x18F28] =	vst v63  }
0x83: {  	_ =	swait.ge [sflag:s5], $0x22E0  }
0x84: {  	s0 =	simm.s32 @!p0 $0x0;
	[sflag:s5] =	ssyncset.done $0x0  }
0x85: {  	s1 =	simm.s32 @!p0 $0x14928;
	[sflag:s5] =	ssyncadd.s32 $0xFFFFDD20;
	s5 =	rddreg [dreg:$0x11]  }
0x86: {  	[tilespmem:s1], [sflag:$0x7] =	stream.linear.gather @!p0 [hbm4b:s5+s0], $0x40, $0x38;
	[tilespmem:$0x18F28] =	vst v63  }
0x87: {  	s0 =	simm.s32 @!p0 $0x7  }
0x88: {  	_ =	swait.ge @!p0 [sflag:s0], $0x40  }
0x89: {  	[sflag:s0] =	ssyncset.done @!p0 $0x0  }
0x8a: {  	s5 =	rddreg [dreg:$0x12];
	[sflag:s0] =	ssyncadd.s32 @!p0 $0xFFFFFFC0  }
0x8b: {  	[spmem:s5] =	stream.linear.scatter @!p0 [tilespmem:s1], [sflag:$0x7], $0x40, $0x38;
	[tilespmem:$0x18F28] =	vst v63  }
0x8c: {  	_ =	swait.ge @!p0 [sflag:s0], $0x40  }
0x8d: {  	[sflag:s0] =	ssyncset.done @!p0 $0x0  }
0x8e: {  	[sflag:s0] =	ssyncadd.s32 @!p0 $0xFFFFFFC0  }
0x8f: {  	v0 =	vld [tilespmem:$0x5400];
	_ =	sdelay $0x4  }
0x90: {  	[tilespmem:$0x5000] =	vst v0  }
0x91: {  	[tilespmem:$0x5010] =	vst v0  }
0x92: {  	[tilespmem:$0x5020] =	vst v0  }
0x93: {  	[tilespmem:$0x5030] =	vst v0  }
0x94: {  	[tilespmem:$0x5040] =	vst v0  }
0x95: {  	[tilespmem:$0x5050] =	vst v0  }
0x96: {  	[tilespmem:$0x5060] =	vst v0  }
0x97: {  	[tilespmem:$0x5070] =	vst v0  }
0x98: {  	[tilespmem:$0x5080] =	vst v0  }
0x99: {  	[tilespmem:$0x5090] =	vst v0  }
0x9a: {  	[tilespmem:$0x50A0] =	vst v0  }
0x9b: {  	[tilespmem:$0x50B0] =	vst v0  }
0x9c: {  	[tilespmem:$0x50C0] =	vst v0  }
0x9d: {  	[tilespmem:$0x50D0] =	vst v0  }
0x9e: {  	[tilespmem:$0x50E0] =	vst v0  }
0x9f: {  	[tilespmem:$0x50F0] =	vst v0  }
0xa0: {  	[tilespmem:$0x5100] =	vst v0  }
0xa1: {  	[tilespmem:$0x5110] =	vst v0  }
0xa2: {  	[tilespmem:$0x5120] =	vst v0  }
0xa3: {  	[tilespmem:$0x5130] =	vst v0  }
0xa4: {  	[tilespmem:$0x5140] =	vst v0  }
0xa5: {  	[tilespmem:$0x5150] =	vst v0  }
0xa6: {  	[tilespmem:$0x5160] =	vst v0  }
0xa7: {  	[tilespmem:$0x5170] =	vst v0  }
0xa8: {  	[tilespmem:$0x5180] =	vst v0  }
0xa9: {  	[tilespmem:$0x5190] =	vst v0  }
0xaa: {  	[tilespmem:$0x51A0] =	vst v0  }
0xab: {  	v1 =	vld [tilespmem:$0x5480];
	[tilespmem:$0x51B0] =	vst v0  }
0xac: {  	[tilespmem:$0x51C0] =	vst v0  }
0xad: {  	[tilespmem:$0x51D0] =	vst v0  }
0xae: {  	[tilespmem:$0x51E0] =	vst v0  }
0xaf: {  	[tilespmem:$0x51F0] =	vst v0  }
0xb0: {  	[tilespmem:$0x5200] =	vst v1  }
0xb1: {  	[tilespmem:$0x5210] =	vst v1  }
0xb2: {  	[tilespmem:$0x5220] =	vst v1  }
0xb3: {  	[tilespmem:$0x5230] =	vst v1  }
0xb4: {  	[tilespmem:$0x5240] =	vst v1  }
0xb5: {  	[tilespmem:$0x5250] =	vst v1  }
0xb6: {  	[tilespmem:$0x5260] =	vst v1  }
0xb7: {  	[tilespmem:$0x5270] =	vst v1  }
0xb8: {  	[tilespmem:$0x5280] =	vst v1  }
0xb9: {  	[tilespmem:$0x5290] =	vst v1  }
0xba: {  	[tilespmem:$0x52A0] =	vst v1  }
0xbb: {  	[tilespmem:$0x52B0] =	vst v1  }
0xbc: {  	[tilespmem:$0x52C0] =	vst v1  }
0xbd: {  	[tilespmem:$0x52D0] =	vst v1  }
0xbe: {  	[tilespmem:$0x52E0] =	vst v1  }
0xbf: {  	[tilespmem:$0x52F0] =	vst v1  }
0xc0: {  	[tilespmem:$0x5300] =	vst v1  }
0xc1: {  	[tilespmem:$0x5310] =	vst v1  }
0xc2: {  	[tilespmem:$0x5320] =	vst v1  }
0xc3: {  	[tilespmem:$0x5330] =	vst v1  }
0xc4: {  	[tilespmem:$0x5340] =	vst v1  }
0xc5: {  	[tilespmem:$0x5350] =	vst v1  }
0xc6: {  	[tilespmem:$0x5360] =	vst v1  }
0xc7: {  	[tilespmem:$0x5370] =	vst v1  }
0xc8: {  	[tilespmem:$0x5380] =	vst v1  }
0xc9: {  	[tilespmem:$0x5390] =	vst v1  }
0xca: {  	[tilespmem:$0x53A0] =	vst v1  }
0xcb: {  	[tilespmem:$0x53B0] =	vst v1  }
0xcc: {  	[tilespmem:$0x53C0] =	vst v1  }
0xcd: {  	[tilespmem:$0x53D0] =	vst v1  }
0xce: {  	[tilespmem:$0x53E0] =	vst v1  }
0xcf: {  	[tilespmem:$0x53F0] =	vst v1  }
0xd0: {  	s9 =	simm.s32 $0x1;
	[bflag:$0x0] =	sbarrier.arrive $0xFFFF  }
0xd1: {  	_ =	swait.ge [sflag:s9], $0x200  }
0xd2: {  	[sflag:s9] =	ssyncset.done $0x0  }
0xd3: {  	[sflag:s9] =	ssyncadd.s32 $0xFFFFFE00  }
0xd4: {  	_ =	swait.ge [sflag:s9], $0x200  }
0xd5: {  	[sflag:s9] =	ssyncset.done $0x0  }
0xd6: {  	[sflag:s9] =	ssyncadd.s32 $0xFFFFFE00  }
0xd7: {  	_ =	swait.ge [sflag:s9], $0x200  }
0xd8: {  	[sflag:s9] =	ssyncset.done $0x0  }
0xd9: {  	[sflag:s9] =	ssyncadd.s32 $0xFFFFFE00  }
0xda: {  	_ =	swait.ge [sflag:s9], $0x200  }
0xdb: {  	[sflag:s9] =	ssyncset.done $0x0  }
0xdc: {  	s10 =	simm.s32 $0x4000;
	[sflag:s9] =	ssyncadd.s32 $0xFFFFFE00  }
0xdd: {  	[tilespmem:s10], [sflag:$0x3] =	stream.indirect.gather [spmem:s15], $0x1, s2, s8, $0xb8;
	[tilespmem:$0x18F28] =	vst v63  }
0xde: {  	s13 =	simm.s32 $0x1000;
	s11 =	rddreg [dreg:$0x1b]  }
0xdf: {  	[tilespmem:s13], [sflag:$0x1] =	stream.strided.gather [hbm4b:s11+s6], $0x200, s7, s6, $0x38;
	[tilespmem:$0x18F28] =	vst v63  }
0xe0: {  	s4 =	simm.s32 $0x1200;
	s2 =	rddreg [dreg:$0x1c]  }
0xe1: {  	[tilespmem:s4], [sflag:$0x1] =	stream.strided.gather [hbm4b:s2+s6], $0x200, s7, s6, $0x38;
	[tilespmem:$0x18F28] =	vst v63  }
0xe2: {  	s5 =	rddreg [dreg:$0x1d];
	s9 =	simm.s32 $0x1400  }
0xe3: {  	[tilespmem:s9], [sflag:$0x1] =	stream.strided.gather [hbm4b:s5+s6], $0x200, s7, s6, $0x38;
	[tilespmem:$0x18F28] =	vst v63  }
0xe4: {  	s10 =	rddreg [dreg:$0x1e];
	s11 =	simm.s32 $0x1600;
	s13 =	simm.s32 $0x2  }
0xe5: {  	[tilespmem:s11], [sflag:$0x1] =	stream.strided.gather [hbm4b:s10+s6], $0x200, s7, s6, $0x38;
	[tilespmem:$0x18F28] =	vst v63  }
0xe6: {  	_ =	swait.ge [sflag:s13], $0x200  }
0xe7: {  	[sflag:s13] =	ssyncset.done $0x0  }
0xe8: {  	[sflag:s13] =	ssyncadd.s32 $0xFFFFFE00  }
0xe9: {  	_ =	swait.ge [sflag:s13], $0x200  }
0xea: {  	[sflag:s13] =	ssyncset.done $0x0  }
0xeb: {  	[sflag:s13] =	ssyncadd.s32 $0xFFFFFE00  }
0xec: {  	_ =	swait.ge [sflag:s13], $0x200  }
0xed: {  	[sflag:s13] =	ssyncset.done $0x0  }
0xee: {  	[sflag:s13] =	ssyncadd.s32 $0xFFFFFE00  }
0xef: {  	_ =	swait.ge [sflag:s13], $0x200  }
0xf0: {  	[sflag:s13] =	ssyncset.done $0x0  }
0xf1: {  	s1 =	simm.s32 $0x4800;
	s2 =	rddreg [dreg:$0x1f];
	[sflag:s13] =	ssyncadd.s32 $0xFFFFFE00  }
0xf2: {  	[tilespmem:s1], [sflag:$0x4] =	stream.indirect.gather [spmem:s15], $0x1, s8, s8, $0xb8;
	[tilespmem:$0x18F28] =	vst v63  }
0xf3: {  	s4 =	simm.s32 $0x1800;
	s5 =	sld [smem:$0x7F5]  }
0xf4: {  	[tilespmem:s4], [sflag:$0x2] =	stream.strided.gather [hbm4b:s2+s6], $0x200, s7, s6, $0x38;
	[tilespmem:$0x18F28] =	vst v63  }
0xf5: {  	s0 =	simm.s32 $0x6000;
	s9 =	sld [smem:$0x7F6];
	s8 =	simm.s32 $0x1A00  }
0xf6: {  	[tilespmem:s8], [sflag:$0x2] =	stream.strided.gather [hbm4b:s5+s6], $0x200, s7, s6, $0x38;
	[tilespmem:$0x18F28] =	vst v63  }
0xf7: {  	s10 =	simm.s32 $0x1C00;
	s11 =	sld [smem:$0x7F7];
	s13 =	simm.s32 $0x1E00  }
0xf8: {  	[tilespmem:s10], [sflag:$0x2] =	stream.strided.gather [hbm4b:s9+s6], $0x200, s7, s6, $0x38;
	[tilespmem:$0x18F28] =	vst v63  }
0xf9: {  	s1 =	simm.s32 $0x2800;
	s2 =	simm.s32 $0x0;
	s5 =	simm.s32 $0x5010  }
0xfa: {  	[tilespmem:s13], [sflag:$0x2] =	stream.strided.gather [hbm4b:s11+s6], $0x200, s7, s6, $0x38;
	[tilespmem:$0x18F28] =	vst v63  }
.LBB2_2:
0xfb: {  	_ =	swait.ge [sflag:s3], $0x800  }
0xfc: {  	[sflag:s3] =	ssyncset.done $0x0  }
0xfd: {  	[sflag:s3] =	ssyncadd.s32 $0xFFFFF800  }
0xfe: {  	v0 =	vld [tilespmem:$0x4000]  }
0xff: {  	v1 =	vld [tilespmem:$0x4200]  }
0x100: {  	v2 =	vld [tilespmem:$0x4400]  }
0x101: {  	v3 =	vld [tilespmem:$0x4600];
	_ =	sdelay $0x3  }
0x102: {  	v4 =	vand.u32 $0xFFFF0000, v0  }
0x103: {  	v5 =	vand.u32 $0xFFFF0000, v1;
	v6 =	vand.u32 $0xFFFF0000, v2;
	v7 =	vand.u32 $0xFFFF0000, v3  }
0x104: {  	v0 =	vshll.u32 v0, $0x10;
	v1 =	vshll.u32 v1, $0x10;
	v2 =	vshll.u32 v2, $0x10  }
0x105: {  	v3 =	vshll.u32 v3, $0x10;
	v4 =	vadd.f32 v5, v4;
	v45 =	vadd.f32 v7, v6  }
0x106: {  	v0 =	vadd.f32 v1, v0;
	v46 =	vadd.f32 v3, v2  }
0x107: {  	v47 =	vadd.f32 v45, v4  }
0x108: {  	s13 =	simm.s32 $0x5000;
	v0 =	vadd.f32 v46, v0  }
0x109: {  	[tilespmem:s13+$0x0] =	vst.add.f32.msk $0xffff, v47  }
0x10a: {  	[tilespmem:s25+$0x0] =	vst.add.f32.msk $0xffff, v0  }
0x10b: {  	v0 =	vld [tilespmem:$0x4010]  }
0x10c: {  	v48 =	vld [tilespmem:$0x4210]  }
0x10d: {  	v2 =	vld [tilespmem:$0x4410]  }
0x10e: {  	v49 =	vld [tilespmem:$0x4610];
	_ =	sdelay $0x3  }
0x10f: {  	v50 =	vand.u32 $0xFFFF0000, v0  }
0x110: {  	v51 =	vand.u32 $0xFFFF0000, v48;
	v52 =	vand.u32 $0xFFFF0000, v2;
	v53 =	vand.u32 $0xFFFF0000, v49  }
0x111: {  	v0 =	vshll.u32 v0, $0x10;
	v1 =	vshll.u32 v48, $0x10;
	v2 =	vshll.u32 v2, $0x10  }
0x112: {  	v3 =	vshll.u32 v49, $0x10;
	v4 =	vadd.f32 v51, v50;
	v54 =	vadd.f32 v53, v52  }
0x113: {  	v0 =	vadd.f32 v1, v0;
	v55 =	vadd.f32 v3, v2  }
0x114: {  	v56 =	vadd.f32 v54, v4  }
0x115: {  	v0 =	vadd.f32 v55, v0  }
0x116: {  	[tilespmem:s5+$0x0] =	vst.add.f32.msk $0xffff, v56  }
0x117: {  	[tilespmem:s12+$0x0] =	vst.add.f32.msk $0xffff, v0  }
0x118: {  	v0 =	vld [tilespmem:$0x4020]  }
0x119: {  	v57 =	vld [tilespmem:$0x4220]  }
0x11a: {  	v2 =	vld [tilespmem:$0x4420]  }
0x11b: {  	v58 =	vld [tilespmem:$0x4620];
	_ =	sdelay $0x3  }
0x11c: {  	v59 =	vand.u32 $0xFFFF0000, v0  }
0x11d: {  	v60 =	vand.u32 $0xFFFF0000, v57;
	v61 =	vand.u32 $0xFFFF0000, v2;
	v62 =	vand.u32 $0xFFFF0000, v58  }
0x11e: {  	v0 =	vshll.u32 v0, $0x10;
	v1 =	vshll.u32 v57, $0x10;
	v2 =	vshll.u32 v2, $0x10  }
0x11f: {  	v3 =	vshll.u32 v58, $0x10;
	v4 =	vadd.f32 v60, v59;
	v63 =	vadd.f32 v62, v61  }
0x120: {  	v0 =	vadd.f32 v1, v0;
	v7 =	vadd.f32 v3, v2  }
0x121: {  	v8 =	vadd.f32 v63, v4  }
0x122: {  	s3 =	simm.s32 $0x5020;
	v0 =	vadd.f32 v7, v0  }
0x123: {  	[tilespmem:s3+$0x0] =	vst.add.f32.msk $0xffff, v8  }
0x124: {  	[tilespmem:s26+$0x0] =	vst.add.f32.msk $0xffff, v0  }
0x125: {  	v0 =	vld [tilespmem:$0x4030]  }
0x126: {  	v9 =	vld [tilespmem:$0x4230]  }
0x127: {  	v2 =	vld [tilespmem:$0x4430]  }
0x128: {  	v10 =	vld [tilespmem:$0x4630];
	_ =	sdelay $0x3  }
0x129: {  	v11 =	vand.u32 $0xFFFF0000, v0  }
0x12a: {  	v12 =	vand.u32 $0xFFFF0000, v9;
	v13 =	vand.u32 $0xFFFF0000, v2;
	v14 =	vand.u32 $0xFFFF0000, v10  }
0x12b: {  	v0 =	vshll.u32 v0, $0x10;
	v1 =	vshll.u32 v9, $0x10;
	v2 =	vshll.u32 v2, $0x10  }
0x12c: {  	v3 =	vshll.u32 v10, $0x10;
	v4 =	vadd.f32 v12, v11;
	v15 =	vadd.f32 v14, v13  }
0x12d: {  	v0 =	vadd.f32 v1, v0;
	v16 =	vadd.f32 v3, v2  }
0x12e: {  	v17 =	vadd.f32 v15, v4  }
0x12f: {  	v0 =	vadd.f32 v16, v0  }
0x130: {  	[tilespmem:s28+$0x0] =	vst.add.f32.msk $0xffff, v17  }
0x131: {  	[tilespmem:s29+$0x0] =	vst.add.f32.msk $0xffff, v0  }
0x132: {  	v0 =	vld [tilespmem:$0x4040]  }
0x133: {  	v18 =	vld [tilespmem:$0x4240]  }
0x134: {  	v2 =	vld [tilespmem:$0x4440]  }
0x135: {  	v19 =	vld [tilespmem:$0x4640];
	_ =	sdelay $0x3  }
0x136: {  	v20 =	vand.u32 $0xFFFF0000, v0  }
0x137: {  	v21 =	vand.u32 $0xFFFF0000, v18;
	v22 =	vand.u32 $0xFFFF0000, v2;
	v23 =	vand.u32 $0xFFFF0000, v19  }
0x138: {  	v0 =	vshll.u32 v0, $0x10;
	v1 =	vshll.u32 v18, $0x10;
	v2 =	vshll.u32 v2, $0x10  }
0x139: {  	v3 =	vshll.u32 v19, $0x10;
	v4 =	vadd.f32 v21, v20;
	v24 =	vadd.f32 v23, v22  }
0x13a: {  	v0 =	vadd.f32 v1, v0;
	v25 =	vadd.f32 v3, v2  }
0x13b: {  	v26 =	vadd.f32 v24, v4  }
0x13c: {  	v0 =	vadd.f32 v25, v0  }
0x13d: {  	[tilespmem:s30+$0x0] =	vst.add.f32.msk $0xffff, v26  }
0x13e: {  	[tilespmem:s18+$0x0] =	vst.add.f32.msk $0xffff, v0  }
0x13f: {  	v0 =	vld [tilespmem:$0x4050]  }
0x140: {  	v27 =	vld [tilespmem:$0x4250]  }
0x141: {  	v2 =	vld [tilespmem:$0x4450]  }
0x142: {  	v28 =	vld [tilespmem:$0x4650];
	_ =	sdelay $0x3  }
0x143: {  	v29 =	vand.u32 $0xFFFF0000, v0  }
0x144: {  	v30 =	vand.u32 $0xFFFF0000, v27;
	v31 =	vand.u32 $0xFFFF0000, v2;
	v32 =	vand.u32 $0xFFFF0000, v28  }
0x145: {  	v0 =	vshll.u32 v0, $0x10;
	v1 =	vshll.u32 v27, $0x10;
	v2 =	vshll.u32 v2, $0x10  }
0x146: {  	v3 =	vshll.u32 v28, $0x10;
	v4 =	vadd.f32 v30, v29;
	v33 =	vadd.f32 v32, v31  }
0x147: {  	v0 =	vadd.f32 v1, v0;
	v34 =	vadd.f32 v3, v2  }
0x148: {  	v35 =	vadd.f32 v33, v4  }
0x149: {  	v0 =	vadd.f32 v34, v0  }
0x14a: {  	[tilespmem:s16+$0x0] =	vst.add.f32.msk $0xffff, v35  }
0x14b: {  	[tilespmem:s17+$0x0] =	vst.add.f32.msk $0xffff, v0  }
0x14c: {  	v0 =	vld [tilespmem:$0x4060]  }
0x14d: {  	v36 =	vld [tilespmem:$0x4260]  }
0x14e: {  	v2 =	vld [tilespmem:$0x4460]  }
0x14f: {  	v37 =	vld [tilespmem:$0x4660];
	_ =	sdelay $0x3  }
0x150: {  	v38 =	vand.u32 $0xFFFF0000, v0  }
0x151: {  	v39 =	vand.u32 $0xFFFF0000, v36;
	v40 =	vand.u32 $0xFFFF0000, v2;
	v41 =	vand.u32 $0xFFFF0000, v37  }
0x152: {  	v0 =	vshll.u32 v0, $0x10;
	v1 =	vshll.u32 v36, $0x10;
	v2 =	vshll.u32 v2, $0x10  }
0x153: {  	v3 =	vshll.u32 v37, $0x10;
	v4 =	vadd.f32 v39, v38;
	v42 =	vadd.f32 v41, v40  }
0x154: {  	v0 =	vadd.f32 v1, v0;
	v43 =	vadd.f32 v3, v2  }
0x155: {  	v44 =	vadd.f32 v42, v4  }
0x156: {  	v0 =	vadd.f32 v43, v0  }
0x157: {  	s4 =	simm.s32 $0x5260;
	[tilespmem:s20+$0x0] =	vst.add.f32.msk $0xffff, v44  }
0x158: {  	[tilespmem:s4+$0x0] =	vst.add.f32.msk $0xffff, v0  }
0x159: {  	v0 =	vld [tilespmem:$0x4070]  }
0x15a: {  	v45 =	vld [tilespmem:$0x4270]  }
0x15b: {  	v2 =	vld [tilespmem:$0x4470]  }
0x15c: {  	v46 =	vld [tilespmem:$0x4670];
	_ =	sdelay $0x3  }
0x15d: {  	v47 =	vand.u32 $0xFFFF0000, v0  }
0x15e: {  	v48 =	vand.u32 $0xFFFF0000, v45;
	v49 =	vand.u32 $0xFFFF0000, v2;
	v50 =	vand.u32 $0xFFFF0000, v46  }
0x15f: {  	v0 =	vshll.u32 v0, $0x10;
	v1 =	vshll.u32 v45, $0x10;
	v2 =	vshll.u32 v2, $0x10  }
0x160: {  	v3 =	vshll.u32 v46, $0x10;
	v4 =	vadd.f32 v48, v47;
	v51 =	vadd.f32 v50, v49  }
0x161: {  	v0 =	vadd.f32 v1, v0;
	v52 =	vadd.f32 v3, v2  }
0x162: {  	v53 =	vadd.f32 v51, v4  }
0x163: {  	v0 =	vadd.f32 v52, v0  }
0x164: {  	[tilespmem:s19+$0x0] =	vst.add.f32.msk $0xffff, v53  }
0x165: {  	[tilespmem:s21+$0x0] =	vst.add.f32.msk $0xffff, v0  }
0x166: {  	v0 =	vld [tilespmem:$0x4080]  }
0x167: {  	v54 =	vld [tilespmem:$0x4280]  }
0x168: {  	v2 =	vld [tilespmem:$0x4480]  }
0x169: {  	v55 =	vld [tilespmem:$0x4680];
	_ =	sdelay $0x3  }
0x16a: {  	v56 =	vand.u32 $0xFFFF0000, v0  }
0x16b: {  	v57 =	vand.u32 $0xFFFF0000, v54;
	v58 =	vand.u32 $0xFFFF0000, v2;
	v59 =	vand.u32 $0xFFFF0000, v55  }
0x16c: {  	v0 =	vshll.u32 v0, $0x10;
	v1 =	vshll.u32 v54, $0x10;
	v2 =	vshll.u32 v2, $0x10  }
0x16d: {  	v3 =	vshll.u32 v55, $0x10;
	v4 =	vadd.f32 v57, v56;
	v60 =	vadd.f32 v59, v58  }
0x16e: {  	v0 =	vadd.f32 v1, v0;
	v61 =	vadd.f32 v3, v2  }
0x16f: {  	v62 =	vadd.f32 v60, v4  }
0x170: {  	v0 =	vadd.f32 v61, v0  }
0x171: {  	[tilespmem:s22+$0x0] =	vst.add.f32.msk $0xffff, v62  }
0x172: {  	[tilespmem:s24+$0x0] =	vst.add.f32.msk $0xffff, v0  }
0x173: {  	v0 =	vld [tilespmem:$0x4090]  }
0x174: {  	v63 =	vld [tilespmem:$0x4290]  }
0x175: {  	v2 =	vld [tilespmem:$0x4490]  }
0x176: {  	v9 =	vld [tilespmem:$0x4690];
	_ =	sdelay $0x3  }
0x177: {  	v10 =	vand.u32 $0xFFFF0000, v0  }
0x178: {  	v11 =	vand.u32 $0xFFFF0000, v63;
	v12 =	vand.u32 $0xFFFF0000, v2;
	v13 =	vand.u32 $0xFFFF0000, v9  }
0x179: {  	v0 =	vshll.u32 v0, $0x10;
	v1 =	vshll.u32 v63, $0x10;
	v2 =	vshll.u32 v2, $0x10  }
0x17a: {  	v3 =	vshll.u32 v9, $0x10;
	v4 =	vadd.f32 v11, v10;
	v14 =	vadd.f32 v13, v12  }
0x17b: {  	v0 =	vadd.f32 v1, v0;
	v15 =	vadd.f32 v3, v2  }
0x17c: {  	v16 =	vadd.f32 v14, v4  }
0x17d: {  	v0 =	vadd.f32 v15, v0  }
0x17e: {  	[tilespmem:s23+$0x0] =	vst.add.f32.msk $0xffff, v16  }
0x17f: {  	[tilespmem:s31+$0x0] =	vst.add.f32.msk $0xffff, v0  }
0x180: {  	v0 =	vld [tilespmem:$0x40A0]  }
0x181: {  	v17 =	vld [tilespmem:$0x42A0]  }
0x182: {  	v2 =	vld [tilespmem:$0x44A0]  }
0x183: {  	v18 =	vld [tilespmem:$0x46A0];
	_ =	sdelay $0x3  }
0x184: {  	v19 =	vand.u32 $0xFFFF0000, v0  }
0x185: {  	v20 =	vand.u32 $0xFFFF0000, v17;
	v21 =	vand.u32 $0xFFFF0000, v2;
	v22 =	vand.u32 $0xFFFF0000, v18  }
0x186: {  	v0 =	vshll.u32 v0, $0x10;
	v1 =	vshll.u32 v17, $0x10;
	v2 =	vshll.u32 v2, $0x10  }
0x187: {  	v3 =	vshll.u32 v18, $0x10;
	v4 =	vadd.f32 v20, v19;
	v23 =	vadd.f32 v22, v21  }
0x188: {  	v0 =	vadd.f32 v1, v0;
	v24 =	vadd.f32 v3, v2  }
0x189: {  	v25 =	vadd.f32 v23, v4  }
0x18a: {  	v0 =	vadd.f32 v24, v0  }
0x18b: {  	s8 =	simm.s32 $0x52A0;
	[tilespmem:s14+$0x0] =	vst.add.f32.msk $0xffff, v25  }
0x18c: {  	[tilespmem:s8+$0x0] =	vst.add.f32.msk $0xffff, v0  }
0x18d: {  	v0 =	vld [tilespmem:$0x40B0]  }
0x18e: {  	v26 =	vld [tilespmem:$0x42B0]  }
0x18f: {  	v2 =	vld [tilespmem:$0x44B0]  }
0x190: {  	v27 =	vld [tilespmem:$0x46B0];
	_ =	sdelay $0x3  }
0x191: {  	v28 =	vand.u32 $0xFFFF0000, v0  }
0x192: {  	v29 =	vand.u32 $0xFFFF0000, v26;
	v30 =	vand.u32 $0xFFFF0000, v2;
	v31 =	vand.u32 $0xFFFF0000, v27  }
0x193: {  	v0 =	vshll.u32 v0, $0x10;
	v1 =	vshll.u32 v26, $0x10;
	v2 =	vshll.u32 v2, $0x10  }
0x194: {  	v3 =	vshll.u32 v27, $0x10;
	v4 =	vadd.f32 v29, v28;
	v32 =	vadd.f32 v31, v30  }
0x195: {  	v0 =	vadd.f32 v1, v0;
	v33 =	vadd.f32 v3, v2  }
0x196: {  	v34 =	vadd.f32 v32, v4  }
0x197: {  	s9 =	simm.s32 $0x50B0;
	v0 =	vadd.f32 v33, v0  }
0x198: {  	s10 =	simm.s32 $0x52B0;
	[tilespmem:s9+$0x0] =	vst.add.f32.msk $0xffff, v34  }
0x199: {  	[tilespmem:s10+$0x0] =	vst.add.f32.msk $0xffff, v0  }
0x19a: {  	v0 =	vld [tilespmem:$0x40C0]  }
0x19b: {  	v35 =	vld [tilespmem:$0x42C0]  }
0x19c: {  	v2 =	vld [tilespmem:$0x44C0]  }
0x19d: {  	v36 =	vld [tilespmem:$0x46C0];
	_ =	sdelay $0x3  }
0x19e: {  	v37 =	vand.u32 $0xFFFF0000, v0  }
0x19f: {  	v38 =	vand.u32 $0xFFFF0000, v35;
	v39 =	vand.u32 $0xFFFF0000, v2;
	v40 =	vand.u32 $0xFFFF0000, v36  }
0x1a0: {  	v0 =	vshll.u32 v0, $0x10;
	v1 =	vshll.u32 v35, $0x10;
	v2 =	vshll.u32 v2, $0x10  }
0x1a1: {  	v3 =	vshll.u32 v36, $0x10;
	v4 =	vadd.f32 v38, v37;
	v41 =	vadd.f32 v40, v39  }
0x1a2: {  	v0 =	vadd.f32 v1, v0;
	v42 =	vadd.f32 v3, v2  }
0x1a3: {  	v43 =	vadd.f32 v41, v4  }
0x1a4: {  	s11 =	simm.s32 $0x50C0;
	v0 =	vadd.f32 v42, v0  }
0x1a5: {  	s5 =	simm.s32 $0x52C0;
	[tilespmem:s11+$0x0] =	vst.add.f32.msk $0xffff, v43  }
0x1a6: {  	[tilespmem:s5+$0x0] =	vst.add.f32.msk $0xffff, v0  }
0x1a7: {  	v0 =	vld [tilespmem:$0x40D0]  }
0x1a8: {  	v44 =	vld [tilespmem:$0x42D0]  }
0x1a9: {  	v2 =	vld [tilespmem:$0x44D0]  }
0x1aa: {  	v45 =	vld [tilespmem:$0x46D0];
	_ =	sdelay $0x3  }
0x1ab: {  	v46 =	vand.u32 $0xFFFF0000, v0  }
0x1ac: {  	v47 =	vand.u32 $0xFFFF0000, v44;
	v48 =	vand.u32 $0xFFFF0000, v2;
	v49 =	vand.u32 $0xFFFF0000, v45  }
0x1ad: {  	v0 =	vshll.u32 v0, $0x10;
	v1 =	vshll.u32 v44, $0x10;
	v2 =	vshll.u32 v2, $0x10  }
0x1ae: {  	v3 =	vshll.u32 v45, $0x10;
	v4 =	vadd.f32 v47, v46;
	v50 =	vadd.f32 v49, v48  }
0x1af: {  	v0 =	vadd.f32 v1, v0;
	v51 =	vadd.f32 v3, v2  }
0x1b0: {  	v52 =	vadd.f32 v50, v4  }
0x1b1: {  	s6 =	simm.s32 $0x50D0;
	v0 =	vadd.f32 v51, v0  }
0x1b2: {  	s7 =	simm.s32 $0x52D0;
	[tilespmem:s6+$0x0] =	vst.add.f32.msk $0xffff, v52  }
0x1b3: {  	[tilespmem:s7+$0x0] =	vst.add.f32.msk $0xffff, v0  }
0x1b4: {  	v0 =	vld [tilespmem:$0x40E0]  }
0x1b5: {  	v53 =	vld [tilespmem:$0x42E0]  }
0x1b6: {  	v2 =	vld [tilespmem:$0x44E0]  }
0x1b7: {  	v54 =	vld [tilespmem:$0x46E0];
	_ =	sdelay $0x3  }
0x1b8: {  	v55 =	vand.u32 $0xFFFF0000, v0  }
0x1b9: {  	v56 =	vand.u32 $0xFFFF0000, v53;
	v57 =	vand.u32 $0xFFFF0000, v2;
	v58 =	vand.u32 $0xFFFF0000, v54  }
0x1ba: {  	v0 =	vshll.u32 v0, $0x10;
	v1 =	vshll.u32 v53, $0x10;
	v2 =	vshll.u32 v2, $0x10  }
0x1bb: {  	v3 =	vshll.u32 v54, $0x10;
	v4 =	vadd.f32 v56, v55;
	v59 =	vadd.f32 v58, v57  }
0x1bc: {  	v0 =	vadd.f32 v1, v0;
	v60 =	vadd.f32 v3, v2  }
0x1bd: {  	v61 =	vadd.f32 v59, v4  }
0x1be: {  	s8 =	simm.s32 $0x50E0;
	v0 =	vadd.f32 v60, v0  }
0x1bf: {  	s9 =	simm.s32 $0x52E0;
	[tilespmem:s8+$0x0] =	vst.add.f32.msk $0xffff, v61  }
0x1c0: {  	[tilespmem:s9+$0x0] =	vst.add.f32.msk $0xffff, v0  }
0x1c1: {  	v0 =	vld [tilespmem:$0x40F0]  }
0x1c2: {  	v62 =	vld [tilespmem:$0x42F0]  }
0x1c3: {  	v2 =	vld [tilespmem:$0x44F0]  }
0x1c4: {  	v63 =	vld [tilespmem:$0x46F0];
	_ =	sdelay $0x3  }
0x1c5: {  	v9 =	vand.u32 $0xFFFF0000, v0  }
0x1c6: {  	v10 =	vand.u32 $0xFFFF0000, v62;
	v11 =	vand.u32 $0xFFFF0000, v2;
	v12 =	vand.u32 $0xFFFF0000, v63  }
0x1c7: {  	v0 =	vshll.u32 v0, $0x10;
	v1 =	vshll.u32 v62, $0x10;
	v2 =	vshll.u32 v2, $0x10  }
0x1c8: {  	v3 =	vshll.u32 v63, $0x10;
	v4 =	vadd.f32 v10, v9;
	v13 =	vadd.f32 v12, v11  }
0x1c9: {  	v0 =	vadd.f32 v1, v0;
	v14 =	vadd.f32 v3, v2  }
0x1ca: {  	v15 =	vadd.f32 v13, v4  }
0x1cb: {  	s10 =	simm.s32 $0x50F0;
	v0 =	vadd.f32 v14, v0  }
0x1cc: {  	s11 =	simm.s32 $0x52F0;
	[tilespmem:s10+$0x0] =	vst.add.f32.msk $0xffff, v15  }
0x1cd: {  	[tilespmem:s11+$0x0] =	vst.add.f32.msk $0xffff, v0  }
0x1ce: {  	v0 =	vld [tilespmem:$0x4100]  }
0x1cf: {  	v16 =	vld [tilespmem:$0x4300]  }
0x1d0: {  	v2 =	vld [tilespmem:$0x4500]  }
0x1d1: {  	v17 =	vld [tilespmem:$0x4700];
	_ =	sdelay $0x3  }
0x1d2: {  	v18 =	vand.u32 $0xFFFF0000, v0  }
0x1d3: {  	v19 =	vand.u32 $0xFFFF0000, v16;
	v20 =	vand.u32 $0xFFFF0000, v2;
	v21 =	vand.u32 $0xFFFF0000, v17  }
0x1d4: {  	v0 =	vshll.u32 v0, $0x10;
	v1 =	vshll.u32 v16, $0x10;
	v2 =	vshll.u32 v2, $0x10  }
0x1d5: {  	v3 =	vshll.u32 v17, $0x10;
	v4 =	vadd.f32 v19, v18;
	v22 =	vadd.f32 v21, v20  }
0x1d6: {  	v0 =	vadd.f32 v1, v0;
	v23 =	vadd.f32 v3, v2  }
0x1d7: {  	v24 =	vadd.f32 v22, v4  }
0x1d8: {  	s5 =	simm.s32 $0x5100;
	v0 =	vadd.f32 v23, v0  }
0x1d9: {  	s6 =	simm.s32 $0x5300;
	[tilespmem:s5+$0x0] =	vst.add.f32.msk $0xffff, v24  }
0x1da: {  	[tilespmem:s6+$0x0] =	vst.add.f32.msk $0xffff, v0  }
0x1db: {  	v0 =	vld [tilespmem:$0x4110]  }
0x1dc: {  	v25 =	vld [tilespmem:$0x4310]  }
0x1dd: {  	v2 =	vld [tilespmem:$0x4510]  }
0x1de: {  	v26 =	vld [tilespmem:$0x4710];
	_ =	sdelay $0x3  }
0x1df: {  	v27 =	vand.u32 $0xFFFF0000, v0  }
0x1e0: {  	v28 =	vand.u32 $0xFFFF0000, v25;
	v29 =	vand.u32 $0xFFFF0000, v2;
	v30 =	vand.u32 $0xFFFF0000, v26  }
0x1e1: {  	v0 =	vshll.u32 v0, $0x10;
	v1 =	vshll.u32 v25, $0x10;
	v2 =	vshll.u32 v2, $0x10  }
0x1e2: {  	v3 =	vshll.u32 v26, $0x10;
	v4 =	vadd.f32 v28, v27;
	v31 =	vadd.f32 v30, v29  }
0x1e3: {  	v0 =	vadd.f32 v1, v0;
	v32 =	vadd.f32 v3, v2  }
0x1e4: {  	v33 =	vadd.f32 v31, v4  }
0x1e5: {  	s7 =	simm.s32 $0x5110;
	v0 =	vadd.f32 v32, v0  }
0x1e6: {  	s8 =	simm.s32 $0x5310;
	[tilespmem:s7+$0x0] =	vst.add.f32.msk $0xffff, v33  }
0x1e7: {  	[tilespmem:s8+$0x0] =	vst.add.f32.msk $0xffff, v0  }
0x1e8: {  	v0 =	vld [tilespmem:$0x4120]  }
0x1e9: {  	v34 =	vld [tilespmem:$0x4320]  }
0x1ea: {  	v2 =	vld [tilespmem:$0x4520]  }
0x1eb: {  	v35 =	vld [tilespmem:$0x4720];
	_ =	sdelay $0x3  }
0x1ec: {  	v36 =	vand.u32 $0xFFFF0000, v0  }
0x1ed: {  	v37 =	vand.u32 $0xFFFF0000, v34;
	v38 =	vand.u32 $0xFFFF0000, v2;
	v39 =	vand.u32 $0xFFFF0000, v35  }
0x1ee: {  	v0 =	vshll.u32 v0, $0x10;
	v1 =	vshll.u32 v34, $0x10;
	v2 =	vshll.u32 v2, $0x10  }
0x1ef: {  	v3 =	vshll.u32 v35, $0x10;
	v4 =	vadd.f32 v37, v36;
	v40 =	vadd.f32 v39, v38  }
0x1f0: {  	v0 =	vadd.f32 v1, v0;
	v41 =	vadd.f32 v3, v2  }
0x1f1: {  	v42 =	vadd.f32 v40, v4  }
0x1f2: {  	s9 =	simm.s32 $0x5120;
	v0 =	vadd.f32 v41, v0  }
0x1f3: {  	s10 =	simm.s32 $0x5320;
	[tilespmem:s9+$0x0] =	vst.add.f32.msk $0xffff, v42  }
0x1f4: {  	[tilespmem:s10+$0x0] =	vst.add.f32.msk $0xffff, v0  }
0x1f5: {  	v0 =	vld [tilespmem:$0x4130]  }
0x1f6: {  	v43 =	vld [tilespmem:$0x4330]  }
0x1f7: {  	v2 =	vld [tilespmem:$0x4530]  }
0x1f8: {  	v44 =	vld [tilespmem:$0x4730];
	_ =	sdelay $0x3  }
0x1f9: {  	v45 =	vand.u32 $0xFFFF0000, v0  }
0x1fa: {  	v46 =	vand.u32 $0xFFFF0000, v43;
	v47 =	vand.u32 $0xFFFF0000, v2;
	v48 =	vand.u32 $0xFFFF0000, v44  }
0x1fb: {  	v0 =	vshll.u32 v0, $0x10;
	v1 =	vshll.u32 v43, $0x10;
	v2 =	vshll.u32 v2, $0x10  }
0x1fc: {  	v3 =	vshll.u32 v44, $0x10;
	v4 =	vadd.f32 v46, v45;
	v49 =	vadd.f32 v48, v47  }
0x1fd: {  	v0 =	vadd.f32 v1, v0;
	v50 =	vadd.f32 v3, v2  }
0x1fe: {  	v51 =	vadd.f32 v49, v4  }
0x1ff: {  	s11 =	simm.s32 $0x5130;
	v0 =	vadd.f32 v50, v0  }
0x200: {  	s5 =	simm.s32 $0x5330;
	[tilespmem:s11+$0x0] =	vst.add.f32.msk $0xffff, v51  }
0x201: {  	[tilespmem:s5+$0x0] =	vst.add.f32.msk $0xffff, v0  }
0x202: {  	v0 =	vld [tilespmem:$0x4140]  }
0x203: {  	v52 =	vld [tilespmem:$0x4340]  }
0x204: {  	v2 =	vld [tilespmem:$0x4540]  }
0x205: {  	v53 =	vld [tilespmem:$0x4740];
	_ =	sdelay $0x3  }
0x206: {  	v54 =	vand.u32 $0xFFFF0000, v0  }
0x207: {  	v55 =	vand.u32 $0xFFFF0000, v52;
	v56 =	vand.u32 $0xFFFF0000, v2;
	v57 =	vand.u32 $0xFFFF0000, v53  }
0x208: {  	v0 =	vshll.u32 v0, $0x10;
	v1 =	vshll.u32 v52, $0x10;
	v2 =	vshll.u32 v2, $0x10  }
0x209: {  	v3 =	vshll.u32 v53, $0x10;
	v4 =	vadd.f32 v55, v54;
	v58 =	vadd.f32 v57, v56  }
0x20a: {  	v0 =	vadd.f32 v1, v0;
	v59 =	vadd.f32 v3, v2  }
0x20b: {  	v60 =	vadd.f32 v58, v4  }
0x20c: {  	s6 =	simm.s32 $0x5140;
	v0 =	vadd.f32 v59, v0  }
0x20d: {  	s7 =	simm.s32 $0x5340;
	[tilespmem:s6+$0x0] =	vst.add.f32.msk $0xffff, v60  }
0x20e: {  	[tilespmem:s7+$0x0] =	vst.add.f32.msk $0xffff, v0  }
0x20f: {  	v0 =	vld [tilespmem:$0x4150]  }
0x210: {  	v61 =	vld [tilespmem:$0x4350]  }
0x211: {  	v2 =	vld [tilespmem:$0x4550]  }
0x212: {  	v62 =	vld [tilespmem:$0x4750];
	_ =	sdelay $0x3  }
0x213: {  	v63 =	vand.u32 $0xFFFF0000, v0  }
0x214: {  	v9 =	vand.u32 $0xFFFF0000, v61;
	v10 =	vand.u32 $0xFFFF0000, v2;
	v11 =	vand.u32 $0xFFFF0000, v62  }
0x215: {  	v0 =	vshll.u32 v0, $0x10;
	v1 =	vshll.u32 v61, $0x10;
	v2 =	vshll.u32 v2, $0x10  }
0x216: {  	v3 =	vshll.u32 v62, $0x10;
	v4 =	vadd.f32 v9, v63;
	v12 =	vadd.f32 v11, v10  }
0x217: {  	v0 =	vadd.f32 v1, v0;
	v13 =	vadd.f32 v3, v2  }
0x218: {  	v14 =	vadd.f32 v12, v4  }
0x219: {  	s8 =	simm.s32 $0x5150;
	v0 =	vadd.f32 v13, v0  }
0x21a: {  	s9 =	simm.s32 $0x5350;
	[tilespmem:s8+$0x0] =	vst.add.f32.msk $0xffff, v14  }
0x21b: {  	[tilespmem:s9+$0x0] =	vst.add.f32.msk $0xffff, v0  }
0x21c: {  	v0 =	vld [tilespmem:$0x4160]  }
0x21d: {  	v15 =	vld [tilespmem:$0x4360]  }
0x21e: {  	v2 =	vld [tilespmem:$0x4560]  }
0x21f: {  	v16 =	vld [tilespmem:$0x4760];
	_ =	sdelay $0x3  }
0x220: {  	v17 =	vand.u32 $0xFFFF0000, v0  }
0x221: {  	v18 =	vand.u32 $0xFFFF0000, v15;
	v19 =	vand.u32 $0xFFFF0000, v2;
	v20 =	vand.u32 $0xFFFF0000, v16  }
0x222: {  	v0 =	vshll.u32 v0, $0x10;
	v1 =	vshll.u32 v15, $0x10;
	v2 =	vshll.u32 v2, $0x10  }
0x223: {  	v3 =	vshll.u32 v16, $0x10;
	v4 =	vadd.f32 v18, v17;
	v21 =	vadd.f32 v20, v19  }
0x224: {  	v0 =	vadd.f32 v1, v0;
	v22 =	vadd.f32 v3, v2  }
0x225: {  	v23 =	vadd.f32 v21, v4  }
0x226: {  	s10 =	simm.s32 $0x5160;
	v0 =	vadd.f32 v22, v0  }
0x227: {  	s11 =	simm.s32 $0x5360;
	[tilespmem:s10+$0x0] =	vst.add.f32.msk $0xffff, v23  }
0x228: {  	[tilespmem:s11+$0x0] =	vst.add.f32.msk $0xffff, v0  }
0x229: {  	v0 =	vld [tilespmem:$0x4170]  }
0x22a: {  	v24 =	vld [tilespmem:$0x4370]  }
0x22b: {  	v2 =	vld [tilespmem:$0x4570]  }
0x22c: {  	v25 =	vld [tilespmem:$0x4770];
	_ =	sdelay $0x3  }
0x22d: {  	v26 =	vand.u32 $0xFFFF0000, v0  }
0x22e: {  	v27 =	vand.u32 $0xFFFF0000, v24;
	v28 =	vand.u32 $0xFFFF0000, v2;
	v29 =	vand.u32 $0xFFFF0000, v25  }
0x22f: {  	v0 =	vshll.u32 v0, $0x10;
	v1 =	vshll.u32 v24, $0x10;
	v2 =	vshll.u32 v2, $0x10  }
0x230: {  	v3 =	vshll.u32 v25, $0x10;
	v4 =	vadd.f32 v27, v26;
	v30 =	vadd.f32 v29, v28  }
0x231: {  	v0 =	vadd.f32 v1, v0;
	v31 =	vadd.f32 v3, v2  }
0x232: {  	v32 =	vadd.f32 v30, v4  }
0x233: {  	s5 =	simm.s32 $0x5170;
	v0 =	vadd.f32 v31, v0  }
0x234: {  	s6 =	simm.s32 $0x5370;
	[tilespmem:s5+$0x0] =	vst.add.f32.msk $0xffff, v32  }
0x235: {  	[tilespmem:s6+$0x0] =	vst.add.f32.msk $0xffff, v0  }
0x236: {  	v0 =	vld [tilespmem:$0x4180]  }
0x237: {  	v33 =	vld [tilespmem:$0x4380]  }
0x238: {  	v2 =	vld [tilespmem:$0x4580]  }
0x239: {  	v34 =	vld [tilespmem:$0x4780];
	_ =	sdelay $0x3  }
0x23a: {  	v35 =	vand.u32 $0xFFFF0000, v0  }
0x23b: {  	v36 =	vand.u32 $0xFFFF0000, v33;
	v37 =	vand.u32 $0xFFFF0000, v2;
	v38 =	vand.u32 $0xFFFF0000, v34  }
0x23c: {  	v0 =	vshll.u32 v0, $0x10;
	v1 =	vshll.u32 v33, $0x10;
	v2 =	vshll.u32 v2, $0x10  }
0x23d: {  	v3 =	vshll.u32 v34, $0x10;
	v4 =	vadd.f32 v36, v35;
	v39 =	vadd.f32 v38, v37  }
0x23e: {  	v0 =	vadd.f32 v1, v0;
	v40 =	vadd.f32 v3, v2  }
0x23f: {  	v41 =	vadd.f32 v39, v4  }
0x240: {  	s7 =	simm.s32 $0x5180;
	v0 =	vadd.f32 v40, v0  }
0x241: {  	s8 =	simm.s32 $0x5380;
	[tilespmem:s7+$0x0] =	vst.add.f32.msk $0xffff, v41  }
0x242: {  	[tilespmem:s8+$0x0] =	vst.add.f32.msk $0xffff, v0  }
0x243: {  	v0 =	vld [tilespmem:$0x4190]  }
0x244: {  	v42 =	vld [tilespmem:$0x4390]  }
0x245: {  	v2 =	vld [tilespmem:$0x4590]  }
0x246: {  	v43 =	vld [tilespmem:$0x4790];
	_ =	sdelay $0x3  }
0x247: {  	v44 =	vand.u32 $0xFFFF0000, v0  }
0x248: {  	v45 =	vand.u32 $0xFFFF0000, v42;
	v46 =	vand.u32 $0xFFFF0000, v2;
	v47 =	vand.u32 $0xFFFF0000, v43  }
0x249: {  	v0 =	vshll.u32 v0, $0x10;
	v1 =	vshll.u32 v42, $0x10;
	v2 =	vshll.u32 v2, $0x10  }
0x24a: {  	v3 =	vshll.u32 v43, $0x10;
	v4 =	vadd.f32 v45, v44;
	v48 =	vadd.f32 v47, v46  }
0x24b: {  	v0 =	vadd.f32 v1, v0;
	v49 =	vadd.f32 v3, v2  }
0x24c: {  	v50 =	vadd.f32 v48, v4  }
0x24d: {  	s9 =	simm.s32 $0x5190;
	v0 =	vadd.f32 v49, v0  }
0x24e: {  	s10 =	simm.s32 $0x5390;
	[tilespmem:s9+$0x0] =	vst.add.f32.msk $0xffff, v50  }
0x24f: {  	[tilespmem:s10+$0x0] =	vst.add.f32.msk $0xffff, v0  }
0x250: {  	v0 =	vld [tilespmem:$0x41A0]  }
0x251: {  	v51 =	vld [tilespmem:$0x43A0]  }
0x252: {  	v2 =	vld [tilespmem:$0x45A0]  }
0x253: {  	v52 =	vld [tilespmem:$0x47A0];
	_ =	sdelay $0x3  }
0x254: {  	v53 =	vand.u32 $0xFFFF0000, v0  }
0x255: {  	v54 =	vand.u32 $0xFFFF0000, v51;
	v55 =	vand.u32 $0xFFFF0000, v2;
	v56 =	vand.u32 $0xFFFF0000, v52  }
0x256: {  	v0 =	vshll.u32 v0, $0x10;
	v1 =	vshll.u32 v51, $0x10;
	v2 =	vshll.u32 v2, $0x10  }
0x257: {  	v3 =	vshll.u32 v52, $0x10;
	v4 =	vadd.f32 v54, v53;
	v57 =	vadd.f32 v56, v55  }
0x258: {  	v0 =	vadd.f32 v1, v0;
	v58 =	vadd.f32 v3, v2  }
0x259: {  	v59 =	vadd.f32 v57, v4  }
0x25a: {  	s11 =	simm.s32 $0x51A0;
	v0 =	vadd.f32 v58, v0  }
0x25b: {  	s5 =	simm.s32 $0x53A0;
	[tilespmem:s11+$0x0] =	vst.add.f32.msk $0xffff, v59  }
0x25c: {  	[tilespmem:s5+$0x0] =	vst.add.f32.msk $0xffff, v0  }
0x25d: {  	v0 =	vld [tilespmem:$0x41B0]  }
0x25e: {  	v60 =	vld [tilespmem:$0x43B0]  }
0x25f: {  	v2 =	vld [tilespmem:$0x45B0]  }
0x260: {  	v61 =	vld [tilespmem:$0x47B0];
	_ =	sdelay $0x3  }
0x261: {  	v62 =	vand.u32 $0xFFFF0000, v0  }
0x262: {  	v63 =	vand.u32 $0xFFFF0000, v60;
	v9 =	vand.u32 $0xFFFF0000, v2;
	v10 =	vand.u32 $0xFFFF0000, v61  }
0x263: {  	v0 =	vshll.u32 v0, $0x10;
	v1 =	vshll.u32 v60, $0x10;
	v2 =	vshll.u32 v2, $0x10  }
0x264: {  	v3 =	vshll.u32 v61, $0x10;
	v4 =	vadd.f32 v63, v62;
	v11 =	vadd.f32 v10, v9  }
0x265: {  	v0 =	vadd.f32 v1, v0;
	v12 =	vadd.f32 v3, v2  }
0x266: {  	v13 =	vadd.f32 v11, v4  }
0x267: {  	s6 =	simm.s32 $0x51B0;
	v0 =	vadd.f32 v12, v0  }
0x268: {  	s7 =	simm.s32 $0x53B0;
	[tilespmem:s6+$0x0] =	vst.add.f32.msk $0xffff, v13  }
0x269: {  	[tilespmem:s7+$0x0] =	vst.add.f32.msk $0xffff, v0  }
0x26a: {  	v0 =	vld [tilespmem:$0x41C0]  }
0x26b: {  	v14 =	vld [tilespmem:$0x43C0]  }
0x26c: {  	v2 =	vld [tilespmem:$0x45C0]  }
0x26d: {  	v15 =	vld [tilespmem:$0x47C0];
	_ =	sdelay $0x3  }
0x26e: {  	v16 =	vand.u32 $0xFFFF0000, v0  }
0x26f: {  	v17 =	vand.u32 $0xFFFF0000, v14;
	v18 =	vand.u32 $0xFFFF0000, v2;
	v19 =	vand.u32 $0xFFFF0000, v15  }
0x270: {  	v0 =	vshll.u32 v0, $0x10;
	v1 =	vshll.u32 v14, $0x10;
	v2 =	vshll.u32 v2, $0x10  }
0x271: {  	v3 =	vshll.u32 v15, $0x10;
	v4 =	vadd.f32 v17, v16;
	v20 =	vadd.f32 v19, v18  }
0x272: {  	v0 =	vadd.f32 v1, v0;
	v21 =	vadd.f32 v3, v2  }
0x273: {  	v22 =	vadd.f32 v20, v4  }
0x274: {  	s8 =	simm.s32 $0x51C0;
	v0 =	vadd.f32 v21, v0  }
0x275: {  	s9 =	simm.s32 $0x53C0;
	[tilespmem:s8+$0x0] =	vst.add.f32.msk $0xffff, v22  }
0x276: {  	[tilespmem:s9+$0x0] =	vst.add.f32.msk $0xffff, v0  }
0x277: {  	v0 =	vld [tilespmem:$0x41D0]  }
0x278: {  	v23 =	vld [tilespmem:$0x43D0]  }
0x279: {  	v2 =	vld [tilespmem:$0x45D0]  }
0x27a: {  	v24 =	vld [tilespmem:$0x47D0];
	_ =	sdelay $0x3  }
0x27b: {  	v25 =	vand.u32 $0xFFFF0000, v0  }
0x27c: {  	v26 =	vand.u32 $0xFFFF0000, v23;
	v27 =	vand.u32 $0xFFFF0000, v2;
	v28 =	vand.u32 $0xFFFF0000, v24  }
0x27d: {  	v0 =	vshll.u32 v0, $0x10;
	v1 =	vshll.u32 v23, $0x10;
	v2 =	vshll.u32 v2, $0x10  }
0x27e: {  	v3 =	vshll.u32 v24, $0x10;
	v4 =	vadd.f32 v26, v25;
	v29 =	vadd.f32 v28, v27  }
0x27f: {  	v0 =	vadd.f32 v1, v0;
	v30 =	vadd.f32 v3, v2  }
0x280: {  	v31 =	vadd.f32 v29, v4  }
0x281: {  	s10 =	simm.s32 $0x51D0;
	v0 =	vadd.f32 v30, v0  }
0x282: {  	s11 =	simm.s32 $0x53D0;
	[tilespmem:s10+$0x0] =	vst.add.f32.msk $0xffff, v31  }
0x283: {  	[tilespmem:s11+$0x0] =	vst.add.f32.msk $0xffff, v0  }
0x284: {  	v0 =	vld [tilespmem:$0x41E0]  }
0x285: {  	v32 =	vld [tilespmem:$0x43E0]  }
0x286: {  	v2 =	vld [tilespmem:$0x45E0]  }
0x287: {  	v33 =	vld [tilespmem:$0x47E0];
	_ =	sdelay $0x3  }
0x288: {  	v34 =	vand.u32 $0xFFFF0000, v0  }
0x289: {  	v35 =	vand.u32 $0xFFFF0000, v32;
	v36 =	vand.u32 $0xFFFF0000, v2;
	v37 =	vand.u32 $0xFFFF0000, v33  }
0x28a: {  	v0 =	vshll.u32 v0, $0x10;
	v1 =	vshll.u32 v32, $0x10;
	v2 =	vshll.u32 v2, $0x10  }
0x28b: {  	v3 =	vshll.u32 v33, $0x10;
	v4 =	vadd.f32 v35, v34;
	v38 =	vadd.f32 v37, v36  }
0x28c: {  	v0 =	vadd.f32 v1, v0;
	v39 =	vadd.f32 v3, v2  }
0x28d: {  	v40 =	vadd.f32 v38, v4  }
0x28e: {  	s5 =	simm.s32 $0x51E0;
	v0 =	vadd.f32 v39, v0  }
0x28f: {  	s6 =	simm.s32 $0x53E0;
	[tilespmem:s5+$0x0] =	vst.add.f32.msk $0xffff, v40  }
0x290: {  	[tilespmem:s6+$0x0] =	vst.add.f32.msk $0xffff, v0  }
0x291: {  	v0 =	vld [tilespmem:$0x41F0]  }
0x292: {  	v41 =	vld [tilespmem:$0x43F0]  }
0x293: {  	v2 =	vld [tilespmem:$0x45F0]  }
0x294: {  	v42 =	vld [tilespmem:$0x47F0];
	_ =	sdelay $0x3  }
0x295: {  	v43 =	vand.u32 $0xFFFF0000, v0  }
0x296: {  	v44 =	vand.u32 $0xFFFF0000, v41;
	v45 =	vand.u32 $0xFFFF0000, v2;
	v46 =	vand.u32 $0xFFFF0000, v42  }
0x297: {  	v0 =	vshll.u32 v0, $0x10;
	v1 =	vshll.u32 v41, $0x10;
	v2 =	vshll.u32 v2, $0x10  }
0x298: {  	v3 =	vshll.u32 v42, $0x10;
	v4 =	vadd.f32 v44, v43;
	v47 =	vadd.f32 v46, v45  }
0x299: {  	v0 =	vadd.f32 v1, v0;
	v48 =	vadd.f32 v3, v2  }
0x29a: {  	v49 =	vadd.f32 v47, v4  }
0x29b: {  	s7 =	simm.s32 $0x51F0;
	v0 =	vadd.f32 v48, v0  }
0x29c: {  	p1 =	seq.s32 s0, $0x66000;
	s4 =	simm.s32 $0x53F0;
	[tilespmem:s7+$0x0] =	vst.add.f32.msk $0xffff, v49  }
0x29d: {  	s6 =	simm.s32 @!p1 $0x1;
	[tilespmem:s4+$0x0] =	vst.add.f32.msk $0xffff, v0  }
0x29e: {  	_ =	swait.ge @!p1 [sflag:s6], $0x200  }
0x29f: {  	[sflag:s6] =	ssyncset.done @!p1 $0x0  }
0x2a0: {  	[sflag:s6] =	ssyncadd.s32 @!p1 $0xFFFFFE00  }
0x2a1: {  	_ =	swait.ge @!p1 [sflag:s6], $0x200  }
0x2a2: {  	[sflag:s6] =	ssyncset.done @!p1 $0x0  }
0x2a3: {  	[sflag:s6] =	ssyncadd.s32 @!p1 $0xFFFFFE00  }
0x2a4: {  	_ =	swait.ge @!p1 [sflag:s6], $0x200  }
0x2a5: {  	[sflag:s6] =	ssyncset.done @!p1 $0x0  }
0x2a6: {  	[sflag:s6] =	ssyncadd.s32 @!p1 $0xFFFFFE00  }
0x2a7: {  	_ =	swait.ge @!p1 [sflag:s6], $0x200  }
0x2a8: {  	s7 =	sadd.s32 @!p1 $0xFFFFE000, s0;
	[sflag:s6] =	ssyncset.done @!p1 $0x0  }
0x2a9: {  	p2 =	sgt.u32 @!p1 s2, $0x16;
	[sflag:s6] =	ssyncadd.s32 @!p1 $0xFFFFFE00;
	s6 =	sand.u32 @!p1 $0xC000, s7  }
0x2aa: {  	s8 =	simm.s32 @!p1 $0x4000;
	s7 =	sshrl.u32 @!p1 s6, $0x2;
	s6 =	simm.s32 @!p1 $0x800  }
0x2ab: {  	[tilespmem:s8], [sflag:$0x3] =	stream.indirect.gather @!p1 [spmem:s15], $0x1, s7, s6, $0xb8;
	[tilespmem:$0x18F28] =	vst v63  }
0x2ac: {  	p3 =	por p2, p1;
	s7 =	rddreg [dreg:$0x4]  }
0x2ad: {  	s10 =	simm.s32 @!p3 $0x80;
	s8 =	sadd.s32 @!p3 $0xFFFFF800, s1;
	s7 =	sadd.s32 @!p3 s0, s7  }
0x2ae: {  	s11 =	simm.s32 @!p3 $0x400;
	s8 =	sand.u32 @!p3 $0x3000, s8;
	s9 =	sadd.s32 @!p3 $0xFFFFA000, s7  }
0x2af: {  	[tilespmem:s8], [sflag:$0x1] =	stream.strided.gather @!p3 [hbm4b:s9+s10], $0x200, s11, s10, $0x38;
	[tilespmem:$0x18F28] =	vst v63  }
0x2b0: {  	s5 =	smov.u32 s15;
	s15 =	sadd.s32 @!p3 $0xFFFFA800, s7;
	s9 =	sor.u32 @!p3 $0x200, s8  }
0x2b1: {  	[tilespmem:s9], [sflag:$0x1] =	stream.strided.gather @!p3 [hbm4b:s15+s10], $0x200, s11, s10, $0x38;
	[tilespmem:$0x18F28] =	vst v63  }
0x2b2: {  	s9 =	sor.u32 @!p3 $0x400, s8;
	s15 =	sadd.s32 @!p3 $0xFFFFB000, s7  }
0x2b3: {  	[tilespmem:s9], [sflag:$0x1] =	stream.strided.gather @!p3 [hbm4b:s15+s10], $0x200, s11, s10, $0x38;
	[tilespmem:$0x18F28] =	vst v63  }
0x2b4: {  	s8 =	sor.u32 @!p3 $0x600, s8;
	s7 =	sadd.s32 @!p3 $0xFFFFB800, s7  }
0x2b5: {  	[tilespmem:s8], [sflag:$0x1] =	stream.strided.gather @!p3 [hbm4b:s7+s10], $0x200, s11, s10, $0x38;
	[tilespmem:$0x18F28] =	vst v63  }
0x2b6: {  	s8 =	simm.s32 $0x4  }
0x2b7: {  	_ =	swait.ge [sflag:s8], $0x800  }
0x2b8: {  	[sflag:s8] =	ssyncset.done $0x0  }
0x2b9: {  	[sflag:s8] =	ssyncadd.s32 $0xFFFFF800  }
0x2ba: {  	v50 =	vld [tilespmem:$0x4800]  }
0x2bb: {  	v51 =	vld [tilespmem:$0x4A00]  }
0x2bc: {  	v52 =	vld [tilespmem:$0x4C00]  }
0x2bd: {  	v53 =	vld [tilespmem:$0x4E00];
	_ =	sdelay $0x3  }
0x2be: {  	v54 =	vand.u32 $0xFFFF0000, v50  }
0x2bf: {  	v55 =	vand.u32 $0xFFFF0000, v51;
	v56 =	vand.u32 $0xFFFF0000, v52;
	v57 =	vand.u32 $0xFFFF0000, v53  }
0x2c0: {  	v0 =	vshll.u32 v50, $0x10;
	v1 =	vshll.u32 v51, $0x10;
	v2 =	vshll.u32 v52, $0x10  }
0x2c1: {  	v3 =	vshll.u32 v53, $0x10;
	v4 =	vadd.f32 v55, v54;
	v58 =	vadd.f32 v57, v56  }
0x2c2: {  	v0 =	vadd.f32 v1, v0;
	v59 =	vadd.f32 v3, v2  }
0x2c3: {  	v60 =	vadd.f32 v58, v4  }
0x2c4: {  	v0 =	vadd.f32 v59, v0  }
0x2c5: {  	[tilespmem:s13+$0x0] =	vst.add.f32.msk $0xffff, v60  }
0x2c6: {  	[tilespmem:s25+$0x0] =	vst.add.f32.msk $0xffff, v0  }
0x2c7: {  	v0 =	vld [tilespmem:$0x4810]  }
0x2c8: {  	v61 =	vld [tilespmem:$0x4A10]  }
0x2c9: {  	v2 =	vld [tilespmem:$0x4C10]  }
0x2ca: {  	v62 =	vld [tilespmem:$0x4E10];
	_ =	sdelay $0x3  }
0x2cb: {  	v63 =	vand.u32 $0xFFFF0000, v0  }
0x2cc: {  	v9 =	vand.u32 $0xFFFF0000, v61;
	v10 =	vand.u32 $0xFFFF0000, v2;
	v11 =	vand.u32 $0xFFFF0000, v62  }
0x2cd: {  	v0 =	vshll.u32 v0, $0x10;
	v1 =	vshll.u32 v61, $0x10;
	v2 =	vshll.u32 v2, $0x10  }
0x2ce: {  	v3 =	vshll.u32 v62, $0x10;
	v4 =	vadd.f32 v9, v63;
	v12 =	vadd.f32 v11, v10  }
0x2cf: {  	v0 =	vadd.f32 v1, v0;
	v13 =	vadd.f32 v3, v2  }
0x2d0: {  	v14 =	vadd.f32 v12, v4  }
0x2d1: {  	s15 =	smov.u32 s5;
	s5 =	simm.s32 $0x5010;
	v0 =	vadd.f32 v13, v0  }
0x2d2: {  	[tilespmem:s5+$0x0] =	vst.add.f32.msk $0xffff, v14  }
0x2d3: {  	[tilespmem:s12+$0x0] =	vst.add.f32.msk $0xffff, v0  }
0x2d4: {  	v0 =	vld [tilespmem:$0x4820]  }
0x2d5: {  	v15 =	vld [tilespmem:$0x4A20]  }
0x2d6: {  	v2 =	vld [tilespmem:$0x4C20]  }
0x2d7: {  	v16 =	vld [tilespmem:$0x4E20];
	_ =	sdelay $0x3  }
0x2d8: {  	v17 =	vand.u32 $0xFFFF0000, v0  }
0x2d9: {  	v18 =	vand.u32 $0xFFFF0000, v15;
	v19 =	vand.u32 $0xFFFF0000, v2;
	v20 =	vand.u32 $0xFFFF0000, v16  }
0x2da: {  	v0 =	vshll.u32 v0, $0x10;
	v1 =	vshll.u32 v15, $0x10;
	v2 =	vshll.u32 v2, $0x10  }
0x2db: {  	v3 =	vshll.u32 v16, $0x10;
	v4 =	vadd.f32 v18, v17;
	v21 =	vadd.f32 v20, v19  }
0x2dc: {  	v0 =	vadd.f32 v1, v0;
	v22 =	vadd.f32 v3, v2  }
0x2dd: {  	v23 =	vadd.f32 v21, v4  }
0x2de: {  	v0 =	vadd.f32 v22, v0  }
0x2df: {  	[tilespmem:s3+$0x0] =	vst.add.f32.msk $0xffff, v23  }
0x2e0: {  	[tilespmem:s26+$0x0] =	vst.add.f32.msk $0xffff, v0  }
0x2e1: {  	v0 =	vld [tilespmem:$0x4830]  }
0x2e2: {  	v24 =	vld [tilespmem:$0x4A30]  }
0x2e3: {  	v2 =	vld [tilespmem:$0x4C30]  }
0x2e4: {  	v25 =	vld [tilespmem:$0x4E30];
	_ =	sdelay $0x3  }
0x2e5: {  	v26 =	vand.u32 $0xFFFF0000, v0  }
0x2e6: {  	v27 =	vand.u32 $0xFFFF0000, v24;
	v28 =	vand.u32 $0xFFFF0000, v2;
	v29 =	vand.u32 $0xFFFF0000, v25  }
0x2e7: {  	v0 =	vshll.u32 v0, $0x10;
	v1 =	vshll.u32 v24, $0x10;
	v2 =	vshll.u32 v2, $0x10  }
0x2e8: {  	v3 =	vshll.u32 v25, $0x10;
	v4 =	vadd.f32 v27, v26;
	v30 =	vadd.f32 v29, v28  }
0x2e9: {  	v0 =	vadd.f32 v1, v0;
	v31 =	vadd.f32 v3, v2  }
0x2ea: {  	v32 =	vadd.f32 v30, v4  }
0x2eb: {  	v0 =	vadd.f32 v31, v0  }
0x2ec: {  	[tilespmem:s28+$0x0] =	vst.add.f32.msk $0xffff, v32  }
0x2ed: {  	[tilespmem:s29+$0x0] =	vst.add.f32.msk $0xffff, v0  }
0x2ee: {  	v0 =	vld [tilespmem:$0x4840]  }
0x2ef: {  	v33 =	vld [tilespmem:$0x4A40]  }
0x2f0: {  	v2 =	vld [tilespmem:$0x4C40]  }
0x2f1: {  	v34 =	vld [tilespmem:$0x4E40];
	_ =	sdelay $0x3  }
0x2f2: {  	v35 =	vand.u32 $0xFFFF0000, v0  }
0x2f3: {  	v36 =	vand.u32 $0xFFFF0000, v33;
	v37 =	vand.u32 $0xFFFF0000, v2;
	v38 =	vand.u32 $0xFFFF0000, v34  }
0x2f4: {  	v0 =	vshll.u32 v0, $0x10;
	v1 =	vshll.u32 v33, $0x10;
	v2 =	vshll.u32 v2, $0x10  }
0x2f5: {  	v3 =	vshll.u32 v34, $0x10;
	v4 =	vadd.f32 v36, v35;
	v39 =	vadd.f32 v38, v37  }
0x2f6: {  	v0 =	vadd.f32 v1, v0;
	v40 =	vadd.f32 v3, v2  }
0x2f7: {  	v41 =	vadd.f32 v39, v4  }
0x2f8: {  	v0 =	vadd.f32 v40, v0  }
0x2f9: {  	[tilespmem:s30+$0x0] =	vst.add.f32.msk $0xffff, v41  }
0x2fa: {  	[tilespmem:s18+$0x0] =	vst.add.f32.msk $0xffff, v0  }
0x2fb: {  	v0 =	vld [tilespmem:$0x4850]  }
0x2fc: {  	v42 =	vld [tilespmem:$0x4A50]  }
0x2fd: {  	v2 =	vld [tilespmem:$0x4C50]  }
0x2fe: {  	v43 =	vld [tilespmem:$0x4E50];
	_ =	sdelay $0x3  }
0x2ff: {  	v44 =	vand.u32 $0xFFFF0000, v0  }
0x300: {  	v45 =	vand.u32 $0xFFFF0000, v42;
	v46 =	vand.u32 $0xFFFF0000, v2;
	v47 =	vand.u32 $0xFFFF0000, v43  }
0x301: {  	v0 =	vshll.u32 v0, $0x10;
	v1 =	vshll.u32 v42, $0x10;
	v2 =	vshll.u32 v2, $0x10  }
0x302: {  	v3 =	vshll.u32 v43, $0x10;
	v4 =	vadd.f32 v45, v44;
	v48 =	vadd.f32 v47, v46  }
0x303: {  	v0 =	vadd.f32 v1, v0;
	v49 =	vadd.f32 v3, v2  }
0x304: {  	v50 =	vadd.f32 v48, v4  }
0x305: {  	v0 =	vadd.f32 v49, v0  }
0x306: {  	[tilespmem:s16+$0x0] =	vst.add.f32.msk $0xffff, v50  }
0x307: {  	[tilespmem:s17+$0x0] =	vst.add.f32.msk $0xffff, v0  }
0x308: {  	v0 =	vld [tilespmem:$0x4860]  }
0x309: {  	v51 =	vld [tilespmem:$0x4A60]  }
0x30a: {  	v2 =	vld [tilespmem:$0x4C60]  }
0x30b: {  	v52 =	vld [tilespmem:$0x4E60];
	_ =	sdelay $0x3  }
0x30c: {  	v53 =	vand.u32 $0xFFFF0000, v0  }
0x30d: {  	v54 =	vand.u32 $0xFFFF0000, v51;
	v55 =	vand.u32 $0xFFFF0000, v2;
	v56 =	vand.u32 $0xFFFF0000, v52  }
0x30e: {  	v0 =	vshll.u32 v0, $0x10;
	v1 =	vshll.u32 v51, $0x10;
	v2 =	vshll.u32 v2, $0x10  }
0x30f: {  	v3 =	vshll.u32 v52, $0x10;
	v4 =	vadd.f32 v54, v53;
	v57 =	vadd.f32 v56, v55  }
0x310: {  	v0 =	vadd.f32 v1, v0;
	v58 =	vadd.f32 v3, v2  }
0x311: {  	v59 =	vadd.f32 v57, v4  }
0x312: {  	v0 =	vadd.f32 v58, v0  }
0x313: {  	s9 =	simm.s32 $0x5260;
	[tilespmem:s20+$0x0] =	vst.add.f32.msk $0xffff, v59  }
0x314: {  	[tilespmem:s9+$0x0] =	vst.add.f32.msk $0xffff, v0  }
0x315: {  	v0 =	vld [tilespmem:$0x4870]  }
0x316: {  	v60 =	vld [tilespmem:$0x4A70]  }
0x317: {  	v2 =	vld [tilespmem:$0x4C70]  }
0x318: {  	v61 =	vld [tilespmem:$0x4E70];
	_ =	sdelay $0x3  }
0x319: {  	v62 =	vand.u32 $0xFFFF0000, v0  }
0x31a: {  	v63 =	vand.u32 $0xFFFF0000, v60;
	v9 =	vand.u32 $0xFFFF0000, v2;
	v10 =	vand.u32 $0xFFFF0000, v61  }
0x31b: {  	v0 =	vshll.u32 v0, $0x10;
	v1 =	vshll.u32 v60, $0x10;
	v2 =	vshll.u32 v2, $0x10  }
0x31c: {  	v3 =	vshll.u32 v61, $0x10;
	v4 =	vadd.f32 v63, v62;
	v11 =	vadd.f32 v10, v9  }
0x31d: {  	v0 =	vadd.f32 v1, v0;
	v12 =	vadd.f32 v3, v2  }
0x31e: {  	v13 =	vadd.f32 v11, v4  }
0x31f: {  	v0 =	vadd.f32 v12, v0  }
0x320: {  	[tilespmem:s19+$0x0] =	vst.add.f32.msk $0xffff, v13  }
0x321: {  	[tilespmem:s21+$0x0] =	vst.add.f32.msk $0xffff, v0  }
0x322: {  	v0 =	vld [tilespmem:$0x4880]  }
0x323: {  	v14 =	vld [tilespmem:$0x4A80]  }
0x324: {  	v2 =	vld [tilespmem:$0x4C80]  }
0x325: {  	v15 =	vld [tilespmem:$0x4E80];
	_ =	sdelay $0x3  }
0x326: {  	v16 =	vand.u32 $0xFFFF0000, v0  }
0x327: {  	v17 =	vand.u32 $0xFFFF0000, v14;
	v18 =	vand.u32 $0xFFFF0000, v2;
	v19 =	vand.u32 $0xFFFF0000, v15  }
0x328: {  	v0 =	vshll.u32 v0, $0x10;
	v1 =	vshll.u32 v14, $0x10;
	v2 =	vshll.u32 v2, $0x10  }
0x329: {  	v3 =	vshll.u32 v15, $0x10;
	v4 =	vadd.f32 v17, v16;
	v20 =	vadd.f32 v19, v18  }
0x32a: {  	v0 =	vadd.f32 v1, v0;
	v21 =	vadd.f32 v3, v2  }
0x32b: {  	v22 =	vadd.f32 v20, v4  }
0x32c: {  	v0 =	vadd.f32 v21, v0  }
0x32d: {  	[tilespmem:s22+$0x0] =	vst.add.f32.msk $0xffff, v22  }
0x32e: {  	[tilespmem:s24+$0x0] =	vst.add.f32.msk $0xffff, v0  }
0x32f: {  	v0 =	vld [tilespmem:$0x4890]  }
0x330: {  	v23 =	vld [tilespmem:$0x4A90]  }
0x331: {  	v2 =	vld [tilespmem:$0x4C90]  }
0x332: {  	v24 =	vld [tilespmem:$0x4E90];
	_ =	sdelay $0x3  }
0x333: {  	v25 =	vand.u32 $0xFFFF0000, v0  }
0x334: {  	v26 =	vand.u32 $0xFFFF0000, v23;
	v27 =	vand.u32 $0xFFFF0000, v2;
	v28 =	vand.u32 $0xFFFF0000, v24  }
0x335: {  	v0 =	vshll.u32 v0, $0x10;
	v1 =	vshll.u32 v23, $0x10;
	v2 =	vshll.u32 v2, $0x10  }
0x336: {  	v3 =	vshll.u32 v24, $0x10;
	v4 =	vadd.f32 v26, v25;
	v29 =	vadd.f32 v28, v27  }
0x337: {  	v0 =	vadd.f32 v1, v0;
	v30 =	vadd.f32 v3, v2  }
0x338: {  	v31 =	vadd.f32 v29, v4  }
0x339: {  	v0 =	vadd.f32 v30, v0  }
0x33a: {  	[tilespmem:s23+$0x0] =	vst.add.f32.msk $0xffff, v31  }
0x33b: {  	[tilespmem:s31+$0x0] =	vst.add.f32.msk $0xffff, v0  }
0x33c: {  	v0 =	vld [tilespmem:$0x48A0]  }
0x33d: {  	v32 =	vld [tilespmem:$0x4AA0]  }
0x33e: {  	v2 =	vld [tilespmem:$0x4CA0]  }
0x33f: {  	v33 =	vld [tilespmem:$0x4EA0];
	_ =	sdelay $0x3  }
0x340: {  	v34 =	vand.u32 $0xFFFF0000, v0  }
0x341: {  	v35 =	vand.u32 $0xFFFF0000, v32;
	v36 =	vand.u32 $0xFFFF0000, v2;
	v37 =	vand.u32 $0xFFFF0000, v33  }
0x342: {  	v0 =	vshll.u32 v0, $0x10;
	v1 =	vshll.u32 v32, $0x10;
	v2 =	vshll.u32 v2, $0x10  }
0x343: {  	v3 =	vshll.u32 v33, $0x10;
	v4 =	vadd.f32 v35, v34;
	v38 =	vadd.f32 v37, v36  }
0x344: {  	v0 =	vadd.f32 v1, v0;
	v39 =	vadd.f32 v3, v2  }
0x345: {  	v40 =	vadd.f32 v38, v4  }
0x346: {  	v0 =	vadd.f32 v39, v0  }
0x347: {  	s10 =	simm.s32 $0x52A0;
	[tilespmem:s14+$0x0] =	vst.add.f32.msk $0xffff, v40  }
0x348: {  	[tilespmem:s10+$0x0] =	vst.add.f32.msk $0xffff, v0  }
0x349: {  	v0 =	vld [tilespmem:$0x48B0]  }
0x34a: {  	v41 =	vld [tilespmem:$0x4AB0]  }
0x34b: {  	v2 =	vld [tilespmem:$0x4CB0]  }
0x34c: {  	v42 =	vld [tilespmem:$0x4EB0];
	_ =	sdelay $0x3  }
0x34d: {  	v43 =	vand.u32 $0xFFFF0000, v0  }
0x34e: {  	v44 =	vand.u32 $0xFFFF0000, v41;
	v45 =	vand.u32 $0xFFFF0000, v2;
	v46 =	vand.u32 $0xFFFF0000, v42  }
0x34f: {  	v0 =	vshll.u32 v0, $0x10;
	v1 =	vshll.u32 v41, $0x10;
	v2 =	vshll.u32 v2, $0x10  }
0x350: {  	v3 =	vshll.u32 v42, $0x10;
	v4 =	vadd.f32 v44, v43;
	v47 =	vadd.f32 v46, v45  }
0x351: {  	v0 =	vadd.f32 v1, v0;
	v48 =	vadd.f32 v3, v2  }
0x352: {  	v49 =	vadd.f32 v47, v4  }
0x353: {  	s11 =	simm.s32 $0x50B0;
	v0 =	vadd.f32 v48, v0  }
0x354: {  	s8 =	simm.s32 $0x52B0;
	[tilespmem:s11+$0x0] =	vst.add.f32.msk $0xffff, v49  }
0x355: {  	[tilespmem:s8+$0x0] =	vst.add.f32.msk $0xffff, v0  }
0x356: {  	v0 =	vld [tilespmem:$0x48C0]  }
0x357: {  	v50 =	vld [tilespmem:$0x4AC0]  }
0x358: {  	v2 =	vld [tilespmem:$0x4CC0]  }
0x359: {  	v51 =	vld [tilespmem:$0x4EC0];
	_ =	sdelay $0x3  }
0x35a: {  	v52 =	vand.u32 $0xFFFF0000, v0  }
0x35b: {  	v53 =	vand.u32 $0xFFFF0000, v50;
	v54 =	vand.u32 $0xFFFF0000, v2;
	v55 =	vand.u32 $0xFFFF0000, v51  }
0x35c: {  	v0 =	vshll.u32 v0, $0x10;
	v1 =	vshll.u32 v50, $0x10;
	v2 =	vshll.u32 v2, $0x10  }
0x35d: {  	v3 =	vshll.u32 v51, $0x10;
	v4 =	vadd.f32 v53, v52;
	v56 =	vadd.f32 v55, v54  }
0x35e: {  	v0 =	vadd.f32 v1, v0;
	v57 =	vadd.f32 v3, v2  }
0x35f: {  	v58 =	vadd.f32 v56, v4  }
0x360: {  	s9 =	simm.s32 $0x50C0;
	v0 =	vadd.f32 v57, v0  }
0x361: {  	s10 =	simm.s32 $0x52C0;
	[tilespmem:s9+$0x0] =	vst.add.f32.msk $0xffff, v58  }
0x362: {  	[tilespmem:s10+$0x0] =	vst.add.f32.msk $0xffff, v0  }
0x363: {  	v0 =	vld [tilespmem:$0x48D0]  }
0x364: {  	v59 =	vld [tilespmem:$0x4AD0]  }
0x365: {  	v2 =	vld [tilespmem:$0x4CD0]  }
0x366: {  	v60 =	vld [tilespmem:$0x4ED0];
	_ =	sdelay $0x3  }
0x367: {  	v61 =	vand.u32 $0xFFFF0000, v0  }
0x368: {  	v62 =	vand.u32 $0xFFFF0000, v59;
	v63 =	vand.u32 $0xFFFF0000, v2;
	v9 =	vand.u32 $0xFFFF0000, v60  }
0x369: {  	v0 =	vshll.u32 v0, $0x10;
	v1 =	vshll.u32 v59, $0x10;
	v2 =	vshll.u32 v2, $0x10  }
0x36a: {  	v3 =	vshll.u32 v60, $0x10;
	v4 =	vadd.f32 v62, v61;
	v10 =	vadd.f32 v9, v63  }
0x36b: {  	v0 =	vadd.f32 v1, v0;
	v11 =	vadd.f32 v3, v2  }
0x36c: {  	v12 =	vadd.f32 v10, v4  }
0x36d: {  	s11 =	simm.s32 $0x50D0;
	v0 =	vadd.f32 v11, v0  }
0x36e: {  	s8 =	simm.s32 $0x52D0;
	[tilespmem:s11+$0x0] =	vst.add.f32.msk $0xffff, v12  }
0x36f: {  	[tilespmem:s8+$0x0] =	vst.add.f32.msk $0xffff, v0  }
0x370: {  	v0 =	vld [tilespmem:$0x48E0]  }
0x371: {  	v13 =	vld [tilespmem:$0x4AE0]  }
0x372: {  	v2 =	vld [tilespmem:$0x4CE0]  }
0x373: {  	v14 =	vld [tilespmem:$0x4EE0];
	_ =	sdelay $0x3  }
0x374: {  	v15 =	vand.u32 $0xFFFF0000, v0  }
0x375: {  	v16 =	vand.u32 $0xFFFF0000, v13;
	v17 =	vand.u32 $0xFFFF0000, v2;
	v18 =	vand.u32 $0xFFFF0000, v14  }
0x376: {  	v0 =	vshll.u32 v0, $0x10;
	v1 =	vshll.u32 v13, $0x10;
	v2 =	vshll.u32 v2, $0x10  }
0x377: {  	v3 =	vshll.u32 v14, $0x10;
	v4 =	vadd.f32 v16, v15;
	v19 =	vadd.f32 v18, v17  }
0x378: {  	v0 =	vadd.f32 v1, v0;
	v20 =	vadd.f32 v3, v2  }
0x379: {  	v21 =	vadd.f32 v19, v4  }
0x37a: {  	s9 =	simm.s32 $0x50E0;
	v0 =	vadd.f32 v20, v0  }
0x37b: {  	s10 =	simm.s32 $0x52E0;
	[tilespmem:s9+$0x0] =	vst.add.f32.msk $0xffff, v21  }
0x37c: {  	[tilespmem:s10+$0x0] =	vst.add.f32.msk $0xffff, v0  }
0x37d: {  	v0 =	vld [tilespmem:$0x48F0]  }
0x37e: {  	v22 =	vld [tilespmem:$0x4AF0]  }
0x37f: {  	v2 =	vld [tilespmem:$0x4CF0]  }
0x380: {  	v23 =	vld [tilespmem:$0x4EF0];
	_ =	sdelay $0x3  }
0x381: {  	v24 =	vand.u32 $0xFFFF0000, v0  }
0x382: {  	v25 =	vand.u32 $0xFFFF0000, v22;
	v26 =	vand.u32 $0xFFFF0000, v2;
	v27 =	vand.u32 $0xFFFF0000, v23  }
0x383: {  	v0 =	vshll.u32 v0, $0x10;
	v1 =	vshll.u32 v22, $0x10;
	v2 =	vshll.u32 v2, $0x10  }
0x384: {  	v3 =	vshll.u32 v23, $0x10;
	v4 =	vadd.f32 v25, v24;
	v28 =	vadd.f32 v27, v26  }
0x385: {  	v0 =	vadd.f32 v1, v0;
	v29 =	vadd.f32 v3, v2  }
0x386: {  	v30 =	vadd.f32 v28, v4  }
0x387: {  	s11 =	simm.s32 $0x50F0;
	v0 =	vadd.f32 v29, v0  }
0x388: {  	s8 =	simm.s32 $0x52F0;
	[tilespmem:s11+$0x0] =	vst.add.f32.msk $0xffff, v30  }
0x389: {  	[tilespmem:s8+$0x0] =	vst.add.f32.msk $0xffff, v0  }
0x38a: {  	v0 =	vld [tilespmem:$0x4900]  }
0x38b: {  	v31 =	vld [tilespmem:$0x4B00]  }
0x38c: {  	v2 =	vld [tilespmem:$0x4D00]  }
0x38d: {  	v32 =	vld [tilespmem:$0x4F00];
	_ =	sdelay $0x3  }
0x38e: {  	v33 =	vand.u32 $0xFFFF0000, v0  }
0x38f: {  	v34 =	vand.u32 $0xFFFF0000, v31;
	v35 =	vand.u32 $0xFFFF0000, v2;
	v36 =	vand.u32 $0xFFFF0000, v32  }
0x390: {  	v0 =	vshll.u32 v0, $0x10;
	v1 =	vshll.u32 v31, $0x10;
	v2 =	vshll.u32 v2, $0x10  }
0x391: {  	v3 =	vshll.u32 v32, $0x10;
	v4 =	vadd.f32 v34, v33;
	v37 =	vadd.f32 v36, v35  }
0x392: {  	v0 =	vadd.f32 v1, v0;
	v38 =	vadd.f32 v3, v2  }
0x393: {  	v39 =	vadd.f32 v37, v4  }
0x394: {  	s9 =	simm.s32 $0x5100;
	v0 =	vadd.f32 v38, v0  }
0x395: {  	s10 =	simm.s32 $0x5300;
	[tilespmem:s9+$0x0] =	vst.add.f32.msk $0xffff, v39  }
0x396: {  	[tilespmem:s10+$0x0] =	vst.add.f32.msk $0xffff, v0  }
0x397: {  	v0 =	vld [tilespmem:$0x4910]  }
0x398: {  	v40 =	vld [tilespmem:$0x4B10]  }
0x399: {  	v2 =	vld [tilespmem:$0x4D10]  }
0x39a: {  	v41 =	vld [tilespmem:$0x4F10];
	_ =	sdelay $0x3  }
0x39b: {  	v42 =	vand.u32 $0xFFFF0000, v0  }
0x39c: {  	v43 =	vand.u32 $0xFFFF0000, v40;
	v44 =	vand.u32 $0xFFFF0000, v2;
	v45 =	vand.u32 $0xFFFF0000, v41  }
0x39d: {  	v0 =	vshll.u32 v0, $0x10;
	v1 =	vshll.u32 v40, $0x10;
	v2 =	vshll.u32 v2, $0x10  }
0x39e: {  	v3 =	vshll.u32 v41, $0x10;
	v4 =	vadd.f32 v43, v42;
	v46 =	vadd.f32 v45, v44  }
0x39f: {  	v0 =	vadd.f32 v1, v0;
	v47 =	vadd.f32 v3, v2  }
0x3a0: {  	v48 =	vadd.f32 v46, v4  }
0x3a1: {  	s11 =	simm.s32 $0x5110;
	v0 =	vadd.f32 v47, v0  }
0x3a2: {  	s8 =	simm.s32 $0x5310;
	[tilespmem:s11+$0x0] =	vst.add.f32.msk $0xffff, v48  }
0x3a3: {  	[tilespmem:s8+$0x0] =	vst.add.f32.msk $0xffff, v0  }
0x3a4: {  	v0 =	vld [tilespmem:$0x4920]  }
0x3a5: {  	v49 =	vld [tilespmem:$0x4B20]  }
0x3a6: {  	v2 =	vld [tilespmem:$0x4D20]  }
0x3a7: {  	v50 =	vld [tilespmem:$0x4F20];
	_ =	sdelay $0x3  }
0x3a8: {  	v51 =	vand.u32 $0xFFFF0000, v0  }
0x3a9: {  	v52 =	vand.u32 $0xFFFF0000, v49;
	v53 =	vand.u32 $0xFFFF0000, v2;
	v54 =	vand.u32 $0xFFFF0000, v50  }
0x3aa: {  	v0 =	vshll.u32 v0, $0x10;
	v1 =	vshll.u32 v49, $0x10;
	v2 =	vshll.u32 v2, $0x10  }
0x3ab: {  	v3 =	vshll.u32 v50, $0x10;
	v4 =	vadd.f32 v52, v51;
	v55 =	vadd.f32 v54, v53  }
0x3ac: {  	v0 =	vadd.f32 v1, v0;
	v56 =	vadd.f32 v3, v2  }
0x3ad: {  	v57 =	vadd.f32 v55, v4  }
0x3ae: {  	s9 =	simm.s32 $0x5120;
	v0 =	vadd.f32 v56, v0  }
0x3af: {  	s10 =	simm.s32 $0x5320;
	[tilespmem:s9+$0x0] =	vst.add.f32.msk $0xffff, v57  }
0x3b0: {  	[tilespmem:s10+$0x0] =	vst.add.f32.msk $0xffff, v0  }
0x3b1: {  	v0 =	vld [tilespmem:$0x4930]  }
0x3b2: {  	v58 =	vld [tilespmem:$0x4B30]  }
0x3b3: {  	v2 =	vld [tilespmem:$0x4D30]  }
0x3b4: {  	v59 =	vld [tilespmem:$0x4F30];
	_ =	sdelay $0x3  }
0x3b5: {  	v60 =	vand.u32 $0xFFFF0000, v0  }
0x3b6: {  	v61 =	vand.u32 $0xFFFF0000, v58;
	v62 =	vand.u32 $0xFFFF0000, v2;
	v63 =	vand.u32 $0xFFFF0000, v59  }
0x3b7: {  	v0 =	vshll.u32 v0, $0x10;
	v1 =	vshll.u32 v58, $0x10;
	v2 =	vshll.u32 v2, $0x10  }
0x3b8: {  	v3 =	vshll.u32 v59, $0x10;
	v4 =	vadd.f32 v61, v60;
	v9 =	vadd.f32 v63, v62  }
0x3b9: {  	v0 =	vadd.f32 v1, v0;
	v10 =	vadd.f32 v3, v2  }
0x3ba: {  	v11 =	vadd.f32 v9, v4  }
0x3bb: {  	s11 =	simm.s32 $0x5130;
	v0 =	vadd.f32 v10, v0  }
0x3bc: {  	s8 =	simm.s32 $0x5330;
	[tilespmem:s11+$0x0] =	vst.add.f32.msk $0xffff, v11  }
0x3bd: {  	[tilespmem:s8+$0x0] =	vst.add.f32.msk $0xffff, v0  }
0x3be: {  	v0 =	vld [tilespmem:$0x4940]  }
0x3bf: {  	v12 =	vld [tilespmem:$0x4B40]  }
0x3c0: {  	v2 =	vld [tilespmem:$0x4D40]  }
0x3c1: {  	v13 =	vld [tilespmem:$0x4F40];
	_ =	sdelay $0x3  }
0x3c2: {  	v14 =	vand.u32 $0xFFFF0000, v0  }
0x3c3: {  	v15 =	vand.u32 $0xFFFF0000, v12;
	v16 =	vand.u32 $0xFFFF0000, v2;
	v17 =	vand.u32 $0xFFFF0000, v13  }
0x3c4: {  	v0 =	vshll.u32 v0, $0x10;
	v1 =	vshll.u32 v12, $0x10;
	v2 =	vshll.u32 v2, $0x10  }
0x3c5: {  	v3 =	vshll.u32 v13, $0x10;
	v4 =	vadd.f32 v15, v14;
	v18 =	vadd.f32 v17, v16  }
0x3c6: {  	v0 =	vadd.f32 v1, v0;
	v19 =	vadd.f32 v3, v2  }
0x3c7: {  	v20 =	vadd.f32 v18, v4  }
0x3c8: {  	s9 =	simm.s32 $0x5140;
	v0 =	vadd.f32 v19, v0  }
0x3c9: {  	s10 =	simm.s32 $0x5340;
	[tilespmem:s9+$0x0] =	vst.add.f32.msk $0xffff, v20  }
0x3ca: {  	[tilespmem:s10+$0x0] =	vst.add.f32.msk $0xffff, v0  }
0x3cb: {  	v0 =	vld [tilespmem:$0x4950]  }
0x3cc: {  	v21 =	vld [tilespmem:$0x4B50]  }
0x3cd: {  	v2 =	vld [tilespmem:$0x4D50]  }
0x3ce: {  	v22 =	vld [tilespmem:$0x4F50];
	_ =	sdelay $0x3  }
0x3cf: {  	v23 =	vand.u32 $0xFFFF0000, v0  }
0x3d0: {  	v24 =	vand.u32 $0xFFFF0000, v21;
	v25 =	vand.u32 $0xFFFF0000, v2;
	v26 =	vand.u32 $0xFFFF0000, v22  }
0x3d1: {  	v0 =	vshll.u32 v0, $0x10;
	v1 =	vshll.u32 v21, $0x10;
	v2 =	vshll.u32 v2, $0x10  }
0x3d2: {  	v3 =	vshll.u32 v22, $0x10;
	v4 =	vadd.f32 v24, v23;
	v27 =	vadd.f32 v26, v25  }
0x3d3: {  	v0 =	vadd.f32 v1, v0;
	v28 =	vadd.f32 v3, v2  }
0x3d4: {  	v29 =	vadd.f32 v27, v4  }
0x3d5: {  	s11 =	simm.s32 $0x5150;
	v0 =	vadd.f32 v28, v0  }
0x3d6: {  	s8 =	simm.s32 $0x5350;
	[tilespmem:s11+$0x0] =	vst.add.f32.msk $0xffff, v29  }
0x3d7: {  	[tilespmem:s8+$0x0] =	vst.add.f32.msk $0xffff, v0  }
0x3d8: {  	v0 =	vld [tilespmem:$0x4960]  }
0x3d9: {  	v30 =	vld [tilespmem:$0x4B60]  }
0x3da: {  	v2 =	vld [tilespmem:$0x4D60]  }
0x3db: {  	v31 =	vld [tilespmem:$0x4F60];
	_ =	sdelay $0x3  }
0x3dc: {  	v32 =	vand.u32 $0xFFFF0000, v0  }
0x3dd: {  	v33 =	vand.u32 $0xFFFF0000, v30;
	v34 =	vand.u32 $0xFFFF0000, v2;
	v35 =	vand.u32 $0xFFFF0000, v31  }
0x3de: {  	v0 =	vshll.u32 v0, $0x10;
	v1 =	vshll.u32 v30, $0x10;
	v2 =	vshll.u32 v2, $0x10  }
0x3df: {  	v3 =	vshll.u32 v31, $0x10;
	v4 =	vadd.f32 v33, v32;
	v36 =	vadd.f32 v35, v34  }
0x3e0: {  	v0 =	vadd.f32 v1, v0;
	v37 =	vadd.f32 v3, v2  }
0x3e1: {  	v38 =	vadd.f32 v36, v4  }
0x3e2: {  	s9 =	simm.s32 $0x5160;
	v0 =	vadd.f32 v37, v0  }
0x3e3: {  	s10 =	simm.s32 $0x5360;
	[tilespmem:s9+$0x0] =	vst.add.f32.msk $0xffff, v38  }
0x3e4: {  	[tilespmem:s10+$0x0] =	vst.add.f32.msk $0xffff, v0  }
0x3e5: {  	v0 =	vld [tilespmem:$0x4970]  }
0x3e6: {  	v39 =	vld [tilespmem:$0x4B70]  }
0x3e7: {  	v2 =	vld [tilespmem:$0x4D70]  }
0x3e8: {  	v40 =	vld [tilespmem:$0x4F70];
	_ =	sdelay $0x3  }
0x3e9: {  	v41 =	vand.u32 $0xFFFF0000, v0  }
0x3ea: {  	v42 =	vand.u32 $0xFFFF0000, v39;
	v43 =	vand.u32 $0xFFFF0000, v2;
	v44 =	vand.u32 $0xFFFF0000, v40  }
0x3eb: {  	v0 =	vshll.u32 v0, $0x10;
	v1 =	vshll.u32 v39, $0x10;
	v2 =	vshll.u32 v2, $0x10  }
0x3ec: {  	v3 =	vshll.u32 v40, $0x10;
	v4 =	vadd.f32 v42, v41;
	v45 =	vadd.f32 v44, v43  }
0x3ed: {  	v0 =	vadd.f32 v1, v0;
	v46 =	vadd.f32 v3, v2  }
0x3ee: {  	v47 =	vadd.f32 v45, v4  }
0x3ef: {  	s11 =	simm.s32 $0x5170;
	v0 =	vadd.f32 v46, v0  }
0x3f0: {  	s8 =	simm.s32 $0x5370;
	[tilespmem:s11+$0x0] =	vst.add.f32.msk $0xffff, v47  }
0x3f1: {  	[tilespmem:s8+$0x0] =	vst.add.f32.msk $0xffff, v0  }
0x3f2: {  	v0 =	vld [tilespmem:$0x4980]  }
0x3f3: {  	v48 =	vld [tilespmem:$0x4B80]  }
0x3f4: {  	v2 =	vld [tilespmem:$0x4D80]  }
0x3f5: {  	v49 =	vld [tilespmem:$0x4F80];
	_ =	sdelay $0x3  }
0x3f6: {  	v50 =	vand.u32 $0xFFFF0000, v0  }
0x3f7: {  	v51 =	vand.u32 $0xFFFF0000, v48;
	v52 =	vand.u32 $0xFFFF0000, v2;
	v53 =	vand.u32 $0xFFFF0000, v49  }
0x3f8: {  	v0 =	vshll.u32 v0, $0x10;
	v1 =	vshll.u32 v48, $0x10;
	v2 =	vshll.u32 v2, $0x10  }
0x3f9: {  	v3 =	vshll.u32 v49, $0x10;
	v4 =	vadd.f32 v51, v50;
	v54 =	vadd.f32 v53, v52  }
0x3fa: {  	v0 =	vadd.f32 v1, v0;
	v55 =	vadd.f32 v3, v2  }
0x3fb: {  	v56 =	vadd.f32 v54, v4  }
0x3fc: {  	s9 =	simm.s32 $0x5180;
	v0 =	vadd.f32 v55, v0  }
0x3fd: {  	s10 =	simm.s32 $0x5380;
	[tilespmem:s9+$0x0] =	vst.add.f32.msk $0xffff, v56  }
0x3fe: {  	[tilespmem:s10+$0x0] =	vst.add.f32.msk $0xffff, v0  }
0x3ff: {  	v0 =	vld [tilespmem:$0x4990]  }
0x400: {  	v57 =	vld [tilespmem:$0x4B90]  }
0x401: {  	v2 =	vld [tilespmem:$0x4D90]  }
0x402: {  	v58 =	vld [tilespmem:$0x4F90];
	_ =	sdelay $0x3  }
0x403: {  	v59 =	vand.u32 $0xFFFF0000, v0  }
0x404: {  	v60 =	vand.u32 $0xFFFF0000, v57;
	v61 =	vand.u32 $0xFFFF0000, v2;
	v62 =	vand.u32 $0xFFFF0000, v58  }
0x405: {  	v0 =	vshll.u32 v0, $0x10;
	v1 =	vshll.u32 v57, $0x10;
	v2 =	vshll.u32 v2, $0x10  }
0x406: {  	v3 =	vshll.u32 v58, $0x10;
	v4 =	vadd.f32 v60, v59;
	v63 =	vadd.f32 v62, v61  }
0x407: {  	v0 =	vadd.f32 v1, v0;
	v8 =	vadd.f32 v3, v2  }
0x408: {  	v9 =	vadd.f32 v63, v4  }
0x409: {  	s11 =	simm.s32 $0x5190;
	v0 =	vadd.f32 v8, v0  }
0x40a: {  	s8 =	simm.s32 $0x5390;
	[tilespmem:s11+$0x0] =	vst.add.f32.msk $0xffff, v9  }
0x40b: {  	[tilespmem:s8+$0x0] =	vst.add.f32.msk $0xffff, v0  }
0x40c: {  	v0 =	vld [tilespmem:$0x49A0]  }
0x40d: {  	v10 =	vld [tilespmem:$0x4BA0]  }
0x40e: {  	v2 =	vld [tilespmem:$0x4DA0]  }
0x40f: {  	v11 =	vld [tilespmem:$0x4FA0];
	_ =	sdelay $0x3  }
0x410: {  	v12 =	vand.u32 $0xFFFF0000, v0  }
0x411: {  	v13 =	vand.u32 $0xFFFF0000, v10;
	v14 =	vand.u32 $0xFFFF0000, v2;
	v15 =	vand.u32 $0xFFFF0000, v11  }
0x412: {  	v0 =	vshll.u32 v0, $0x10;
	v1 =	vshll.u32 v10, $0x10;
	v2 =	vshll.u32 v2, $0x10  }
0x413: {  	v3 =	vshll.u32 v11, $0x10;
	v4 =	vadd.f32 v13, v12;
	v16 =	vadd.f32 v15, v14  }
0x414: {  	v0 =	vadd.f32 v1, v0;
	v17 =	vadd.f32 v3, v2  }
0x415: {  	v18 =	vadd.f32 v16, v4  }
0x416: {  	s9 =	simm.s32 $0x51A0;
	v0 =	vadd.f32 v17, v0  }
0x417: {  	s10 =	simm.s32 $0x53A0;
	[tilespmem:s9+$0x0] =	vst.add.f32.msk $0xffff, v18  }
0x418: {  	[tilespmem:s10+$0x0] =	vst.add.f32.msk $0xffff, v0  }
0x419: {  	v0 =	vld [tilespmem:$0x49B0]  }
0x41a: {  	v19 =	vld [tilespmem:$0x4BB0]  }
0x41b: {  	v2 =	vld [tilespmem:$0x4DB0]  }
0x41c: {  	v20 =	vld [tilespmem:$0x4FB0];
	_ =	sdelay $0x3  }
0x41d: {  	v21 =	vand.u32 $0xFFFF0000, v0  }
0x41e: {  	v22 =	vand.u32 $0xFFFF0000, v19;
	v23 =	vand.u32 $0xFFFF0000, v2;
	v24 =	vand.u32 $0xFFFF0000, v20  }
0x41f: {  	v0 =	vshll.u32 v0, $0x10;
	v1 =	vshll.u32 v19, $0x10;
	v2 =	vshll.u32 v2, $0x10  }
0x420: {  	v3 =	vshll.u32 v20, $0x10;
	v4 =	vadd.f32 v22, v21;
	v25 =	vadd.f32 v24, v23  }
0x421: {  	v0 =	vadd.f32 v1, v0;
	v26 =	vadd.f32 v3, v2  }
0x422: {  	v27 =	vadd.f32 v25, v4  }
0x423: {  	s11 =	simm.s32 $0x51B0;
	v0 =	vadd.f32 v26, v0  }
0x424: {  	s8 =	simm.s32 $0x53B0;
	[tilespmem:s11+$0x0] =	vst.add.f32.msk $0xffff, v27  }
0x425: {  	[tilespmem:s8+$0x0] =	vst.add.f32.msk $0xffff, v0  }
0x426: {  	v0 =	vld [tilespmem:$0x49C0]  }
0x427: {  	v28 =	vld [tilespmem:$0x4BC0]  }
0x428: {  	v2 =	vld [tilespmem:$0x4DC0]  }
0x429: {  	v29 =	vld [tilespmem:$0x4FC0];
	_ =	sdelay $0x3  }
0x42a: {  	v30 =	vand.u32 $0xFFFF0000, v0  }
0x42b: {  	v31 =	vand.u32 $0xFFFF0000, v28;
	v32 =	vand.u32 $0xFFFF0000, v2;
	v33 =	vand.u32 $0xFFFF0000, v29  }
0x42c: {  	v0 =	vshll.u32 v0, $0x10;
	v1 =	vshll.u32 v28, $0x10;
	v2 =	vshll.u32 v2, $0x10  }
0x42d: {  	v3 =	vshll.u32 v29, $0x10;
	v4 =	vadd.f32 v31, v30;
	v34 =	vadd.f32 v33, v32  }
0x42e: {  	v0 =	vadd.f32 v1, v0;
	v35 =	vadd.f32 v3, v2  }
0x42f: {  	v36 =	vadd.f32 v34, v4  }
0x430: {  	s9 =	simm.s32 $0x51C0;
	v0 =	vadd.f32 v35, v0  }
0x431: {  	s10 =	simm.s32 $0x53C0;
	[tilespmem:s9+$0x0] =	vst.add.f32.msk $0xffff, v36  }
0x432: {  	[tilespmem:s10+$0x0] =	vst.add.f32.msk $0xffff, v0  }
0x433: {  	v0 =	vld [tilespmem:$0x49D0]  }
0x434: {  	v37 =	vld [tilespmem:$0x4BD0]  }
0x435: {  	v2 =	vld [tilespmem:$0x4DD0]  }
0x436: {  	v38 =	vld [tilespmem:$0x4FD0];
	_ =	sdelay $0x3  }
0x437: {  	v39 =	vand.u32 $0xFFFF0000, v0  }
0x438: {  	v40 =	vand.u32 $0xFFFF0000, v37;
	v41 =	vand.u32 $0xFFFF0000, v2;
	v42 =	vand.u32 $0xFFFF0000, v38  }
0x439: {  	v0 =	vshll.u32 v0, $0x10;
	v1 =	vshll.u32 v37, $0x10;
	v2 =	vshll.u32 v2, $0x10  }
0x43a: {  	v3 =	vshll.u32 v38, $0x10;
	v4 =	vadd.f32 v40, v39;
	v43 =	vadd.f32 v42, v41  }
0x43b: {  	v0 =	vadd.f32 v1, v0;
	v44 =	vadd.f32 v3, v2  }
0x43c: {  	v45 =	vadd.f32 v43, v4  }
0x43d: {  	s11 =	simm.s32 $0x51D0;
	v0 =	vadd.f32 v44, v0  }
0x43e: {  	s8 =	simm.s32 $0x53D0;
	[tilespmem:s11+$0x0] =	vst.add.f32.msk $0xffff, v45  }
0x43f: {  	[tilespmem:s8+$0x0] =	vst.add.f32.msk $0xffff, v0  }
0x440: {  	v0 =	vld [tilespmem:$0x49E0]  }
0x441: {  	v46 =	vld [tilespmem:$0x4BE0]  }
0x442: {  	v2 =	vld [tilespmem:$0x4DE0]  }
0x443: {  	v47 =	vld [tilespmem:$0x4FE0];
	_ =	sdelay $0x3  }
0x444: {  	v48 =	vand.u32 $0xFFFF0000, v0  }
0x445: {  	v49 =	vand.u32 $0xFFFF0000, v46;
	v50 =	vand.u32 $0xFFFF0000, v2;
	v51 =	vand.u32 $0xFFFF0000, v47  }
0x446: {  	v0 =	vshll.u32 v0, $0x10;
	v1 =	vshll.u32 v46, $0x10;
	v2 =	vshll.u32 v2, $0x10  }
0x447: {  	v3 =	vshll.u32 v47, $0x10;
	v4 =	vadd.f32 v49, v48;
	v52 =	vadd.f32 v51, v50  }
0x448: {  	v0 =	vadd.f32 v1, v0;
	v53 =	vadd.f32 v3, v2  }
0x449: {  	v54 =	vadd.f32 v52, v4  }
0x44a: {  	s9 =	simm.s32 $0x51E0;
	v0 =	vadd.f32 v53, v0  }
0x44b: {  	s10 =	simm.s32 $0x53E0;
	[tilespmem:s9+$0x0] =	vst.add.f32.msk $0xffff, v54  }
0x44c: {  	[tilespmem:s10+$0x0] =	vst.add.f32.msk $0xffff, v0  }
0x44d: {  	v0 =	vld [tilespmem:$0x49F0]  }
0x44e: {  	v55 =	vld [tilespmem:$0x4BF0]  }
0x44f: {  	v2 =	vld [tilespmem:$0x4DF0]  }
0x450: {  	v56 =	vld [tilespmem:$0x4FF0];
	_ =	sdelay $0x3  }
0x451: {  	v57 =	vand.u32 $0xFFFF0000, v0  }
0x452: {  	v58 =	vand.u32 $0xFFFF0000, v55;
	v59 =	vand.u32 $0xFFFF0000, v2;
	v60 =	vand.u32 $0xFFFF0000, v56  }
0x453: {  	v0 =	vshll.u32 v0, $0x10;
	v1 =	vshll.u32 v55, $0x10;
	v2 =	vshll.u32 v2, $0x10  }
0x454: {  	v3 =	vshll.u32 v56, $0x10;
	v4 =	vadd.f32 v58, v57;
	v61 =	vadd.f32 v60, v59  }
0x455: {  	v0 =	vadd.f32 v1, v0;
	v62 =	vadd.f32 v3, v2  }
0x456: {  	v63 =	vadd.f32 v61, v4  }
0x457: {  	s11 =	simm.s32 $0x51F0;
	v0 =	vadd.f32 v62, v0  }
0x458: {  	[tilespmem:s11+$0x0] =	vst.add.f32.msk $0xffff, v63  }
0x459: {  	s7 =	simm.s32 @!p1 $0x2;
	[tilespmem:s4+$0x0] =	vst.add.f32.msk $0xffff, v0  }
0x45a: {  	_ =	swait.ge @!p1 [sflag:s7], $0x200  }
0x45b: {  	[sflag:s7] =	ssyncset.done @!p1 $0x0  }
0x45c: {  	[sflag:s7] =	ssyncadd.s32 @!p1 $0xFFFFFE00  }
0x45d: {  	_ =	swait.ge @!p1 [sflag:s7], $0x200  }
0x45e: {  	[sflag:s7] =	ssyncset.done @!p1 $0x0  }
0x45f: {  	[sflag:s7] =	ssyncadd.s32 @!p1 $0xFFFFFE00  }
0x460: {  	p4 =	por @!p1 $0x0, $0x0;
	_ =	swait.ge @!p1 [sflag:s7], $0x200  }
0x461: {  	p2 =	por !p2, p1;
	p3 =	por @!p3 $0x1, $0x1;
	[sflag:s7] =	ssyncset.done @!p1 $0x0  }
0x462: {  	p3 =	por @!p2 p4, p4;
	p2 =	por $0x0, $0x0;
	[sflag:s7] =	ssyncadd.s32 @!p1 $0xFFFFFE00  }
0x463: {  	p2 =	por @!p1 p3, p3;
	_ =	swait.ge @!p1 [sflag:s7], $0x200  }
0x464: {  	s8 =	sand.u32 @!p1 $0xE000, s0;
	[sflag:s7] =	ssyncset.done @!p1 $0x0;
	s9 =	rddreg [dreg:$0x5]  }
0x465: {  	[sflag:s7] =	ssyncadd.s32 @!p1 $0xFFFFFE00;
	s7 =	sshrl.u32 @!p1 s8, $0x2;
	s8 =	simm.s32 @!p1 $0x4800  }
0x466: {  	[tilespmem:s8], [sflag:$0x4] =	stream.indirect.gather @!p1 [spmem:s15], $0x1, s7, s6, $0xb8;
	[tilespmem:$0x18F28] =	vst v63  }
0x467: {  	s10 =	simm.s32 @p2 $0x400;
	s6 =	sand.u32 @p2 $0x3800, s1;
	s7 =	sadd.s32 @p2 s0, s9  }
0x468: {  	s9 =	simm.s32 @p2 $0x80;
	s0 =	sadd.s32 $0x4000, s0;
	s8 =	sadd.s32 @p2 $0xFFFFA000, s7  }
0x469: {  	[tilespmem:s6], [sflag:$0x2] =	stream.strided.gather @p2 [hbm4b:s8+s9], $0x200, s10, s9, $0x38;
	[tilespmem:$0x18F28] =	vst v63  }
0x46a: {  	s11 =	sadd.s32 @p2 $0xFFFFA800, s7;
	p1 =	sne.s32 s0, $0x6A000;
	s8 =	sor.u32 @p2 $0x200, s6  }
0x46b: {  	[tilespmem:s8], [sflag:$0x2] =	stream.strided.gather @p2 [hbm4b:s11+s9], $0x200, s10, s9, $0x38;
	[tilespmem:$0x18F28] =	vst v63  }
.Ltmp0:
0x46c: {  	s2 =	sadd.s32 $0x1, s2;
	s13 =	simm.s32 $0x5200;
	(pc) =	sbr.rel @p1 .LBB2_2-.Ltmp0, $4  }
0x46d: {  	s3 =	simm.s32 $0x3;
	s8 =	sor.u32 @p2 $0x400, s6;
	s11 =	sadd.s32 @p2 $0xFFFFB000, s7  }
0x46e: {  	[tilespmem:s8], [sflag:$0x2] =	stream.strided.gather @p2 [hbm4b:s11+s9], $0x200, s10, s9, $0x38;
	[tilespmem:$0x18F28] =	vst v63  }
0x46f: {  	s1 =	sadd.s32 $0x1000, s1;
	s6 =	sor.u32 @p2 $0x600, s6;
	s7 =	sadd.s32 @p2 $0xFFFFB800, s7  }
0x470: {  	[tilespmem:s6], [sflag:$0x2] =	stream.strided.gather @p2 [hbm4b:s7+s9], $0x200, s10, s9, $0x38;
	[tilespmem:$0x18F28] =	vst v63  }
0x471: {  	s2 =	simm.s32 $0x0  }
0x472: {  	s0 =	rddreg [dreg:$0x13];
	s1 =	simm.s32 $0x5000;
	s5 =	simm.s32 $0x7  }
0x473: {  	[hbm4b:s0+s2] =	stream.linear.scatter [tilespmem:s1], [sflag:$0x7], $0x200, $0x38;
	[tilespmem:$0x18F28] =	vst v63  }
0x474: {  	_ =	swait.ge [sflag:s5], $0x200  }
0x475: {  	[sflag:s5] =	ssyncset.done $0x0  }
0x476: {  	s10 =	rddreg [dreg:$0x14];
	[sflag:s5] =	ssyncadd.s32 $0xFFFFFE00  }
0x477: {  	[hbm4b:s10+s2] =	stream.linear.scatter [tilespmem:s13], [sflag:$0x7], $0x200, $0x38;
	[tilespmem:$0x18F28] =	vst v63  }
0x478: {  	_ =	swait.ge [sflag:s5], $0x200  }
0x479: {  	s11 =	sld [smem:$0x7F4];
	_ =	sdelay $0x2  }
0x47a: {  	s13 =	rddreg [dreg:$0x15];
	s1 =	sadd.s32 $0x1, s11  }
0x47b: {  	p1 =	sne.s32 s1, s13  }
.Ltmp1:
0x47c: {  	_ = 	snop;
	(pc) =	sbr.rel @p1 .LBB2_1-.Ltmp1, $3  }
0x47d: {  	_ =	sdelay $0x1  }
0x47e: {  	[sflag:s5] =	ssyncset.done $0x0  }
0x47f: {  	[sflag:s5] =	ssyncadd.s32 $0xFFFFFE00  }
0x480: {  	_ =	sfence.sel $0x180000  }
0x481: {  	[bflag:$0x0] =	sbarrier.arrive $0xFFFF  }
0x482: {  	_ =	strace $0x90000047  }
0x483: {  	s0 =	stileid.u32;
	[bflag:$0x2] =	sbarrier.arrive $0xFFFF  }
0x484: {  	p0 =	sne.s32 s0, $0x0;
	s0 =	rddreg [dreg:$0x3]  }
0x485: {  	s0 =	sadd.s32 @!p0 $0x100000, s0  }
0x486: {  	[sflag:s0] =	ssyncadd.tile.s32 @!p0 $0x1;
	_ =	shalt  }
.Lfunc_end2:
_tile_overlayer_lowered:
.L_overlay_start_2:
0x487: {  	(tag) =	ssettag $0x2  }
0x488: {  	s0 =	rddreg [dreg:$0x0];
	s2 =	stileid.u32  }
0x489: {  	s1 =	rddreg [dreg:$0x1];
	p0 =	sne.s32 s2, $0x0  }
0x48a: {  	s3 =	rddreg [dreg:$0x2];
	[bflag:$0x3] =	sbarrier.arrive $0xFFFF;
	s2 =	simm.s32 @!p0 $0x1C07  }
0x48b: {  	[timem:s3], [sflag:s2] =	dma.local @!p0 [hbm:s0], s1  }
0x48c: {  	s0 =	simm.s32 @!p0 $0x7  }
0x48d: {  	_ =	swait.ge @!p0 [sflag:s0], s1  }
0x48e: {  	s1 =	ssub.s32 @!p0 $0x0, s1;
	[sflag:s0] =	ssyncset.done @!p0 $0x0  }
0x48f: {  	[sflag:s0] =	ssyncadd.s32 @!p0 s1  }
0x490: {  	[bflag:$0x3] =	sbarrier.arrive $0xFFFF  }
0x491: {  	_ =	shalt  }

</sc_bundles>
